<compile_context>
chip_gen: v7x
topology: tpu7x:2x2x1
jax: 0.10.2.dev20260603
libtpu: 0.0.44.dev20260713+nightly
codegen_flags: <defaults>
</compile_context>

<pallas_src>
import functools

import jax
import jax.numpy as jnp
from jax import lax
from jax.experimental import pallas as pl
from jax.experimental.pallas import tpu as pltpu
from jax.experimental.pallas import tpu_sc as plsc

N_NODES = 100000
N_FEATS = 9
EMB_DIM = 512
NUM_EMB = 119

_INFO = plsc.get_sparse_core_info()
NC = _INFO.num_cores
NS = _INFO.num_subcores
L = _INFO.num_lanes
NW = NC * NS
N_REP = NW

WINDOW = 3200
CHUNK = 32
N_CHUNKS = WINDOW // CHUNK
SUPER = 4
N_GATHER = 2
N_SUPER = N_CHUNKS // SUPER
N_EXTRACT = WINDOW // L
DGRP = EMB_DIM // L
HALF = L
REP_STRIDE = 120


def _sc_body(x_hbm, table_hbm, out_hbm, idx_v, table_v, idx_sm,
             gsems, csems):
    wid = lax.axis_index("s") * NC + lax.axis_index("c")
    start = jnp.minimum(wid * WINDOW, N_NODES - WINDOW)
    rep_off = wid * REP_STRIDE

    pltpu.sync_copy(
        table_hbm.at[pl.ds(pl.multiple_of(rep_off, 8), REP_STRIDE)], table_v)

    def phase1(xwin_v):
        pltpu.sync_copy(
            x_hbm.at[pl.ds(start * N_FEATS, WINDOW * N_FEATS)], xwin_v)

        def extract(j, _):
            flat16 = (j * L + lax.iota(jnp.int32, L)) * N_FEATS
            idx_v[pl.ds(j * L, L)] = (
                plsc.load_gather(xwin_v, [flat16]) + rep_off
            )
            return _

        lax.fori_loop(0, N_EXTRACT, extract, None)

    pl.run_scoped(phase1, pltpu.VMEM((WINDOW * N_FEATS,), jnp.int32))

    def phase2(g0, g1, c0, c1):
        gbufs = (g0, g1)
        cbufs = (c0, c1)

        def drain(buf, sem, rows):
            pltpu.make_async_copy(buf, out_hbm.at[pl.ds(start, rows)],
                                  sem).wait()

        def construct(cid, half, cb, cs):
            raw = idx_v[pl.ds(cid * CHUNK + half * HALF, L)] - rep_off
            for i in range(L):
                idx_sm[i] = raw[i]

            @plsc.parallel_loop(0, HALF, unroll=2)
            def row(i):
                rr = idx_sm[i]
                for w in range(DGRP // 8):
                    vals = [table_v[rr, pl.ds((w * 8 + j) * L, L)]
                            for j in range(8)]
                    for j in range(8):
                        cb[i, pl.ds((w * 8 + j) * L, L)] = vals[j]

            pltpu.async_copy(
                cb,
                out_hbm.at[pl.ds(start + cid * CHUNK + half * HALF, HALF)],
                cs)

        def superstep(s, _):
            base_cid = s * SUPER

            for gi in range(N_GATHER):
                cid = base_cid + gi
                gbuf, gsem = gbufs[gi], gsems.at[gi]

                @pl.when(s >= 1)
                def _(gbuf=gbuf, gsem=gsem):
                    drain(gbuf, gsem, CHUNK)

                pltpu.async_copy(
                    table_hbm.at[idx_v.at[pl.ds(cid * CHUNK, CHUNK)]],
                    gbuf, gsem)

            for t in range(4):
                cid = base_cid + N_GATHER + t // 2
                cb, cs = cbufs[t % 2], csems.at[t % 2]
                if t < 2:
                    @pl.when(s >= 1)
                    def _(cb=cb, cs=cs):
                        drain(cb, cs, HALF)
                else:
                    drain(cb, cs, HALF)
                construct(cid, t % 2, cb, cs)

            for gi in range(N_GATHER):
                cid = base_cid + gi
                gbuf, gsem = gbufs[gi], gsems.at[gi]
                pltpu.make_async_copy(
                    table_hbm.at[idx_v.at[pl.ds(cid * CHUNK, CHUNK)]],
                    gbuf, gsem).wait()
                pltpu.async_copy(
                    gbuf, out_hbm.at[pl.ds(start + cid * CHUNK, CHUNK)],
                    gsem)

            return _

        lax.fori_loop(0, N_SUPER, superstep, None)

        for gi in range(N_GATHER):
            drain(gbufs[gi], gsems.at[gi], CHUNK)
        for t in range(2):
            drain(cbufs[t], csems.at[t], HALF)

    pl.run_scoped(
        phase2,
        pltpu.VMEM((CHUNK, EMB_DIM), jnp.float32),
        pltpu.VMEM((CHUNK, EMB_DIM), jnp.float32),
        pltpu.VMEM((HALF, EMB_DIM), jnp.float32),
        pltpu.VMEM((HALF, EMB_DIM), jnp.float32),
    )


@jax.jit
def kernel(x, atom_embedding_weight):
    mesh = plsc.VectorSubcoreMesh(core_axis_name="c", subcore_axis_name="s")
    run = functools.partial(
        pl.kernel,
        mesh=mesh,
        out_type=jax.ShapeDtypeStruct((N_NODES, EMB_DIM), jnp.float32),
        scratch_types=[
            pltpu.VMEM((WINDOW,), jnp.int32),
            pltpu.VMEM((REP_STRIDE, EMB_DIM), jnp.float32),
            pltpu.SMEM((L,), jnp.int32),
            pltpu.SemaphoreType.DMA((N_GATHER,)),
            pltpu.SemaphoreType.DMA((2,)),
        ],
        compiler_params=pltpu.CompilerParams(needs_layout_passes=False),
    )(_sc_body)
    table_rep = jnp.tile(
        jnp.pad(atom_embedding_weight, ((0, REP_STRIDE - NUM_EMB), (0, 0))),
        (N_REP, 1))
    out = run(x.reshape(-1), table_rep)
    return out

# --- scband reference (transcript-rebuilt; emitter-appended) ---
"""Pipeline reference for scband-atom1-encoder-2645699854436 (READ-ONLY COPY).

The authoritative reference and input builder live on the scoring server;
editing this copy changes nothing except your own understanding.
"""

import jax, jax.numpy as jnp
import numpy as np

NUM_EMBEDDINGS = 119  # full_atom_feature_dims[0] in OGB
EMB_DIM = 512
N_NODES = 100000
N_FEATS = 9


def _xavier_uniform(key, shape):
    fan_in, fan_out = shape[0], shape[1]
    a = np.sqrt(6.0 / (fan_in + fan_out))
    return jax.random.uniform(key, shape, dtype=jnp.float32, minval=-a, maxval=a)


def setup_inputs(seed: int = 0) -> dict:
    key = jax.random.key(seed)
    k_x, k_w = jax.random.split(key)
    x = jax.random.randint(k_x, (N_NODES, N_FEATS), 0, NUM_EMBEDDINGS, dtype=jnp.int64 if jax.config.read('jax_enable_x64') else jnp.int32).astype(jnp.int32)
    atom_embedding_weight = _xavier_uniform(k_w, (NUM_EMBEDDINGS, EMB_DIM))
    return {"x": x, "atom_embedding_weight": atom_embedding_weight}


def reference(x, atom_embedding_weight):
    # batch.x = self.atom_embedding(batch.x[:, 0]); return batch
    idx = x[:, 0]
    out = jnp.take(atom_embedding_weight, idx, axis=0)
    return out

if __name__ == "__main__":
    import jax
    _d = setup_inputs()
    print(jax.jit(kernel)(*tuple(_d.values())))

</pallas_src>

<mosaic_0001>
#map = affine_map<(d0, d1) -> (0)>
#map1 = affine_map<(d0, d1) -> (0, 0)>
module attributes {stable_mosaic.version = 14 : i64} {
  func.func @_sc_body(%arg0: i32, %arg1: i32, %arg2: memref<900000xi32, #tpu.memory_space<hbm>>, %arg3: memref<3840x512xf32, #tpu.memory_space<hbm>>, %arg4: memref<100000x512xf32, #tpu.memory_space<hbm>>, %arg5: memref<3200xi32, #tpu.memory_space<vmem>>, %arg6: memref<120x512xf32, #tpu.memory_space<vmem>>, %arg7: memref<16xi32, #tpu.memory_space<smem>>, %arg8: memref<2x!tpu.dma_semaphore, #tpu.memory_space<semaphore_mem>>, %arg9: memref<2x!tpu.dma_semaphore, #tpu.memory_space<semaphore_mem>>) attributes {dimension_semantics = [#tpu.dimension_semantics<core_parallel>, #tpu.dimension_semantics<subcore_parallel>], iteration_bounds = array<i64: 2, 16>, scalar_prefetch = 0 : i64, scratch_operands = 5 : i64, tpu.core_type = #tpu.core_type<sc_vector_subcore>, window_params = [{transform_indices = #map}, {transform_indices = #map1}, {transform_indices = #map1}]} {
    %mul3A = arith.constant 2 : i32
    %mul3A_0 = arith.muli %arg1, %mul3A : i32
    %add3A = arith.addi %mul3A_0, %arg0 : i32
    %mul3A_1 = arith.constant 3200 : i32
    %mul3A_2 = arith.muli %add3A, %mul3A_1 : i32
    %min3A = arith.constant 96800 : i32
    %min3A_3 = arith.minsi %mul3A_2, %min3A : i32
    %mul3A_4 = arith.constant 120 : i32
    %mul3A_5 = arith.muli %add3A, %mul3A_4 : i32
    %multiple_of3A = tpu.assume_multiple %mul3A_5, 8 : i32
    "tpu.region"() ({
      %run_scoped3A = tpu.sem_alloc : memref<!tpu.dma_semaphore, #tpu.memory_space<semaphore_mem>>
      %dma_start3A = arith.constant 0 : i32
      %dma_start3A_6 = tpu.memref_slice %arg3[%multiple_of3A, %dma_start3A] : memref<3840x512xf32, #tpu.memory_space<hbm>> -> memref<120x512xf32, #tpu.memory_space<hbm>>
      %dma_start3A_7 = arith.constant 0 : i32
      %dma_start3A_8 = tpu.memref_slice %arg3[%multiple_of3A, %dma_start3A_7] : memref<3840x512xf32, #tpu.memory_space<hbm>> -> memref<120x512xf32, #tpu.memory_space<hbm>>
      tpu.enqueue_dma source(%dma_start3A_8 : memref<120x512xf32, #tpu.memory_space<hbm>>) target(%arg6 : memref<120x512xf32, #tpu.memory_space<vmem>>) target_semaphore(%run_scoped3A : memref<!tpu.dma_semaphore, #tpu.memory_space<semaphore_mem>>)
      %dma_wait3A = arith.constant 0 : i32
      %dma_wait3A_9 = tpu.memref_slice %arg3[%multiple_of3A, %dma_wait3A] : memref<3840x512xf32, #tpu.memory_space<hbm>> -> memref<120x512xf32, #tpu.memory_space<hbm>>
      %dma_wait3A_10 = arith.constant 0 : i32
      %dma_wait3A_11 = tpu.memref_slice %arg3[%multiple_of3A, %dma_wait3A_10] : memref<3840x512xf32, #tpu.memory_space<hbm>> -> memref<120x512xf32, #tpu.memory_space<hbm>>
      tpu.wait_dma2 semaphore(%run_scoped3A : memref<!tpu.dma_semaphore, #tpu.memory_space<semaphore_mem>>) src(%dma_wait3A_11 : memref<120x512xf32, #tpu.memory_space<hbm>>) dst(%arg6 : memref<120x512xf32, #tpu.memory_space<vmem>>)
      tpu.yield
    }) : () -> ()
    "tpu.region"() ({
      %run_scoped3A = memref.alloca() : memref<28800xi32, #tpu.memory_space<vmem>>
      %mul3A_6 = arith.constant 9 : i32
      %mul3A_7 = arith.muli %min3A_3, %mul3A_6 : i32
      "tpu.region"() ({
        %run_scoped3A_12 = tpu.sem_alloc : memref<!tpu.dma_semaphore, #tpu.memory_space<semaphore_mem>>
        %dma_start3A = tpu.memref_slice %arg2[%mul3A_7] : memref<900000xi32, #tpu.memory_space<hbm>> -> memref<28800xi32, #tpu.memory_space<hbm>>
        %dma_start3A_13 = tpu.memref_slice %arg2[%mul3A_7] : memref<900000xi32, #tpu.memory_space<hbm>> -> memref<28800xi32, #tpu.memory_space<hbm>>
        tpu.enqueue_dma source(%dma_start3A_13 : memref<28800xi32, #tpu.memory_space<hbm>>) target(%run_scoped3A : memref<28800xi32, #tpu.memory_space<vmem>>) target_semaphore(%run_scoped3A_12 : memref<!tpu.dma_semaphore, #tpu.memory_space<semaphore_mem>>)
        %dma_wait3A = tpu.memref_slice %arg2[%mul3A_7] : memref<900000xi32, #tpu.memory_space<hbm>> -> memref<28800xi32, #tpu.memory_space<hbm>>
        %dma_wait3A_14 = tpu.memref_slice %arg2[%mul3A_7] : memref<900000xi32, #tpu.memory_space<hbm>> -> memref<28800xi32, #tpu.memory_space<hbm>>
        tpu.wait_dma2 semaphore(%run_scoped3A_12 : memref<!tpu.dma_semaphore, #tpu.memory_space<semaphore_mem>>) src(%dma_wait3A_14 : memref<28800xi32, #tpu.memory_space<hbm>>) dst(%run_scoped3A : memref<28800xi32, #tpu.memory_space<vmem>>)
        tpu.yield
      }) : () -> ()
      %scan3A = arith.constant 0 : i32
      %scan3A_8 = arith.constant 200 : i32
      %scan3A_9 = arith.addi %scan3A, %scan3A_8 : i32
      %scan3A_10 = arith.constant 1 : i32
      scf.for %scan3A_12 = %scan3A to %scan3A_9 step %scan3A_10  : i32 {
        %mul3A_13 = arith.constant 16 : i32
        %mul3A_14 = arith.muli %scan3A_12, %mul3A_13 : i32
        %iota3A = tpu.iota {dimensions = array<i32: 0>} : vector<16xi32>
        %add3A_15 = vector.broadcast %mul3A_14 : i32 to vector<16xi32>
        %add3A_16 = arith.addi %add3A_15, %iota3A : vector<16xi32>
        %mul3A_17 = arith.constant 9 : i32
        %mul3A_18 = vector.broadcast %mul3A_17 : i32 to vector<16xi32>
        %mul3A_19 = arith.muli %add3A_16, %mul3A_18 : vector<16xi32>
        %gather3A = tpu.vector_load_idx %run_scoped3A[%mul3A_19] : memref<28800xi32, #tpu.memory_space<vmem>>[vector<16xi32>], vector<16xi32>,
        %add3A_20 = vector.broadcast %mul3A_5 : i32 to vector<16xi32>
        %add3A_21 = arith.addi %gather3A, %add3A_20 : vector<16xi32>
        %mul3A_22 = arith.constant 16 : i32
        %mul3A_23 = arith.muli %scan3A_12, %mul3A_22 : i32
        %swap3A = arith.index_cast %mul3A_23 : i32 to index
        %swap3A_24 = tpu.vector_load %arg5[%swap3A] {strides = array<i32>} : memref<3200xi32, #tpu.memory_space<vmem>>, vector<16xi32>,
        tpu.vector_store %arg5[%swap3A], %add3A_21 {strides = array<i32>} : memref<3200xi32, #tpu.memory_space<vmem>>, vector<16xi32>,
      }
      %scan3A_11 = arith.constant 200 : i32
      tpu.yield
    }) : () -> ()
    "tpu.region"() ({
      %run_scoped3A = memref.alloca() : memref<32x512xf32, #tpu.memory_space<vmem>>
      %run_scoped3A_6 = memref.alloca() : memref<32x512xf32, #tpu.memory_space<vmem>>
      %run_scoped3A_7 = memref.alloca() : memref<16x512xf32, #tpu.memory_space<vmem>>
      %run_scoped3A_8 = memref.alloca() : memref<16x512xf32, #tpu.memory_space<vmem>>
      %scan3A = arith.constant 0 : i32
      %scan3A_9 = arith.constant 25 : i32
      %scan3A_10 = arith.addi %scan3A, %scan3A_9 : i32
      %scan3A_11 = arith.constant 1 : i32
      scf.for %scan3A_40 = %scan3A to %scan3A_10 step %scan3A_11  : i32 {
        %mul3A_41 = arith.constant 4 : i32
        %mul3A_42 = arith.muli %scan3A_40, %mul3A_41 : i32
        %add3A_43 = arith.constant 0 : i32
        %add3A_44 = arith.addi %mul3A_42, %add3A_43 : i32
        %ge3A = arith.constant 1 : i32
        %ge3A_45 = arith.cmpi sge, %scan3A_40, %ge3A : i32
        %convert_element_type3A = arith.extui %ge3A_45 : i1 to i32
        %cond3A = arith.constant 0 : i32
        %cond3A_46 = arith.constant 0 : i32
        %cond3A_47 = arith.cmpi ne, %convert_element_type3A, %cond3A_46 : i32
        scf.if %cond3A_47 {
          %dma_wait3A_563 = arith.constant 0 : i32
          %dma_wait3A_564 = tpu.memref_slice %arg4[%min3A_3, %dma_wait3A_563] : memref<100000x512xf32, #tpu.memory_space<hbm>> -> memref<32x512xf32, #tpu.memory_space<hbm>>
          %dma_wait3A_565 = tpu.memref_slice %arg8[%cond3A] : memref<2x!tpu.dma_semaphore, #tpu.memory_space<semaphore_mem>> -> memref<1x!tpu.dma_semaphore, #tpu.memory_space<semaphore_mem>>
          %dma_wait3A_566 = tpu.memref_squeeze %dma_wait3A_565 : memref<1x!tpu.dma_semaphore, #tpu.memory_space<semaphore_mem>> -> memref<!tpu.dma_semaphore, #tpu.memory_space<semaphore_mem>>
          %dma_wait3A_567 = arith.constant 0 : i32
          %dma_wait3A_568 = tpu.memref_slice %arg4[%min3A_3, %dma_wait3A_567] : memref<100000x512xf32, #tpu.memory_space<hbm>> -> memref<32x512xf32, #tpu.memory_space<hbm>>
          tpu.wait_dma2 semaphore(%dma_wait3A_566 : memref<!tpu.dma_semaphore, #tpu.memory_space<semaphore_mem>>) src(%run_scoped3A : memref<32x512xf32, #tpu.memory_space<vmem>>) dst(%dma_wait3A_568 : memref<32x512xf32, #tpu.memory_space<hbm>>)
        } else {
        }
        %mul3A_48 = arith.constant 32 : i32
        %mul3A_49 = arith.muli %add3A_44, %mul3A_48 : i32
        %dma_start3A = arith.constant 0 : i32
        %dma_start3A_50 = tpu.memref_slice %arg5[%mul3A_49] : memref<3200xi32, #tpu.memory_space<vmem>> -> memref<32xi32, #tpu.memory_space<vmem>>
        %dma_start3A_51 = arith.constant 0 : i32
        %dma_start3A_52 = arith.constant 0 : i32
        %dma_start3A_53 = tpu.memref_slice %arg3[%dma_start3A_51, %dma_start3A_52] : memref<3840x512xf32, #tpu.memory_space<hbm>> -> memref<3840x512xf32, #tpu.memory_space<hbm>>
        %dma_start3A_54 = tpu.memref_slice %arg8[%dma_start3A] : memref<2x!tpu.dma_semaphore, #tpu.memory_space<semaphore_mem>> -> memref<1x!tpu.dma_semaphore, #tpu.memory_space<semaphore_mem>>
        %dma_start3A_55 = tpu.memref_squeeze %dma_start3A_54 : memref<1x!tpu.dma_semaphore, #tpu.memory_space<semaphore_mem>> -> memref<!tpu.dma_semaphore, #tpu.memory_space<semaphore_mem>>
        tpu.enqueue_indirect_dma source(%dma_start3A_53 : memref<3840x512xf32, #tpu.memory_space<hbm>>) target(%run_scoped3A : memref<32x512xf32, #tpu.memory_space<vmem>>) offsets(%dma_start3A_50 : memref<32xi32, #tpu.memory_space<vmem>>) semaphore(%dma_start3A_55 : memref<!tpu.dma_semaphore, #tpu.memory_space<semaphore_mem>>)
        %add3A_56 = arith.constant 1 : i32
        %add3A_57 = arith.addi %mul3A_42, %add3A_56 : i32
        %ge3A_58 = arith.constant 1 : i32
        %ge3A_59 = arith.cmpi sge, %scan3A_40, %ge3A_58 : i32
        %convert_element_type3A_60 = arith.extui %ge3A_59 : i1 to i32
        %cond3A_61 = arith.constant 1 : i32
        %cond3A_62 = arith.constant 0 : i32
        %cond3A_63 = arith.cmpi ne, %convert_element_type3A_60, %cond3A_62 : i32
        scf.if %cond3A_63 {
          %dma_wait3A_563 = arith.constant 0 : i32
          %dma_wait3A_564 = tpu.memref_slice %arg4[%min3A_3, %dma_wait3A_563] : memref<100000x512xf32, #tpu.memory_space<hbm>> -> memref<32x512xf32, #tpu.memory_space<hbm>>
          %dma_wait3A_565 = tpu.memref_slice %arg8[%cond3A_61] : memref<2x!tpu.dma_semaphore, #tpu.memory_space<semaphore_mem>> -> memref<1x!tpu.dma_semaphore, #tpu.memory_space<semaphore_mem>>
          %dma_wait3A_566 = tpu.memref_squeeze %dma_wait3A_565 : memref<1x!tpu.dma_semaphore, #tpu.memory_space<semaphore_mem>> -> memref<!tpu.dma_semaphore, #tpu.memory_space<semaphore_mem>>
          %dma_wait3A_567 = arith.constant 0 : i32
          %dma_wait3A_568 = tpu.memref_slice %arg4[%min3A_3, %dma_wait3A_567] : memref<100000x512xf32, #tpu.memory_space<hbm>> -> memref<32x512xf32, #tpu.memory_space<hbm>>
          tpu.wait_dma2 semaphore(%dma_wait3A_566 : memref<!tpu.dma_semaphore, #tpu.memory_space<semaphore_mem>>) src(%run_scoped3A_6 : memref<32x512xf32, #tpu.memory_space<vmem>>) dst(%dma_wait3A_568 : memref<32x512xf32, #tpu.memory_space<hbm>>)
        } else {
        }
        %mul3A_64 = arith.constant 32 : i32
        %mul3A_65 = arith.muli %add3A_57, %mul3A_64 : i32
        %dma_start3A_66 = arith.constant 1 : i32
        %dma_start3A_67 = tpu.memref_slice %arg5[%mul3A_65] : memref<3200xi32, #tpu.memory_space<vmem>> -> memref<32xi32, #tpu.memory_space<vmem>>
        %dma_start3A_68 = arith.constant 0 : i32
        %dma_start3A_69 = arith.constant 0 : i32
        %dma_start3A_70 = tpu.memref_slice %arg3[%dma_start3A_68, %dma_start3A_69] : memref<3840x512xf32, #tpu.memory_space<hbm>> -> memref<3840x512xf32, #tpu.memory_space<hbm>>
        %dma_start3A_71 = tpu.memref_slice %arg8[%dma_start3A_66] : memref<2x!tpu.dma_semaphore, #tpu.memory_space<semaphore_mem>> -> memref<1x!tpu.dma_semaphore, #tpu.memory_space<semaphore_mem>>
        %dma_start3A_72 = tpu.memref_squeeze %dma_start3A_71 : memref<1x!tpu.dma_semaphore, #tpu.memory_space<semaphore_mem>> -> memref<!tpu.dma_semaphore, #tpu.memory_space<semaphore_mem>>
        tpu.enqueue_indirect_dma source(%dma_start3A_70 : memref<3840x512xf32, #tpu.memory_space<hbm>>) target(%run_scoped3A_6 : memref<32x512xf32, #tpu.memory_space<vmem>>) offsets(%dma_start3A_67 : memref<32xi32, #tpu.memory_space<vmem>>) semaphore(%dma_start3A_72 : memref<!tpu.dma_semaphore, #tpu.memory_space<semaphore_mem>>)
        %add3A_73 = arith.constant 2 : i32
        %add3A_74 = arith.addi %mul3A_42, %add3A_73 : i32
        %add3A_75 = arith.constant 0 : i32
        %add3A_76 = arith.addi %add3A_74, %add3A_75 : i32
        %ge3A_77 = arith.constant 1 : i32
        %ge3A_78 = arith.cmpi sge, %scan3A_40, %ge3A_77 : i32
        %convert_element_type3A_79 = arith.extui %ge3A_78 : i1 to i32
        %cond3A_80 = arith.constant 0 : i32
        %cond3A_81 = arith.constant 0 : i32
        %cond3A_82 = arith.cmpi ne, %convert_element_type3A_79, %cond3A_81 : i32
        scf.if %cond3A_82 {
          %dma_wait3A_563 = arith.constant 0 : i32
          %dma_wait3A_564 = tpu.memref_slice %arg4[%min3A_3, %dma_wait3A_563] : memref<100000x512xf32, #tpu.memory_space<hbm>> -> memref<16x512xf32, #tpu.memory_space<hbm>>
          %dma_wait3A_565 = tpu.memref_slice %arg9[%cond3A_80] : memref<2x!tpu.dma_semaphore, #tpu.memory_space<semaphore_mem>> -> memref<1x!tpu.dma_semaphore, #tpu.memory_space<semaphore_mem>>
          %dma_wait3A_566 = tpu.memref_squeeze %dma_wait3A_565 : memref<1x!tpu.dma_semaphore, #tpu.memory_space<semaphore_mem>> -> memref<!tpu.dma_semaphore, #tpu.memory_space<semaphore_mem>>
          %dma_wait3A_567 = arith.constant 0 : i32
          %dma_wait3A_568 = tpu.memref_slice %arg4[%min3A_3, %dma_wait3A_567] : memref<100000x512xf32, #tpu.memory_space<hbm>> -> memref<16x512xf32, #tpu.memory_space<hbm>>
          tpu.wait_dma2 semaphore(%dma_wait3A_566 : memref<!tpu.dma_semaphore, #tpu.memory_space<semaphore_mem>>) src(%run_scoped3A_7 : memref<16x512xf32, #tpu.memory_space<vmem>>) dst(%dma_wait3A_568 : memref<16x512xf32, #tpu.memory_space<hbm>>)
        } else {
        }
        %mul3A_83 = arith.constant 32 : i32
        %mul3A_84 = arith.muli %add3A_76, %mul3A_83 : i32
        %add3A_85 = arith.constant 0 : i32
        %add3A_86 = arith.addi %mul3A_84, %add3A_85 : i32
        %get3A = arith.index_cast %add3A_86 : i32 to index
        %get3A_87 = tpu.vector_load %arg5[%get3A] {strides = array<i32>} : memref<3200xi32, #tpu.memory_space<vmem>>, vector<16xi32>,
        %sub3A = vector.broadcast %mul3A_5 : i32 to vector<16xi32>
        %sub3A_88 = arith.subi %get3A_87, %sub3A : vector<16xi32>
        %slice3A = vector.extract_strided_slice %sub3A_88 {offsets = [0], sizes = [1], strides = [1]} : vector<16xi32> to vector<1xi32>
        %squeeze3A = vector.extract %slice3A[0] : i32 from vector<1xi32>
        %swap3A = arith.constant 0 : i32
        %swap3A_89 = arith.index_cast %swap3A : i32 to index
        %swap3A_90 = memref.load %arg7[%swap3A_89] : memref<16xi32, #tpu.memory_space<smem>>
        memref.store %squeeze3A, %arg7[%swap3A_89] : memref<16xi32, #tpu.memory_space<smem>>
        %slice3A_91 = vector.extract_strided_slice %sub3A_88 {offsets = [1], sizes = [1], strides = [1]} : vector<16xi32> to vector<1xi32>
        %squeeze3A_92 = vector.extract %slice3A_91[0] : i32 from vector<1xi32>
        %swap3A_93 = arith.constant 1 : i32
        %swap3A_94 = arith.index_cast %swap3A_93 : i32 to index
        %swap3A_95 = memref.load %arg7[%swap3A_94] : memref<16xi32, #tpu.memory_space<smem>>
        memref.store %squeeze3A_92, %arg7[%swap3A_94] : memref<16xi32, #tpu.memory_space<smem>>
        %slice3A_96 = vector.extract_strided_slice %sub3A_88 {offsets = [2], sizes = [1], strides = [1]} : vector<16xi32> to vector<1xi32>
        %squeeze3A_97 = vector.extract %slice3A_96[0] : i32 from vector<1xi32>
        %swap3A_98 = arith.constant 2 : i32
        %swap3A_99 = arith.index_cast %swap3A_98 : i32 to index
        %swap3A_100 = memref.load %arg7[%swap3A_99] : memref<16xi32, #tpu.memory_space<smem>>
        memref.store %squeeze3A_97, %arg7[%swap3A_99] : memref<16xi32, #tpu.memory_space<smem>>
        %slice3A_101 = vector.extract_strided_slice %sub3A_88 {offsets = [3], sizes = [1], strides = [1]} : vector<16xi32> to vector<1xi32>
        %squeeze3A_102 = vector.extract %slice3A_101[0] : i32 from vector<1xi32>
        %swap3A_103 = arith.constant 3 : i32
        %swap3A_104 = arith.index_cast %swap3A_103 : i32 to index
        %swap3A_105 = memref.load %arg7[%swap3A_104] : memref<16xi32, #tpu.memory_space<smem>>
        memref.store %squeeze3A_102, %arg7[%swap3A_104] : memref<16xi32, #tpu.memory_space<smem>>
        %slice3A_106 = vector.extract_strided_slice %sub3A_88 {offsets = [4], sizes = [1], strides = [1]} : vector<16xi32> to vector<1xi32>
        %squeeze3A_107 = vector.extract %slice3A_106[0] : i32 from vector<1xi32>
        %swap3A_108 = arith.constant 4 : i32
        %swap3A_109 = arith.index_cast %swap3A_108 : i32 to index
        %swap3A_110 = memref.load %arg7[%swap3A_109] : memref<16xi32, #tpu.memory_space<smem>>
        memref.store %squeeze3A_107, %arg7[%swap3A_109] : memref<16xi32, #tpu.memory_space<smem>>
        %slice3A_111 = vector.extract_strided_slice %sub3A_88 {offsets = [5], sizes = [1], strides = [1]} : vector<16xi32> to vector<1xi32>
        %squeeze3A_112 = vector.extract %slice3A_111[0] : i32 from vector<1xi32>
        %swap3A_113 = arith.constant 5 : i32
        %swap3A_114 = arith.index_cast %swap3A_113 : i32 to index
        %swap3A_115 = memref.load %arg7[%swap3A_114] : memref<16xi32, #tpu.memory_space<smem>>
        memref.store %squeeze3A_112, %arg7[%swap3A_114] : memref<16xi32, #tpu.memory_space<smem>>
        %slice3A_116 = vector.extract_strided_slice %sub3A_88 {offsets = [6], sizes = [1], strides = [1]} : vector<16xi32> to vector<1xi32>
        %squeeze3A_117 = vector.extract %slice3A_116[0] : i32 from vector<1xi32>
        %swap3A_118 = arith.constant 6 : i32
        %swap3A_119 = arith.index_cast %swap3A_118 : i32 to index
        %swap3A_120 = memref.load %arg7[%swap3A_119] : memref<16xi32, #tpu.memory_space<smem>>
        memref.store %squeeze3A_117, %arg7[%swap3A_119] : memref<16xi32, #tpu.memory_space<smem>>
        %slice3A_121 = vector.extract_strided_slice %sub3A_88 {offsets = [7], sizes = [1], strides = [1]} : vector<16xi32> to vector<1xi32>
        %squeeze3A_122 = vector.extract %slice3A_121[0] : i32 from vector<1xi32>
        %swap3A_123 = arith.constant 7 : i32
        %swap3A_124 = arith.index_cast %swap3A_123 : i32 to index
        %swap3A_125 = memref.load %arg7[%swap3A_124] : memref<16xi32, #tpu.memory_space<smem>>
        memref.store %squeeze3A_122, %arg7[%swap3A_124] : memref<16xi32, #tpu.memory_space<smem>>
        %slice3A_126 = vector.extract_strided_slice %sub3A_88 {offsets = [8], sizes = [1], strides = [1]} : vector<16xi32> to vector<1xi32>
        %squeeze3A_127 = vector.extract %slice3A_126[0] : i32 from vector<1xi32>
        %swap3A_128 = arith.constant 8 : i32
        %swap3A_129 = arith.index_cast %swap3A_128 : i32 to index
        %swap3A_130 = memref.load %arg7[%swap3A_129] : memref<16xi32, #tpu.memory_space<smem>>
        memref.store %squeeze3A_127, %arg7[%swap3A_129] : memref<16xi32, #tpu.memory_space<smem>>
        %slice3A_131 = vector.extract_strided_slice %sub3A_88 {offsets = [9], sizes = [1], strides = [1]} : vector<16xi32> to vector<1xi32>
        %squeeze3A_132 = vector.extract %slice3A_131[0] : i32 from vector<1xi32>
        %swap3A_133 = arith.constant 9 : i32
        %swap3A_134 = arith.index_cast %swap3A_133 : i32 to index
        %swap3A_135 = memref.load %arg7[%swap3A_134] : memref<16xi32, #tpu.memory_space<smem>>
        memref.store %squeeze3A_132, %arg7[%swap3A_134] : memref<16xi32, #tpu.memory_space<smem>>
        %slice3A_136 = vector.extract_strided_slice %sub3A_88 {offsets = [10], sizes = [1], strides = [1]} : vector<16xi32> to vector<1xi32>
        %squeeze3A_137 = vector.extract %slice3A_136[0] : i32 from vector<1xi32>
        %swap3A_138 = arith.constant 10 : i32
        %swap3A_139 = arith.index_cast %swap3A_138 : i32 to index
        %swap3A_140 = memref.load %arg7[%swap3A_139] : memref<16xi32, #tpu.memory_space<smem>>
        memref.store %squeeze3A_137, %arg7[%swap3A_139] : memref<16xi32, #tpu.memory_space<smem>>
        %slice3A_141 = vector.extract_strided_slice %sub3A_88 {offsets = [11], sizes = [1], strides = [1]} : vector<16xi32> to vector<1xi32>
        %squeeze3A_142 = vector.extract %slice3A_141[0] : i32 from vector<1xi32>
        %swap3A_143 = arith.constant 11 : i32
        %swap3A_144 = arith.index_cast %swap3A_143 : i32 to index
        %swap3A_145 = memref.load %arg7[%swap3A_144] : memref<16xi32, #tpu.memory_space<smem>>
        memref.store %squeeze3A_142, %arg7[%swap3A_144] : memref<16xi32, #tpu.memory_space<smem>>
        %slice3A_146 = vector.extract_strided_slice %sub3A_88 {offsets = [12], sizes = [1], strides = [1]} : vector<16xi32> to vector<1xi32>
        %squeeze3A_147 = vector.extract %slice3A_146[0] : i32 from vector<1xi32>
        %swap3A_148 = arith.constant 12 : i32
        %swap3A_149 = arith.index_cast %swap3A_148 : i32 to index
        %swap3A_150 = memref.load %arg7[%swap3A_149] : memref<16xi32, #tpu.memory_space<smem>>
        memref.store %squeeze3A_147, %arg7[%swap3A_149] : memref<16xi32, #tpu.memory_space<smem>>
        %slice3A_151 = vector.extract_strided_slice %sub3A_88 {offsets = [13], sizes = [1], strides = [1]} : vector<16xi32> to vector<1xi32>
        %squeeze3A_152 = vector.extract %slice3A_151[0] : i32 from vector<1xi32>
        %swap3A_153 = arith.constant 13 : i32
        %swap3A_154 = arith.index_cast %swap3A_153 : i32 to index
        %swap3A_155 = memref.load %arg7[%swap3A_154] : memref<16xi32, #tpu.memory_space<smem>>
        memref.store %squeeze3A_152, %arg7[%swap3A_154] : memref<16xi32, #tpu.memory_space<smem>>
        %slice3A_156 = vector.extract_strided_slice %sub3A_88 {offsets = [14], sizes = [1], strides = [1]} : vector<16xi32> to vector<1xi32>
        %squeeze3A_157 = vector.extract %slice3A_156[0] : i32 from vector<1xi32>
        %swap3A_158 = arith.constant 14 : i32
        %swap3A_159 = arith.index_cast %swap3A_158 : i32 to index
        %swap3A_160 = memref.load %arg7[%swap3A_159] : memref<16xi32, #tpu.memory_space<smem>>
        memref.store %squeeze3A_157, %arg7[%swap3A_159] : memref<16xi32, #tpu.memory_space<smem>>
        %slice3A_161 = vector.extract_strided_slice %sub3A_88 {offsets = [15], sizes = [1], strides = [1]} : vector<16xi32> to vector<1xi32>
        %squeeze3A_162 = vector.extract %slice3A_161[0] : i32 from vector<1xi32>
        %swap3A_163 = arith.constant 15 : i32
        %swap3A_164 = arith.index_cast %swap3A_163 : i32 to index
        %swap3A_165 = memref.load %arg7[%swap3A_164] : memref<16xi32, #tpu.memory_space<smem>>
        memref.store %squeeze3A_162, %arg7[%swap3A_164] : memref<16xi32, #tpu.memory_space<smem>>
        %parallel_loop3A = arith.constant 0 : i32
        %parallel_loop3A_166 = arith.constant 16 : i32
        %parallel_loop3A_167 = arith.constant 1 : i32
        scf.for %parallel_loop3A_563 = %parallel_loop3A to %parallel_loop3A_166 step %parallel_loop3A_167  : i32 {
          %parallel_loop3A_564 = arith.index_cast %parallel_loop3A_563 : i32 to index
          %parallel_loop3A_565 = memref.load %arg7[%parallel_loop3A_564] : memref<16xi32, #tpu.memory_space<smem>>
          %parallel_loop3A_566 = arith.index_cast %parallel_loop3A_565 : i32 to index
          %parallel_loop3A_567 = arith.constant 0 : index
          %parallel_loop3A_568 = tpu.vector_load %arg6[%parallel_loop3A_566, %parallel_loop3A_567] {strides = array<i32>} : memref<120x512xf32, #tpu.memory_space<vmem>>, vector<16xf32>,
          %parallel_loop3A_569 = arith.index_cast %parallel_loop3A_565 : i32 to index
          %parallel_loop3A_570 = arith.constant 16 : index
          %parallel_loop3A_571 = tpu.vector_load %arg6[%parallel_loop3A_569, %parallel_loop3A_570] {strides = array<i32>} : memref<120x512xf32, #tpu.memory_space<vmem>>, vector<16xf32>,
          %parallel_loop3A_572 = arith.index_cast %parallel_loop3A_565 : i32 to index
          %parallel_loop3A_573 = arith.constant 32 : index
          %parallel_loop3A_574 = tpu.vector_load %arg6[%parallel_loop3A_572, %parallel_loop3A_573] {strides = array<i32>} : memref<120x512xf32, #tpu.memory_space<vmem>>, vector<16xf32>,
          %parallel_loop3A_575 = arith.index_cast %parallel_loop3A_565 : i32 to index
          %parallel_loop3A_576 = arith.constant 48 : index
          %parallel_loop3A_577 = tpu.vector_load %arg6[%parallel_loop3A_575, %parallel_loop3A_576] {strides = array<i32>} : memref<120x512xf32, #tpu.memory_space<vmem>>, vector<16xf32>,
          %parallel_loop3A_578 = arith.index_cast %parallel_loop3A_565 : i32 to index
          %parallel_loop3A_579 = arith.constant 64 : index
          %parallel_loop3A_580 = tpu.vector_load %arg6[%parallel_loop3A_578, %parallel_loop3A_579] {strides = array<i32>} : memref<120x512xf32, #tpu.memory_space<vmem>>, vector<16xf32>,
          %parallel_loop3A_581 = arith.index_cast %parallel_loop3A_565 : i32 to index
          %parallel_loop3A_582 = arith.constant 80 : index
          %parallel_loop3A_583 = tpu.vector_load %arg6[%parallel_loop3A_581, %parallel_loop3A_582] {strides = array<i32>} : memref<120x512xf32, #tpu.memory_space<vmem>>, vector<16xf32>,
          %parallel_loop3A_584 = arith.index_cast %parallel_loop3A_565 : i32 to index
          %parallel_loop3A_585 = arith.constant 96 : index
          %parallel_loop3A_586 = tpu.vector_load %arg6[%parallel_loop3A_584, %parallel_loop3A_585] {strides = array<i32>} : memref<120x512xf32, #tpu.memory_space<vmem>>, vector<16xf32>,
          %parallel_loop3A_587 = arith.index_cast %parallel_loop3A_565 : i32 to index
          %parallel_loop3A_588 = arith.constant 112 : index
          %parallel_loop3A_589 = tpu.vector_load %arg6[%parallel_loop3A_587, %parallel_loop3A_588] {strides = array<i32>} : memref<120x512xf32, #tpu.memory_space<vmem>>, vector<16xf32>,
          %parallel_loop3A_590 = arith.index_cast %parallel_loop3A_563 : i32 to index
          %parallel_loop3A_591 = arith.constant 0 : index
          %parallel_loop3A_592 = tpu.vector_load %run_scoped3A_7[%parallel_loop3A_590, %parallel_loop3A_591] {strides = array<i32>} : memref<16x512xf32, #tpu.memory_space<vmem>>, vector<16xf32>,
          tpu.vector_store %run_scoped3A_7[%parallel_loop3A_590, %parallel_loop3A_591], %parallel_loop3A_568 {strides = array<i32>} : memref<16x512xf32, #tpu.memory_space<vmem>>, vector<16xf32>,
          %parallel_loop3A_593 = arith.index_cast %parallel_loop3A_563 : i32 to index
          %parallel_loop3A_594 = arith.constant 16 : index
          %parallel_loop3A_595 = tpu.vector_load %run_scoped3A_7[%parallel_loop3A_593, %parallel_loop3A_594] {strides = array<i32>} : memref<16x512xf32, #tpu.memory_space<vmem>>, vector<16xf32>,
          tpu.vector_store %run_scoped3A_7[%parallel_loop3A_593, %parallel_loop3A_594], %parallel_loop3A_571 {strides = array<i32>} : memref<16x512xf32, #tpu.memory_space<vmem>>, vector<16xf32>,
          %parallel_loop3A_596 = arith.index_cast %parallel_loop3A_563 : i32 to index
          %parallel_loop3A_597 = arith.constant 32 : index
          %parallel_loop3A_598 = tpu.vector_load %run_scoped3A_7[%parallel_loop3A_596, %parallel_loop3A_597] {strides = array<i32>} : memref<16x512xf32, #tpu.memory_space<vmem>>, vector<16xf32>,
          tpu.vector_store %run_scoped3A_7[%parallel_loop3A_596, %parallel_loop3A_597], %parallel_loop3A_574 {strides = array<i32>} : memref<16x512xf32, #tpu.memory_space<vmem>>, vector<16xf32>,
          %parallel_loop3A_599 = arith.index_cast %parallel_loop3A_563 : i32 to index
          %parallel_loop3A_600 = arith.constant 48 : index
          %parallel_loop3A_601 = tpu.vector_load %run_scoped3A_7[%parallel_loop3A_599, %parallel_loop3A_600] {strides = array<i32>} : memref<16x512xf32, #tpu.memory_space<vmem>>, vector<16xf32>,
          tpu.vector_store %run_scoped3A_7[%parallel_loop3A_599, %parallel_loop3A_600], %parallel_loop3A_577 {strides = array<i32>} : memref<16x512xf32, #tpu.memory_space<vmem>>, vector<16xf32>,
          %parallel_loop3A_602 = arith.index_cast %parallel_loop3A_563 : i32 to index
          %parallel_loop3A_603 = arith.constant 64 : index
          %parallel_loop3A_604 = tpu.vector_load %run_scoped3A_7[%parallel_loop3A_602, %parallel_loop3A_603] {strides = array<i32>} : memref<16x512xf32, #tpu.memory_space<vmem>>, vector<16xf32>,
          tpu.vector_store %run_scoped3A_7[%parallel_loop3A_602, %parallel_loop3A_603], %parallel_loop3A_580 {strides = array<i32>} : memref<16x512xf32, #tpu.memory_space<vmem>>, vector<16xf32>,
          %parallel_loop3A_605 = arith.index_cast %parallel_loop3A_563 : i32 to index
          %parallel_loop3A_606 = arith.constant 80 : index
          %parallel_loop3A_607 = tpu.vector_load %run_scoped3A_7[%parallel_loop3A_605, %parallel_loop3A_606] {strides = array<i32>} : memref<16x512xf32, #tpu.memory_space<vmem>>, vector<16xf32>,
          tpu.vector_store %run_scoped3A_7[%parallel_loop3A_605, %parallel_loop3A_606], %parallel_loop3A_583 {strides = array<i32>} : memref<16x512xf32, #tpu.memory_space<vmem>>, vector<16xf32>,
          %parallel_loop3A_608 = arith.index_cast %parallel_loop3A_563 : i32 to index
          %parallel_loop3A_609 = arith.constant 96 : index
          %parallel_loop3A_610 = tpu.vector_load %run_scoped3A_7[%parallel_loop3A_608, %parallel_loop3A_609] {strides = array<i32>} : memref<16x512xf32, #tpu.memory_space<vmem>>, vector<16xf32>,
          tpu.vector_store %run_scoped3A_7[%parallel_loop3A_608, %parallel_loop3A_609], %parallel_loop3A_586 {strides = array<i32>} : memref<16x512xf32, #tpu.memory_space<vmem>>, vector<16xf32>,
          %parallel_loop3A_611 = arith.index_cast %parallel_loop3A_563 : i32 to index
          %parallel_loop3A_612 = arith.constant 112 : index
          %parallel_loop3A_613 = tpu.vector_load %run_scoped3A_7[%parallel_loop3A_611, %parallel_loop3A_612] {strides = array<i32>} : memref<16x512xf32, #tpu.memory_space<vmem>>, vector<16xf32>,
          tpu.vector_store %run_scoped3A_7[%parallel_loop3A_611, %parallel_loop3A_612], %parallel_loop3A_589 {strides = array<i32>} : memref<16x512xf32, #tpu.memory_space<vmem>>, vector<16xf32>,
          %parallel_loop3A_614 = arith.index_cast %parallel_loop3A_565 : i32 to index
          %parallel_loop3A_615 = arith.constant 128 : index
          %parallel_loop3A_616 = tpu.vector_load %arg6[%parallel_loop3A_614, %parallel_loop3A_615] {strides = array<i32>} : memref<120x512xf32, #tpu.memory_space<vmem>>, vector<16xf32>,
          %parallel_loop3A_617 = arith.index_cast %parallel_loop3A_565 : i32 to index
          %parallel_loop3A_618 = arith.constant 144 : index
          %parallel_loop3A_619 = tpu.vector_load %arg6[%parallel_loop3A_617, %parallel_loop3A_618] {strides = array<i32>} : memref<120x512xf32, #tpu.memory_space<vmem>>, vector<16xf32>,
          %parallel_loop3A_620 = arith.index_cast %parallel_loop3A_565 : i32 to index
          %parallel_loop3A_621 = arith.constant 160 : index
          %parallel_loop3A_622 = tpu.vector_load %arg6[%parallel_loop3A_620, %parallel_loop3A_621] {strides = array<i32>} : memref<120x512xf32, #tpu.memory_space<vmem>>, vector<16xf32>,
          %parallel_loop3A_623 = arith.index_cast %parallel_loop3A_565 : i32 to index
          %parallel_loop3A_624 = arith.constant 176 : index
          %parallel_loop3A_625 = tpu.vector_load %arg6[%parallel_loop3A_623, %parallel_loop3A_624] {strides = array<i32>} : memref<120x512xf32, #tpu.memory_space<vmem>>, vector<16xf32>,
          %parallel_loop3A_626 = arith.index_cast %parallel_loop3A_565 : i32 to index
          %parallel_loop3A_627 = arith.constant 192 : index
          %parallel_loop3A_628 = tpu.vector_load %arg6[%parallel_loop3A_626, %parallel_loop3A_627] {strides = array<i32>} : memref<120x512xf32, #tpu.memory_space<vmem>>, vector<16xf32>,
          %parallel_loop3A_629 = arith.index_cast %parallel_loop3A_565 : i32 to index
          %parallel_loop3A_630 = arith.constant 208 : index
          %parallel_loop3A_631 = tpu.vector_load %arg6[%parallel_loop3A_629, %parallel_loop3A_630] {strides = array<i32>} : memref<120x512xf32, #tpu.memory_space<vmem>>, vector<16xf32>,
          %parallel_loop3A_632 = arith.index_cast %parallel_loop3A_565 : i32 to index
          %parallel_loop3A_633 = arith.constant 224 : index
          %parallel_loop3A_634 = tpu.vector_load %arg6[%parallel_loop3A_632, %parallel_loop3A_633] {strides = array<i32>} : memref<120x512xf32, #tpu.memory_space<vmem>>, vector<16xf32>,
          %parallel_loop3A_635 = arith.index_cast %parallel_loop3A_565 : i32 to index
          %parallel_loop3A_636 = arith.constant 240 : index
          %parallel_loop3A_637 = tpu.vector_load %arg6[%parallel_loop3A_635, %parallel_loop3A_636] {strides = array<i32>} : memref<120x512xf32, #tpu.memory_space<vmem>>, vector<16xf32>,
          %parallel_loop3A_638 = arith.index_cast %parallel_loop3A_563 : i32 to index
          %parallel_loop3A_639 = arith.constant 128 : index
          %parallel_loop3A_640 = tpu.vector_load %run_scoped3A_7[%parallel_loop3A_638, %parallel_loop3A_639] {strides = array<i32>} : memref<16x512xf32, #tpu.memory_space<vmem>>, vector<16xf32>,
          tpu.vector_store %run_scoped3A_7[%parallel_loop3A_638, %parallel_loop3A_639], %parallel_loop3A_616 {strides = array<i32>} : memref<16x512xf32, #tpu.memory_space<vmem>>, vector<16xf32>,
          %parallel_loop3A_641 = arith.index_cast %parallel_loop3A_563 : i32 to index
          %parallel_loop3A_642 = arith.constant 144 : index
          %parallel_loop3A_643 = tpu.vector_load %run_scoped3A_7[%parallel_loop3A_641, %parallel_loop3A_642] {strides = array<i32>} : memref<16x512xf32, #tpu.memory_space<vmem>>, vector<16xf32>,
          tpu.vector_store %run_scoped3A_7[%parallel_loop3A_641, %parallel_loop3A_642], %parallel_loop3A_619 {strides = array<i32>} : memref<16x512xf32, #tpu.memory_space<vmem>>, vector<16xf32>,
          %parallel_loop3A_644 = arith.index_cast %parallel_loop3A_563 : i32 to index
          %parallel_loop3A_645 = arith.constant 160 : index
          %parallel_loop3A_646 = tpu.vector_load %run_scoped3A_7[%parallel_loop3A_644, %parallel_loop3A_645] {strides = array<i32>} : memref<16x512xf32, #tpu.memory_space<vmem>>, vector<16xf32>,
          tpu.vector_store %run_scoped3A_7[%parallel_loop3A_644, %parallel_loop3A_645], %parallel_loop3A_622 {strides = array<i32>} : memref<16x512xf32, #tpu.memory_space<vmem>>, vector<16xf32>,
          %parallel_loop3A_647 = arith.index_cast %parallel_loop3A_563 : i32 to index
          %parallel_loop3A_648 = arith.constant 176 : index
          %parallel_loop3A_649 = tpu.vector_load %run_scoped3A_7[%parallel_loop3A_647, %parallel_loop3A_648] {strides = array<i32>} : memref<16x512xf32, #tpu.memory_space<vmem>>, vector<16xf32>,
          tpu.vector_store %run_scoped3A_7[%parallel_loop3A_647, %parallel_loop3A_648], %parallel_loop3A_625 {strides = array<i32>} : memref<16x512xf32, #tpu.memory_space<vmem>>, vector<16xf32>,
          %parallel_loop3A_650 = arith.index_cast %parallel_loop3A_563 : i32 to index
          %parallel_loop3A_651 = arith.constant 192 : index
          %parallel_loop3A_652 = tpu.vector_load %run_scoped3A_7[%parallel_loop3A_650, %parallel_loop3A_651] {strides = array<i32>} : memref<16x512xf32, #tpu.memory_space<vmem>>, vector<16xf32>,
          tpu.vector_store %run_scoped3A_7[%parallel_loop3A_650, %parallel_loop3A_651], %parallel_loop3A_628 {strides = array<i32>} : memref<16x512xf32, #tpu.memory_space<vmem>>, vector<16xf32>,
          %parallel_loop3A_653 = arith.index_cast %parallel_loop3A_563 : i32 to index
          %parallel_loop3A_654 = arith.constant 208 : index
          %parallel_loop3A_655 = tpu.vector_load %run_scoped3A_7[%parallel_loop3A_653, %parallel_loop3A_654] {strides = array<i32>} : memref<16x512xf32, #tpu.memory_space<vmem>>, vector<16xf32>,
          tpu.vector_store %run_scoped3A_7[%parallel_loop3A_653, %parallel_loop3A_654], %parallel_loop3A_631 {strides = array<i32>} : memref<16x512xf32, #tpu.memory_space<vmem>>, vector<16xf32>,
          %parallel_loop3A_656 = arith.index_cast %parallel_loop3A_563 : i32 to index
          %parallel_loop3A_657 = arith.constant 224 : index
          %parallel_loop3A_658 = tpu.vector_load %run_scoped3A_7[%parallel_loop3A_656, %parallel_loop3A_657] {strides = array<i32>} : memref<16x512xf32, #tpu.memory_space<vmem>>, vector<16xf32>,
          tpu.vector_store %run_scoped3A_7[%parallel_loop3A_656, %parallel_loop3A_657], %parallel_loop3A_634 {strides = array<i32>} : memref<16x512xf32, #tpu.memory_space<vmem>>, vector<16xf32>,
          %parallel_loop3A_659 = arith.index_cast %parallel_loop3A_563 : i32 to index
          %parallel_loop3A_660 = arith.constant 240 : index
          %parallel_loop3A_661 = tpu.vector_load %run_scoped3A_7[%parallel_loop3A_659, %parallel_loop3A_660] {strides = array<i32>} : memref<16x512xf32, #tpu.memory_space<vmem>>, vector<16xf32>,
          tpu.vector_store %run_scoped3A_7[%parallel_loop3A_659, %parallel_loop3A_660], %parallel_loop3A_637 {strides = array<i32>} : memref<16x512xf32, #tpu.memory_space<vmem>>, vector<16xf32>,
          %parallel_loop3A_662 = arith.index_cast %parallel_loop3A_565 : i32 to index
          %parallel_loop3A_663 = arith.constant 256 : index
          %parallel_loop3A_664 = tpu.vector_load %arg6[%parallel_loop3A_662, %parallel_loop3A_663] {strides = array<i32>} : memref<120x512xf32, #tpu.memory_space<vmem>>, vector<16xf32>,
          %parallel_loop3A_665 = arith.index_cast %parallel_loop3A_565 : i32 to index
          %parallel_loop3A_666 = arith.constant 272 : index
          %parallel_loop3A_667 = tpu.vector_load %arg6[%parallel_loop3A_665, %parallel_loop3A_666] {strides = array<i32>} : memref<120x512xf32, #tpu.memory_space<vmem>>, vector<16xf32>,
          %parallel_loop3A_668 = arith.index_cast %parallel_loop3A_565 : i32 to index
          %parallel_loop3A_669 = arith.constant 288 : index
          %parallel_loop3A_670 = tpu.vector_load %arg6[%parallel_loop3A_668, %parallel_loop3A_669] {strides = array<i32>} : memref<120x512xf32, #tpu.memory_space<vmem>>, vector<16xf32>,
          %parallel_loop3A_671 = arith.index_cast %parallel_loop3A_565 : i32 to index
          %parallel_loop3A_672 = arith.constant 304 : index
          %parallel_loop3A_673 = tpu.vector_load %arg6[%parallel_loop3A_671, %parallel_loop3A_672] {strides = array<i32>} : memref<120x512xf32, #tpu.memory_space<vmem>>, vector<16xf32>,
          %parallel_loop3A_674 = arith.index_cast %parallel_loop3A_565 : i32 to index
          %parallel_loop3A_675 = arith.constant 320 : index
          %parallel_loop3A_676 = tpu.vector_load %arg6[%parallel_loop3A_674, %parallel_loop3A_675] {strides = array<i32>} : memref<120x512xf32, #tpu.memory_space<vmem>>, vector<16xf32>,
          %parallel_loop3A_677 = arith.index_cast %parallel_loop3A_565 : i32 to index
          %parallel_loop3A_678 = arith.constant 336 : index
          %parallel_loop3A_679 = tpu.vector_load %arg6[%parallel_loop3A_677, %parallel_loop3A_678] {strides = array<i32>} : memref<120x512xf32, #tpu.memory_space<vmem>>, vector<16xf32>,
          %parallel_loop3A_680 = arith.index_cast %parallel_loop3A_565 : i32 to index
          %parallel_loop3A_681 = arith.constant 352 : index
          %parallel_loop3A_682 = tpu.vector_load %arg6[%parallel_loop3A_680, %parallel_loop3A_681] {strides = array<i32>} : memref<120x512xf32, #tpu.memory_space<vmem>>, vector<16xf32>,
          %parallel_loop3A_683 = arith.index_cast %parallel_loop3A_565 : i32 to index
          %parallel_loop3A_684 = arith.constant 368 : index
          %parallel_loop3A_685 = tpu.vector_load %arg6[%parallel_loop3A_683, %parallel_loop3A_684] {strides = array<i32>} : memref<120x512xf32, #tpu.memory_space<vmem>>, vector<16xf32>,
          %parallel_loop3A_686 = arith.index_cast %parallel_loop3A_563 : i32 to index
          %parallel_loop3A_687 = arith.constant 256 : index
          %parallel_loop3A_688 = tpu.vector_load %run_scoped3A_7[%parallel_loop3A_686, %parallel_loop3A_687] {strides = array<i32>} : memref<16x512xf32, #tpu.memory_space<vmem>>, vector<16xf32>,
          tpu.vector_store %run_scoped3A_7[%parallel_loop3A_686, %parallel_loop3A_687], %parallel_loop3A_664 {strides = array<i32>} : memref<16x512xf32, #tpu.memory_space<vmem>>, vector<16xf32>,
          %parallel_loop3A_689 = arith.index_cast %parallel_loop3A_563 : i32 to index
          %parallel_loop3A_690 = arith.constant 272 : index
          %parallel_loop3A_691 = tpu.vector_load %run_scoped3A_7[%parallel_loop3A_689, %parallel_loop3A_690] {strides = array<i32>} : memref<16x512xf32, #tpu.memory_space<vmem>>, vector<16xf32>,
          tpu.vector_store %run_scoped3A_7[%parallel_loop3A_689, %parallel_loop3A_690], %parallel_loop3A_667 {strides = array<i32>} : memref<16x512xf32, #tpu.memory_space<vmem>>, vector<16xf32>,
          %parallel_loop3A_692 = arith.index_cast %parallel_loop3A_563 : i32 to index
          %parallel_loop3A_693 = arith.constant 288 : index
          %parallel_loop3A_694 = tpu.vector_load %run_scoped3A_7[%parallel_loop3A_692, %parallel_loop3A_693] {strides = array<i32>} : memref<16x512xf32, #tpu.memory_space<vmem>>, vector<16xf32>,
          tpu.vector_store %run_scoped3A_7[%parallel_loop3A_692, %parallel_loop3A_693], %parallel_loop3A_670 {strides = array<i32>} : memref<16x512xf32, #tpu.memory_space<vmem>>, vector<16xf32>,
          %parallel_loop3A_695 = arith.index_cast %parallel_loop3A_563 : i32 to index
          %parallel_loop3A_696 = arith.constant 304 : index
          %parallel_loop3A_697 = tpu.vector_load %run_scoped3A_7[%parallel_loop3A_695, %parallel_loop3A_696] {strides = array<i32>} : memref<16x512xf32, #tpu.memory_space<vmem>>, vector<16xf32>,
          tpu.vector_store %run_scoped3A_7[%parallel_loop3A_695, %parallel_loop3A_696], %parallel_loop3A_673 {strides = array<i32>} : memref<16x512xf32, #tpu.memory_space<vmem>>, vector<16xf32>,
          %parallel_loop3A_698 = arith.index_cast %parallel_loop3A_563 : i32 to index
          %parallel_loop3A_699 = arith.constant 320 : index
          %parallel_loop3A_700 = tpu.vector_load %run_scoped3A_7[%parallel_loop3A_698, %parallel_loop3A_699] {strides = array<i32>} : memref<16x512xf32, #tpu.memory_space<vmem>>, vector<16xf32>,
          tpu.vector_store %run_scoped3A_7[%parallel_loop3A_698, %parallel_loop3A_699], %parallel_loop3A_676 {strides = array<i32>} : memref<16x512xf32, #tpu.memory_space<vmem>>, vector<16xf32>,
          %parallel_loop3A_701 = arith.index_cast %parallel_loop3A_563 : i32 to index
          %parallel_loop3A_702 = arith.constant 336 : index
          %parallel_loop3A_703 = tpu.vector_load %run_scoped3A_7[%parallel_loop3A_701, %parallel_loop3A_702] {strides = array<i32>} : memref<16x512xf32, #tpu.memory_space<vmem>>, vector<16xf32>,
          tpu.vector_store %run_scoped3A_7[%parallel_loop3A_701, %parallel_loop3A_702], %parallel_loop3A_679 {strides = array<i32>} : memref<16x512xf32, #tpu.memory_space<vmem>>, vector<16xf32>,
          %parallel_loop3A_704 = arith.index_cast %parallel_loop3A_563 : i32 to index
          %parallel_loop3A_705 = arith.constant 352 : index
          %parallel_loop3A_706 = tpu.vector_load %run_scoped3A_7[%parallel_loop3A_704, %parallel_loop3A_705] {strides = array<i32>} : memref<16x512xf32, #tpu.memory_space<vmem>>, vector<16xf32>,
          tpu.vector_store %run_scoped3A_7[%parallel_loop3A_704, %parallel_loop3A_705], %parallel_loop3A_682 {strides = array<i32>} : memref<16x512xf32, #tpu.memory_space<vmem>>, vector<16xf32>,
          %parallel_loop3A_707 = arith.index_cast %parallel_loop3A_563 : i32 to index
          %parallel_loop3A_708 = arith.constant 368 : index
          %parallel_loop3A_709 = tpu.vector_load %run_scoped3A_7[%parallel_loop3A_707, %parallel_loop3A_708] {strides = array<i32>} : memref<16x512xf32, #tpu.memory_space<vmem>>, vector<16xf32>,
          tpu.vector_store %run_scoped3A_7[%parallel_loop3A_707, %parallel_loop3A_708], %parallel_loop3A_685 {strides = array<i32>} : memref<16x512xf32, #tpu.memory_space<vmem>>, vector<16xf32>,
          %parallel_loop3A_710 = arith.index_cast %parallel_loop3A_565 : i32 to index
          %parallel_loop3A_711 = arith.constant 384 : index
          %parallel_loop3A_712 = tpu.vector_load %arg6[%parallel_loop3A_710, %parallel_loop3A_711] {strides = array<i32>} : memref<120x512xf32, #tpu.memory_space<vmem>>, vector<16xf32>,
          %parallel_loop3A_713 = arith.index_cast %parallel_loop3A_565 : i32 to index
          %parallel_loop3A_714 = arith.constant 400 : index
          %parallel_loop3A_715 = tpu.vector_load %arg6[%parallel_loop3A_713, %parallel_loop3A_714] {strides = array<i32>} : memref<120x512xf32, #tpu.memory_space<vmem>>, vector<16xf32>,
          %parallel_loop3A_716 = arith.index_cast %parallel_loop3A_565 : i32 to index
          %parallel_loop3A_717 = arith.constant 416 : index
          %parallel_loop3A_718 = tpu.vector_load %arg6[%parallel_loop3A_716, %parallel_loop3A_717] {strides = array<i32>} : memref<120x512xf32, #tpu.memory_space<vmem>>, vector<16xf32>,
          %parallel_loop3A_719 = arith.index_cast %parallel_loop3A_565 : i32 to index
          %parallel_loop3A_720 = arith.constant 432 : index
          %parallel_loop3A_721 = tpu.vector_load %arg6[%parallel_loop3A_719, %parallel_loop3A_720] {strides = array<i32>} : memref<120x512xf32, #tpu.memory_space<vmem>>, vector<16xf32>,
          %parallel_loop3A_722 = arith.index_cast %parallel_loop3A_565 : i32 to index
          %parallel_loop3A_723 = arith.constant 448 : index
          %parallel_loop3A_724 = tpu.vector_load %arg6[%parallel_loop3A_722, %parallel_loop3A_723] {strides = array<i32>} : memref<120x512xf32, #tpu.memory_space<vmem>>, vector<16xf32>,
          %parallel_loop3A_725 = arith.index_cast %parallel_loop3A_565 : i32 to index
          %parallel_loop3A_726 = arith.constant 464 : index
          %parallel_loop3A_727 = tpu.vector_load %arg6[%parallel_loop3A_725, %parallel_loop3A_726] {strides = array<i32>} : memref<120x512xf32, #tpu.memory_space<vmem>>, vector<16xf32>,
          %parallel_loop3A_728 = arith.index_cast %parallel_loop3A_565 : i32 to index
          %parallel_loop3A_729 = arith.constant 480 : index
          %parallel_loop3A_730 = tpu.vector_load %arg6[%parallel_loop3A_728, %parallel_loop3A_729] {strides = array<i32>} : memref<120x512xf32, #tpu.memory_space<vmem>>, vector<16xf32>,
          %parallel_loop3A_731 = arith.index_cast %parallel_loop3A_565 : i32 to index
          %parallel_loop3A_732 = arith.constant 496 : index
          %parallel_loop3A_733 = tpu.vector_load %arg6[%parallel_loop3A_731, %parallel_loop3A_732] {strides = array<i32>} : memref<120x512xf32, #tpu.memory_space<vmem>>, vector<16xf32>,
          %parallel_loop3A_734 = arith.index_cast %parallel_loop3A_563 : i32 to index
          %parallel_loop3A_735 = arith.constant 384 : index
          %parallel_loop3A_736 = tpu.vector_load %run_scoped3A_7[%parallel_loop3A_734, %parallel_loop3A_735] {strides = array<i32>} : memref<16x512xf32, #tpu.memory_space<vmem>>, vector<16xf32>,
          tpu.vector_store %run_scoped3A_7[%parallel_loop3A_734, %parallel_loop3A_735], %parallel_loop3A_712 {strides = array<i32>} : memref<16x512xf32, #tpu.memory_space<vmem>>, vector<16xf32>,
          %parallel_loop3A_737 = arith.index_cast %parallel_loop3A_563 : i32 to index
          %parallel_loop3A_738 = arith.constant 400 : index
          %parallel_loop3A_739 = tpu.vector_load %run_scoped3A_7[%parallel_loop3A_737, %parallel_loop3A_738] {strides = array<i32>} : memref<16x512xf32, #tpu.memory_space<vmem>>, vector<16xf32>,
          tpu.vector_store %run_scoped3A_7[%parallel_loop3A_737, %parallel_loop3A_738], %parallel_loop3A_715 {strides = array<i32>} : memref<16x512xf32, #tpu.memory_space<vmem>>, vector<16xf32>,
          %parallel_loop3A_740 = arith.index_cast %parallel_loop3A_563 : i32 to index
          %parallel_loop3A_741 = arith.constant 416 : index
          %parallel_loop3A_742 = tpu.vector_load %run_scoped3A_7[%parallel_loop3A_740, %parallel_loop3A_741] {strides = array<i32>} : memref<16x512xf32, #tpu.memory_space<vmem>>, vector<16xf32>,
          tpu.vector_store %run_scoped3A_7[%parallel_loop3A_740, %parallel_loop3A_741], %parallel_loop3A_718 {strides = array<i32>} : memref<16x512xf32, #tpu.memory_space<vmem>>, vector<16xf32>,
          %parallel_loop3A_743 = arith.index_cast %parallel_loop3A_563 : i32 to index
          %parallel_loop3A_744 = arith.constant 432 : index
          %parallel_loop3A_745 = tpu.vector_load %run_scoped3A_7[%parallel_loop3A_743, %parallel_loop3A_744] {strides = array<i32>} : memref<16x512xf32, #tpu.memory_space<vmem>>, vector<16xf32>,
          tpu.vector_store %run_scoped3A_7[%parallel_loop3A_743, %parallel_loop3A_744], %parallel_loop3A_721 {strides = array<i32>} : memref<16x512xf32, #tpu.memory_space<vmem>>, vector<16xf32>,
          %parallel_loop3A_746 = arith.index_cast %parallel_loop3A_563 : i32 to index
          %parallel_loop3A_747 = arith.constant 448 : index
          %parallel_loop3A_748 = tpu.vector_load %run_scoped3A_7[%parallel_loop3A_746, %parallel_loop3A_747] {strides = array<i32>} : memref<16x512xf32, #tpu.memory_space<vmem>>, vector<16xf32>,
          tpu.vector_store %run_scoped3A_7[%parallel_loop3A_746, %parallel_loop3A_747], %parallel_loop3A_724 {strides = array<i32>} : memref<16x512xf32, #tpu.memory_space<vmem>>, vector<16xf32>,
          %parallel_loop3A_749 = arith.index_cast %parallel_loop3A_563 : i32 to index
          %parallel_loop3A_750 = arith.constant 464 : index
          %parallel_loop3A_751 = tpu.vector_load %run_scoped3A_7[%parallel_loop3A_749, %parallel_loop3A_750] {strides = array<i32>} : memref<16x512xf32, #tpu.memory_space<vmem>>, vector<16xf32>,
          tpu.vector_store %run_scoped3A_7[%parallel_loop3A_749, %parallel_loop3A_750], %parallel_loop3A_727 {strides = array<i32>} : memref<16x512xf32, #tpu.memory_space<vmem>>, vector<16xf32>,
          %parallel_loop3A_752 = arith.index_cast %parallel_loop3A_563 : i32 to index
          %parallel_loop3A_753 = arith.constant 480 : index
          %parallel_loop3A_754 = tpu.vector_load %run_scoped3A_7[%parallel_loop3A_752, %parallel_loop3A_753] {strides = array<i32>} : memref<16x512xf32, #tpu.memory_space<vmem>>, vector<16xf32>,
          tpu.vector_store %run_scoped3A_7[%parallel_loop3A_752, %parallel_loop3A_753], %parallel_loop3A_730 {strides = array<i32>} : memref<16x512xf32, #tpu.memory_space<vmem>>, vector<16xf32>,
          %parallel_loop3A_755 = arith.index_cast %parallel_loop3A_563 : i32 to index
          %parallel_loop3A_756 = arith.constant 496 : index
          %parallel_loop3A_757 = tpu.vector_load %run_scoped3A_7[%parallel_loop3A_755, %parallel_loop3A_756] {strides = array<i32>} : memref<16x512xf32, #tpu.memory_space<vmem>>, vector<16xf32>,
          tpu.vector_store %run_scoped3A_7[%parallel_loop3A_755, %parallel_loop3A_756], %parallel_loop3A_733 {strides = array<i32>} : memref<16x512xf32, #tpu.memory_space<vmem>>, vector<16xf32>,
        } {sc.loop_unroll_factor = 2 : i64, sc.parallel_access}
        %mul3A_168 = arith.constant 32 : i32
        %mul3A_169 = arith.muli %add3A_76, %mul3A_168 : i32
        %add3A_170 = arith.addi %min3A_3, %mul3A_169 : i32
        %add3A_171 = arith.constant 0 : i32
        %add3A_172 = arith.addi %add3A_170, %add3A_171 : i32
        %dma_start3A_173 = arith.constant 0 : i32
        %dma_start3A_174 = arith.constant 0 : i32
        %dma_start3A_175 = tpu.memref_slice %arg4[%add3A_172, %dma_start3A_174] : memref<100000x512xf32, #tpu.memory_space<hbm>> -> memref<16x512xf32, #tpu.memory_space<hbm>>
        %dma_start3A_176 = tpu.memref_slice %arg9[%dma_start3A_173] : memref<2x!tpu.dma_semaphore, #tpu.memory_space<semaphore_mem>> -> memref<1x!tpu.dma_semaphore, #tpu.memory_space<semaphore_mem>>
        %dma_start3A_177 = tpu.memref_squeeze %dma_start3A_176 : memref<1x!tpu.dma_semaphore, #tpu.memory_space<semaphore_mem>> -> memref<!tpu.dma_semaphore, #tpu.memory_space<semaphore_mem>>
        %dma_start3A_178 = arith.constant 0 : i32
        %dma_start3A_179 = tpu.memref_slice %arg4[%add3A_172, %dma_start3A_178] : memref<100000x512xf32, #tpu.memory_space<hbm>> -> memref<16x512xf32, #tpu.memory_space<hbm>>
        tpu.enqueue_dma source(%run_scoped3A_7 : memref<16x512xf32, #tpu.memory_space<vmem>>) target(%dma_start3A_179 : memref<16x512xf32, #tpu.memory_space<hbm>>) target_semaphore(%dma_start3A_177 : memref<!tpu.dma_semaphore, #tpu.memory_space<semaphore_mem>>)
        %add3A_180 = arith.constant 2 : i32
        %add3A_181 = arith.addi %mul3A_42, %add3A_180 : i32
        %add3A_182 = arith.constant 0 : i32
        %add3A_183 = arith.addi %add3A_181, %add3A_182 : i32
        %ge3A_184 = arith.constant 1 : i32
        %ge3A_185 = arith.cmpi sge, %scan3A_40, %ge3A_184 : i32
        %convert_element_type3A_186 = arith.extui %ge3A_185 : i1 to i32
        %cond3A_187 = arith.constant 1 : i32
        %cond3A_188 = arith.constant 0 : i32
        %cond3A_189 = arith.cmpi ne, %convert_element_type3A_186, %cond3A_188 : i32
        scf.if %cond3A_189 {
          %dma_wait3A_563 = arith.constant 0 : i32
          %dma_wait3A_564 = tpu.memref_slice %arg4[%min3A_3, %dma_wait3A_563] : memref<100000x512xf32, #tpu.memory_space<hbm>> -> memref<16x512xf32, #tpu.memory_space<hbm>>
          %dma_wait3A_565 = tpu.memref_slice %arg9[%cond3A_187] : memref<2x!tpu.dma_semaphore, #tpu.memory_space<semaphore_mem>> -> memref<1x!tpu.dma_semaphore, #tpu.memory_space<semaphore_mem>>
          %dma_wait3A_566 = tpu.memref_squeeze %dma_wait3A_565 : memref<1x!tpu.dma_semaphore, #tpu.memory_space<semaphore_mem>> -> memref<!tpu.dma_semaphore, #tpu.memory_space<semaphore_mem>>
          %dma_wait3A_567 = arith.constant 0 : i32
          %dma_wait3A_568 = tpu.memref_slice %arg4[%min3A_3, %dma_wait3A_567] : memref<100000x512xf32, #tpu.memory_space<hbm>> -> memref<16x512xf32, #tpu.memory_space<hbm>>
          tpu.wait_dma2 semaphore(%dma_wait3A_566 : memref<!tpu.dma_semaphore, #tpu.memory_space<semaphore_mem>>) src(%run_scoped3A_8 : memref<16x512xf32, #tpu.memory_space<vmem>>) dst(%dma_wait3A_568 : memref<16x512xf32, #tpu.memory_space<hbm>>)
        } else {
        }
        %mul3A_190 = arith.constant 32 : i32
        %mul3A_191 = arith.muli %add3A_183, %mul3A_190 : i32
        %add3A_192 = arith.constant 16 : i32
        %add3A_193 = arith.addi %mul3A_191, %add3A_192 : i32
        %get3A_194 = arith.index_cast %add3A_193 : i32 to index
        %get3A_195 = tpu.vector_load %arg5[%get3A_194] {strides = array<i32>} : memref<3200xi32, #tpu.memory_space<vmem>>, vector<16xi32>,
        %sub3A_196 = vector.broadcast %mul3A_5 : i32 to vector<16xi32>
        %sub3A_197 = arith.subi %get3A_195, %sub3A_196 : vector<16xi32>
        %slice3A_198 = vector.extract_strided_slice %sub3A_197 {offsets = [0], sizes = [1], strides = [1]} : vector<16xi32> to vector<1xi32>
        %squeeze3A_199 = vector.extract %slice3A_198[0] : i32 from vector<1xi32>
        %swap3A_200 = arith.constant 0 : i32
        %swap3A_201 = arith.index_cast %swap3A_200 : i32 to index
        %swap3A_202 = memref.load %arg7[%swap3A_201] : memref<16xi32, #tpu.memory_space<smem>>
        memref.store %squeeze3A_199, %arg7[%swap3A_201] : memref<16xi32, #tpu.memory_space<smem>>
        %slice3A_203 = vector.extract_strided_slice %sub3A_197 {offsets = [1], sizes = [1], strides = [1]} : vector<16xi32> to vector<1xi32>
        %squeeze3A_204 = vector.extract %slice3A_203[0] : i32 from vector<1xi32>
        %swap3A_205 = arith.constant 1 : i32
        %swap3A_206 = arith.index_cast %swap3A_205 : i32 to index
        %swap3A_207 = memref.load %arg7[%swap3A_206] : memref<16xi32, #tpu.memory_space<smem>>
        memref.store %squeeze3A_204, %arg7[%swap3A_206] : memref<16xi32, #tpu.memory_space<smem>>
        %slice3A_208 = vector.extract_strided_slice %sub3A_197 {offsets = [2], sizes = [1], strides = [1]} : vector<16xi32> to vector<1xi32>
        %squeeze3A_209 = vector.extract %slice3A_208[0] : i32 from vector<1xi32>
        %swap3A_210 = arith.constant 2 : i32
        %swap3A_211 = arith.index_cast %swap3A_210 : i32 to index
        %swap3A_212 = memref.load %arg7[%swap3A_211] : memref<16xi32, #tpu.memory_space<smem>>
        memref.store %squeeze3A_209, %arg7[%swap3A_211] : memref<16xi32, #tpu.memory_space<smem>>
        %slice3A_213 = vector.extract_strided_slice %sub3A_197 {offsets = [3], sizes = [1], strides = [1]} : vector<16xi32> to vector<1xi32>
        %squeeze3A_214 = vector.extract %slice3A_213[0] : i32 from vector<1xi32>
        %swap3A_215 = arith.constant 3 : i32
        %swap3A_216 = arith.index_cast %swap3A_215 : i32 to index
        %swap3A_217 = memref.load %arg7[%swap3A_216] : memref<16xi32, #tpu.memory_space<smem>>
        memref.store %squeeze3A_214, %arg7[%swap3A_216] : memref<16xi32, #tpu.memory_space<smem>>
        %slice3A_218 = vector.extract_strided_slice %sub3A_197 {offsets = [4], sizes = [1], strides = [1]} : vector<16xi32> to vector<1xi32>
        %squeeze3A_219 = vector.extract %slice3A_218[0] : i32 from vector<1xi32>
        %swap3A_220 = arith.constant 4 : i32
        %swap3A_221 = arith.index_cast %swap3A_220 : i32 to index
        %swap3A_222 = memref.load %arg7[%swap3A_221] : memref<16xi32, #tpu.memory_space<smem>>
        memref.store %squeeze3A_219, %arg7[%swap3A_221] : memref<16xi32, #tpu.memory_space<smem>>
        %slice3A_223 = vector.extract_strided_slice %sub3A_197 {offsets = [5], sizes = [1], strides = [1]} : vector<16xi32> to vector<1xi32>
        %squeeze3A_224 = vector.extract %slice3A_223[0] : i32 from vector<1xi32>
        %swap3A_225 = arith.constant 5 : i32
        %swap3A_226 = arith.index_cast %swap3A_225 : i32 to index
        %swap3A_227 = memref.load %arg7[%swap3A_226] : memref<16xi32, #tpu.memory_space<smem>>
        memref.store %squeeze3A_224, %arg7[%swap3A_226] : memref<16xi32, #tpu.memory_space<smem>>
        %slice3A_228 = vector.extract_strided_slice %sub3A_197 {offsets = [6], sizes = [1], strides = [1]} : vector<16xi32> to vector<1xi32>
        %squeeze3A_229 = vector.extract %slice3A_228[0] : i32 from vector<1xi32>
        %swap3A_230 = arith.constant 6 : i32
        %swap3A_231 = arith.index_cast %swap3A_230 : i32 to index
        %swap3A_232 = memref.load %arg7[%swap3A_231] : memref<16xi32, #tpu.memory_space<smem>>
        memref.store %squeeze3A_229, %arg7[%swap3A_231] : memref<16xi32, #tpu.memory_space<smem>>
        %slice3A_233 = vector.extract_strided_slice %sub3A_197 {offsets = [7], sizes = [1], strides = [1]} : vector<16xi32> to vector<1xi32>
        %squeeze3A_234 = vector.extract %slice3A_233[0] : i32 from vector<1xi32>
        %swap3A_235 = arith.constant 7 : i32
        %swap3A_236 = arith.index_cast %swap3A_235 : i32 to index
        %swap3A_237 = memref.load %arg7[%swap3A_236] : memref<16xi32, #tpu.memory_space<smem>>
        memref.store %squeeze3A_234, %arg7[%swap3A_236] : memref<16xi32, #tpu.memory_space<smem>>
        %slice3A_238 = vector.extract_strided_slice %sub3A_197 {offsets = [8], sizes = [1], strides = [1]} : vector<16xi32> to vector<1xi32>
        %squeeze3A_239 = vector.extract %slice3A_238[0] : i32 from vector<1xi32>
        %swap3A_240 = arith.constant 8 : i32
        %swap3A_241 = arith.index_cast %swap3A_240 : i32 to index
        %swap3A_242 = memref.load %arg7[%swap3A_241] : memref<16xi32, #tpu.memory_space<smem>>
        memref.store %squeeze3A_239, %arg7[%swap3A_241] : memref<16xi32, #tpu.memory_space<smem>>
        %slice3A_243 = vector.extract_strided_slice %sub3A_197 {offsets = [9], sizes = [1], strides = [1]} : vector<16xi32> to vector<1xi32>
        %squeeze3A_244 = vector.extract %slice3A_243[0] : i32 from vector<1xi32>
        %swap3A_245 = arith.constant 9 : i32
        %swap3A_246 = arith.index_cast %swap3A_245 : i32 to index
        %swap3A_247 = memref.load %arg7[%swap3A_246] : memref<16xi32, #tpu.memory_space<smem>>
        memref.store %squeeze3A_244, %arg7[%swap3A_246] : memref<16xi32, #tpu.memory_space<smem>>
        %slice3A_248 = vector.extract_strided_slice %sub3A_197 {offsets = [10], sizes = [1], strides = [1]} : vector<16xi32> to vector<1xi32>
        %squeeze3A_249 = vector.extract %slice3A_248[0] : i32 from vector<1xi32>
        %swap3A_250 = arith.constant 10 : i32
        %swap3A_251 = arith.index_cast %swap3A_250 : i32 to index
        %swap3A_252 = memref.load %arg7[%swap3A_251] : memref<16xi32, #tpu.memory_space<smem>>
        memref.store %squeeze3A_249, %arg7[%swap3A_251] : memref<16xi32, #tpu.memory_space<smem>>
        %slice3A_253 = vector.extract_strided_slice %sub3A_197 {offsets = [11], sizes = [1], strides = [1]} : vector<16xi32> to vector<1xi32>
        %squeeze3A_254 = vector.extract %slice3A_253[0] : i32 from vector<1xi32>
        %swap3A_255 = arith.constant 11 : i32
        %swap3A_256 = arith.index_cast %swap3A_255 : i32 to index
        %swap3A_257 = memref.load %arg7[%swap3A_256] : memref<16xi32, #tpu.memory_space<smem>>
        memref.store %squeeze3A_254, %arg7[%swap3A_256] : memref<16xi32, #tpu.memory_space<smem>>
        %slice3A_258 = vector.extract_strided_slice %sub3A_197 {offsets = [12], sizes = [1], strides = [1]} : vector<16xi32> to vector<1xi32>
        %squeeze3A_259 = vector.extract %slice3A_258[0] : i32 from vector<1xi32>
        %swap3A_260 = arith.constant 12 : i32
        %swap3A_261 = arith.index_cast %swap3A_260 : i32 to index
        %swap3A_262 = memref.load %arg7[%swap3A_261] : memref<16xi32, #tpu.memory_space<smem>>
        memref.store %squeeze3A_259, %arg7[%swap3A_261] : memref<16xi32, #tpu.memory_space<smem>>
        %slice3A_263 = vector.extract_strided_slice %sub3A_197 {offsets = [13], sizes = [1], strides = [1]} : vector<16xi32> to vector<1xi32>
        %squeeze3A_264 = vector.extract %slice3A_263[0] : i32 from vector<1xi32>
        %swap3A_265 = arith.constant 13 : i32
        %swap3A_266 = arith.index_cast %swap3A_265 : i32 to index
        %swap3A_267 = memref.load %arg7[%swap3A_266] : memref<16xi32, #tpu.memory_space<smem>>
        memref.store %squeeze3A_264, %arg7[%swap3A_266] : memref<16xi32, #tpu.memory_space<smem>>
        %slice3A_268 = vector.extract_strided_slice %sub3A_197 {offsets = [14], sizes = [1], strides = [1]} : vector<16xi32> to vector<1xi32>
        %squeeze3A_269 = vector.extract %slice3A_268[0] : i32 from vector<1xi32>
        %swap3A_270 = arith.constant 14 : i32
        %swap3A_271 = arith.index_cast %swap3A_270 : i32 to index
        %swap3A_272 = memref.load %arg7[%swap3A_271] : memref<16xi32, #tpu.memory_space<smem>>
        memref.store %squeeze3A_269, %arg7[%swap3A_271] : memref<16xi32, #tpu.memory_space<smem>>
        %slice3A_273 = vector.extract_strided_slice %sub3A_197 {offsets = [15], sizes = [1], strides = [1]} : vector<16xi32> to vector<1xi32>
        %squeeze3A_274 = vector.extract %slice3A_273[0] : i32 from vector<1xi32>
        %swap3A_275 = arith.constant 15 : i32
        %swap3A_276 = arith.index_cast %swap3A_275 : i32 to index
        %swap3A_277 = memref.load %arg7[%swap3A_276] : memref<16xi32, #tpu.memory_space<smem>>
        memref.store %squeeze3A_274, %arg7[%swap3A_276] : memref<16xi32, #tpu.memory_space<smem>>
        %parallel_loop3A_278 = arith.constant 0 : i32
        %parallel_loop3A_279 = arith.constant 16 : i32
        %parallel_loop3A_280 = arith.constant 1 : i32
        scf.for %parallel_loop3A_563 = %parallel_loop3A_278 to %parallel_loop3A_279 step %parallel_loop3A_280  : i32 {
          %parallel_loop3A_564 = arith.index_cast %parallel_loop3A_563 : i32 to index
          %parallel_loop3A_565 = memref.load %arg7[%parallel_loop3A_564] : memref<16xi32, #tpu.memory_space<smem>>
          %parallel_loop3A_566 = arith.index_cast %parallel_loop3A_565 : i32 to index
          %parallel_loop3A_567 = arith.constant 0 : index
          %parallel_loop3A_568 = tpu.vector_load %arg6[%parallel_loop3A_566, %parallel_loop3A_567] {strides = array<i32>} : memref<120x512xf32, #tpu.memory_space<vmem>>, vector<16xf32>,
          %parallel_loop3A_569 = arith.index_cast %parallel_loop3A_565 : i32 to index
          %parallel_loop3A_570 = arith.constant 16 : index
          %parallel_loop3A_571 = tpu.vector_load %arg6[%parallel_loop3A_569, %parallel_loop3A_570] {strides = array<i32>} : memref<120x512xf32, #tpu.memory_space<vmem>>, vector<16xf32>,
          %parallel_loop3A_572 = arith.index_cast %parallel_loop3A_565 : i32 to index
          %parallel_loop3A_573 = arith.constant 32 : index
          %parallel_loop3A_574 = tpu.vector_load %arg6[%parallel_loop3A_572, %parallel_loop3A_573] {strides = array<i32>} : memref<120x512xf32, #tpu.memory_space<vmem>>, vector<16xf32>,
          %parallel_loop3A_575 = arith.index_cast %parallel_loop3A_565 : i32 to index
          %parallel_loop3A_576 = arith.constant 48 : index
          %parallel_loop3A_577 = tpu.vector_load %arg6[%parallel_loop3A_575, %parallel_loop3A_576] {strides = array<i32>} : memref<120x512xf32, #tpu.memory_space<vmem>>, vector<16xf32>,
          %parallel_loop3A_578 = arith.index_cast %parallel_loop3A_565 : i32 to index
          %parallel_loop3A_579 = arith.constant 64 : index
          %parallel_loop3A_580 = tpu.vector_load %arg6[%parallel_loop3A_578, %parallel_loop3A_579] {strides = array<i32>} : memref<120x512xf32, #tpu.memory_space<vmem>>, vector<16xf32>,
          %parallel_loop3A_581 = arith.index_cast %parallel_loop3A_565 : i32 to index
          %parallel_loop3A_582 = arith.constant 80 : index
          %parallel_loop3A_583 = tpu.vector_load %arg6[%parallel_loop3A_581, %parallel_loop3A_582] {strides = array<i32>} : memref<120x512xf32, #tpu.memory_space<vmem>>, vector<16xf32>,
          %parallel_loop3A_584 = arith.index_cast %parallel_loop3A_565 : i32 to index
          %parallel_loop3A_585 = arith.constant 96 : index
          %parallel_loop3A_586 = tpu.vector_load %arg6[%parallel_loop3A_584, %parallel_loop3A_585] {strides = array<i32>} : memref<120x512xf32, #tpu.memory_space<vmem>>, vector<16xf32>,
          %parallel_loop3A_587 = arith.index_cast %parallel_loop3A_565 : i32 to index
          %parallel_loop3A_588 = arith.constant 112 : index
          %parallel_loop3A_589 = tpu.vector_load %arg6[%parallel_loop3A_587, %parallel_loop3A_588] {strides = array<i32>} : memref<120x512xf32, #tpu.memory_space<vmem>>, vector<16xf32>,
          %parallel_loop3A_590 = arith.index_cast %parallel_loop3A_563 : i32 to index
          %parallel_loop3A_591 = arith.constant 0 : index
          %parallel_loop3A_592 = tpu.vector_load %run_scoped3A_8[%parallel_loop3A_590, %parallel_loop3A_591] {strides = array<i32>} : memref<16x512xf32, #tpu.memory_space<vmem>>, vector<16xf32>,
          tpu.vector_store %run_scoped3A_8[%parallel_loop3A_590, %parallel_loop3A_591], %parallel_loop3A_568 {strides = array<i32>} : memref<16x512xf32, #tpu.memory_space<vmem>>, vector<16xf32>,
          %parallel_loop3A_593 = arith.index_cast %parallel_loop3A_563 : i32 to index
          %parallel_loop3A_594 = arith.constant 16 : index
          %parallel_loop3A_595 = tpu.vector_load %run_scoped3A_8[%parallel_loop3A_593, %parallel_loop3A_594] {strides = array<i32>} : memref<16x512xf32, #tpu.memory_space<vmem>>, vector<16xf32>,
          tpu.vector_store %run_scoped3A_8[%parallel_loop3A_593, %parallel_loop3A_594], %parallel_loop3A_571 {strides = array<i32>} : memref<16x512xf32, #tpu.memory_space<vmem>>, vector<16xf32>,
          %parallel_loop3A_596 = arith.index_cast %parallel_loop3A_563 : i32 to index
          %parallel_loop3A_597 = arith.constant 32 : index
          %parallel_loop3A_598 = tpu.vector_load %run_scoped3A_8[%parallel_loop3A_596, %parallel_loop3A_597] {strides = array<i32>} : memref<16x512xf32, #tpu.memory_space<vmem>>, vector<16xf32>,
          tpu.vector_store %run_scoped3A_8[%parallel_loop3A_596, %parallel_loop3A_597], %parallel_loop3A_574 {strides = array<i32>} : memref<16x512xf32, #tpu.memory_space<vmem>>, vector<16xf32>,
          %parallel_loop3A_599 = arith.index_cast %parallel_loop3A_563 : i32 to index
          %parallel_loop3A_600 = arith.constant 48 : index
          %parallel_loop3A_601 = tpu.vector_load %run_scoped3A_8[%parallel_loop3A_599, %parallel_loop3A_600] {strides = array<i32>} : memref<16x512xf32, #tpu.memory_space<vmem>>, vector<16xf32>,
          tpu.vector_store %run_scoped3A_8[%parallel_loop3A_599, %parallel_loop3A_600], %parallel_loop3A_577 {strides = array<i32>} : memref<16x512xf32, #tpu.memory_space<vmem>>, vector<16xf32>,
          %parallel_loop3A_602 = arith.index_cast %parallel_loop3A_563 : i32 to index
          %parallel_loop3A_603 = arith.constant 64 : index
          %parallel_loop3A_604 = tpu.vector_load %run_scoped3A_8[%parallel_loop3A_602, %parallel_loop3A_603] {strides = array<i32>} : memref<16x512xf32, #tpu.memory_space<vmem>>, vector<16xf32>,
          tpu.vector_store %run_scoped3A_8[%parallel_loop3A_602, %parallel_loop3A_603], %parallel_loop3A_580 {strides = array<i32>} : memref<16x512xf32, #tpu.memory_space<vmem>>, vector<16xf32>,
          %parallel_loop3A_605 = arith.index_cast %parallel_loop3A_563 : i32 to index
          %parallel_loop3A_606 = arith.constant 80 : index
          %parallel_loop3A_607 = tpu.vector_load %run_scoped3A_8[%parallel_loop3A_605, %parallel_loop3A_606] {strides = array<i32>} : memref<16x512xf32, #tpu.memory_space<vmem>>, vector<16xf32>,
          tpu.vector_store %run_scoped3A_8[%parallel_loop3A_605, %parallel_loop3A_606], %parallel_loop3A_583 {strides = array<i32>} : memref<16x512xf32, #tpu.memory_space<vmem>>, vector<16xf32>,
          %parallel_loop3A_608 = arith.index_cast %parallel_loop3A_563 : i32 to index
          %parallel_loop3A_609 = arith.constant 96 : index
          %parallel_loop3A_610 = tpu.vector_load %run_scoped3A_8[%parallel_loop3A_608, %parallel_loop3A_609] {strides = array<i32>} : memref<16x512xf32, #tpu.memory_space<vmem>>, vector<16xf32>,
          tpu.vector_store %run_scoped3A_8[%parallel_loop3A_608, %parallel_loop3A_609], %parallel_loop3A_586 {strides = array<i32>} : memref<16x512xf32, #tpu.memory_space<vmem>>, vector<16xf32>,
          %parallel_loop3A_611 = arith.index_cast %parallel_loop3A_563 : i32 to index
          %parallel_loop3A_612 = arith.constant 112 : index
          %parallel_loop3A_613 = tpu.vector_load %run_scoped3A_8[%parallel_loop3A_611, %parallel_loop3A_612] {strides = array<i32>} : memref<16x512xf32, #tpu.memory_space<vmem>>, vector<16xf32>,
          tpu.vector_store %run_scoped3A_8[%parallel_loop3A_611, %parallel_loop3A_612], %parallel_loop3A_589 {strides = array<i32>} : memref<16x512xf32, #tpu.memory_space<vmem>>, vector<16xf32>,
          %parallel_loop3A_614 = arith.index_cast %parallel_loop3A_565 : i32 to index
          %parallel_loop3A_615 = arith.constant 128 : index
          %parallel_loop3A_616 = tpu.vector_load %arg6[%parallel_loop3A_614, %parallel_loop3A_615] {strides = array<i32>} : memref<120x512xf32, #tpu.memory_space<vmem>>, vector<16xf32>,
          %parallel_loop3A_617 = arith.index_cast %parallel_loop3A_565 : i32 to index
          %parallel_loop3A_618 = arith.constant 144 : index
          %parallel_loop3A_619 = tpu.vector_load %arg6[%parallel_loop3A_617, %parallel_loop3A_618] {strides = array<i32>} : memref<120x512xf32, #tpu.memory_space<vmem>>, vector<16xf32>,
          %parallel_loop3A_620 = arith.index_cast %parallel_loop3A_565 : i32 to index
          %parallel_loop3A_621 = arith.constant 160 : index
          %parallel_loop3A_622 = tpu.vector_load %arg6[%parallel_loop3A_620, %parallel_loop3A_621] {strides = array<i32>} : memref<120x512xf32, #tpu.memory_space<vmem>>, vector<16xf32>,
          %parallel_loop3A_623 = arith.index_cast %parallel_loop3A_565 : i32 to index
          %parallel_loop3A_624 = arith.constant 176 : index
          %parallel_loop3A_625 = tpu.vector_load %arg6[%parallel_loop3A_623, %parallel_loop3A_624] {strides = array<i32>} : memref<120x512xf32, #tpu.memory_space<vmem>>, vector<16xf32>,
          %parallel_loop3A_626 = arith.index_cast %parallel_loop3A_565 : i32 to index
          %parallel_loop3A_627 = arith.constant 192 : index
          %parallel_loop3A_628 = tpu.vector_load %arg6[%parallel_loop3A_626, %parallel_loop3A_627] {strides = array<i32>} : memref<120x512xf32, #tpu.memory_space<vmem>>, vector<16xf32>,
          %parallel_loop3A_629 = arith.index_cast %parallel_loop3A_565 : i32 to index
          %parallel_loop3A_630 = arith.constant 208 : index
          %parallel_loop3A_631 = tpu.vector_load %arg6[%parallel_loop3A_629, %parallel_loop3A_630] {strides = array<i32>} : memref<120x512xf32, #tpu.memory_space<vmem>>, vector<16xf32>,
          %parallel_loop3A_632 = arith.index_cast %parallel_loop3A_565 : i32 to index
          %parallel_loop3A_633 = arith.constant 224 : index
          %parallel_loop3A_634 = tpu.vector_load %arg6[%parallel_loop3A_632, %parallel_loop3A_633] {strides = array<i32>} : memref<120x512xf32, #tpu.memory_space<vmem>>, vector<16xf32>,
          %parallel_loop3A_635 = arith.index_cast %parallel_loop3A_565 : i32 to index
          %parallel_loop3A_636 = arith.constant 240 : index
          %parallel_loop3A_637 = tpu.vector_load %arg6[%parallel_loop3A_635, %parallel_loop3A_636] {strides = array<i32>} : memref<120x512xf32, #tpu.memory_space<vmem>>, vector<16xf32>,
          %parallel_loop3A_638 = arith.index_cast %parallel_loop3A_563 : i32 to index
          %parallel_loop3A_639 = arith.constant 128 : index
          %parallel_loop3A_640 = tpu.vector_load %run_scoped3A_8[%parallel_loop3A_638, %parallel_loop3A_639] {strides = array<i32>} : memref<16x512xf32, #tpu.memory_space<vmem>>, vector<16xf32>,
          tpu.vector_store %run_scoped3A_8[%parallel_loop3A_638, %parallel_loop3A_639], %parallel_loop3A_616 {strides = array<i32>} : memref<16x512xf32, #tpu.memory_space<vmem>>, vector<16xf32>,
          %parallel_loop3A_641 = arith.index_cast %parallel_loop3A_563 : i32 to index
          %parallel_loop3A_642 = arith.constant 144 : index
          %parallel_loop3A_643 = tpu.vector_load %run_scoped3A_8[%parallel_loop3A_641, %parallel_loop3A_642] {strides = array<i32>} : memref<16x512xf32, #tpu.memory_space<vmem>>, vector<16xf32>,
          tpu.vector_store %run_scoped3A_8[%parallel_loop3A_641, %parallel_loop3A_642], %parallel_loop3A_619 {strides = array<i32>} : memref<16x512xf32, #tpu.memory_space<vmem>>, vector<16xf32>,
          %parallel_loop3A_644 = arith.index_cast %parallel_loop3A_563 : i32 to index
          %parallel_loop3A_645 = arith.constant 160 : index
          %parallel_loop3A_646 = tpu.vector_load %run_scoped3A_8[%parallel_loop3A_644, %parallel_loop3A_645] {strides = array<i32>} : memref<16x512xf32, #tpu.memory_space<vmem>>, vector<16xf32>,
          tpu.vector_store %run_scoped3A_8[%parallel_loop3A_644, %parallel_loop3A_645], %parallel_loop3A_622 {strides = array<i32>} : memref<16x512xf32, #tpu.memory_space<vmem>>, vector<16xf32>,
          %parallel_loop3A_647 = arith.index_cast %parallel_loop3A_563 : i32 to index
          %parallel_loop3A_648 = arith.constant 176 : index
          %parallel_loop3A_649 = tpu.vector_load %run_scoped3A_8[%parallel_loop3A_647, %parallel_loop3A_648] {strides = array<i32>} : memref<16x512xf32, #tpu.memory_space<vmem>>, vector<16xf32>,
          tpu.vector_store %run_scoped3A_8[%parallel_loop3A_647, %parallel_loop3A_648], %parallel_loop3A_625 {strides = array<i32>} : memref<16x512xf32, #tpu.memory_space<vmem>>, vector<16xf32>,
          %parallel_loop3A_650 = arith.index_cast %parallel_loop3A_563 : i32 to index
          %parallel_loop3A_651 = arith.constant 192 : index
          %parallel_loop3A_652 = tpu.vector_load %run_scoped3A_8[%parallel_loop3A_650, %parallel_loop3A_651] {strides = array<i32>} : memref<16x512xf32, #tpu.memory_space<vmem>>, vector<16xf32>,
          tpu.vector_store %run_scoped3A_8[%parallel_loop3A_650, %parallel_loop3A_651], %parallel_loop3A_628 {strides = array<i32>} : memref<16x512xf32, #tpu.memory_space<vmem>>, vector<16xf32>,
          %parallel_loop3A_653 = arith.index_cast %parallel_loop3A_563 : i32 to index
          %parallel_loop3A_654 = arith.constant 208 : index
          %parallel_loop3A_655 = tpu.vector_load %run_scoped3A_8[%parallel_loop3A_653, %parallel_loop3A_654] {strides = array<i32>} : memref<16x512xf32, #tpu.memory_space<vmem>>, vector<16xf32>,
          tpu.vector_store %run_scoped3A_8[%parallel_loop3A_653, %parallel_loop3A_654], %parallel_loop3A_631 {strides = array<i32>} : memref<16x512xf32, #tpu.memory_space<vmem>>, vector<16xf32>,
          %parallel_loop3A_656 = arith.index_cast %parallel_loop3A_563 : i32 to index
          %parallel_loop3A_657 = arith.constant 224 : index
          %parallel_loop3A_658 = tpu.vector_load %run_scoped3A_8[%parallel_loop3A_656, %parallel_loop3A_657] {strides = array<i32>} : memref<16x512xf32, #tpu.memory_space<vmem>>, vector<16xf32>,
          tpu.vector_store %run_scoped3A_8[%parallel_loop3A_656, %parallel_loop3A_657], %parallel_loop3A_634 {strides = array<i32>} : memref<16x512xf32, #tpu.memory_space<vmem>>, vector<16xf32>,
          %parallel_loop3A_659 = arith.index_cast %parallel_loop3A_563 : i32 to index
          %parallel_loop3A_660 = arith.constant 240 : index
          %parallel_loop3A_661 = tpu.vector_load %run_scoped3A_8[%parallel_loop3A_659, %parallel_loop3A_660] {strides = array<i32>} : memref<16x512xf32, #tpu.memory_space<vmem>>, vector<16xf32>,
          tpu.vector_store %run_scoped3A_8[%parallel_loop3A_659, %parallel_loop3A_660], %parallel_loop3A_637 {strides = array<i32>} : memref<16x512xf32, #tpu.memory_space<vmem>>, vector<16xf32>,
          %parallel_loop3A_662 = arith.index_cast %parallel_loop3A_565 : i32 to index
          %parallel_loop3A_663 = arith.constant 256 : index
          %parallel_loop3A_664 = tpu.vector_load %arg6[%parallel_loop3A_662, %parallel_loop3A_663] {strides = array<i32>} : memref<120x512xf32, #tpu.memory_space<vmem>>, vector<16xf32>,
          %parallel_loop3A_665 = arith.index_cast %parallel_loop3A_565 : i32 to index
          %parallel_loop3A_666 = arith.constant 272 : index
          %parallel_loop3A_667 = tpu.vector_load %arg6[%parallel_loop3A_665, %parallel_loop3A_666] {strides = array<i32>} : memref<120x512xf32, #tpu.memory_space<vmem>>, vector<16xf32>,
          %parallel_loop3A_668 = arith.index_cast %parallel_loop3A_565 : i32 to index
          %parallel_loop3A_669 = arith.constant 288 : index
          %parallel_loop3A_670 = tpu.vector_load %arg6[%parallel_loop3A_668, %parallel_loop3A_669] {strides = array<i32>} : memref<120x512xf32, #tpu.memory_space<vmem>>, vector<16xf32>,
          %parallel_loop3A_671 = arith.index_cast %parallel_loop3A_565 : i32 to index
          %parallel_loop3A_672 = arith.constant 304 : index
          %parallel_loop3A_673 = tpu.vector_load %arg6[%parallel_loop3A_671, %parallel_loop3A_672] {strides = array<i32>} : memref<120x512xf32, #tpu.memory_space<vmem>>, vector<16xf32>,
          %parallel_loop3A_674 = arith.index_cast %parallel_loop3A_565 : i32 to index
          %parallel_loop3A_675 = arith.constant 320 : index
          %parallel_loop3A_676 = tpu.vector_load %arg6[%parallel_loop3A_674, %parallel_loop3A_675] {strides = array<i32>} : memref<120x512xf32, #tpu.memory_space<vmem>>, vector<16xf32>,
          %parallel_loop3A_677 = arith.index_cast %parallel_loop3A_565 : i32 to index
          %parallel_loop3A_678 = arith.constant 336 : index
          %parallel_loop3A_679 = tpu.vector_load %arg6[%parallel_loop3A_677, %parallel_loop3A_678] {strides = array<i32>} : memref<120x512xf32, #tpu.memory_space<vmem>>, vector<16xf32>,
          %parallel_loop3A_680 = arith.index_cast %parallel_loop3A_565 : i32 to index
          %parallel_loop3A_681 = arith.constant 352 : index
          %parallel_loop3A_682 = tpu.vector_load %arg6[%parallel_loop3A_680, %parallel_loop3A_681] {strides = array<i32>} : memref<120x512xf32, #tpu.memory_space<vmem>>, vector<16xf32>,
          %parallel_loop3A_683 = arith.index_cast %parallel_loop3A_565 : i32 to index
          %parallel_loop3A_684 = arith.constant 368 : index
          %parallel_loop3A_685 = tpu.vector_load %arg6[%parallel_loop3A_683, %parallel_loop3A_684] {strides = array<i32>} : memref<120x512xf32, #tpu.memory_space<vmem>>, vector<16xf32>,
          %parallel_loop3A_686 = arith.index_cast %parallel_loop3A_563 : i32 to index
          %parallel_loop3A_687 = arith.constant 256 : index
          %parallel_loop3A_688 = tpu.vector_load %run_scoped3A_8[%parallel_loop3A_686, %parallel_loop3A_687] {strides = array<i32>} : memref<16x512xf32, #tpu.memory_space<vmem>>, vector<16xf32>,
          tpu.vector_store %run_scoped3A_8[%parallel_loop3A_686, %parallel_loop3A_687], %parallel_loop3A_664 {strides = array<i32>} : memref<16x512xf32, #tpu.memory_space<vmem>>, vector<16xf32>,
          %parallel_loop3A_689 = arith.index_cast %parallel_loop3A_563 : i32 to index
          %parallel_loop3A_690 = arith.constant 272 : index
          %parallel_loop3A_691 = tpu.vector_load %run_scoped3A_8[%parallel_loop3A_689, %parallel_loop3A_690] {strides = array<i32>} : memref<16x512xf32, #tpu.memory_space<vmem>>, vector<16xf32>,
          tpu.vector_store %run_scoped3A_8[%parallel_loop3A_689, %parallel_loop3A_690], %parallel_loop3A_667 {strides = array<i32>} : memref<16x512xf32, #tpu.memory_space<vmem>>, vector<16xf32>,
          %parallel_loop3A_692 = arith.index_cast %parallel_loop3A_563 : i32 to index
          %parallel_loop3A_693 = arith.constant 288 : index
          %parallel_loop3A_694 = tpu.vector_load %run_scoped3A_8[%parallel_loop3A_692, %parallel_loop3A_693] {strides = array<i32>} : memref<16x512xf32, #tpu.memory_space<vmem>>, vector<16xf32>,
          tpu.vector_store %run_scoped3A_8[%parallel_loop3A_692, %parallel_loop3A_693], %parallel_loop3A_670 {strides = array<i32>} : memref<16x512xf32, #tpu.memory_space<vmem>>, vector<16xf32>,
          %parallel_loop3A_695 = arith.index_cast %parallel_loop3A_563 : i32 to index
          %parallel_loop3A_696 = arith.constant 304 : index
          %parallel_loop3A_697 = tpu.vector_load %run_scoped3A_8[%parallel_loop3A_695, %parallel_loop3A_696] {strides = array<i32>} : memref<16x512xf32, #tpu.memory_space<vmem>>, vector<16xf32>,
          tpu.vector_store %run_scoped3A_8[%parallel_loop3A_695, %parallel_loop3A_696], %parallel_loop3A_673 {strides = array<i32>} : memref<16x512xf32, #tpu.memory_space<vmem>>, vector<16xf32>,
          %parallel_loop3A_698 = arith.index_cast %parallel_loop3A_563 : i32 to index
          %parallel_loop3A_699 = arith.constant 320 : index
          %parallel_loop3A_700 = tpu.vector_load %run_scoped3A_8[%parallel_loop3A_698, %parallel_loop3A_699] {strides = array<i32>} : memref<16x512xf32, #tpu.memory_space<vmem>>, vector<16xf32>,
          tpu.vector_store %run_scoped3A_8[%parallel_loop3A_698, %parallel_loop3A_699], %parallel_loop3A_676 {strides = array<i32>} : memref<16x512xf32, #tpu.memory_space<vmem>>, vector<16xf32>,
          %parallel_loop3A_701 = arith.index_cast %parallel_loop3A_563 : i32 to index
          %parallel_loop3A_702 = arith.constant 336 : index
          %parallel_loop3A_703 = tpu.vector_load %run_scoped3A_8[%parallel_loop3A_701, %parallel_loop3A_702] {strides = array<i32>} : memref<16x512xf32, #tpu.memory_space<vmem>>, vector<16xf32>,
          tpu.vector_store %run_scoped3A_8[%parallel_loop3A_701, %parallel_loop3A_702], %parallel_loop3A_679 {strides = array<i32>} : memref<16x512xf32, #tpu.memory_space<vmem>>, vector<16xf32>,
          %parallel_loop3A_704 = arith.index_cast %parallel_loop3A_563 : i32 to index
          %parallel_loop3A_705 = arith.constant 352 : index
          %parallel_loop3A_706 = tpu.vector_load %run_scoped3A_8[%parallel_loop3A_704, %parallel_loop3A_705] {strides = array<i32>} : memref<16x512xf32, #tpu.memory_space<vmem>>, vector<16xf32>,
          tpu.vector_store %run_scoped3A_8[%parallel_loop3A_704, %parallel_loop3A_705], %parallel_loop3A_682 {strides = array<i32>} : memref<16x512xf32, #tpu.memory_space<vmem>>, vector<16xf32>,
          %parallel_loop3A_707 = arith.index_cast %parallel_loop3A_563 : i32 to index
          %parallel_loop3A_708 = arith.constant 368 : index
          %parallel_loop3A_709 = tpu.vector_load %run_scoped3A_8[%parallel_loop3A_707, %parallel_loop3A_708] {strides = array<i32>} : memref<16x512xf32, #tpu.memory_space<vmem>>, vector<16xf32>,
          tpu.vector_store %run_scoped3A_8[%parallel_loop3A_707, %parallel_loop3A_708], %parallel_loop3A_685 {strides = array<i32>} : memref<16x512xf32, #tpu.memory_space<vmem>>, vector<16xf32>,
          %parallel_loop3A_710 = arith.index_cast %parallel_loop3A_565 : i32 to index
          %parallel_loop3A_711 = arith.constant 384 : index
          %parallel_loop3A_712 = tpu.vector_load %arg6[%parallel_loop3A_710, %parallel_loop3A_711] {strides = array<i32>} : memref<120x512xf32, #tpu.memory_space<vmem>>, vector<16xf32>,
          %parallel_loop3A_713 = arith.index_cast %parallel_loop3A_565 : i32 to index
          %parallel_loop3A_714 = arith.constant 400 : index
          %parallel_loop3A_715 = tpu.vector_load %arg6[%parallel_loop3A_713, %parallel_loop3A_714] {strides = array<i32>} : memref<120x512xf32, #tpu.memory_space<vmem>>, vector<16xf32>,
          %parallel_loop3A_716 = arith.index_cast %parallel_loop3A_565 : i32 to index
          %parallel_loop3A_717 = arith.constant 416 : index
          %parallel_loop3A_718 = tpu.vector_load %arg6[%parallel_loop3A_716, %parallel_loop3A_717] {strides = array<i32>} : memref<120x512xf32, #tpu.memory_space<vmem>>, vector<16xf32>,
          %parallel_loop3A_719 = arith.index_cast %parallel_loop3A_565 : i32 to index
          %parallel_loop3A_720 = arith.constant 432 : index
          %parallel_loop3A_721 = tpu.vector_load %arg6[%parallel_loop3A_719, %parallel_loop3A_720] {strides = array<i32>} : memref<120x512xf32, #tpu.memory_space<vmem>>, vector<16xf32>,
          %parallel_loop3A_722 = arith.index_cast %parallel_loop3A_565 : i32 to index
          %parallel_loop3A_723 = arith.constant 448 : index
          %parallel_loop3A_724 = tpu.vector_load %arg6[%parallel_loop3A_722, %parallel_loop3A_723] {strides = array<i32>} : memref<120x512xf32, #tpu.memory_space<vmem>>, vector<16xf32>,
          %parallel_loop3A_725 = arith.index_cast %parallel_loop3A_565 : i32 to index
          %parallel_loop3A_726 = arith.constant 464 : index
          %parallel_loop3A_727 = tpu.vector_load %arg6[%parallel_loop3A_725, %parallel_loop3A_726] {strides = array<i32>} : memref<120x512xf32, #tpu.memory_space<vmem>>, vector<16xf32>,
          %parallel_loop3A_728 = arith.index_cast %parallel_loop3A_565 : i32 to index
          %parallel_loop3A_729 = arith.constant 480 : index
          %parallel_loop3A_730 = tpu.vector_load %arg6[%parallel_loop3A_728, %parallel_loop3A_729] {strides = array<i32>} : memref<120x512xf32, #tpu.memory_space<vmem>>, vector<16xf32>,
          %parallel_loop3A_731 = arith.index_cast %parallel_loop3A_565 : i32 to index
          %parallel_loop3A_732 = arith.constant 496 : index
          %parallel_loop3A_733 = tpu.vector_load %arg6[%parallel_loop3A_731, %parallel_loop3A_732] {strides = array<i32>} : memref<120x512xf32, #tpu.memory_space<vmem>>, vector<16xf32>,
          %parallel_loop3A_734 = arith.index_cast %parallel_loop3A_563 : i32 to index
          %parallel_loop3A_735 = arith.constant 384 : index
          %parallel_loop3A_736 = tpu.vector_load %run_scoped3A_8[%parallel_loop3A_734, %parallel_loop3A_735] {strides = array<i32>} : memref<16x512xf32, #tpu.memory_space<vmem>>, vector<16xf32>,
          tpu.vector_store %run_scoped3A_8[%parallel_loop3A_734, %parallel_loop3A_735], %parallel_loop3A_712 {strides = array<i32>} : memref<16x512xf32, #tpu.memory_space<vmem>>, vector<16xf32>,
          %parallel_loop3A_737 = arith.index_cast %parallel_loop3A_563 : i32 to index
          %parallel_loop3A_738 = arith.constant 400 : index
          %parallel_loop3A_739 = tpu.vector_load %run_scoped3A_8[%parallel_loop3A_737, %parallel_loop3A_738] {strides = array<i32>} : memref<16x512xf32, #tpu.memory_space<vmem>>, vector<16xf32>,
          tpu.vector_store %run_scoped3A_8[%parallel_loop3A_737, %parallel_loop3A_738], %parallel_loop3A_715 {strides = array<i32>} : memref<16x512xf32, #tpu.memory_space<vmem>>, vector<16xf32>,
          %parallel_loop3A_740 = arith.index_cast %parallel_loop3A_563 : i32 to index
          %parallel_loop3A_741 = arith.constant 416 : index
          %parallel_loop3A_742 = tpu.vector_load %run_scoped3A_8[%parallel_loop3A_740, %parallel_loop3A_741] {strides = array<i32>} : memref<16x512xf32, #tpu.memory_space<vmem>>, vector<16xf32>,
          tpu.vector_store %run_scoped3A_8[%parallel_loop3A_740, %parallel_loop3A_741], %parallel_loop3A_718 {strides = array<i32>} : memref<16x512xf32, #tpu.memory_space<vmem>>, vector<16xf32>,
          %parallel_loop3A_743 = arith.index_cast %parallel_loop3A_563 : i32 to index
          %parallel_loop3A_744 = arith.constant 432 : index
          %parallel_loop3A_745 = tpu.vector_load %run_scoped3A_8[%parallel_loop3A_743, %parallel_loop3A_744] {strides = array<i32>} : memref<16x512xf32, #tpu.memory_space<vmem>>, vector<16xf32>,
          tpu.vector_store %run_scoped3A_8[%parallel_loop3A_743, %parallel_loop3A_744], %parallel_loop3A_721 {strides = array<i32>} : memref<16x512xf32, #tpu.memory_space<vmem>>, vector<16xf32>,
          %parallel_loop3A_746 = arith.index_cast %parallel_loop3A_563 : i32 to index
          %parallel_loop3A_747 = arith.constant 448 : index
          %parallel_loop3A_748 = tpu.vector_load %run_scoped3A_8[%parallel_loop3A_746, %parallel_loop3A_747] {strides = array<i32>} : memref<16x512xf32, #tpu.memory_space<vmem>>, vector<16xf32>,
          tpu.vector_store %run_scoped3A_8[%parallel_loop3A_746, %parallel_loop3A_747], %parallel_loop3A_724 {strides = array<i32>} : memref<16x512xf32, #tpu.memory_space<vmem>>, vector<16xf32>,
          %parallel_loop3A_749 = arith.index_cast %parallel_loop3A_563 : i32 to index
          %parallel_loop3A_750 = arith.constant 464 : index
          %parallel_loop3A_751 = tpu.vector_load %run_scoped3A_8[%parallel_loop3A_749, %parallel_loop3A_750] {strides = array<i32>} : memref<16x512xf32, #tpu.memory_space<vmem>>, vector<16xf32>,
          tpu.vector_store %run_scoped3A_8[%parallel_loop3A_749, %parallel_loop3A_750], %parallel_loop3A_727 {strides = array<i32>} : memref<16x512xf32, #tpu.memory_space<vmem>>, vector<16xf32>,
          %parallel_loop3A_752 = arith.index_cast %parallel_loop3A_563 : i32 to index
          %parallel_loop3A_753 = arith.constant 480 : index
          %parallel_loop3A_754 = tpu.vector_load %run_scoped3A_8[%parallel_loop3A_752, %parallel_loop3A_753] {strides = array<i32>} : memref<16x512xf32, #tpu.memory_space<vmem>>, vector<16xf32>,
          tpu.vector_store %run_scoped3A_8[%parallel_loop3A_752, %parallel_loop3A_753], %parallel_loop3A_730 {strides = array<i32>} : memref<16x512xf32, #tpu.memory_space<vmem>>, vector<16xf32>,
          %parallel_loop3A_755 = arith.index_cast %parallel_loop3A_563 : i32 to index
          %parallel_loop3A_756 = arith.constant 496 : index
          %parallel_loop3A_757 = tpu.vector_load %run_scoped3A_8[%parallel_loop3A_755, %parallel_loop3A_756] {strides = array<i32>} : memref<16x512xf32, #tpu.memory_space<vmem>>, vector<16xf32>,
          tpu.vector_store %run_scoped3A_8[%parallel_loop3A_755, %parallel_loop3A_756], %parallel_loop3A_733 {strides = array<i32>} : memref<16x512xf32, #tpu.memory_space<vmem>>, vector<16xf32>,
        } {sc.loop_unroll_factor = 2 : i64, sc.parallel_access}
        %mul3A_281 = arith.constant 32 : i32
        %mul3A_282 = arith.muli %add3A_183, %mul3A_281 : i32
        %add3A_283 = arith.addi %min3A_3, %mul3A_282 : i32
        %add3A_284 = arith.constant 16 : i32
        %add3A_285 = arith.addi %add3A_283, %add3A_284 : i32
        %dma_start3A_286 = arith.constant 1 : i32
        %dma_start3A_287 = arith.constant 0 : i32
        %dma_start3A_288 = tpu.memref_slice %arg4[%add3A_285, %dma_start3A_287] : memref<100000x512xf32, #tpu.memory_space<hbm>> -> memref<16x512xf32, #tpu.memory_space<hbm>>
        %dma_start3A_289 = tpu.memref_slice %arg9[%dma_start3A_286] : memref<2x!tpu.dma_semaphore, #tpu.memory_space<semaphore_mem>> -> memref<1x!tpu.dma_semaphore, #tpu.memory_space<semaphore_mem>>
        %dma_start3A_290 = tpu.memref_squeeze %dma_start3A_289 : memref<1x!tpu.dma_semaphore, #tpu.memory_space<semaphore_mem>> -> memref<!tpu.dma_semaphore, #tpu.memory_space<semaphore_mem>>
        %dma_start3A_291 = arith.constant 0 : i32
        %dma_start3A_292 = tpu.memref_slice %arg4[%add3A_285, %dma_start3A_291] : memref<100000x512xf32, #tpu.memory_space<hbm>> -> memref<16x512xf32, #tpu.memory_space<hbm>>
        tpu.enqueue_dma source(%run_scoped3A_8 : memref<16x512xf32, #tpu.memory_space<vmem>>) target(%dma_start3A_292 : memref<16x512xf32, #tpu.memory_space<hbm>>) target_semaphore(%dma_start3A_290 : memref<!tpu.dma_semaphore, #tpu.memory_space<semaphore_mem>>)
        %add3A_293 = arith.constant 2 : i32
        %add3A_294 = arith.addi %mul3A_42, %add3A_293 : i32
        %add3A_295 = arith.constant 1 : i32
        %add3A_296 = arith.addi %add3A_294, %add3A_295 : i32
        %dma_wait3A_297 = arith.constant 0 : i32
        %dma_wait3A_298 = arith.constant 0 : i32
        %dma_wait3A_299 = tpu.memref_slice %arg4[%min3A_3, %dma_wait3A_298] : memref<100000x512xf32, #tpu.memory_space<hbm>> -> memref<16x512xf32, #tpu.memory_space<hbm>>
        %dma_wait3A_300 = tpu.memref_slice %arg9[%dma_wait3A_297] : memref<2x!tpu.dma_semaphore, #tpu.memory_space<semaphore_mem>> -> memref<1x!tpu.dma_semaphore, #tpu.memory_space<semaphore_mem>>
        %dma_wait3A_301 = tpu.memref_squeeze %dma_wait3A_300 : memref<1x!tpu.dma_semaphore, #tpu.memory_space<semaphore_mem>> -> memref<!tpu.dma_semaphore, #tpu.memory_space<semaphore_mem>>
        %dma_wait3A_302 = arith.constant 0 : i32
        %dma_wait3A_303 = tpu.memref_slice %arg4[%min3A_3, %dma_wait3A_302] : memref<100000x512xf32, #tpu.memory_space<hbm>> -> memref<16x512xf32, #tpu.memory_space<hbm>>
        tpu.wait_dma2 semaphore(%dma_wait3A_301 : memref<!tpu.dma_semaphore, #tpu.memory_space<semaphore_mem>>) src(%run_scoped3A_7 : memref<16x512xf32, #tpu.memory_space<vmem>>) dst(%dma_wait3A_303 : memref<16x512xf32, #tpu.memory_space<hbm>>)
        %mul3A_304 = arith.constant 32 : i32
        %mul3A_305 = arith.muli %add3A_296, %mul3A_304 : i32
        %add3A_306 = arith.constant 0 : i32
        %add3A_307 = arith.addi %mul3A_305, %add3A_306 : i32
        %get3A_308 = arith.index_cast %add3A_307 : i32 to index
        %get3A_309 = tpu.vector_load %arg5[%get3A_308] {strides = array<i32>} : memref<3200xi32, #tpu.memory_space<vmem>>, vector<16xi32>,
        %sub3A_310 = vector.broadcast %mul3A_5 : i32 to vector<16xi32>
        %sub3A_311 = arith.subi %get3A_309, %sub3A_310 : vector<16xi32>
        %slice3A_312 = vector.extract_strided_slice %sub3A_311 {offsets = [0], sizes = [1], strides = [1]} : vector<16xi32> to vector<1xi32>
        %squeeze3A_313 = vector.extract %slice3A_312[0] : i32 from vector<1xi32>
        %swap3A_314 = arith.constant 0 : i32
        %swap3A_315 = arith.index_cast %swap3A_314 : i32 to index
        %swap3A_316 = memref.load %arg7[%swap3A_315] : memref<16xi32, #tpu.memory_space<smem>>
        memref.store %squeeze3A_313, %arg7[%swap3A_315] : memref<16xi32, #tpu.memory_space<smem>>
        %slice3A_317 = vector.extract_strided_slice %sub3A_311 {offsets = [1], sizes = [1], strides = [1]} : vector<16xi32> to vector<1xi32>
        %squeeze3A_318 = vector.extract %slice3A_317[0] : i32 from vector<1xi32>
        %swap3A_319 = arith.constant 1 : i32
        %swap3A_320 = arith.index_cast %swap3A_319 : i32 to index
        %swap3A_321 = memref.load %arg7[%swap3A_320] : memref<16xi32, #tpu.memory_space<smem>>
        memref.store %squeeze3A_318, %arg7[%swap3A_320] : memref<16xi32, #tpu.memory_space<smem>>
        %slice3A_322 = vector.extract_strided_slice %sub3A_311 {offsets = [2], sizes = [1], strides = [1]} : vector<16xi32> to vector<1xi32>
        %squeeze3A_323 = vector.extract %slice3A_322[0] : i32 from vector<1xi32>
        %swap3A_324 = arith.constant 2 : i32
        %swap3A_325 = arith.index_cast %swap3A_324 : i32 to index
        %swap3A_326 = memref.load %arg7[%swap3A_325] : memref<16xi32, #tpu.memory_space<smem>>
        memref.store %squeeze3A_323, %arg7[%swap3A_325] : memref<16xi32, #tpu.memory_space<smem>>
        %slice3A_327 = vector.extract_strided_slice %sub3A_311 {offsets = [3], sizes = [1], strides = [1]} : vector<16xi32> to vector<1xi32>
        %squeeze3A_328 = vector.extract %slice3A_327[0] : i32 from vector<1xi32>
        %swap3A_329 = arith.constant 3 : i32
        %swap3A_330 = arith.index_cast %swap3A_329 : i32 to index
        %swap3A_331 = memref.load %arg7[%swap3A_330] : memref<16xi32, #tpu.memory_space<smem>>
        memref.store %squeeze3A_328, %arg7[%swap3A_330] : memref<16xi32, #tpu.memory_space<smem>>
        %slice3A_332 = vector.extract_strided_slice %sub3A_311 {offsets = [4], sizes = [1], strides = [1]} : vector<16xi32> to vector<1xi32>
        %squeeze3A_333 = vector.extract %slice3A_332[0] : i32 from vector<1xi32>
        %swap3A_334 = arith.constant 4 : i32
        %swap3A_335 = arith.index_cast %swap3A_334 : i32 to index
        %swap3A_336 = memref.load %arg7[%swap3A_335] : memref<16xi32, #tpu.memory_space<smem>>
        memref.store %squeeze3A_333, %arg7[%swap3A_335] : memref<16xi32, #tpu.memory_space<smem>>
        %slice3A_337 = vector.extract_strided_slice %sub3A_311 {offsets = [5], sizes = [1], strides = [1]} : vector<16xi32> to vector<1xi32>
        %squeeze3A_338 = vector.extract %slice3A_337[0] : i32 from vector<1xi32>
        %swap3A_339 = arith.constant 5 : i32
        %swap3A_340 = arith.index_cast %swap3A_339 : i32 to index
        %swap3A_341 = memref.load %arg7[%swap3A_340] : memref<16xi32, #tpu.memory_space<smem>>
        memref.store %squeeze3A_338, %arg7[%swap3A_340] : memref<16xi32, #tpu.memory_space<smem>>
        %slice3A_342 = vector.extract_strided_slice %sub3A_311 {offsets = [6], sizes = [1], strides = [1]} : vector<16xi32> to vector<1xi32>
        %squeeze3A_343 = vector.extract %slice3A_342[0] : i32 from vector<1xi32>
        %swap3A_344 = arith.constant 6 : i32
        %swap3A_345 = arith.index_cast %swap3A_344 : i32 to index
        %swap3A_346 = memref.load %arg7[%swap3A_345] : memref<16xi32, #tpu.memory_space<smem>>
        memref.store %squeeze3A_343, %arg7[%swap3A_345] : memref<16xi32, #tpu.memory_space<smem>>
        %slice3A_347 = vector.extract_strided_slice %sub3A_311 {offsets = [7], sizes = [1], strides = [1]} : vector<16xi32> to vector<1xi32>
        %squeeze3A_348 = vector.extract %slice3A_347[0] : i32 from vector<1xi32>
        %swap3A_349 = arith.constant 7 : i32
        %swap3A_350 = arith.index_cast %swap3A_349 : i32 to index
        %swap3A_351 = memref.load %arg7[%swap3A_350] : memref<16xi32, #tpu.memory_space<smem>>
        memref.store %squeeze3A_348, %arg7[%swap3A_350] : memref<16xi32, #tpu.memory_space<smem>>
        %slice3A_352 = vector.extract_strided_slice %sub3A_311 {offsets = [8], sizes = [1], strides = [1]} : vector<16xi32> to vector<1xi32>
        %squeeze3A_353 = vector.extract %slice3A_352[0] : i32 from vector<1xi32>
        %swap3A_354 = arith.constant 8 : i32
        %swap3A_355 = arith.index_cast %swap3A_354 : i32 to index
        %swap3A_356 = memref.load %arg7[%swap3A_355] : memref<16xi32, #tpu.memory_space<smem>>
        memref.store %squeeze3A_353, %arg7[%swap3A_355] : memref<16xi32, #tpu.memory_space<smem>>
        %slice3A_357 = vector.extract_strided_slice %sub3A_311 {offsets = [9], sizes = [1], strides = [1]} : vector<16xi32> to vector<1xi32>
        %squeeze3A_358 = vector.extract %slice3A_357[0] : i32 from vector<1xi32>
        %swap3A_359 = arith.constant 9 : i32
        %swap3A_360 = arith.index_cast %swap3A_359 : i32 to index
        %swap3A_361 = memref.load %arg7[%swap3A_360] : memref<16xi32, #tpu.memory_space<smem>>
        memref.store %squeeze3A_358, %arg7[%swap3A_360] : memref<16xi32, #tpu.memory_space<smem>>
        %slice3A_362 = vector.extract_strided_slice %sub3A_311 {offsets = [10], sizes = [1], strides = [1]} : vector<16xi32> to vector<1xi32>
        %squeeze3A_363 = vector.extract %slice3A_362[0] : i32 from vector<1xi32>
        %swap3A_364 = arith.constant 10 : i32
        %swap3A_365 = arith.index_cast %swap3A_364 : i32 to index
        %swap3A_366 = memref.load %arg7[%swap3A_365] : memref<16xi32, #tpu.memory_space<smem>>
        memref.store %squeeze3A_363, %arg7[%swap3A_365] : memref<16xi32, #tpu.memory_space<smem>>
        %slice3A_367 = vector.extract_strided_slice %sub3A_311 {offsets = [11], sizes = [1], strides = [1]} : vector<16xi32> to vector<1xi32>
        %squeeze3A_368 = vector.extract %slice3A_367[0] : i32 from vector<1xi32>
        %swap3A_369 = arith.constant 11 : i32
        %swap3A_370 = arith.index_cast %swap3A_369 : i32 to index
        %swap3A_371 = memref.load %arg7[%swap3A_370] : memref<16xi32, #tpu.memory_space<smem>>
        memref.store %squeeze3A_368, %arg7[%swap3A_370] : memref<16xi32, #tpu.memory_space<smem>>
        %slice3A_372 = vector.extract_strided_slice %sub3A_311 {offsets = [12], sizes = [1], strides = [1]} : vector<16xi32> to vector<1xi32>
        %squeeze3A_373 = vector.extract %slice3A_372[0] : i32 from vector<1xi32>
        %swap3A_374 = arith.constant 12 : i32
        %swap3A_375 = arith.index_cast %swap3A_374 : i32 to index
        %swap3A_376 = memref.load %arg7[%swap3A_375] : memref<16xi32, #tpu.memory_space<smem>>
        memref.store %squeeze3A_373, %arg7[%swap3A_375] : memref<16xi32, #tpu.memory_space<smem>>
        %slice3A_377 = vector.extract_strided_slice %sub3A_311 {offsets = [13], sizes = [1], strides = [1]} : vector<16xi32> to vector<1xi32>
        %squeeze3A_378 = vector.extract %slice3A_377[0] : i32 from vector<1xi32>
        %swap3A_379 = arith.constant 13 : i32
        %swap3A_380 = arith.index_cast %swap3A_379 : i32 to index
        %swap3A_381 = memref.load %arg7[%swap3A_380] : memref<16xi32, #tpu.memory_space<smem>>
        memref.store %squeeze3A_378, %arg7[%swap3A_380] : memref<16xi32, #tpu.memory_space<smem>>
        %slice3A_382 = vector.extract_strided_slice %sub3A_311 {offsets = [14], sizes = [1], strides = [1]} : vector<16xi32> to vector<1xi32>
        %squeeze3A_383 = vector.extract %slice3A_382[0] : i32 from vector<1xi32>
        %swap3A_384 = arith.constant 14 : i32
        %swap3A_385 = arith.index_cast %swap3A_384 : i32 to index
        %swap3A_386 = memref.load %arg7[%swap3A_385] : memref<16xi32, #tpu.memory_space<smem>>
        memref.store %squeeze3A_383, %arg7[%swap3A_385] : memref<16xi32, #tpu.memory_space<smem>>
        %slice3A_387 = vector.extract_strided_slice %sub3A_311 {offsets = [15], sizes = [1], strides = [1]} : vector<16xi32> to vector<1xi32>
        %squeeze3A_388 = vector.extract %slice3A_387[0] : i32 from vector<1xi32>
        %swap3A_389 = arith.constant 15 : i32
        %swap3A_390 = arith.index_cast %swap3A_389 : i32 to index
        %swap3A_391 = memref.load %arg7[%swap3A_390] : memref<16xi32, #tpu.memory_space<smem>>
        memref.store %squeeze3A_388, %arg7[%swap3A_390] : memref<16xi32, #tpu.memory_space<smem>>
        %parallel_loop3A_392 = arith.constant 0 : i32
        %parallel_loop3A_393 = arith.constant 16 : i32
        %parallel_loop3A_394 = arith.constant 1 : i32
        scf.for %parallel_loop3A_563 = %parallel_loop3A_392 to %parallel_loop3A_393 step %parallel_loop3A_394  : i32 {
          %parallel_loop3A_564 = arith.index_cast %parallel_loop3A_563 : i32 to index
          %parallel_loop3A_565 = memref.load %arg7[%parallel_loop3A_564] : memref<16xi32, #tpu.memory_space<smem>>
          %parallel_loop3A_566 = arith.index_cast %parallel_loop3A_565 : i32 to index
          %parallel_loop3A_567 = arith.constant 0 : index
          %parallel_loop3A_568 = tpu.vector_load %arg6[%parallel_loop3A_566, %parallel_loop3A_567] {strides = array<i32>} : memref<120x512xf32, #tpu.memory_space<vmem>>, vector<16xf32>,
          %parallel_loop3A_569 = arith.index_cast %parallel_loop3A_565 : i32 to index
          %parallel_loop3A_570 = arith.constant 16 : index
          %parallel_loop3A_571 = tpu.vector_load %arg6[%parallel_loop3A_569, %parallel_loop3A_570] {strides = array<i32>} : memref<120x512xf32, #tpu.memory_space<vmem>>, vector<16xf32>,
          %parallel_loop3A_572 = arith.index_cast %parallel_loop3A_565 : i32 to index
          %parallel_loop3A_573 = arith.constant 32 : index
          %parallel_loop3A_574 = tpu.vector_load %arg6[%parallel_loop3A_572, %parallel_loop3A_573] {strides = array<i32>} : memref<120x512xf32, #tpu.memory_space<vmem>>, vector<16xf32>,
          %parallel_loop3A_575 = arith.index_cast %parallel_loop3A_565 : i32 to index
          %parallel_loop3A_576 = arith.constant 48 : index
          %parallel_loop3A_577 = tpu.vector_load %arg6[%parallel_loop3A_575, %parallel_loop3A_576] {strides = array<i32>} : memref<120x512xf32, #tpu.memory_space<vmem>>, vector<16xf32>,
          %parallel_loop3A_578 = arith.index_cast %parallel_loop3A_565 : i32 to index
          %parallel_loop3A_579 = arith.constant 64 : index
          %parallel_loop3A_580 = tpu.vector_load %arg6[%parallel_loop3A_578, %parallel_loop3A_579] {strides = array<i32>} : memref<120x512xf32, #tpu.memory_space<vmem>>, vector<16xf32>,
          %parallel_loop3A_581 = arith.index_cast %parallel_loop3A_565 : i32 to index
          %parallel_loop3A_582 = arith.constant 80 : index
          %parallel_loop3A_583 = tpu.vector_load %arg6[%parallel_loop3A_581, %parallel_loop3A_582] {strides = array<i32>} : memref<120x512xf32, #tpu.memory_space<vmem>>, vector<16xf32>,
          %parallel_loop3A_584 = arith.index_cast %parallel_loop3A_565 : i32 to index
          %parallel_loop3A_585 = arith.constant 96 : index
          %parallel_loop3A_586 = tpu.vector_load %arg6[%parallel_loop3A_584, %parallel_loop3A_585] {strides = array<i32>} : memref<120x512xf32, #tpu.memory_space<vmem>>, vector<16xf32>,
          %parallel_loop3A_587 = arith.index_cast %parallel_loop3A_565 : i32 to index
          %parallel_loop3A_588 = arith.constant 112 : index
          %parallel_loop3A_589 = tpu.vector_load %arg6[%parallel_loop3A_587, %parallel_loop3A_588] {strides = array<i32>} : memref<120x512xf32, #tpu.memory_space<vmem>>, vector<16xf32>,
          %parallel_loop3A_590 = arith.index_cast %parallel_loop3A_563 : i32 to index
          %parallel_loop3A_591 = arith.constant 0 : index
          %parallel_loop3A_592 = tpu.vector_load %run_scoped3A_7[%parallel_loop3A_590, %parallel_loop3A_591] {strides = array<i32>} : memref<16x512xf32, #tpu.memory_space<vmem>>, vector<16xf32>,
          tpu.vector_store %run_scoped3A_7[%parallel_loop3A_590, %parallel_loop3A_591], %parallel_loop3A_568 {strides = array<i32>} : memref<16x512xf32, #tpu.memory_space<vmem>>, vector<16xf32>,
          %parallel_loop3A_593 = arith.index_cast %parallel_loop3A_563 : i32 to index
          %parallel_loop3A_594 = arith.constant 16 : index
          %parallel_loop3A_595 = tpu.vector_load %run_scoped3A_7[%parallel_loop3A_593, %parallel_loop3A_594] {strides = array<i32>} : memref<16x512xf32, #tpu.memory_space<vmem>>, vector<16xf32>,
          tpu.vector_store %run_scoped3A_7[%parallel_loop3A_593, %parallel_loop3A_594], %parallel_loop3A_571 {strides = array<i32>} : memref<16x512xf32, #tpu.memory_space<vmem>>, vector<16xf32>,
          %parallel_loop3A_596 = arith.index_cast %parallel_loop3A_563 : i32 to index
          %parallel_loop3A_597 = arith.constant 32 : index
          %parallel_loop3A_598 = tpu.vector_load %run_scoped3A_7[%parallel_loop3A_596, %parallel_loop3A_597] {strides = array<i32>} : memref<16x512xf32, #tpu.memory_space<vmem>>, vector<16xf32>,
          tpu.vector_store %run_scoped3A_7[%parallel_loop3A_596, %parallel_loop3A_597], %parallel_loop3A_574 {strides = array<i32>} : memref<16x512xf32, #tpu.memory_space<vmem>>, vector<16xf32>,
          %parallel_loop3A_599 = arith.index_cast %parallel_loop3A_563 : i32 to index
          %parallel_loop3A_600 = arith.constant 48 : index
          %parallel_loop3A_601 = tpu.vector_load %run_scoped3A_7[%parallel_loop3A_599, %parallel_loop3A_600] {strides = array<i32>} : memref<16x512xf32, #tpu.memory_space<vmem>>, vector<16xf32>,
          tpu.vector_store %run_scoped3A_7[%parallel_loop3A_599, %parallel_loop3A_600], %parallel_loop3A_577 {strides = array<i32>} : memref<16x512xf32, #tpu.memory_space<vmem>>, vector<16xf32>,
          %parallel_loop3A_602 = arith.index_cast %parallel_loop3A_563 : i32 to index
          %parallel_loop3A_603 = arith.constant 64 : index
          %parallel_loop3A_604 = tpu.vector_load %run_scoped3A_7[%parallel_loop3A_602, %parallel_loop3A_603] {strides = array<i32>} : memref<16x512xf32, #tpu.memory_space<vmem>>, vector<16xf32>,
          tpu.vector_store %run_scoped3A_7[%parallel_loop3A_602, %parallel_loop3A_603], %parallel_loop3A_580 {strides = array<i32>} : memref<16x512xf32, #tpu.memory_space<vmem>>, vector<16xf32>,
          %parallel_loop3A_605 = arith.index_cast %parallel_loop3A_563 : i32 to index
          %parallel_loop3A_606 = arith.constant 80 : index
          %parallel_loop3A_607 = tpu.vector_load %run_scoped3A_7[%parallel_loop3A_605, %parallel_loop3A_606] {strides = array<i32>} : memref<16x512xf32, #tpu.memory_space<vmem>>, vector<16xf32>,
          tpu.vector_store %run_scoped3A_7[%parallel_loop3A_605, %parallel_loop3A_606], %parallel_loop3A_583 {strides = array<i32>} : memref<16x512xf32, #tpu.memory_space<vmem>>, vector<16xf32>,
          %parallel_loop3A_608 = arith.index_cast %parallel_loop3A_563 : i32 to index
          %parallel_loop3A_609 = arith.constant 96 : index
          %parallel_loop3A_610 = tpu.vector_load %run_scoped3A_7[%parallel_loop3A_608, %parallel_loop3A_609] {strides = array<i32>} : memref<16x512xf32, #tpu.memory_space<vmem>>, vector<16xf32>,
          tpu.vector_store %run_scoped3A_7[%parallel_loop3A_608, %parallel_loop3A_609], %parallel_loop3A_586 {strides = array<i32>} : memref<16x512xf32, #tpu.memory_space<vmem>>, vector<16xf32>,
          %parallel_loop3A_611 = arith.index_cast %parallel_loop3A_563 : i32 to index
          %parallel_loop3A_612 = arith.constant 112 : index
          %parallel_loop3A_613 = tpu.vector_load %run_scoped3A_7[%parallel_loop3A_611, %parallel_loop3A_612] {strides = array<i32>} : memref<16x512xf32, #tpu.memory_space<vmem>>, vector<16xf32>,
          tpu.vector_store %run_scoped3A_7[%parallel_loop3A_611, %parallel_loop3A_612], %parallel_loop3A_589 {strides = array<i32>} : memref<16x512xf32, #tpu.memory_space<vmem>>, vector<16xf32>,
          %parallel_loop3A_614 = arith.index_cast %parallel_loop3A_565 : i32 to index
          %parallel_loop3A_615 = arith.constant 128 : index
          %parallel_loop3A_616 = tpu.vector_load %arg6[%parallel_loop3A_614, %parallel_loop3A_615] {strides = array<i32>} : memref<120x512xf32, #tpu.memory_space<vmem>>, vector<16xf32>,
          %parallel_loop3A_617 = arith.index_cast %parallel_loop3A_565 : i32 to index
          %parallel_loop3A_618 = arith.constant 144 : index
          %parallel_loop3A_619 = tpu.vector_load %arg6[%parallel_loop3A_617, %parallel_loop3A_618] {strides = array<i32>} : memref<120x512xf32, #tpu.memory_space<vmem>>, vector<16xf32>,
          %parallel_loop3A_620 = arith.index_cast %parallel_loop3A_565 : i32 to index
          %parallel_loop3A_621 = arith.constant 160 : index
          %parallel_loop3A_622 = tpu.vector_load %arg6[%parallel_loop3A_620, %parallel_loop3A_621] {strides = array<i32>} : memref<120x512xf32, #tpu.memory_space<vmem>>, vector<16xf32>,
          %parallel_loop3A_623 = arith.index_cast %parallel_loop3A_565 : i32 to index
          %parallel_loop3A_624 = arith.constant 176 : index
          %parallel_loop3A_625 = tpu.vector_load %arg6[%parallel_loop3A_623, %parallel_loop3A_624] {strides = array<i32>} : memref<120x512xf32, #tpu.memory_space<vmem>>, vector<16xf32>,
          %parallel_loop3A_626 = arith.index_cast %parallel_loop3A_565 : i32 to index
          %parallel_loop3A_627 = arith.constant 192 : index
          %parallel_loop3A_628 = tpu.vector_load %arg6[%parallel_loop3A_626, %parallel_loop3A_627] {strides = array<i32>} : memref<120x512xf32, #tpu.memory_space<vmem>>, vector<16xf32>,
          %parallel_loop3A_629 = arith.index_cast %parallel_loop3A_565 : i32 to index
          %parallel_loop3A_630 = arith.constant 208 : index
          %parallel_loop3A_631 = tpu.vector_load %arg6[%parallel_loop3A_629, %parallel_loop3A_630] {strides = array<i32>} : memref<120x512xf32, #tpu.memory_space<vmem>>, vector<16xf32>,
          %parallel_loop3A_632 = arith.index_cast %parallel_loop3A_565 : i32 to index
          %parallel_loop3A_633 = arith.constant 224 : index
          %parallel_loop3A_634 = tpu.vector_load %arg6[%parallel_loop3A_632, %parallel_loop3A_633] {strides = array<i32>} : memref<120x512xf32, #tpu.memory_space<vmem>>, vector<16xf32>,
          %parallel_loop3A_635 = arith.index_cast %parallel_loop3A_565 : i32 to index
          %parallel_loop3A_636 = arith.constant 240 : index
          %parallel_loop3A_637 = tpu.vector_load %arg6[%parallel_loop3A_635, %parallel_loop3A_636] {strides = array<i32>} : memref<120x512xf32, #tpu.memory_space<vmem>>, vector<16xf32>,
          %parallel_loop3A_638 = arith.index_cast %parallel_loop3A_563 : i32 to index
          %parallel_loop3A_639 = arith.constant 128 : index
          %parallel_loop3A_640 = tpu.vector_load %run_scoped3A_7[%parallel_loop3A_638, %parallel_loop3A_639] {strides = array<i32>} : memref<16x512xf32, #tpu.memory_space<vmem>>, vector<16xf32>,
          tpu.vector_store %run_scoped3A_7[%parallel_loop3A_638, %parallel_loop3A_639], %parallel_loop3A_616 {strides = array<i32>} : memref<16x512xf32, #tpu.memory_space<vmem>>, vector<16xf32>,
          %parallel_loop3A_641 = arith.index_cast %parallel_loop3A_563 : i32 to index
          %parallel_loop3A_642 = arith.constant 144 : index
          %parallel_loop3A_643 = tpu.vector_load %run_scoped3A_7[%parallel_loop3A_641, %parallel_loop3A_642] {strides = array<i32>} : memref<16x512xf32, #tpu.memory_space<vmem>>, vector<16xf32>,
          tpu.vector_store %run_scoped3A_7[%parallel_loop3A_641, %parallel_loop3A_642], %parallel_loop3A_619 {strides = array<i32>} : memref<16x512xf32, #tpu.memory_space<vmem>>, vector<16xf32>,
          %parallel_loop3A_644 = arith.index_cast %parallel_loop3A_563 : i32 to index
          %parallel_loop3A_645 = arith.constant 160 : index
          %parallel_loop3A_646 = tpu.vector_load %run_scoped3A_7[%parallel_loop3A_644, %parallel_loop3A_645] {strides = array<i32>} : memref<16x512xf32, #tpu.memory_space<vmem>>, vector<16xf32>,
          tpu.vector_store %run_scoped3A_7[%parallel_loop3A_644, %parallel_loop3A_645], %parallel_loop3A_622 {strides = array<i32>} : memref<16x512xf32, #tpu.memory_space<vmem>>, vector<16xf32>,
          %parallel_loop3A_647 = arith.index_cast %parallel_loop3A_563 : i32 to index
          %parallel_loop3A_648 = arith.constant 176 : index
          %parallel_loop3A_649 = tpu.vector_load %run_scoped3A_7[%parallel_loop3A_647, %parallel_loop3A_648] {strides = array<i32>} : memref<16x512xf32, #tpu.memory_space<vmem>>, vector<16xf32>,
          tpu.vector_store %run_scoped3A_7[%parallel_loop3A_647, %parallel_loop3A_648], %parallel_loop3A_625 {strides = array<i32>} : memref<16x512xf32, #tpu.memory_space<vmem>>, vector<16xf32>,
          %parallel_loop3A_650 = arith.index_cast %parallel_loop3A_563 : i32 to index
          %parallel_loop3A_651 = arith.constant 192 : index
          %parallel_loop3A_652 = tpu.vector_load %run_scoped3A_7[%parallel_loop3A_650, %parallel_loop3A_651] {strides = array<i32>} : memref<16x512xf32, #tpu.memory_space<vmem>>, vector<16xf32>,
          tpu.vector_store %run_scoped3A_7[%parallel_loop3A_650, %parallel_loop3A_651], %parallel_loop3A_628 {strides = array<i32>} : memref<16x512xf32, #tpu.memory_space<vmem>>, vector<16xf32>,
          %parallel_loop3A_653 = arith.index_cast %parallel_loop3A_563 : i32 to index
          %parallel_loop3A_654 = arith.constant 208 : index
          %parallel_loop3A_655 = tpu.vector_load %run_scoped3A_7[%parallel_loop3A_653, %parallel_loop3A_654] {strides = array<i32>} : memref<16x512xf32, #tpu.memory_space<vmem>>, vector<16xf32>,
          tpu.vector_store %run_scoped3A_7[%parallel_loop3A_653, %parallel_loop3A_654], %parallel_loop3A_631 {strides = array<i32>} : memref<16x512xf32, #tpu.memory_space<vmem>>, vector<16xf32>,
          %parallel_loop3A_656 = arith.index_cast %parallel_loop3A_563 : i32 to index
          %parallel_loop3A_657 = arith.constant 224 : index
          %parallel_loop3A_658 = tpu.vector_load %run_scoped3A_7[%parallel_loop3A_656, %parallel_loop3A_657] {strides = array<i32>} : memref<16x512xf32, #tpu.memory_space<vmem>>, vector<16xf32>,
          tpu.vector_store %run_scoped3A_7[%parallel_loop3A_656, %parallel_loop3A_657], %parallel_loop3A_634 {strides = array<i32>} : memref<16x512xf32, #tpu.memory_space<vmem>>, vector<16xf32>,
          %parallel_loop3A_659 = arith.index_cast %parallel_loop3A_563 : i32 to index
          %parallel_loop3A_660 = arith.constant 240 : index
          %parallel_loop3A_661 = tpu.vector_load %run_scoped3A_7[%parallel_loop3A_659, %parallel_loop3A_660] {strides = array<i32>} : memref<16x512xf32, #tpu.memory_space<vmem>>, vector<16xf32>,
          tpu.vector_store %run_scoped3A_7[%parallel_loop3A_659, %parallel_loop3A_660], %parallel_loop3A_637 {strides = array<i32>} : memref<16x512xf32, #tpu.memory_space<vmem>>, vector<16xf32>,
          %parallel_loop3A_662 = arith.index_cast %parallel_loop3A_565 : i32 to index
          %parallel_loop3A_663 = arith.constant 256 : index
          %parallel_loop3A_664 = tpu.vector_load %arg6[%parallel_loop3A_662, %parallel_loop3A_663] {strides = array<i32>} : memref<120x512xf32, #tpu.memory_space<vmem>>, vector<16xf32>,
          %parallel_loop3A_665 = arith.index_cast %parallel_loop3A_565 : i32 to index
          %parallel_loop3A_666 = arith.constant 272 : index
          %parallel_loop3A_667 = tpu.vector_load %arg6[%parallel_loop3A_665, %parallel_loop3A_666] {strides = array<i32>} : memref<120x512xf32, #tpu.memory_space<vmem>>, vector<16xf32>,
          %parallel_loop3A_668 = arith.index_cast %parallel_loop3A_565 : i32 to index
          %parallel_loop3A_669 = arith.constant 288 : index
          %parallel_loop3A_670 = tpu.vector_load %arg6[%parallel_loop3A_668, %parallel_loop3A_669] {strides = array<i32>} : memref<120x512xf32, #tpu.memory_space<vmem>>, vector<16xf32>,
          %parallel_loop3A_671 = arith.index_cast %parallel_loop3A_565 : i32 to index
          %parallel_loop3A_672 = arith.constant 304 : index
          %parallel_loop3A_673 = tpu.vector_load %arg6[%parallel_loop3A_671, %parallel_loop3A_672] {strides = array<i32>} : memref<120x512xf32, #tpu.memory_space<vmem>>, vector<16xf32>,
          %parallel_loop3A_674 = arith.index_cast %parallel_loop3A_565 : i32 to index
          %parallel_loop3A_675 = arith.constant 320 : index
          %parallel_loop3A_676 = tpu.vector_load %arg6[%parallel_loop3A_674, %parallel_loop3A_675] {strides = array<i32>} : memref<120x512xf32, #tpu.memory_space<vmem>>, vector<16xf32>,
          %parallel_loop3A_677 = arith.index_cast %parallel_loop3A_565 : i32 to index
          %parallel_loop3A_678 = arith.constant 336 : index
          %parallel_loop3A_679 = tpu.vector_load %arg6[%parallel_loop3A_677, %parallel_loop3A_678] {strides = array<i32>} : memref<120x512xf32, #tpu.memory_space<vmem>>, vector<16xf32>,
          %parallel_loop3A_680 = arith.index_cast %parallel_loop3A_565 : i32 to index
          %parallel_loop3A_681 = arith.constant 352 : index
          %parallel_loop3A_682 = tpu.vector_load %arg6[%parallel_loop3A_680, %parallel_loop3A_681] {strides = array<i32>} : memref<120x512xf32, #tpu.memory_space<vmem>>, vector<16xf32>,
          %parallel_loop3A_683 = arith.index_cast %parallel_loop3A_565 : i32 to index
          %parallel_loop3A_684 = arith.constant 368 : index
          %parallel_loop3A_685 = tpu.vector_load %arg6[%parallel_loop3A_683, %parallel_loop3A_684] {strides = array<i32>} : memref<120x512xf32, #tpu.memory_space<vmem>>, vector<16xf32>,
          %parallel_loop3A_686 = arith.index_cast %parallel_loop3A_563 : i32 to index
          %parallel_loop3A_687 = arith.constant 256 : index
          %parallel_loop3A_688 = tpu.vector_load %run_scoped3A_7[%parallel_loop3A_686, %parallel_loop3A_687] {strides = array<i32>} : memref<16x512xf32, #tpu.memory_space<vmem>>, vector<16xf32>,
          tpu.vector_store %run_scoped3A_7[%parallel_loop3A_686, %parallel_loop3A_687], %parallel_loop3A_664 {strides = array<i32>} : memref<16x512xf32, #tpu.memory_space<vmem>>, vector<16xf32>,
          %parallel_loop3A_689 = arith.index_cast %parallel_loop3A_563 : i32 to index
          %parallel_loop3A_690 = arith.constant 272 : index
          %parallel_loop3A_691 = tpu.vector_load %run_scoped3A_7[%parallel_loop3A_689, %parallel_loop3A_690] {strides = array<i32>} : memref<16x512xf32, #tpu.memory_space<vmem>>, vector<16xf32>,
          tpu.vector_store %run_scoped3A_7[%parallel_loop3A_689, %parallel_loop3A_690], %parallel_loop3A_667 {strides = array<i32>} : memref<16x512xf32, #tpu.memory_space<vmem>>, vector<16xf32>,
          %parallel_loop3A_692 = arith.index_cast %parallel_loop3A_563 : i32 to index
          %parallel_loop3A_693 = arith.constant 288 : index
          %parallel_loop3A_694 = tpu.vector_load %run_scoped3A_7[%parallel_loop3A_692, %parallel_loop3A_693] {strides = array<i32>} : memref<16x512xf32, #tpu.memory_space<vmem>>, vector<16xf32>,
          tpu.vector_store %run_scoped3A_7[%parallel_loop3A_692, %parallel_loop3A_693], %parallel_loop3A_670 {strides = array<i32>} : memref<16x512xf32, #tpu.memory_space<vmem>>, vector<16xf32>,
          %parallel_loop3A_695 = arith.index_cast %parallel_loop3A_563 : i32 to index
          %parallel_loop3A_696 = arith.constant 304 : index
          %parallel_loop3A_697 = tpu.vector_load %run_scoped3A_7[%parallel_loop3A_695, %parallel_loop3A_696] {strides = array<i32>} : memref<16x512xf32, #tpu.memory_space<vmem>>, vector<16xf32>,
          tpu.vector_store %run_scoped3A_7[%parallel_loop3A_695, %parallel_loop3A_696], %parallel_loop3A_673 {strides = array<i32>} : memref<16x512xf32, #tpu.memory_space<vmem>>, vector<16xf32>,
          %parallel_loop3A_698 = arith.index_cast %parallel_loop3A_563 : i32 to index
          %parallel_loop3A_699 = arith.constant 320 : index
          %parallel_loop3A_700 = tpu.vector_load %run_scoped3A_7[%parallel_loop3A_698, %parallel_loop3A_699] {strides = array<i32>} : memref<16x512xf32, #tpu.memory_space<vmem>>, vector<16xf32>,
          tpu.vector_store %run_scoped3A_7[%parallel_loop3A_698, %parallel_loop3A_699], %parallel_loop3A_676 {strides = array<i32>} : memref<16x512xf32, #tpu.memory_space<vmem>>, vector<16xf32>,
          %parallel_loop3A_701 = arith.index_cast %parallel_loop3A_563 : i32 to index
          %parallel_loop3A_702 = arith.constant 336 : index
          %parallel_loop3A_703 = tpu.vector_load %run_scoped3A_7[%parallel_loop3A_701, %parallel_loop3A_702] {strides = array<i32>} : memref<16x512xf32, #tpu.memory_space<vmem>>, vector<16xf32>,
          tpu.vector_store %run_scoped3A_7[%parallel_loop3A_701, %parallel_loop3A_702], %parallel_loop3A_679 {strides = array<i32>} : memref<16x512xf32, #tpu.memory_space<vmem>>, vector<16xf32>,
          %parallel_loop3A_704 = arith.index_cast %parallel_loop3A_563 : i32 to index
          %parallel_loop3A_705 = arith.constant 352 : index
          %parallel_loop3A_706 = tpu.vector_load %run_scoped3A_7[%parallel_loop3A_704, %parallel_loop3A_705] {strides = array<i32>} : memref<16x512xf32, #tpu.memory_space<vmem>>, vector<16xf32>,
          tpu.vector_store %run_scoped3A_7[%parallel_loop3A_704, %parallel_loop3A_705], %parallel_loop3A_682 {strides = array<i32>} : memref<16x512xf32, #tpu.memory_space<vmem>>, vector<16xf32>,
          %parallel_loop3A_707 = arith.index_cast %parallel_loop3A_563 : i32 to index
          %parallel_loop3A_708 = arith.constant 368 : index
          %parallel_loop3A_709 = tpu.vector_load %run_scoped3A_7[%parallel_loop3A_707, %parallel_loop3A_708] {strides = array<i32>} : memref<16x512xf32, #tpu.memory_space<vmem>>, vector<16xf32>,
          tpu.vector_store %run_scoped3A_7[%parallel_loop3A_707, %parallel_loop3A_708], %parallel_loop3A_685 {strides = array<i32>} : memref<16x512xf32, #tpu.memory_space<vmem>>, vector<16xf32>,
          %parallel_loop3A_710 = arith.index_cast %parallel_loop3A_565 : i32 to index
          %parallel_loop3A_711 = arith.constant 384 : index
          %parallel_loop3A_712 = tpu.vector_load %arg6[%parallel_loop3A_710, %parallel_loop3A_711] {strides = array<i32>} : memref<120x512xf32, #tpu.memory_space<vmem>>, vector<16xf32>,
          %parallel_loop3A_713 = arith.index_cast %parallel_loop3A_565 : i32 to index
          %parallel_loop3A_714 = arith.constant 400 : index
          %parallel_loop3A_715 = tpu.vector_load %arg6[%parallel_loop3A_713, %parallel_loop3A_714] {strides = array<i32>} : memref<120x512xf32, #tpu.memory_space<vmem>>, vector<16xf32>,
          %parallel_loop3A_716 = arith.index_cast %parallel_loop3A_565 : i32 to index
          %parallel_loop3A_717 = arith.constant 416 : index
          %parallel_loop3A_718 = tpu.vector_load %arg6[%parallel_loop3A_716, %parallel_loop3A_717] {strides = array<i32>} : memref<120x512xf32, #tpu.memory_space<vmem>>, vector<16xf32>,
          %parallel_loop3A_719 = arith.index_cast %parallel_loop3A_565 : i32 to index
          %parallel_loop3A_720 = arith.constant 432 : index
          %parallel_loop3A_721 = tpu.vector_load %arg6[%parallel_loop3A_719, %parallel_loop3A_720] {strides = array<i32>} : memref<120x512xf32, #tpu.memory_space<vmem>>, vector<16xf32>,
          %parallel_loop3A_722 = arith.index_cast %parallel_loop3A_565 : i32 to index
          %parallel_loop3A_723 = arith.constant 448 : index
          %parallel_loop3A_724 = tpu.vector_load %arg6[%parallel_loop3A_722, %parallel_loop3A_723] {strides = array<i32>} : memref<120x512xf32, #tpu.memory_space<vmem>>, vector<16xf32>,
          %parallel_loop3A_725 = arith.index_cast %parallel_loop3A_565 : i32 to index
          %parallel_loop3A_726 = arith.constant 464 : index
          %parallel_loop3A_727 = tpu.vector_load %arg6[%parallel_loop3A_725, %parallel_loop3A_726] {strides = array<i32>} : memref<120x512xf32, #tpu.memory_space<vmem>>, vector<16xf32>,
          %parallel_loop3A_728 = arith.index_cast %parallel_loop3A_565 : i32 to index
          %parallel_loop3A_729 = arith.constant 480 : index
          %parallel_loop3A_730 = tpu.vector_load %arg6[%parallel_loop3A_728, %parallel_loop3A_729] {strides = array<i32>} : memref<120x512xf32, #tpu.memory_space<vmem>>, vector<16xf32>,
          %parallel_loop3A_731 = arith.index_cast %parallel_loop3A_565 : i32 to index
          %parallel_loop3A_732 = arith.constant 496 : index
          %parallel_loop3A_733 = tpu.vector_load %arg6[%parallel_loop3A_731, %parallel_loop3A_732] {strides = array<i32>} : memref<120x512xf32, #tpu.memory_space<vmem>>, vector<16xf32>,
          %parallel_loop3A_734 = arith.index_cast %parallel_loop3A_563 : i32 to index
          %parallel_loop3A_735 = arith.constant 384 : index
          %parallel_loop3A_736 = tpu.vector_load %run_scoped3A_7[%parallel_loop3A_734, %parallel_loop3A_735] {strides = array<i32>} : memref<16x512xf32, #tpu.memory_space<vmem>>, vector<16xf32>,
          tpu.vector_store %run_scoped3A_7[%parallel_loop3A_734, %parallel_loop3A_735], %parallel_loop3A_712 {strides = array<i32>} : memref<16x512xf32, #tpu.memory_space<vmem>>, vector<16xf32>,
          %parallel_loop3A_737 = arith.index_cast %parallel_loop3A_563 : i32 to index
          %parallel_loop3A_738 = arith.constant 400 : index
          %parallel_loop3A_739 = tpu.vector_load %run_scoped3A_7[%parallel_loop3A_737, %parallel_loop3A_738] {strides = array<i32>} : memref<16x512xf32, #tpu.memory_space<vmem>>, vector<16xf32>,
          tpu.vector_store %run_scoped3A_7[%parallel_loop3A_737, %parallel_loop3A_738], %parallel_loop3A_715 {strides = array<i32>} : memref<16x512xf32, #tpu.memory_space<vmem>>, vector<16xf32>,
          %parallel_loop3A_740 = arith.index_cast %parallel_loop3A_563 : i32 to index
          %parallel_loop3A_741 = arith.constant 416 : index
          %parallel_loop3A_742 = tpu.vector_load %run_scoped3A_7[%parallel_loop3A_740, %parallel_loop3A_741] {strides = array<i32>} : memref<16x512xf32, #tpu.memory_space<vmem>>, vector<16xf32>,
          tpu.vector_store %run_scoped3A_7[%parallel_loop3A_740, %parallel_loop3A_741], %parallel_loop3A_718 {strides = array<i32>} : memref<16x512xf32, #tpu.memory_space<vmem>>, vector<16xf32>,
          %parallel_loop3A_743 = arith.index_cast %parallel_loop3A_563 : i32 to index
          %parallel_loop3A_744 = arith.constant 432 : index
          %parallel_loop3A_745 = tpu.vector_load %run_scoped3A_7[%parallel_loop3A_743, %parallel_loop3A_744] {strides = array<i32>} : memref<16x512xf32, #tpu.memory_space<vmem>>, vector<16xf32>,
          tpu.vector_store %run_scoped3A_7[%parallel_loop3A_743, %parallel_loop3A_744], %parallel_loop3A_721 {strides = array<i32>} : memref<16x512xf32, #tpu.memory_space<vmem>>, vector<16xf32>,
          %parallel_loop3A_746 = arith.index_cast %parallel_loop3A_563 : i32 to index
          %parallel_loop3A_747 = arith.constant 448 : index
          %parallel_loop3A_748 = tpu.vector_load %run_scoped3A_7[%parallel_loop3A_746, %parallel_loop3A_747] {strides = array<i32>} : memref<16x512xf32, #tpu.memory_space<vmem>>, vector<16xf32>,
          tpu.vector_store %run_scoped3A_7[%parallel_loop3A_746, %parallel_loop3A_747], %parallel_loop3A_724 {strides = array<i32>} : memref<16x512xf32, #tpu.memory_space<vmem>>, vector<16xf32>,
          %parallel_loop3A_749 = arith.index_cast %parallel_loop3A_563 : i32 to index
          %parallel_loop3A_750 = arith.constant 464 : index
          %parallel_loop3A_751 = tpu.vector_load %run_scoped3A_7[%parallel_loop3A_749, %parallel_loop3A_750] {strides = array<i32>} : memref<16x512xf32, #tpu.memory_space<vmem>>, vector<16xf32>,
          tpu.vector_store %run_scoped3A_7[%parallel_loop3A_749, %parallel_loop3A_750], %parallel_loop3A_727 {strides = array<i32>} : memref<16x512xf32, #tpu.memory_space<vmem>>, vector<16xf32>,
          %parallel_loop3A_752 = arith.index_cast %parallel_loop3A_563 : i32 to index
          %parallel_loop3A_753 = arith.constant 480 : index
          %parallel_loop3A_754 = tpu.vector_load %run_scoped3A_7[%parallel_loop3A_752, %parallel_loop3A_753] {strides = array<i32>} : memref<16x512xf32, #tpu.memory_space<vmem>>, vector<16xf32>,
          tpu.vector_store %run_scoped3A_7[%parallel_loop3A_752, %parallel_loop3A_753], %parallel_loop3A_730 {strides = array<i32>} : memref<16x512xf32, #tpu.memory_space<vmem>>, vector<16xf32>,
          %parallel_loop3A_755 = arith.index_cast %parallel_loop3A_563 : i32 to index
          %parallel_loop3A_756 = arith.constant 496 : index
          %parallel_loop3A_757 = tpu.vector_load %run_scoped3A_7[%parallel_loop3A_755, %parallel_loop3A_756] {strides = array<i32>} : memref<16x512xf32, #tpu.memory_space<vmem>>, vector<16xf32>,
          tpu.vector_store %run_scoped3A_7[%parallel_loop3A_755, %parallel_loop3A_756], %parallel_loop3A_733 {strides = array<i32>} : memref<16x512xf32, #tpu.memory_space<vmem>>, vector<16xf32>,
        } {sc.loop_unroll_factor = 2 : i64, sc.parallel_access}
        %mul3A_395 = arith.constant 32 : i32
        %mul3A_396 = arith.muli %add3A_296, %mul3A_395 : i32
        %add3A_397 = arith.addi %min3A_3, %mul3A_396 : i32
        %add3A_398 = arith.constant 0 : i32
        %add3A_399 = arith.addi %add3A_397, %add3A_398 : i32
        %dma_start3A_400 = arith.constant 0 : i32
        %dma_start3A_401 = arith.constant 0 : i32
        %dma_start3A_402 = tpu.memref_slice %arg4[%add3A_399, %dma_start3A_401] : memref<100000x512xf32, #tpu.memory_space<hbm>> -> memref<16x512xf32, #tpu.memory_space<hbm>>
        %dma_start3A_403 = tpu.memref_slice %arg9[%dma_start3A_400] : memref<2x!tpu.dma_semaphore, #tpu.memory_space<semaphore_mem>> -> memref<1x!tpu.dma_semaphore, #tpu.memory_space<semaphore_mem>>
        %dma_start3A_404 = tpu.memref_squeeze %dma_start3A_403 : memref<1x!tpu.dma_semaphore, #tpu.memory_space<semaphore_mem>> -> memref<!tpu.dma_semaphore, #tpu.memory_space<semaphore_mem>>
        %dma_start3A_405 = arith.constant 0 : i32
        %dma_start3A_406 = tpu.memref_slice %arg4[%add3A_399, %dma_start3A_405] : memref<100000x512xf32, #tpu.memory_space<hbm>> -> memref<16x512xf32, #tpu.memory_space<hbm>>
        tpu.enqueue_dma source(%run_scoped3A_7 : memref<16x512xf32, #tpu.memory_space<vmem>>) target(%dma_start3A_406 : memref<16x512xf32, #tpu.memory_space<hbm>>) target_semaphore(%dma_start3A_404 : memref<!tpu.dma_semaphore, #tpu.memory_space<semaphore_mem>>)
        %add3A_407 = arith.constant 2 : i32
        %add3A_408 = arith.addi %mul3A_42, %add3A_407 : i32
        %add3A_409 = arith.constant 1 : i32
        %add3A_410 = arith.addi %add3A_408, %add3A_409 : i32
        %dma_wait3A_411 = arith.constant 1 : i32
        %dma_wait3A_412 = arith.constant 0 : i32
        %dma_wait3A_413 = tpu.memref_slice %arg4[%min3A_3, %dma_wait3A_412] : memref<100000x512xf32, #tpu.memory_space<hbm>> -> memref<16x512xf32, #tpu.memory_space<hbm>>
        %dma_wait3A_414 = tpu.memref_slice %arg9[%dma_wait3A_411] : memref<2x!tpu.dma_semaphore, #tpu.memory_space<semaphore_mem>> -> memref<1x!tpu.dma_semaphore, #tpu.memory_space<semaphore_mem>>
        %dma_wait3A_415 = tpu.memref_squeeze %dma_wait3A_414 : memref<1x!tpu.dma_semaphore, #tpu.memory_space<semaphore_mem>> -> memref<!tpu.dma_semaphore, #tpu.memory_space<semaphore_mem>>
        %dma_wait3A_416 = arith.constant 0 : i32
        %dma_wait3A_417 = tpu.memref_slice %arg4[%min3A_3, %dma_wait3A_416] : memref<100000x512xf32, #tpu.memory_space<hbm>> -> memref<16x512xf32, #tpu.memory_space<hbm>>
        tpu.wait_dma2 semaphore(%dma_wait3A_415 : memref<!tpu.dma_semaphore, #tpu.memory_space<semaphore_mem>>) src(%run_scoped3A_8 : memref<16x512xf32, #tpu.memory_space<vmem>>) dst(%dma_wait3A_417 : memref<16x512xf32, #tpu.memory_space<hbm>>)
        %mul3A_418 = arith.constant 32 : i32
        %mul3A_419 = arith.muli %add3A_410, %mul3A_418 : i32
        %add3A_420 = arith.constant 16 : i32
        %add3A_421 = arith.addi %mul3A_419, %add3A_420 : i32
        %get3A_422 = arith.index_cast %add3A_421 : i32 to index
        %get3A_423 = tpu.vector_load %arg5[%get3A_422] {strides = array<i32>} : memref<3200xi32, #tpu.memory_space<vmem>>, vector<16xi32>,
        %sub3A_424 = vector.broadcast %mul3A_5 : i32 to vector<16xi32>
        %sub3A_425 = arith.subi %get3A_423, %sub3A_424 : vector<16xi32>
        %slice3A_426 = vector.extract_strided_slice %sub3A_425 {offsets = [0], sizes = [1], strides = [1]} : vector<16xi32> to vector<1xi32>
        %squeeze3A_427 = vector.extract %slice3A_426[0] : i32 from vector<1xi32>
        %swap3A_428 = arith.constant 0 : i32
        %swap3A_429 = arith.index_cast %swap3A_428 : i32 to index
        %swap3A_430 = memref.load %arg7[%swap3A_429] : memref<16xi32, #tpu.memory_space<smem>>
        memref.store %squeeze3A_427, %arg7[%swap3A_429] : memref<16xi32, #tpu.memory_space<smem>>
        %slice3A_431 = vector.extract_strided_slice %sub3A_425 {offsets = [1], sizes = [1], strides = [1]} : vector<16xi32> to vector<1xi32>
        %squeeze3A_432 = vector.extract %slice3A_431[0] : i32 from vector<1xi32>
        %swap3A_433 = arith.constant 1 : i32
        %swap3A_434 = arith.index_cast %swap3A_433 : i32 to index
        %swap3A_435 = memref.load %arg7[%swap3A_434] : memref<16xi32, #tpu.memory_space<smem>>
        memref.store %squeeze3A_432, %arg7[%swap3A_434] : memref<16xi32, #tpu.memory_space<smem>>
        %slice3A_436 = vector.extract_strided_slice %sub3A_425 {offsets = [2], sizes = [1], strides = [1]} : vector<16xi32> to vector<1xi32>
        %squeeze3A_437 = vector.extract %slice3A_436[0] : i32 from vector<1xi32>
        %swap3A_438 = arith.constant 2 : i32
        %swap3A_439 = arith.index_cast %swap3A_438 : i32 to index
        %swap3A_440 = memref.load %arg7[%swap3A_439] : memref<16xi32, #tpu.memory_space<smem>>
        memref.store %squeeze3A_437, %arg7[%swap3A_439] : memref<16xi32, #tpu.memory_space<smem>>
        %slice3A_441 = vector.extract_strided_slice %sub3A_425 {offsets = [3], sizes = [1], strides = [1]} : vector<16xi32> to vector<1xi32>
        %squeeze3A_442 = vector.extract %slice3A_441[0] : i32 from vector<1xi32>
        %swap3A_443 = arith.constant 3 : i32
        %swap3A_444 = arith.index_cast %swap3A_443 : i32 to index
        %swap3A_445 = memref.load %arg7[%swap3A_444] : memref<16xi32, #tpu.memory_space<smem>>
        memref.store %squeeze3A_442, %arg7[%swap3A_444] : memref<16xi32, #tpu.memory_space<smem>>
        %slice3A_446 = vector.extract_strided_slice %sub3A_425 {offsets = [4], sizes = [1], strides = [1]} : vector<16xi32> to vector<1xi32>
        %squeeze3A_447 = vector.extract %slice3A_446[0] : i32 from vector<1xi32>
        %swap3A_448 = arith.constant 4 : i32
        %swap3A_449 = arith.index_cast %swap3A_448 : i32 to index
        %swap3A_450 = memref.load %arg7[%swap3A_449] : memref<16xi32, #tpu.memory_space<smem>>
        memref.store %squeeze3A_447, %arg7[%swap3A_449] : memref<16xi32, #tpu.memory_space<smem>>
        %slice3A_451 = vector.extract_strided_slice %sub3A_425 {offsets = [5], sizes = [1], strides = [1]} : vector<16xi32> to vector<1xi32>
        %squeeze3A_452 = vector.extract %slice3A_451[0] : i32 from vector<1xi32>
        %swap3A_453 = arith.constant 5 : i32
        %swap3A_454 = arith.index_cast %swap3A_453 : i32 to index
        %swap3A_455 = memref.load %arg7[%swap3A_454] : memref<16xi32, #tpu.memory_space<smem>>
        memref.store %squeeze3A_452, %arg7[%swap3A_454] : memref<16xi32, #tpu.memory_space<smem>>
        %slice3A_456 = vector.extract_strided_slice %sub3A_425 {offsets = [6], sizes = [1], strides = [1]} : vector<16xi32> to vector<1xi32>
        %squeeze3A_457 = vector.extract %slice3A_456[0] : i32 from vector<1xi32>
        %swap3A_458 = arith.constant 6 : i32
        %swap3A_459 = arith.index_cast %swap3A_458 : i32 to index
        %swap3A_460 = memref.load %arg7[%swap3A_459] : memref<16xi32, #tpu.memory_space<smem>>
        memref.store %squeeze3A_457, %arg7[%swap3A_459] : memref<16xi32, #tpu.memory_space<smem>>
        %slice3A_461 = vector.extract_strided_slice %sub3A_425 {offsets = [7], sizes = [1], strides = [1]} : vector<16xi32> to vector<1xi32>
        %squeeze3A_462 = vector.extract %slice3A_461[0] : i32 from vector<1xi32>
        %swap3A_463 = arith.constant 7 : i32
        %swap3A_464 = arith.index_cast %swap3A_463 : i32 to index
        %swap3A_465 = memref.load %arg7[%swap3A_464] : memref<16xi32, #tpu.memory_space<smem>>
        memref.store %squeeze3A_462, %arg7[%swap3A_464] : memref<16xi32, #tpu.memory_space<smem>>
        %slice3A_466 = vector.extract_strided_slice %sub3A_425 {offsets = [8], sizes = [1], strides = [1]} : vector<16xi32> to vector<1xi32>
        %squeeze3A_467 = vector.extract %slice3A_466[0] : i32 from vector<1xi32>
        %swap3A_468 = arith.constant 8 : i32
        %swap3A_469 = arith.index_cast %swap3A_468 : i32 to index
        %swap3A_470 = memref.load %arg7[%swap3A_469] : memref<16xi32, #tpu.memory_space<smem>>
        memref.store %squeeze3A_467, %arg7[%swap3A_469] : memref<16xi32, #tpu.memory_space<smem>>
        %slice3A_471 = vector.extract_strided_slice %sub3A_425 {offsets = [9], sizes = [1], strides = [1]} : vector<16xi32> to vector<1xi32>
        %squeeze3A_472 = vector.extract %slice3A_471[0] : i32 from vector<1xi32>
        %swap3A_473 = arith.constant 9 : i32
        %swap3A_474 = arith.index_cast %swap3A_473 : i32 to index
        %swap3A_475 = memref.load %arg7[%swap3A_474] : memref<16xi32, #tpu.memory_space<smem>>
        memref.store %squeeze3A_472, %arg7[%swap3A_474] : memref<16xi32, #tpu.memory_space<smem>>
        %slice3A_476 = vector.extract_strided_slice %sub3A_425 {offsets = [10], sizes = [1], strides = [1]} : vector<16xi32> to vector<1xi32>
        %squeeze3A_477 = vector.extract %slice3A_476[0] : i32 from vector<1xi32>
        %swap3A_478 = arith.constant 10 : i32
        %swap3A_479 = arith.index_cast %swap3A_478 : i32 to index
        %swap3A_480 = memref.load %arg7[%swap3A_479] : memref<16xi32, #tpu.memory_space<smem>>
        memref.store %squeeze3A_477, %arg7[%swap3A_479] : memref<16xi32, #tpu.memory_space<smem>>
        %slice3A_481 = vector.extract_strided_slice %sub3A_425 {offsets = [11], sizes = [1], strides = [1]} : vector<16xi32> to vector<1xi32>
        %squeeze3A_482 = vector.extract %slice3A_481[0] : i32 from vector<1xi32>
        %swap3A_483 = arith.constant 11 : i32
        %swap3A_484 = arith.index_cast %swap3A_483 : i32 to index
        %swap3A_485 = memref.load %arg7[%swap3A_484] : memref<16xi32, #tpu.memory_space<smem>>
        memref.store %squeeze3A_482, %arg7[%swap3A_484] : memref<16xi32, #tpu.memory_space<smem>>
        %slice3A_486 = vector.extract_strided_slice %sub3A_425 {offsets = [12], sizes = [1], strides = [1]} : vector<16xi32> to vector<1xi32>
        %squeeze3A_487 = vector.extract %slice3A_486[0] : i32 from vector<1xi32>
        %swap3A_488 = arith.constant 12 : i32
        %swap3A_489 = arith.index_cast %swap3A_488 : i32 to index
        %swap3A_490 = memref.load %arg7[%swap3A_489] : memref<16xi32, #tpu.memory_space<smem>>
        memref.store %squeeze3A_487, %arg7[%swap3A_489] : memref<16xi32, #tpu.memory_space<smem>>
        %slice3A_491 = vector.extract_strided_slice %sub3A_425 {offsets = [13], sizes = [1], strides = [1]} : vector<16xi32> to vector<1xi32>
        %squeeze3A_492 = vector.extract %slice3A_491[0] : i32 from vector<1xi32>
        %swap3A_493 = arith.constant 13 : i32
        %swap3A_494 = arith.index_cast %swap3A_493 : i32 to index
        %swap3A_495 = memref.load %arg7[%swap3A_494] : memref<16xi32, #tpu.memory_space<smem>>
        memref.store %squeeze3A_492, %arg7[%swap3A_494] : memref<16xi32, #tpu.memory_space<smem>>
        %slice3A_496 = vector.extract_strided_slice %sub3A_425 {offsets = [14], sizes = [1], strides = [1]} : vector<16xi32> to vector<1xi32>
        %squeeze3A_497 = vector.extract %slice3A_496[0] : i32 from vector<1xi32>
        %swap3A_498 = arith.constant 14 : i32
        %swap3A_499 = arith.index_cast %swap3A_498 : i32 to index
        %swap3A_500 = memref.load %arg7[%swap3A_499] : memref<16xi32, #tpu.memory_space<smem>>
        memref.store %squeeze3A_497, %arg7[%swap3A_499] : memref<16xi32, #tpu.memory_space<smem>>
        %slice3A_501 = vector.extract_strided_slice %sub3A_425 {offsets = [15], sizes = [1], strides = [1]} : vector<16xi32> to vector<1xi32>
        %squeeze3A_502 = vector.extract %slice3A_501[0] : i32 from vector<1xi32>
        %swap3A_503 = arith.constant 15 : i32
        %swap3A_504 = arith.index_cast %swap3A_503 : i32 to index
        %swap3A_505 = memref.load %arg7[%swap3A_504] : memref<16xi32, #tpu.memory_space<smem>>
        memref.store %squeeze3A_502, %arg7[%swap3A_504] : memref<16xi32, #tpu.memory_space<smem>>
        %parallel_loop3A_506 = arith.constant 0 : i32
        %parallel_loop3A_507 = arith.constant 16 : i32
        %parallel_loop3A_508 = arith.constant 1 : i32
        scf.for %parallel_loop3A_563 = %parallel_loop3A_506 to %parallel_loop3A_507 step %parallel_loop3A_508  : i32 {
          %parallel_loop3A_564 = arith.index_cast %parallel_loop3A_563 : i32 to index
          %parallel_loop3A_565 = memref.load %arg7[%parallel_loop3A_564] : memref<16xi32, #tpu.memory_space<smem>>
          %parallel_loop3A_566 = arith.index_cast %parallel_loop3A_565 : i32 to index
          %parallel_loop3A_567 = arith.constant 0 : index
          %parallel_loop3A_568 = tpu.vector_load %arg6[%parallel_loop3A_566, %parallel_loop3A_567] {strides = array<i32>} : memref<120x512xf32, #tpu.memory_space<vmem>>, vector<16xf32>,
          %parallel_loop3A_569 = arith.index_cast %parallel_loop3A_565 : i32 to index
          %parallel_loop3A_570 = arith.constant 16 : index
          %parallel_loop3A_571 = tpu.vector_load %arg6[%parallel_loop3A_569, %parallel_loop3A_570] {strides = array<i32>} : memref<120x512xf32, #tpu.memory_space<vmem>>, vector<16xf32>,
          %parallel_loop3A_572 = arith.index_cast %parallel_loop3A_565 : i32 to index
          %parallel_loop3A_573 = arith.constant 32 : index
          %parallel_loop3A_574 = tpu.vector_load %arg6[%parallel_loop3A_572, %parallel_loop3A_573] {strides = array<i32>} : memref<120x512xf32, #tpu.memory_space<vmem>>, vector<16xf32>,
          %parallel_loop3A_575 = arith.index_cast %parallel_loop3A_565 : i32 to index
          %parallel_loop3A_576 = arith.constant 48 : index
          %parallel_loop3A_577 = tpu.vector_load %arg6[%parallel_loop3A_575, %parallel_loop3A_576] {strides = array<i32>} : memref<120x512xf32, #tpu.memory_space<vmem>>, vector<16xf32>,
          %parallel_loop3A_578 = arith.index_cast %parallel_loop3A_565 : i32 to index
          %parallel_loop3A_579 = arith.constant 64 : index
          %parallel_loop3A_580 = tpu.vector_load %arg6[%parallel_loop3A_578, %parallel_loop3A_579] {strides = array<i32>} : memref<120x512xf32, #tpu.memory_space<vmem>>, vector<16xf32>,
          %parallel_loop3A_581 = arith.index_cast %parallel_loop3A_565 : i32 to index
          %parallel_loop3A_582 = arith.constant 80 : index
          %parallel_loop3A_583 = tpu.vector_load %arg6[%parallel_loop3A_581, %parallel_loop3A_582] {strides = array<i32>} : memref<120x512xf32, #tpu.memory_space<vmem>>, vector<16xf32>,
          %parallel_loop3A_584 = arith.index_cast %parallel_loop3A_565 : i32 to index
          %parallel_loop3A_585 = arith.constant 96 : index
          %parallel_loop3A_586 = tpu.vector_load %arg6[%parallel_loop3A_584, %parallel_loop3A_585] {strides = array<i32>} : memref<120x512xf32, #tpu.memory_space<vmem>>, vector<16xf32>,
          %parallel_loop3A_587 = arith.index_cast %parallel_loop3A_565 : i32 to index
          %parallel_loop3A_588 = arith.constant 112 : index
          %parallel_loop3A_589 = tpu.vector_load %arg6[%parallel_loop3A_587, %parallel_loop3A_588] {strides = array<i32>} : memref<120x512xf32, #tpu.memory_space<vmem>>, vector<16xf32>,
          %parallel_loop3A_590 = arith.index_cast %parallel_loop3A_563 : i32 to index
          %parallel_loop3A_591 = arith.constant 0 : index
          %parallel_loop3A_592 = tpu.vector_load %run_scoped3A_8[%parallel_loop3A_590, %parallel_loop3A_591] {strides = array<i32>} : memref<16x512xf32, #tpu.memory_space<vmem>>, vector<16xf32>,
          tpu.vector_store %run_scoped3A_8[%parallel_loop3A_590, %parallel_loop3A_591], %parallel_loop3A_568 {strides = array<i32>} : memref<16x512xf32, #tpu.memory_space<vmem>>, vector<16xf32>,
          %parallel_loop3A_593 = arith.index_cast %parallel_loop3A_563 : i32 to index
          %parallel_loop3A_594 = arith.constant 16 : index
          %parallel_loop3A_595 = tpu.vector_load %run_scoped3A_8[%parallel_loop3A_593, %parallel_loop3A_594] {strides = array<i32>} : memref<16x512xf32, #tpu.memory_space<vmem>>, vector<16xf32>,
          tpu.vector_store %run_scoped3A_8[%parallel_loop3A_593, %parallel_loop3A_594], %parallel_loop3A_571 {strides = array<i32>} : memref<16x512xf32, #tpu.memory_space<vmem>>, vector<16xf32>,
          %parallel_loop3A_596 = arith.index_cast %parallel_loop3A_563 : i32 to index
          %parallel_loop3A_597 = arith.constant 32 : index
          %parallel_loop3A_598 = tpu.vector_load %run_scoped3A_8[%parallel_loop3A_596, %parallel_loop3A_597] {strides = array<i32>} : memref<16x512xf32, #tpu.memory_space<vmem>>, vector<16xf32>,
          tpu.vector_store %run_scoped3A_8[%parallel_loop3A_596, %parallel_loop3A_597], %parallel_loop3A_574 {strides = array<i32>} : memref<16x512xf32, #tpu.memory_space<vmem>>, vector<16xf32>,
          %parallel_loop3A_599 = arith.index_cast %parallel_loop3A_563 : i32 to index
          %parallel_loop3A_600 = arith.constant 48 : index
          %parallel_loop3A_601 = tpu.vector_load %run_scoped3A_8[%parallel_loop3A_599, %parallel_loop3A_600] {strides = array<i32>} : memref<16x512xf32, #tpu.memory_space<vmem>>, vector<16xf32>,
          tpu.vector_store %run_scoped3A_8[%parallel_loop3A_599, %parallel_loop3A_600], %parallel_loop3A_577 {strides = array<i32>} : memref<16x512xf32, #tpu.memory_space<vmem>>, vector<16xf32>,
          %parallel_loop3A_602 = arith.index_cast %parallel_loop3A_563 : i32 to index
          %parallel_loop3A_603 = arith.constant 64 : index
          %parallel_loop3A_604 = tpu.vector_load %run_scoped3A_8[%parallel_loop3A_602, %parallel_loop3A_603] {strides = array<i32>} : memref<16x512xf32, #tpu.memory_space<vmem>>, vector<16xf32>,
          tpu.vector_store %run_scoped3A_8[%parallel_loop3A_602, %parallel_loop3A_603], %parallel_loop3A_580 {strides = array<i32>} : memref<16x512xf32, #tpu.memory_space<vmem>>, vector<16xf32>,
          %parallel_loop3A_605 = arith.index_cast %parallel_loop3A_563 : i32 to index
          %parallel_loop3A_606 = arith.constant 80 : index
          %parallel_loop3A_607 = tpu.vector_load %run_scoped3A_8[%parallel_loop3A_605, %parallel_loop3A_606] {strides = array<i32>} : memref<16x512xf32, #tpu.memory_space<vmem>>, vector<16xf32>,
          tpu.vector_store %run_scoped3A_8[%parallel_loop3A_605, %parallel_loop3A_606], %parallel_loop3A_583 {strides = array<i32>} : memref<16x512xf32, #tpu.memory_space<vmem>>, vector<16xf32>,
          %parallel_loop3A_608 = arith.index_cast %parallel_loop3A_563 : i32 to index
          %parallel_loop3A_609 = arith.constant 96 : index
          %parallel_loop3A_610 = tpu.vector_load %run_scoped3A_8[%parallel_loop3A_608, %parallel_loop3A_609] {strides = array<i32>} : memref<16x512xf32, #tpu.memory_space<vmem>>, vector<16xf32>,
          tpu.vector_store %run_scoped3A_8[%parallel_loop3A_608, %parallel_loop3A_609], %parallel_loop3A_586 {strides = array<i32>} : memref<16x512xf32, #tpu.memory_space<vmem>>, vector<16xf32>,
          %parallel_loop3A_611 = arith.index_cast %parallel_loop3A_563 : i32 to index
          %parallel_loop3A_612 = arith.constant 112 : index
          %parallel_loop3A_613 = tpu.vector_load %run_scoped3A_8[%parallel_loop3A_611, %parallel_loop3A_612] {strides = array<i32>} : memref<16x512xf32, #tpu.memory_space<vmem>>, vector<16xf32>,
          tpu.vector_store %run_scoped3A_8[%parallel_loop3A_611, %parallel_loop3A_612], %parallel_loop3A_589 {strides = array<i32>} : memref<16x512xf32, #tpu.memory_space<vmem>>, vector<16xf32>,
          %parallel_loop3A_614 = arith.index_cast %parallel_loop3A_565 : i32 to index
          %parallel_loop3A_615 = arith.constant 128 : index
          %parallel_loop3A_616 = tpu.vector_load %arg6[%parallel_loop3A_614, %parallel_loop3A_615] {strides = array<i32>} : memref<120x512xf32, #tpu.memory_space<vmem>>, vector<16xf32>,
          %parallel_loop3A_617 = arith.index_cast %parallel_loop3A_565 : i32 to index
          %parallel_loop3A_618 = arith.constant 144 : index
          %parallel_loop3A_619 = tpu.vector_load %arg6[%parallel_loop3A_617, %parallel_loop3A_618] {strides = array<i32>} : memref<120x512xf32, #tpu.memory_space<vmem>>, vector<16xf32>,
          %parallel_loop3A_620 = arith.index_cast %parallel_loop3A_565 : i32 to index
          %parallel_loop3A_621 = arith.constant 160 : index
          %parallel_loop3A_622 = tpu.vector_load %arg6[%parallel_loop3A_620, %parallel_loop3A_621] {strides = array<i32>} : memref<120x512xf32, #tpu.memory_space<vmem>>, vector<16xf32>,
          %parallel_loop3A_623 = arith.index_cast %parallel_loop3A_565 : i32 to index
          %parallel_loop3A_624 = arith.constant 176 : index
          %parallel_loop3A_625 = tpu.vector_load %arg6[%parallel_loop3A_623, %parallel_loop3A_624] {strides = array<i32>} : memref<120x512xf32, #tpu.memory_space<vmem>>, vector<16xf32>,
          %parallel_loop3A_626 = arith.index_cast %parallel_loop3A_565 : i32 to index
          %parallel_loop3A_627 = arith.constant 192 : index
          %parallel_loop3A_628 = tpu.vector_load %arg6[%parallel_loop3A_626, %parallel_loop3A_627] {strides = array<i32>} : memref<120x512xf32, #tpu.memory_space<vmem>>, vector<16xf32>,
          %parallel_loop3A_629 = arith.index_cast %parallel_loop3A_565 : i32 to index
          %parallel_loop3A_630 = arith.constant 208 : index
          %parallel_loop3A_631 = tpu.vector_load %arg6[%parallel_loop3A_629, %parallel_loop3A_630] {strides = array<i32>} : memref<120x512xf32, #tpu.memory_space<vmem>>, vector<16xf32>,
          %parallel_loop3A_632 = arith.index_cast %parallel_loop3A_565 : i32 to index
          %parallel_loop3A_633 = arith.constant 224 : index
          %parallel_loop3A_634 = tpu.vector_load %arg6[%parallel_loop3A_632, %parallel_loop3A_633] {strides = array<i32>} : memref<120x512xf32, #tpu.memory_space<vmem>>, vector<16xf32>,
          %parallel_loop3A_635 = arith.index_cast %parallel_loop3A_565 : i32 to index
          %parallel_loop3A_636 = arith.constant 240 : index
          %parallel_loop3A_637 = tpu.vector_load %arg6[%parallel_loop3A_635, %parallel_loop3A_636] {strides = array<i32>} : memref<120x512xf32, #tpu.memory_space<vmem>>, vector<16xf32>,
          %parallel_loop3A_638 = arith.index_cast %parallel_loop3A_563 : i32 to index
          %parallel_loop3A_639 = arith.constant 128 : index
          %parallel_loop3A_640 = tpu.vector_load %run_scoped3A_8[%parallel_loop3A_638, %parallel_loop3A_639] {strides = array<i32>} : memref<16x512xf32, #tpu.memory_space<vmem>>, vector<16xf32>,
          tpu.vector_store %run_scoped3A_8[%parallel_loop3A_638, %parallel_loop3A_639], %parallel_loop3A_616 {strides = array<i32>} : memref<16x512xf32, #tpu.memory_space<vmem>>, vector<16xf32>,
          %parallel_loop3A_641 = arith.index_cast %parallel_loop3A_563 : i32 to index
          %parallel_loop3A_642 = arith.constant 144 : index
          %parallel_loop3A_643 = tpu.vector_load %run_scoped3A_8[%parallel_loop3A_641, %parallel_loop3A_642] {strides = array<i32>} : memref<16x512xf32, #tpu.memory_space<vmem>>, vector<16xf32>,
          tpu.vector_store %run_scoped3A_8[%parallel_loop3A_641, %parallel_loop3A_642], %parallel_loop3A_619 {strides = array<i32>} : memref<16x512xf32, #tpu.memory_space<vmem>>, vector<16xf32>,
          %parallel_loop3A_644 = arith.index_cast %parallel_loop3A_563 : i32 to index
          %parallel_loop3A_645 = arith.constant 160 : index
          %parallel_loop3A_646 = tpu.vector_load %run_scoped3A_8[%parallel_loop3A_644, %parallel_loop3A_645] {strides = array<i32>} : memref<16x512xf32, #tpu.memory_space<vmem>>, vector<16xf32>,
          tpu.vector_store %run_scoped3A_8[%parallel_loop3A_644, %parallel_loop3A_645], %parallel_loop3A_622 {strides = array<i32>} : memref<16x512xf32, #tpu.memory_space<vmem>>, vector<16xf32>,
          %parallel_loop3A_647 = arith.index_cast %parallel_loop3A_563 : i32 to index
          %parallel_loop3A_648 = arith.constant 176 : index
          %parallel_loop3A_649 = tpu.vector_load %run_scoped3A_8[%parallel_loop3A_647, %parallel_loop3A_648] {strides = array<i32>} : memref<16x512xf32, #tpu.memory_space<vmem>>, vector<16xf32>,
          tpu.vector_store %run_scoped3A_8[%parallel_loop3A_647, %parallel_loop3A_648], %parallel_loop3A_625 {strides = array<i32>} : memref<16x512xf32, #tpu.memory_space<vmem>>, vector<16xf32>,
          %parallel_loop3A_650 = arith.index_cast %parallel_loop3A_563 : i32 to index
          %parallel_loop3A_651 = arith.constant 192 : index
          %parallel_loop3A_652 = tpu.vector_load %run_scoped3A_8[%parallel_loop3A_650, %parallel_loop3A_651] {strides = array<i32>} : memref<16x512xf32, #tpu.memory_space<vmem>>, vector<16xf32>,
          tpu.vector_store %run_scoped3A_8[%parallel_loop3A_650, %parallel_loop3A_651], %parallel_loop3A_628 {strides = array<i32>} : memref<16x512xf32, #tpu.memory_space<vmem>>, vector<16xf32>,
          %parallel_loop3A_653 = arith.index_cast %parallel_loop3A_563 : i32 to index
          %parallel_loop3A_654 = arith.constant 208 : index
          %parallel_loop3A_655 = tpu.vector_load %run_scoped3A_8[%parallel_loop3A_653, %parallel_loop3A_654] {strides = array<i32>} : memref<16x512xf32, #tpu.memory_space<vmem>>, vector<16xf32>,
          tpu.vector_store %run_scoped3A_8[%parallel_loop3A_653, %parallel_loop3A_654], %parallel_loop3A_631 {strides = array<i32>} : memref<16x512xf32, #tpu.memory_space<vmem>>, vector<16xf32>,
          %parallel_loop3A_656 = arith.index_cast %parallel_loop3A_563 : i32 to index
          %parallel_loop3A_657 = arith.constant 224 : index
          %parallel_loop3A_658 = tpu.vector_load %run_scoped3A_8[%parallel_loop3A_656, %parallel_loop3A_657] {strides = array<i32>} : memref<16x512xf32, #tpu.memory_space<vmem>>, vector<16xf32>,
          tpu.vector_store %run_scoped3A_8[%parallel_loop3A_656, %parallel_loop3A_657], %parallel_loop3A_634 {strides = array<i32>} : memref<16x512xf32, #tpu.memory_space<vmem>>, vector<16xf32>,
          %parallel_loop3A_659 = arith.index_cast %parallel_loop3A_563 : i32 to index
          %parallel_loop3A_660 = arith.constant 240 : index
          %parallel_loop3A_661 = tpu.vector_load %run_scoped3A_8[%parallel_loop3A_659, %parallel_loop3A_660] {strides = array<i32>} : memref<16x512xf32, #tpu.memory_space<vmem>>, vector<16xf32>,
          tpu.vector_store %run_scoped3A_8[%parallel_loop3A_659, %parallel_loop3A_660], %parallel_loop3A_637 {strides = array<i32>} : memref<16x512xf32, #tpu.memory_space<vmem>>, vector<16xf32>,
          %parallel_loop3A_662 = arith.index_cast %parallel_loop3A_565 : i32 to index
          %parallel_loop3A_663 = arith.constant 256 : index
          %parallel_loop3A_664 = tpu.vector_load %arg6[%parallel_loop3A_662, %parallel_loop3A_663] {strides = array<i32>} : memref<120x512xf32, #tpu.memory_space<vmem>>, vector<16xf32>,
          %parallel_loop3A_665 = arith.index_cast %parallel_loop3A_565 : i32 to index
          %parallel_loop3A_666 = arith.constant 272 : index
          %parallel_loop3A_667 = tpu.vector_load %arg6[%parallel_loop3A_665, %parallel_loop3A_666] {strides = array<i32>} : memref<120x512xf32, #tpu.memory_space<vmem>>, vector<16xf32>,
          %parallel_loop3A_668 = arith.index_cast %parallel_loop3A_565 : i32 to index
          %parallel_loop3A_669 = arith.constant 288 : index
          %parallel_loop3A_670 = tpu.vector_load %arg6[%parallel_loop3A_668, %parallel_loop3A_669] {strides = array<i32>} : memref<120x512xf32, #tpu.memory_space<vmem>>, vector<16xf32>,
          %parallel_loop3A_671 = arith.index_cast %parallel_loop3A_565 : i32 to index
          %parallel_loop3A_672 = arith.constant 304 : index
          %parallel_loop3A_673 = tpu.vector_load %arg6[%parallel_loop3A_671, %parallel_loop3A_672] {strides = array<i32>} : memref<120x512xf32, #tpu.memory_space<vmem>>, vector<16xf32>,
          %parallel_loop3A_674 = arith.index_cast %parallel_loop3A_565 : i32 to index
          %parallel_loop3A_675 = arith.constant 320 : index
          %parallel_loop3A_676 = tpu.vector_load %arg6[%parallel_loop3A_674, %parallel_loop3A_675] {strides = array<i32>} : memref<120x512xf32, #tpu.memory_space<vmem>>, vector<16xf32>,
          %parallel_loop3A_677 = arith.index_cast %parallel_loop3A_565 : i32 to index
          %parallel_loop3A_678 = arith.constant 336 : index
          %parallel_loop3A_679 = tpu.vector_load %arg6[%parallel_loop3A_677, %parallel_loop3A_678] {strides = array<i32>} : memref<120x512xf32, #tpu.memory_space<vmem>>, vector<16xf32>,
          %parallel_loop3A_680 = arith.index_cast %parallel_loop3A_565 : i32 to index
          %parallel_loop3A_681 = arith.constant 352 : index
          %parallel_loop3A_682 = tpu.vector_load %arg6[%parallel_loop3A_680, %parallel_loop3A_681] {strides = array<i32>} : memref<120x512xf32, #tpu.memory_space<vmem>>, vector<16xf32>,
          %parallel_loop3A_683 = arith.index_cast %parallel_loop3A_565 : i32 to index
          %parallel_loop3A_684 = arith.constant 368 : index
          %parallel_loop3A_685 = tpu.vector_load %arg6[%parallel_loop3A_683, %parallel_loop3A_684] {strides = array<i32>} : memref<120x512xf32, #tpu.memory_space<vmem>>, vector<16xf32>,
          %parallel_loop3A_686 = arith.index_cast %parallel_loop3A_563 : i32 to index
          %parallel_loop3A_687 = arith.constant 256 : index
          %parallel_loop3A_688 = tpu.vector_load %run_scoped3A_8[%parallel_loop3A_686, %parallel_loop3A_687] {strides = array<i32>} : memref<16x512xf32, #tpu.memory_space<vmem>>, vector<16xf32>,
          tpu.vector_store %run_scoped3A_8[%parallel_loop3A_686, %parallel_loop3A_687], %parallel_loop3A_664 {strides = array<i32>} : memref<16x512xf32, #tpu.memory_space<vmem>>, vector<16xf32>,
          %parallel_loop3A_689 = arith.index_cast %parallel_loop3A_563 : i32 to index
          %parallel_loop3A_690 = arith.constant 272 : index
          %parallel_loop3A_691 = tpu.vector_load %run_scoped3A_8[%parallel_loop3A_689, %parallel_loop3A_690] {strides = array<i32>} : memref<16x512xf32, #tpu.memory_space<vmem>>, vector<16xf32>,
          tpu.vector_store %run_scoped3A_8[%parallel_loop3A_689, %parallel_loop3A_690], %parallel_loop3A_667 {strides = array<i32>} : memref<16x512xf32, #tpu.memory_space<vmem>>, vector<16xf32>,
          %parallel_loop3A_692 = arith.index_cast %parallel_loop3A_563 : i32 to index
          %parallel_loop3A_693 = arith.constant 288 : index
          %parallel_loop3A_694 = tpu.vector_load %run_scoped3A_8[%parallel_loop3A_692, %parallel_loop3A_693] {strides = array<i32>} : memref<16x512xf32, #tpu.memory_space<vmem>>, vector<16xf32>,
          tpu.vector_store %run_scoped3A_8[%parallel_loop3A_692, %parallel_loop3A_693], %parallel_loop3A_670 {strides = array<i32>} : memref<16x512xf32, #tpu.memory_space<vmem>>, vector<16xf32>,
          %parallel_loop3A_695 = arith.index_cast %parallel_loop3A_563 : i32 to index
          %parallel_loop3A_696 = arith.constant 304 : index
          %parallel_loop3A_697 = tpu.vector_load %run_scoped3A_8[%parallel_loop3A_695, %parallel_loop3A_696] {strides = array<i32>} : memref<16x512xf32, #tpu.memory_space<vmem>>, vector<16xf32>,
          tpu.vector_store %run_scoped3A_8[%parallel_loop3A_695, %parallel_loop3A_696], %parallel_loop3A_673 {strides = array<i32>} : memref<16x512xf32, #tpu.memory_space<vmem>>, vector<16xf32>,
          %parallel_loop3A_698 = arith.index_cast %parallel_loop3A_563 : i32 to index
          %parallel_loop3A_699 = arith.constant 320 : index
          %parallel_loop3A_700 = tpu.vector_load %run_scoped3A_8[%parallel_loop3A_698, %parallel_loop3A_699] {strides = array<i32>} : memref<16x512xf32, #tpu.memory_space<vmem>>, vector<16xf32>,
          tpu.vector_store %run_scoped3A_8[%parallel_loop3A_698, %parallel_loop3A_699], %parallel_loop3A_676 {strides = array<i32>} : memref<16x512xf32, #tpu.memory_space<vmem>>, vector<16xf32>,
          %parallel_loop3A_701 = arith.index_cast %parallel_loop3A_563 : i32 to index
          %parallel_loop3A_702 = arith.constant 336 : index
          %parallel_loop3A_703 = tpu.vector_load %run_scoped3A_8[%parallel_loop3A_701, %parallel_loop3A_702] {strides = array<i32>} : memref<16x512xf32, #tpu.memory_space<vmem>>, vector<16xf32>,
          tpu.vector_store %run_scoped3A_8[%parallel_loop3A_701, %parallel_loop3A_702], %parallel_loop3A_679 {strides = array<i32>} : memref<16x512xf32, #tpu.memory_space<vmem>>, vector<16xf32>,
          %parallel_loop3A_704 = arith.index_cast %parallel_loop3A_563 : i32 to index
          %parallel_loop3A_705 = arith.constant 352 : index
          %parallel_loop3A_706 = tpu.vector_load %run_scoped3A_8[%parallel_loop3A_704, %parallel_loop3A_705] {strides = array<i32>} : memref<16x512xf32, #tpu.memory_space<vmem>>, vector<16xf32>,
          tpu.vector_store %run_scoped3A_8[%parallel_loop3A_704, %parallel_loop3A_705], %parallel_loop3A_682 {strides = array<i32>} : memref<16x512xf32, #tpu.memory_space<vmem>>, vector<16xf32>,
          %parallel_loop3A_707 = arith.index_cast %parallel_loop3A_563 : i32 to index
          %parallel_loop3A_708 = arith.constant 368 : index
          %parallel_loop3A_709 = tpu.vector_load %run_scoped3A_8[%parallel_loop3A_707, %parallel_loop3A_708] {strides = array<i32>} : memref<16x512xf32, #tpu.memory_space<vmem>>, vector<16xf32>,
          tpu.vector_store %run_scoped3A_8[%parallel_loop3A_707, %parallel_loop3A_708], %parallel_loop3A_685 {strides = array<i32>} : memref<16x512xf32, #tpu.memory_space<vmem>>, vector<16xf32>,
          %parallel_loop3A_710 = arith.index_cast %parallel_loop3A_565 : i32 to index
          %parallel_loop3A_711 = arith.constant 384 : index
          %parallel_loop3A_712 = tpu.vector_load %arg6[%parallel_loop3A_710, %parallel_loop3A_711] {strides = array<i32>} : memref<120x512xf32, #tpu.memory_space<vmem>>, vector<16xf32>,
          %parallel_loop3A_713 = arith.index_cast %parallel_loop3A_565 : i32 to index
          %parallel_loop3A_714 = arith.constant 400 : index
          %parallel_loop3A_715 = tpu.vector_load %arg6[%parallel_loop3A_713, %parallel_loop3A_714] {strides = array<i32>} : memref<120x512xf32, #tpu.memory_space<vmem>>, vector<16xf32>,
          %parallel_loop3A_716 = arith.index_cast %parallel_loop3A_565 : i32 to index
          %parallel_loop3A_717 = arith.constant 416 : index
          %parallel_loop3A_718 = tpu.vector_load %arg6[%parallel_loop3A_716, %parallel_loop3A_717] {strides = array<i32>} : memref<120x512xf32, #tpu.memory_space<vmem>>, vector<16xf32>,
          %parallel_loop3A_719 = arith.index_cast %parallel_loop3A_565 : i32 to index
          %parallel_loop3A_720 = arith.constant 432 : index
          %parallel_loop3A_721 = tpu.vector_load %arg6[%parallel_loop3A_719, %parallel_loop3A_720] {strides = array<i32>} : memref<120x512xf32, #tpu.memory_space<vmem>>, vector<16xf32>,
          %parallel_loop3A_722 = arith.index_cast %parallel_loop3A_565 : i32 to index
          %parallel_loop3A_723 = arith.constant 448 : index
          %parallel_loop3A_724 = tpu.vector_load %arg6[%parallel_loop3A_722, %parallel_loop3A_723] {strides = array<i32>} : memref<120x512xf32, #tpu.memory_space<vmem>>, vector<16xf32>,
          %parallel_loop3A_725 = arith.index_cast %parallel_loop3A_565 : i32 to index
          %parallel_loop3A_726 = arith.constant 464 : index
          %parallel_loop3A_727 = tpu.vector_load %arg6[%parallel_loop3A_725, %parallel_loop3A_726] {strides = array<i32>} : memref<120x512xf32, #tpu.memory_space<vmem>>, vector<16xf32>,
          %parallel_loop3A_728 = arith.index_cast %parallel_loop3A_565 : i32 to index
          %parallel_loop3A_729 = arith.constant 480 : index
          %parallel_loop3A_730 = tpu.vector_load %arg6[%parallel_loop3A_728, %parallel_loop3A_729] {strides = array<i32>} : memref<120x512xf32, #tpu.memory_space<vmem>>, vector<16xf32>,
          %parallel_loop3A_731 = arith.index_cast %parallel_loop3A_565 : i32 to index
          %parallel_loop3A_732 = arith.constant 496 : index
          %parallel_loop3A_733 = tpu.vector_load %arg6[%parallel_loop3A_731, %parallel_loop3A_732] {strides = array<i32>} : memref<120x512xf32, #tpu.memory_space<vmem>>, vector<16xf32>,
          %parallel_loop3A_734 = arith.index_cast %parallel_loop3A_563 : i32 to index
          %parallel_loop3A_735 = arith.constant 384 : index
          %parallel_loop3A_736 = tpu.vector_load %run_scoped3A_8[%parallel_loop3A_734, %parallel_loop3A_735] {strides = array<i32>} : memref<16x512xf32, #tpu.memory_space<vmem>>, vector<16xf32>,
          tpu.vector_store %run_scoped3A_8[%parallel_loop3A_734, %parallel_loop3A_735], %parallel_loop3A_712 {strides = array<i32>} : memref<16x512xf32, #tpu.memory_space<vmem>>, vector<16xf32>,
          %parallel_loop3A_737 = arith.index_cast %parallel_loop3A_563 : i32 to index
          %parallel_loop3A_738 = arith.constant 400 : index
          %parallel_loop3A_739 = tpu.vector_load %run_scoped3A_8[%parallel_loop3A_737, %parallel_loop3A_738] {strides = array<i32>} : memref<16x512xf32, #tpu.memory_space<vmem>>, vector<16xf32>,
          tpu.vector_store %run_scoped3A_8[%parallel_loop3A_737, %parallel_loop3A_738], %parallel_loop3A_715 {strides = array<i32>} : memref<16x512xf32, #tpu.memory_space<vmem>>, vector<16xf32>,
          %parallel_loop3A_740 = arith.index_cast %parallel_loop3A_563 : i32 to index
          %parallel_loop3A_741 = arith.constant 416 : index
          %parallel_loop3A_742 = tpu.vector_load %run_scoped3A_8[%parallel_loop3A_740, %parallel_loop3A_741] {strides = array<i32>} : memref<16x512xf32, #tpu.memory_space<vmem>>, vector<16xf32>,
          tpu.vector_store %run_scoped3A_8[%parallel_loop3A_740, %parallel_loop3A_741], %parallel_loop3A_718 {strides = array<i32>} : memref<16x512xf32, #tpu.memory_space<vmem>>, vector<16xf32>,
          %parallel_loop3A_743 = arith.index_cast %parallel_loop3A_563 : i32 to index
          %parallel_loop3A_744 = arith.constant 432 : index
          %parallel_loop3A_745 = tpu.vector_load %run_scoped3A_8[%parallel_loop3A_743, %parallel_loop3A_744] {strides = array<i32>} : memref<16x512xf32, #tpu.memory_space<vmem>>, vector<16xf32>,
          tpu.vector_store %run_scoped3A_8[%parallel_loop3A_743, %parallel_loop3A_744], %parallel_loop3A_721 {strides = array<i32>} : memref<16x512xf32, #tpu.memory_space<vmem>>, vector<16xf32>,
          %parallel_loop3A_746 = arith.index_cast %parallel_loop3A_563 : i32 to index
          %parallel_loop3A_747 = arith.constant 448 : index
          %parallel_loop3A_748 = tpu.vector_load %run_scoped3A_8[%parallel_loop3A_746, %parallel_loop3A_747] {strides = array<i32>} : memref<16x512xf32, #tpu.memory_space<vmem>>, vector<16xf32>,
          tpu.vector_store %run_scoped3A_8[%parallel_loop3A_746, %parallel_loop3A_747], %parallel_loop3A_724 {strides = array<i32>} : memref<16x512xf32, #tpu.memory_space<vmem>>, vector<16xf32>,
          %parallel_loop3A_749 = arith.index_cast %parallel_loop3A_563 : i32 to index
          %parallel_loop3A_750 = arith.constant 464 : index
          %parallel_loop3A_751 = tpu.vector_load %run_scoped3A_8[%parallel_loop3A_749, %parallel_loop3A_750] {strides = array<i32>} : memref<16x512xf32, #tpu.memory_space<vmem>>, vector<16xf32>,
          tpu.vector_store %run_scoped3A_8[%parallel_loop3A_749, %parallel_loop3A_750], %parallel_loop3A_727 {strides = array<i32>} : memref<16x512xf32, #tpu.memory_space<vmem>>, vector<16xf32>,
          %parallel_loop3A_752 = arith.index_cast %parallel_loop3A_563 : i32 to index
          %parallel_loop3A_753 = arith.constant 480 : index
          %parallel_loop3A_754 = tpu.vector_load %run_scoped3A_8[%parallel_loop3A_752, %parallel_loop3A_753] {strides = array<i32>} : memref<16x512xf32, #tpu.memory_space<vmem>>, vector<16xf32>,
          tpu.vector_store %run_scoped3A_8[%parallel_loop3A_752, %parallel_loop3A_753], %parallel_loop3A_730 {strides = array<i32>} : memref<16x512xf32, #tpu.memory_space<vmem>>, vector<16xf32>,
          %parallel_loop3A_755 = arith.index_cast %parallel_loop3A_563 : i32 to index
          %parallel_loop3A_756 = arith.constant 496 : index
          %parallel_loop3A_757 = tpu.vector_load %run_scoped3A_8[%parallel_loop3A_755, %parallel_loop3A_756] {strides = array<i32>} : memref<16x512xf32, #tpu.memory_space<vmem>>, vector<16xf32>,
          tpu.vector_store %run_scoped3A_8[%parallel_loop3A_755, %parallel_loop3A_756], %parallel_loop3A_733 {strides = array<i32>} : memref<16x512xf32, #tpu.memory_space<vmem>>, vector<16xf32>,
        } {sc.loop_unroll_factor = 2 : i64, sc.parallel_access}
        %mul3A_509 = arith.constant 32 : i32
        %mul3A_510 = arith.muli %add3A_410, %mul3A_509 : i32
        %add3A_511 = arith.addi %min3A_3, %mul3A_510 : i32
        %add3A_512 = arith.constant 16 : i32
        %add3A_513 = arith.addi %add3A_511, %add3A_512 : i32
        %dma_start3A_514 = arith.constant 1 : i32
        %dma_start3A_515 = arith.constant 0 : i32
        %dma_start3A_516 = tpu.memref_slice %arg4[%add3A_513, %dma_start3A_515] : memref<100000x512xf32, #tpu.memory_space<hbm>> -> memref<16x512xf32, #tpu.memory_space<hbm>>
        %dma_start3A_517 = tpu.memref_slice %arg9[%dma_start3A_514] : memref<2x!tpu.dma_semaphore, #tpu.memory_space<semaphore_mem>> -> memref<1x!tpu.dma_semaphore, #tpu.memory_space<semaphore_mem>>
        %dma_start3A_518 = tpu.memref_squeeze %dma_start3A_517 : memref<1x!tpu.dma_semaphore, #tpu.memory_space<semaphore_mem>> -> memref<!tpu.dma_semaphore, #tpu.memory_space<semaphore_mem>>
        %dma_start3A_519 = arith.constant 0 : i32
        %dma_start3A_520 = tpu.memref_slice %arg4[%add3A_513, %dma_start3A_519] : memref<100000x512xf32, #tpu.memory_space<hbm>> -> memref<16x512xf32, #tpu.memory_space<hbm>>
        tpu.enqueue_dma source(%run_scoped3A_8 : memref<16x512xf32, #tpu.memory_space<vmem>>) target(%dma_start3A_520 : memref<16x512xf32, #tpu.memory_space<hbm>>) target_semaphore(%dma_start3A_518 : memref<!tpu.dma_semaphore, #tpu.memory_space<semaphore_mem>>)
        %add3A_521 = arith.constant 0 : i32
        %add3A_522 = arith.addi %mul3A_42, %add3A_521 : i32
        %mul3A_523 = arith.constant 32 : i32
        %mul3A_524 = arith.muli %add3A_522, %mul3A_523 : i32
        %dma_wait3A_525 = arith.constant 0 : i32
        %dma_wait3A_526 = tpu.memref_slice %arg5[%mul3A_524] : memref<3200xi32, #tpu.memory_space<vmem>> -> memref<32xi32, #tpu.memory_space<vmem>>
        %dma_wait3A_527 = arith.constant 0 : i32
        %dma_wait3A_528 = arith.constant 0 : i32
        %dma_wait3A_529 = tpu.memref_slice %arg3[%dma_wait3A_527, %dma_wait3A_528] : memref<3840x512xf32, #tpu.memory_space<hbm>> -> memref<3840x512xf32, #tpu.memory_space<hbm>>
        %dma_wait3A_530 = tpu.memref_slice %arg8[%dma_wait3A_525] : memref<2x!tpu.dma_semaphore, #tpu.memory_space<semaphore_mem>> -> memref<1x!tpu.dma_semaphore, #tpu.memory_space<semaphore_mem>>
        %dma_wait3A_531 = tpu.memref_squeeze %dma_wait3A_530 : memref<1x!tpu.dma_semaphore, #tpu.memory_space<semaphore_mem>> -> memref<!tpu.dma_semaphore, #tpu.memory_space<semaphore_mem>>
        tpu.wait_indirect_dma semaphore(%dma_wait3A_531 : memref<!tpu.dma_semaphore, #tpu.memory_space<semaphore_mem>>) src(%dma_wait3A_529 : memref<3840x512xf32, #tpu.memory_space<hbm>>) dst(%run_scoped3A : memref<32x512xf32, #tpu.memory_space<vmem>>)
        %mul3A_532 = arith.constant 32 : i32
        %mul3A_533 = arith.muli %add3A_522, %mul3A_532 : i32
        %add3A_534 = arith.addi %min3A_3, %mul3A_533 : i32
        %dma_start3A_535 = arith.constant 0 : i32
        %dma_start3A_536 = arith.constant 0 : i32
        %dma_start3A_537 = tpu.memref_slice %arg4[%add3A_534, %dma_start3A_536] : memref<100000x512xf32, #tpu.memory_space<hbm>> -> memref<32x512xf32, #tpu.memory_space<hbm>>
        %dma_start3A_538 = tpu.memref_slice %arg8[%dma_start3A_535] : memref<2x!tpu.dma_semaphore, #tpu.memory_space<semaphore_mem>> -> memref<1x!tpu.dma_semaphore, #tpu.memory_space<semaphore_mem>>
        %dma_start3A_539 = tpu.memref_squeeze %dma_start3A_538 : memref<1x!tpu.dma_semaphore, #tpu.memory_space<semaphore_mem>> -> memref<!tpu.dma_semaphore, #tpu.memory_space<semaphore_mem>>
        %dma_start3A_540 = arith.constant 0 : i32
        %dma_start3A_541 = tpu.memref_slice %arg4[%add3A_534, %dma_start3A_540] : memref<100000x512xf32, #tpu.memory_space<hbm>> -> memref<32x512xf32, #tpu.memory_space<hbm>>
        tpu.enqueue_dma source(%run_scoped3A : memref<32x512xf32, #tpu.memory_space<vmem>>) target(%dma_start3A_541 : memref<32x512xf32, #tpu.memory_space<hbm>>) target_semaphore(%dma_start3A_539 : memref<!tpu.dma_semaphore, #tpu.memory_space<semaphore_mem>>)
        %add3A_542 = arith.constant 1 : i32
        %add3A_543 = arith.addi %mul3A_42, %add3A_542 : i32
        %mul3A_544 = arith.constant 32 : i32
        %mul3A_545 = arith.muli %add3A_543, %mul3A_544 : i32
        %dma_wait3A_546 = arith.constant 1 : i32
        %dma_wait3A_547 = tpu.memref_slice %arg5[%mul3A_545] : memref<3200xi32, #tpu.memory_space<vmem>> -> memref<32xi32, #tpu.memory_space<vmem>>
        %dma_wait3A_548 = arith.constant 0 : i32
        %dma_wait3A_549 = arith.constant 0 : i32
        %dma_wait3A_550 = tpu.memref_slice %arg3[%dma_wait3A_548, %dma_wait3A_549] : memref<3840x512xf32, #tpu.memory_space<hbm>> -> memref<3840x512xf32, #tpu.memory_space<hbm>>
        %dma_wait3A_551 = tpu.memref_slice %arg8[%dma_wait3A_546] : memref<2x!tpu.dma_semaphore, #tpu.memory_space<semaphore_mem>> -> memref<1x!tpu.dma_semaphore, #tpu.memory_space<semaphore_mem>>
        %dma_wait3A_552 = tpu.memref_squeeze %dma_wait3A_551 : memref<1x!tpu.dma_semaphore, #tpu.memory_space<semaphore_mem>> -> memref<!tpu.dma_semaphore, #tpu.memory_space<semaphore_mem>>
        tpu.wait_indirect_dma semaphore(%dma_wait3A_552 : memref<!tpu.dma_semaphore, #tpu.memory_space<semaphore_mem>>) src(%dma_wait3A_550 : memref<3840x512xf32, #tpu.memory_space<hbm>>) dst(%run_scoped3A_6 : memref<32x512xf32, #tpu.memory_space<vmem>>)
        %mul3A_553 = arith.constant 32 : i32
        %mul3A_554 = arith.muli %add3A_543, %mul3A_553 : i32
        %add3A_555 = arith.addi %min3A_3, %mul3A_554 : i32
        %dma_start3A_556 = arith.constant 1 : i32
        %dma_start3A_557 = arith.constant 0 : i32
        %dma_start3A_558 = tpu.memref_slice %arg4[%add3A_555, %dma_start3A_557] : memref<100000x512xf32, #tpu.memory_space<hbm>> -> memref<32x512xf32, #tpu.memory_space<hbm>>
        %dma_start3A_559 = tpu.memref_slice %arg8[%dma_start3A_556] : memref<2x!tpu.dma_semaphore, #tpu.memory_space<semaphore_mem>> -> memref<1x!tpu.dma_semaphore, #tpu.memory_space<semaphore_mem>>
        %dma_start3A_560 = tpu.memref_squeeze %dma_start3A_559 : memref<1x!tpu.dma_semaphore, #tpu.memory_space<semaphore_mem>> -> memref<!tpu.dma_semaphore, #tpu.memory_space<semaphore_mem>>
        %dma_start3A_561 = arith.constant 0 : i32
        %dma_start3A_562 = tpu.memref_slice %arg4[%add3A_555, %dma_start3A_561] : memref<100000x512xf32, #tpu.memory_space<hbm>> -> memref<32x512xf32, #tpu.memory_space<hbm>>
        tpu.enqueue_dma source(%run_scoped3A_6 : memref<32x512xf32, #tpu.memory_space<vmem>>) target(%dma_start3A_562 : memref<32x512xf32, #tpu.memory_space<hbm>>) target_semaphore(%dma_start3A_560 : memref<!tpu.dma_semaphore, #tpu.memory_space<semaphore_mem>>)
      }
      %scan3A_12 = arith.constant 25 : i32
      %dma_wait3A = arith.constant 0 : i32
      %dma_wait3A_13 = arith.constant 0 : i32
      %dma_wait3A_14 = tpu.memref_slice %arg4[%min3A_3, %dma_wait3A_13] : memref<100000x512xf32, #tpu.memory_space<hbm>> -> memref<32x512xf32, #tpu.memory_space<hbm>>
      %dma_wait3A_15 = tpu.memref_slice %arg8[%dma_wait3A] : memref<2x!tpu.dma_semaphore, #tpu.memory_space<semaphore_mem>> -> memref<1x!tpu.dma_semaphore, #tpu.memory_space<semaphore_mem>>
      %dma_wait3A_16 = tpu.memref_squeeze %dma_wait3A_15 : memref<1x!tpu.dma_semaphore, #tpu.memory_space<semaphore_mem>> -> memref<!tpu.dma_semaphore, #tpu.memory_space<semaphore_mem>>
      %dma_wait3A_17 = arith.constant 0 : i32
      %dma_wait3A_18 = tpu.memref_slice %arg4[%min3A_3, %dma_wait3A_17] : memref<100000x512xf32, #tpu.memory_space<hbm>> -> memref<32x512xf32, #tpu.memory_space<hbm>>
      tpu.wait_dma2 semaphore(%dma_wait3A_16 : memref<!tpu.dma_semaphore, #tpu.memory_space<semaphore_mem>>) src(%run_scoped3A : memref<32x512xf32, #tpu.memory_space<vmem>>) dst(%dma_wait3A_18 : memref<32x512xf32, #tpu.memory_space<hbm>>)
      %dma_wait3A_19 = arith.constant 1 : i32
      %dma_wait3A_20 = arith.constant 0 : i32
      %dma_wait3A_21 = tpu.memref_slice %arg4[%min3A_3, %dma_wait3A_20] : memref<100000x512xf32, #tpu.memory_space<hbm>> -> memref<32x512xf32, #tpu.memory_space<hbm>>
      %dma_wait3A_22 = tpu.memref_slice %arg8[%dma_wait3A_19] : memref<2x!tpu.dma_semaphore, #tpu.memory_space<semaphore_mem>> -> memref<1x!tpu.dma_semaphore, #tpu.memory_space<semaphore_mem>>
      %dma_wait3A_23 = tpu.memref_squeeze %dma_wait3A_22 : memref<1x!tpu.dma_semaphore, #tpu.memory_space<semaphore_mem>> -> memref<!tpu.dma_semaphore, #tpu.memory_space<semaphore_mem>>
      %dma_wait3A_24 = arith.constant 0 : i32
      %dma_wait3A_25 = tpu.memref_slice %arg4[%min3A_3, %dma_wait3A_24] : memref<100000x512xf32, #tpu.memory_space<hbm>> -> memref<32x512xf32, #tpu.memory_space<hbm>>
      tpu.wait_dma2 semaphore(%dma_wait3A_23 : memref<!tpu.dma_semaphore, #tpu.memory_space<semaphore_mem>>) src(%run_scoped3A_6 : memref<32x512xf32, #tpu.memory_space<vmem>>) dst(%dma_wait3A_25 : memref<32x512xf32, #tpu.memory_space<hbm>>)
      %dma_wait3A_26 = arith.constant 0 : i32
      %dma_wait3A_27 = arith.constant 0 : i32
      %dma_wait3A_28 = tpu.memref_slice %arg4[%min3A_3, %dma_wait3A_27] : memref<100000x512xf32, #tpu.memory_space<hbm>> -> memref<16x512xf32, #tpu.memory_space<hbm>>
      %dma_wait3A_29 = tpu.memref_slice %arg9[%dma_wait3A_26] : memref<2x!tpu.dma_semaphore, #tpu.memory_space<semaphore_mem>> -> memref<1x!tpu.dma_semaphore, #tpu.memory_space<semaphore_mem>>
      %dma_wait3A_30 = tpu.memref_squeeze %dma_wait3A_29 : memref<1x!tpu.dma_semaphore, #tpu.memory_space<semaphore_mem>> -> memref<!tpu.dma_semaphore, #tpu.memory_space<semaphore_mem>>
      %dma_wait3A_31 = arith.constant 0 : i32
      %dma_wait3A_32 = tpu.memref_slice %arg4[%min3A_3, %dma_wait3A_31] : memref<100000x512xf32, #tpu.memory_space<hbm>> -> memref<16x512xf32, #tpu.memory_space<hbm>>
      tpu.wait_dma2 semaphore(%dma_wait3A_30 : memref<!tpu.dma_semaphore, #tpu.memory_space<semaphore_mem>>) src(%run_scoped3A_7 : memref<16x512xf32, #tpu.memory_space<vmem>>) dst(%dma_wait3A_32 : memref<16x512xf32, #tpu.memory_space<hbm>>)
      %dma_wait3A_33 = arith.constant 1 : i32
      %dma_wait3A_34 = arith.constant 0 : i32
      %dma_wait3A_35 = tpu.memref_slice %arg4[%min3A_3, %dma_wait3A_34] : memref<100000x512xf32, #tpu.memory_space<hbm>> -> memref<16x512xf32, #tpu.memory_space<hbm>>
      %dma_wait3A_36 = tpu.memref_slice %arg9[%dma_wait3A_33] : memref<2x!tpu.dma_semaphore, #tpu.memory_space<semaphore_mem>> -> memref<1x!tpu.dma_semaphore, #tpu.memory_space<semaphore_mem>>
      %dma_wait3A_37 = tpu.memref_squeeze %dma_wait3A_36 : memref<1x!tpu.dma_semaphore, #tpu.memory_space<semaphore_mem>> -> memref<!tpu.dma_semaphore, #tpu.memory_space<semaphore_mem>>
      %dma_wait3A_38 = arith.constant 0 : i32
      %dma_wait3A_39 = tpu.memref_slice %arg4[%min3A_3, %dma_wait3A_38] : memref<100000x512xf32, #tpu.memory_space<hbm>> -> memref<16x512xf32, #tpu.memory_space<hbm>>
      tpu.wait_dma2 semaphore(%dma_wait3A_37 : memref<!tpu.dma_semaphore, #tpu.memory_space<semaphore_mem>>) src(%run_scoped3A_8 : memref<16x512xf32, #tpu.memory_space<vmem>>) dst(%dma_wait3A_39 : memref<16x512xf32, #tpu.memory_space<hbm>>)
      tpu.yield
    }) : () -> ()
    return
  }
}

</mosaic_0001>

<sc_bundles>
// kernel: kernel.3.cloned.1.call-start
scs
__scs_entry_jumppad:
0x0: {  	(pc) =	sbr.rel $0x88, $3  }
0x1: {  	(tag) =	ssettag $0x0;
	lr =	simm.s32 $0x1  }
0x2: {  	[smem:$0x3F9F] =	sst lr;
	_ =	strace $0xD0000000  }
0x3: {  	_ = 	snop  }
0x4: {  	_ = 	snop  }
0x5: {  	_ = 	snop  }
0x6: {  	_ = 	snop  }
0x7: {  	_ = 	snop  }
__scs_overlays_trampoline_lowered:
0x8: {  	[smem:$0x3FAE] =	sst s0  }
0x9: {  	[smem:$0x3FAF] =	sst s1  }
0xa: {  	[smem:$0x3FB0] =	sst s2  }
0xb: {  	[smem:$0x3FB1] =	sst s3  }
0xc: {  	[smem:$0x3FB2] =	sst s4  }
0xd: {  	[smem:$0x3FB3] =	sst s5  }
0xe: {  	[smem:$0x3FB4] =	sst s6  }
0xf: {  	[smem:$0x3FB5] =	sst s7  }
0x10: {  	[smem:$0x3FB6] =	sst s8  }
0x11: {  	[smem:$0x3FB7] =	sst s9;
	s0 =	simm.s32 @!p0 $0x0  }
0x12: {  	s1 =	sld [smem:$0x3F9D];
	s0 =	simm.s32 @p0 $0x1  }
0x13: {  	[smem:$0x3FB8] =	sst s0;
	s0 =	simm.s32 @!p1 $0x0  }
0x14: {  	s2 =	sld [smem:$0x3F9C];
	s0 =	simm.s32 @p1 $0x1  }
0x15: {  	[smem:$0x3FB9] =	sst s0;
	s0 =	simm.s32 @!p2 $0x0  }
0x16: {  	s3 =	sld [smem:$0x3FDB];
	s0 =	simm.s32 @p2 $0x1  }
0x17: {  	s4 =	simm.s32 $0x1BF5;
	[smem:$0x3FBB] =	sst s0  }
0x18: {  	s0 =	sld [smem:$0x3F9E];
	_ =	swait.ge [sflag:s4], $0x0  }
0x19: {  	s7 =	sld [smem:$0x3F9F]  }
0x1a: {  	s8 =	sadd.s32 $0xFFFFE003, lr  }
0x1b: {  	s9 =	sadd.s32 $0xFFFFFEF7, lr;
	s5 =	simm.s32 $0xFFFFFFFF;
	p2 =	slt.u32 s8, $0xFFFFF086  }
0x1c: {  	p1 =	slt.u32 s9, $0xF7A;
	s5 =	simm.s32 @!p2 $0x0  }
0x1d: {  	s5 =	simm.s32 @p1 $0x1;
	p0 =	seq.s32 s7, s2  }
0x1e: {  	s7 =	smul.u32 @!p0 $0xF7A, s2;
	p2 =	seq.s32 @!p0 s5, $0x0  }
0x1f: {  	s9 =	smul.u32 $0xF7A, s1;
	s8 =	simm.s32 @!p0 $0x1BF5;
	p2 =	por !p2, p0  }
0x20: {  	[sflag:s8] =	ssyncset.s32 @!p0 $0xFFFFF086;
	s6 =	sadd.s32 @!p0 s3, s7;
	s7 =	simm.s32 @!p0 $0x108  }
0x21: {  	s3 =	sadd.s32 s3, s9;
	s6 =	sadd.s32 @!p0 $0x88, s6;
	s7 =	simm.s32 @p2 $0x1082  }
0x22: {  	[simem:s7], [sflag:s8] =	dma.local @!p0 [hbm:s6], $0xF7A  }
0x23: {  	s9 =	sor.u32 $0xD0000000, s2;
	s6 =	simm.s32 $0x108;
	_ =	swait.ge @!p0 [sflag:s8], $0x0  }
0x24: {  	s3 =	sadd.s32 $0x88, s3;
	s6 =	simm.s32 @!p1 $0x1082;
	[sflag:s4] =	ssyncset.s32 $0xFFFFF086  }
0x25: {  	[simem:s6], [sflag:s4] =	dma.local [hbm:s3], $0xF7A  }
0x26: {  	[smem:$0x3F9F] =	sst s1;
	(tag) =	ssettag s2;
	_ =	strace s9  }
0x27: {  	s1 =	sld [smem:$0x3FAF]  }
0x28: {  	s2 =	sld [smem:$0x3FB0]  }
0x29: {  	s4 =	sld [smem:$0x3FB2]  }
0x2a: {  	p0 =	seq.s32 s5, $0x0;
	s5 =	sld [smem:$0x3FB3]  }
0x2b: {  	s6 =	sld [smem:$0x3FB4]  }
0x2c: {  	s7 =	sld [smem:$0x3FB5]  }
0x2d: {  	s3 =	simm.s32 $0x108;
	s8 =	sld [smem:$0x3FB6]  }
0x2e: {  	s3 =	simm.s32 @!p0 $0x1082;
	s9 =	sld [smem:$0x3FB7]  }
0x2f: {  	lr =	sadd.s32 s0, s3;
	s0 =	sld [smem:$0x3FAE]  }
0x30: {  	s3 =	sld [smem:$0x3FB1]  }
0x31: {  	[smem:$0x3FBA] =	sst s10  }
0x32: {  	s10 =	sld [smem:$0x3FB8];
	_ =	sdelay $0x3  }
0x33: {  	p0 =	seq.s32 s10, $0x1;
	s10 =	sld [smem:$0x3FBA];
	_ =	sdelay $0x3  }
0x34: {  	[smem:$0x3FBA] =	sst s10  }
0x35: {  	s10 =	sld [smem:$0x3FB9];
	_ =	sdelay $0x3  }
0x36: {  	p1 =	seq.s32 s10, $0x1;
	s10 =	sld [smem:$0x3FBA];
	_ =	sdelay $0x3  }
0x37: {  	[smem:$0x3FBA] =	sst s10  }
0x38: {  	s10 =	sld [smem:$0x3FBB]  }
0x39: {  	_ = 	snop;
	(pc) =	sbr.ind lr, $3  }
0x3a: {  	_ = 	snop  }
0x3b: {  	_ = 	snop  }
0x3c: {  	p2 =	seq.s32 s10, $0x1;
	s10 =	sld [smem:$0x3FBA]  }
0x3d: {  	_ =	shalt  }
0x3e: {  	_ =	shalt  }
0x3f: {  	_ =	shalt  }
0x40: {  	_ =	shalt  }
0x41: {  	_ =	shalt  }
0x42: {  	_ =	shalt  }
0x43: {  	_ =	shalt  }
0x44: {  	_ =	shalt  }
0x45: {  	_ =	shalt  }
0x46: {  	_ =	shalt  }
0x47: {  	_ =	shalt  }
0x48: {  	_ =	shalt  }
0x49: {  	_ =	shalt  }
0x4a: {  	_ =	shalt  }
0x4b: {  	_ =	shalt  }
0x4c: {  	_ =	shalt  }
0x4d: {  	_ =	shalt  }
0x4e: {  	_ =	shalt  }
0x4f: {  	_ =	shalt  }
0x50: {  	_ =	shalt  }
0x51: {  	_ =	shalt  }
0x52: {  	_ =	shalt  }
0x53: {  	_ =	shalt  }
0x54: {  	_ =	shalt  }
0x55: {  	_ =	shalt  }
0x56: {  	_ =	shalt  }
0x57: {  	_ =	shalt  }
0x58: {  	_ =	shalt  }
0x59: {  	_ =	shalt  }
0x5a: {  	_ =	shalt  }
0x5b: {  	_ =	shalt  }
0x5c: {  	_ =	shalt  }
0x5d: {  	_ =	shalt  }
0x5e: {  	_ =	shalt  }
0x5f: {  	_ =	shalt  }
0x60: {  	_ =	shalt  }
0x61: {  	_ =	shalt  }
0x62: {  	_ =	shalt  }
0x63: {  	_ =	shalt  }
0x64: {  	_ =	shalt  }
0x65: {  	_ =	shalt  }
0x66: {  	_ =	shalt  }
0x67: {  	_ =	shalt  }
0x68: {  	_ =	shalt  }
0x69: {  	_ =	shalt  }
0x6a: {  	_ =	shalt  }
0x6b: {  	_ =	shalt  }
0x6c: {  	_ =	shalt  }
0x6d: {  	_ =	shalt  }
0x6e: {  	_ =	shalt  }
0x6f: {  	_ =	shalt  }
0x70: {  	_ =	shalt  }
0x71: {  	_ =	shalt  }
0x72: {  	_ =	shalt  }
0x73: {  	_ =	shalt  }
0x74: {  	_ =	shalt  }
0x75: {  	_ =	shalt  }
0x76: {  	_ =	shalt  }
0x77: {  	_ =	shalt  }
0x78: {  	_ =	shalt  }
0x79: {  	_ =	shalt  }
0x7a: {  	_ =	shalt  }
0x7b: {  	_ =	shalt  }
0x7c: {  	_ =	shalt  }
0x7d: {  	_ =	shalt  }
0x7e: {  	_ =	shalt  }
0x7f: {  	_ =	shalt  }
0x80: {  	_ =	shalt  }
0x81: {  	_ =	shalt  }
0x82: {  	_ =	shalt  }
0x83: {  	_ =	shalt  }
0x84: {  	_ =	shalt  }
0x85: {  	_ =	shalt  }
0x86: {  	_ =	shalt  }
0x87: {  	_ =	shalt  }
.Lfunc_end0:
.L_simem_size_0:
called_computation_lowered:
.L_overlay_start_0:
0x88: {  	s2 =	sld [smem:$0x3FD9]  }
0x89: {  	s3 =	sld [smem:$0x3FFE];
	_ =	sdelay $0x1  }
0x8a: {  	s1 =	srdreg.scid  }
0x8b: {  	s0 =	sand.u32 $0x1, s1  }
0x8c: {  	s17 =	sshll.u32 s0, $0xA;
	s2 =	sadd.s32 s3, s2  }
0x8d: {  	s2 =	sadd.s32 s2, s17  }
0x8e: {  	[smem:$0x3FC6] =	sst s2  }
0x8f: {  	_ = 	snop  }
0x90: {  	s2 =	sld [smem:$0x3FD0];
	(tm) =	ssettm $0x1  }
0x91: {  	s18 =	sld [smem:$0x3FFB];
	_ =	sdelay $0x3  }
0x92: {  	_ =	strace s18  }
0x93: {  	s3 =	sld [smem:$0x3FFC];
	_ =	sdelay $0x3  }
0x94: {  	_ =	strace s3  }
0x95: {  	s3 =	sld [smem:$0x3FFD];
	_ =	sdelay $0x3  }
0x96: {  	_ =	strace s3  }
0x97: {  	_ =	strace $0x8FFFFFFF  }
0x98: {  	s19 =	sld [smem:$0x3FDB];
	_ =	sdelay $0x1  }
0x99: {  	s4 =	simm.s32 $_scs_section_size  }
0x9a: {  	s5 =	simm.s32 $_size__tile_overlayer_lowered;
	s6 =	simm.s32 $_tile_overlayer_lowered  }
0x9b: {  	s22 =	simm.s32 $0x1BFF;
	s21 =	sshll.u32 s6, $0x1;
	s3 =	sadd.s32 s4, s19  }
0x9c: {  	s7 =	simm.s32 $0x0;
	s20 =	sshll.u32 s5, $0x1;
	s5 =	sadd.s32 s21, s3  }
0x9d: {  	[timem:s7], [sflag:s22] =	dma.local [hbm:s5], s20  }
0x9e: {  	_ =	swait.ge [sflag:s22], s20  }
0x9f: {  	s4 =	ssub.s32 $0x0, s20;
	[sflag:s22] =	ssyncset.done $0x0  }
0xa0: {  	[sflag:s22] =	ssyncadd.s32 s4;
	_ =	sdelay $0x1  }
0xa1: {  	s23 =	simm.s32 $0x1B8B  }
0xa2: {  	_ =	swait.ge [sflag:s23], $0x1  }
0xa3: {  	[sflag:s23] =	ssyncset.done $0x0  }
0xa4: {  	s25 =	simm.s32 $0x1B8E;
	s24 =	sld [smem:$0x3FFE];
	[sflag:s23] =	ssyncadd.s32 $0xFFFFFFFF  }
0xa5: {  	s26 =	simm.s32 $execute0_lowered;
	[smem:$0x3FD2] =	sst s25  }
0xa6: {  	s5 =	sshll.u32 s26, $0x1;
	_ =	strace $0x80000046;
	[dreg:$0x1] =	wrdreg $0xFFFFFFFF  }
0xa7: {  	s28 =	simm.s32 $_size_execute0_lowered;
	s3 =	sadd.s32 s3, s5;
	[dreg:$0x0] =	wrdreg $0x0  }
0xa8: {  	s5 =	sshll.u32 s28, $0x1;
	[dreg:$0x2] =	wrdreg s3  }
0xa9: {  	[dreg:$0x3] =	wrdreg s5  }
0xaa: {  	[dreg:$0x4] =	wrdreg $0xC0  }
0xab: {  	_ =	task [dreg:s7], $0x5FFFF  }
0xac: {  	[dreg:$0x1] =	wrdreg $0xFFFFFFFF  }
0xad: {  	[dreg:$0x0] =	wrdreg $0x60  }
0xae: {  	[dreg:$0x2] =	wrdreg s24  }
0xaf: {  	[dreg:$0x3] =	wrdreg s2  }
0xb0: {  	[dreg:$0x4] =	wrdreg $0x9  }
0xb1: {  	_ =	task.clear_ibuf [dreg:s7], $0x5FFFF;
	_ =	strace $0x90000046  }
0xb2: {  	s29 =	simm.s32 $0x9;
	_ =	strace $0x80000048  }
0xb3: {  	_ =	swait.ge [sflag:s29], $0x1  }
0xb4: {  	[sflag:s29] =	ssyncadd.s32 $0xFFFFFFFF  }
0xb5: {  	_ =	strace $0x90000048  }
0xb6: {  	_ =	sfence  }
0xb7: {  	s30 =	sld [smem:$0x0];
	_ =	sdelay $0x2  }
0xb8: {  	s31 =	sshll.u32 s1, $0xD;
	s1 =	sshrl.u32 s1, $0x2  }
0xb9: {  	s3 =	sand.u32 $0x4000, s31;
	s1 =	sadd.s32 s1, s30  }
0xba: {  	s0 =	sor.u32 s3, s0;
	s1 =	sshll.u32 s1, $0x11  }
0xbb: {  	s0 =	sor.u32 s1, s0  }
0xbc: {  	s0 =	sadd.s32 $0x8F2B, s0  }
0xbd: {  	[sflag:s0] =	ssyncadd.remote.s32 $0x1  }
0xbe: {  	_ =	sfence.sel $0xFFFF  }
0xbf: {  	[dreg:$0x0] =	wrdreg $0xFFFFFFFF;
	(pc) =	sbr.abs _section_cstart, $3  }
0xc0: {  	[dreg:$0x1] =	wrdreg $0xFFFFFFFF  }
0xc1: {  	_ =	task.clear_ibuf [dreg:s7], $0x2FFFF;
	_ =	strace $0x9FFFFFFF  }
0xc2: {  	(tm) =	ssettm $0x7FFFFFFF  }
0xc3: {  	_ =	shalt  }
tec
execute0_lowered:
.L_overlay_start_1:
0x0: {  	(tag) =	ssettag $0x1  }
0x1: {  	s0 =	srdreg.scid;
	s2 =	rddreg [dreg:$0x0]  }
0x2: {  	s1 =	stileid.u32;
	s7 =	rddreg [dreg:$0x1]  }
0x3: {  	s8 =	simm.s32 $0x0;
	s0 =	sand.u32 $0x1, s0;
	s1 =	sshll.u32 s1, $0x1  }
0x4: {  	[smem:$0x7FF] =	sst s8;
	s10 =	sadd.s32 $0x1BE00, s2;
	s1 =	sor.u32 s0, s1  }
0x5: {  	s30 =	sadd.s32 $0x400, s7;
	_ =	strace $0x80000047;
	s5 =	smul.u32 $0x1E00, s1  }
0x6: {  	s0 =	ssub.s32 $0x2, s0;
	[smem:$0x7F5] =	sst s10;
	s3 =	smul.u32 $0xC80, s1  }
0x7: {  	[smem:$0x7FA] =	sst s30;
	s4 =	sshrl.u32 s0, $0x1;
	s28 =	sadd.s32 s10, s5  }
0x8: {  	s0 =	ssub.s32 s0, s4;
	s9 =	smin.u32 s3, $0x17A20;
	[smem:$0x7F6] =	sst s28  }
0x9: {  	s1 =	smul.u32 $0x78, s1;
	s0 =	smax.u32 s0, $0x1;
	[smem:$0x7FB] =	sst s9  }
0xa: {  	s3 =	sadd.s32 s9, s2;
	s2 =	sadd.s32 $0x1BF00, s2;
	[smem:$0x7FD] =	sst s0  }
0xb: {  	s6 =	sshrl.u32 s9, $0x3;
	s29 =	sor.u32 $0x40, s9;
	[smem:$0x7F8] =	sst s2  }
0xc: {  	v4 =	vlaneseq.u32;
	vm0 =	vmmov $0xffff;
	s31 =	sadd.s32 $0x60, s9;
	s3 =	sadd.s32 s6, s3;
	[smem:$0x7F9] =	sst s29  }
0xd: {  	v1 =	vmul.u32 $0x9, v4;
	v2 =	vand.u32 $0x7, v4;
	v3 =	vshrl.u32 v4, $0x3;
	s4 =	simm.s32 $0x13C80;
	[smem:$0x7FC] =	sst s31;
	s3 =	sadd.s32 $0x600, s3  }
0xe: {  	v4 =	vor.u32 $0x8, v4;
	v3 =	vmul.u32 $0x8, v3;
	v0 =	vmov s1;
	s2 =	simm.s32 $0x0;
	[smem:$0x7F7] =	sst s3;
	s3 =	simm.s32 $0xFC80  }
.LBB2_1:
0xf: {  	s0 =	sld [smem:$0x7F6];
	_ =	sdelay $0x1  }
0x10: {  	[smem:$0x7F4] =	sst s2;
	v5 =	vmov s8;
	s1 =	simm.s32 $0xC80;
	s28 =	simm.s32 $0x5  }
0x11: {  	v5 =	vmul.u32 $0x9, v5;
	[tilespmem:s1], [sflag:$0x5] =	stream.linear.gather [hbm4b:s0+s8], $0xF000, $0x38;
	[tilespmem:$0x1BC80] =	vst v63  }
0x12: {  	_ =	swait.ge [sflag:s28], $0xF000  }
0x13: {  	v5 =	vbroadcast v5, $0x0;
	s29 =	sld [smem:$0x7F7]  }
0x14: {  	[sflag:s28] =	ssyncset.done $0x0  }
0x15: {  	v5 =	vadd.s32 v1, v5;
	[sflag:s28] =	ssyncadd.s32 $0xFFFF1000  }
0x16: {  	[tilespmem:s3], [sflag:$0x5] =	stream.linear.gather [hbm4b:s29+s8], $0x7080, $0x38;
	[tilespmem:$0x1BC80] =	vst v63  }
0x17: {  	_ =	swait.ge [sflag:s28], $0x7080  }
0x18: {  	s30 =	simm.s32 $0x10;
	[sflag:s28] =	ssyncset.done $0x0  }
0x19: {  	v6 =	vmov s30;
	[sflag:s28] =	ssyncadd.s32 $0xFFFF8F80  }
0x1a: {  	v7 =	vld.idx.msk [tilespmem:v5+s3+$0x0], $0xffff;
	v5 =	vmul.u32 $0x9, v6;
	_ =	sdelay $0x1  }
0x1b: {  	v5 =	vbroadcast v5, $0x0;
	_ =	sdelay $0x1  }
0x1c: {  	v5 =	vadd.s32 v1, v5;
	_ =	sdelay $0x1  }
0x1d: {  	s31 =	simm.s32 $0x20  }
0x1e: {  	s1 =	simm.s32 $0x30;
	s0 =	simm.s32 $0x0;
	v6 =	vmov s31;
	v7 =	vadd.s32 v0, v7  }
.LBB2_2:
0x1f: {  	p0 =	sne.s32 s1, $0xC70;
	v6 =	vmul.u32 $0x9, v6;
	[tilespmem:s0+$0x0] =	vst v7  }
0x20: {  	v7 =	vld.idx.msk [tilespmem:v5+s3+$0x0], $0xffff  }
0x21: {  	v5 =	vbroadcast v6, $0x0  }
.Ltmp0:
0x22: {  	(pc) =	sbr.rel @p0 .LBB2_2-.Ltmp0, $2  }
0x23: {  	v5 =	vadd.s32 v1, v5;
	_ =	sdelay $0x2  }
0x24: {  	s0 =	sadd.s32 $0x10, s0;
	v6 =	vmov s1;
	s1 =	sadd.s32 $0x10, s1;
	v7 =	vadd.s32 v0, v7  }
0x25: {  	_ =	sdelay $0x1  }
0x26: {  	v6 =	vmul.u32 $0x9, v6  }
0x27: {  	[tilespmem:s0+$0x0] =	vst v7  }
0x28: {  	v5 =	vld.idx.msk [tilespmem:v5+s3+$0x0], $0xffff;
	v6 =	vbroadcast v6, $0x0;
	_ =	sdelay $0x1  }
0x29: {  	v6 =	vadd.s32 v1, v6;
	_ =	sdelay $0x2  }
0x2a: {  	s31 =	sadd.s32 $0x10, s0;
	v5 =	vadd.s32 v0, v5  }
0x2b: {  	[tilespmem:s31+$0x0] =	vst v5  }
0x2c: {  	v5 =	vld.idx.msk [tilespmem:v6+s3+$0x0], $0xffff;
	_ =	sdelay $0x4  }
0x2d: {  	s0 =	sadd.s32 $0x10, s31;
	v5 =	vadd.s32 v0, v5  }
0x2e: {  	s1 =	simm.s32 $0x0;
	[tilespmem:s0+$0x0] =	vst v5  }
.LBB2_4:
0x2f: {  	p0 =	seq.s32 s1, $0x0  }
0x30: {  	s0 =	simm.s32 @!p0 $0x1  }
0x31: {  	_ =	swait.ge @!p0 [sflag:s0], $0x4000  }
0x32: {  	[sflag:s0] =	ssyncset.done @!p0 $0x0  }
0x33: {  	s5 =	sshll.u32 s1, $0x7;
	[sflag:s0] =	ssyncadd.s32 @!p0 $0xFFFFC000  }
0x34: {  	v5 =	vld [tilespmem:s5+$0x0];
	_ =	sdelay $0x4  }
0x35: {  	v6 =	vshll.u32 v5, $0x2  }
0x36: {  	v5 =	vand.u32 $0x7, v5;
	v6 =	vand.u32 $0xFFFFFFE0, v6  }
0x37: {  	v5 =	vor.u32 v5, v6  }
0x38: {  	v6 =	vperm.xlane v5, v2;
	_ =	sdelay $0x1  }
0x39: {  	v6 =	vadd.s32 v3, v6;
	_ =	sdelay $0x1  }
0x3a: {  	s10 =	sld [smem:$0x7F5];
	v5 =	vperm.xlane v5, v4;
	_ =	sdelay $0x1  }
0x3b: {  	s2 =	sld [smem:$0x7F8];
	v5 =	vadd.s32 v3, v5  }
0x3c: {  	[tilespmem:s3], [sflag:$0x1] =	stream.indirect_vreg.gather [hbm4b:s10+s8], $0x80, v6, vm0, $0xb8;
	[tilespmem:$0x1BC80] =	vst v63  }
0x3d: {  	s11 =	simm.s32 $0x10480  }
0x3e: {  	[tilespmem:s11], [sflag:$0x1] =	stream.indirect_vreg.gather [hbm4b:s2+s8], $0x80, v6, vm0, $0xb8;
	[tilespmem:$0x1BC80] =	vst v63  }
0x3f: {  	s12 =	simm.s32 $0x10C80  }
0x40: {  	[tilespmem:s12], [sflag:$0x1] =	stream.indirect_vreg.gather [hbm4b:s10+s8], $0x80, v5, vm0, $0xb8;
	[tilespmem:$0x1BC80] =	vst v63  }
0x41: {  	s13 =	simm.s32 $0x11480  }
0x42: {  	[tilespmem:s13], [sflag:$0x1] =	stream.indirect_vreg.gather [hbm4b:s2+s8], $0x80, v5, vm0, $0xb8;
	[tilespmem:$0x1BC80] =	vst v63  }
0x43: {  	v5 =	vld [tilespmem:s5+$0x10];
	_ =	sdelay $0x4  }
0x44: {  	v6 =	vshll.u32 v5, $0x2  }
0x45: {  	v5 =	vand.u32 $0x7, v5;
	v6 =	vand.u32 $0xFFFFFFE0, v6  }
0x46: {  	v5 =	vor.u32 v5, v6  }
0x47: {  	v6 =	vperm.xlane v5, v2;
	_ =	sdelay $0x1  }
0x48: {  	v6 =	vadd.s32 v3, v6;
	_ =	sdelay $0x1  }
0x49: {  	v5 =	vperm.xlane v5, v4;
	_ =	sdelay $0x1  }
0x4a: {  	s14 =	simm.s32 $0x11C80;
	v5 =	vadd.s32 v3, v5  }
0x4b: {  	[tilespmem:s14], [sflag:$0x1] =	stream.indirect_vreg.gather [hbm4b:s10+s8], $0x80, v6, vm0, $0xb8;
	[tilespmem:$0x1BC80] =	vst v63  }
0x4c: {  	s15 =	simm.s32 $0x12480  }
0x4d: {  	[tilespmem:s15], [sflag:$0x1] =	stream.indirect_vreg.gather [hbm4b:s2+s8], $0x80, v6, vm0, $0xb8;
	[tilespmem:$0x1BC80] =	vst v63  }
0x4e: {  	s16 =	simm.s32 $0x12C80  }
0x4f: {  	[tilespmem:s16], [sflag:$0x1] =	stream.indirect_vreg.gather [hbm4b:s10+s8], $0x80, v5, vm0, $0xb8;
	[tilespmem:$0x1BC80] =	vst v63  }
0x50: {  	s17 =	simm.s32 $0x13480;
	[smem:$0x7F0] =	sst s1;
	s0 =	simm.s32 @!p0 $0x2  }
0x51: {  	[tilespmem:s17], [sflag:$0x1] =	stream.indirect_vreg.gather [hbm4b:s2+s8], $0x80, v5, vm0, $0xb8;
	[tilespmem:$0x1BC80] =	vst v63  }
0x52: {  	_ =	swait.ge @!p0 [sflag:s0], $0x4000  }
0x53: {  	[sflag:s0] =	ssyncset.done @!p0 $0x0  }
0x54: {  	s18 =	sor.u32 $0x20, s5;
	[sflag:s0] =	ssyncadd.s32 @!p0 $0xFFFFC000  }
0x55: {  	v5 =	vld [tilespmem:s18+$0x0];
	_ =	sdelay $0x4  }
0x56: {  	v6 =	vshll.u32 v5, $0x2  }
0x57: {  	v5 =	vand.u32 $0x7, v5;
	v6 =	vand.u32 $0xFFFFFFE0, v6  }
0x58: {  	v5 =	vor.u32 v5, v6  }
0x59: {  	v6 =	vperm.xlane v5, v2;
	_ =	sdelay $0x1  }
0x5a: {  	v6 =	vadd.s32 v3, v6;
	_ =	sdelay $0x1  }
0x5b: {  	v5 =	vperm.xlane v5, v4;
	_ =	sdelay $0x1  }
0x5c: {  	v5 =	vadd.s32 v3, v5  }
0x5d: {  	[tilespmem:s4], [sflag:$0x2] =	stream.indirect_vreg.gather [hbm4b:s10+s8], $0x80, v6, vm0, $0xb8;
	[tilespmem:$0x1BC80] =	vst v63  }
0x5e: {  	s19 =	simm.s32 $0x14480  }
0x5f: {  	[tilespmem:s19], [sflag:$0x2] =	stream.indirect_vreg.gather [hbm4b:s2+s8], $0x80, v6, vm0, $0xb8;
	[tilespmem:$0x1BC80] =	vst v63  }
0x60: {  	s20 =	simm.s32 $0x14C80  }
0x61: {  	[tilespmem:s20], [sflag:$0x2] =	stream.indirect_vreg.gather [hbm4b:s10+s8], $0x80, v5, vm0, $0xb8;
	[tilespmem:$0x1BC80] =	vst v63  }
0x62: {  	s21 =	simm.s32 $0x15480  }
0x63: {  	[tilespmem:s21], [sflag:$0x2] =	stream.indirect_vreg.gather [hbm4b:s2+s8], $0x80, v5, vm0, $0xb8;
	[tilespmem:$0x1BC80] =	vst v63  }
0x64: {  	v5 =	vld [tilespmem:s5+$0x30];
	_ =	sdelay $0x4  }
0x65: {  	v6 =	vshll.u32 v5, $0x2  }
0x66: {  	v5 =	vand.u32 $0x7, v5;
	v6 =	vand.u32 $0xFFFFFFE0, v6  }
0x67: {  	v5 =	vor.u32 v5, v6  }
0x68: {  	v6 =	vperm.xlane v5, v2;
	_ =	sdelay $0x1  }
0x69: {  	v6 =	vadd.s32 v3, v6;
	_ =	sdelay $0x1  }
0x6a: {  	v5 =	vperm.xlane v5, v4;
	_ =	sdelay $0x1  }
0x6b: {  	s22 =	simm.s32 $0x15C80;
	v5 =	vadd.s32 v3, v5  }
0x6c: {  	[tilespmem:s22], [sflag:$0x2] =	stream.indirect_vreg.gather [hbm4b:s10+s8], $0x80, v6, vm0, $0xb8;
	[tilespmem:$0x1BC80] =	vst v63  }
0x6d: {  	s23 =	simm.s32 $0x16480  }
0x6e: {  	[tilespmem:s23], [sflag:$0x2] =	stream.indirect_vreg.gather [hbm4b:s2+s8], $0x80, v6, vm0, $0xb8;
	[tilespmem:$0x1BC80] =	vst v63  }
0x6f: {  	s24 =	simm.s32 $0x16C80  }
0x70: {  	[tilespmem:s24], [sflag:$0x2] =	stream.indirect_vreg.gather [hbm4b:s10+s8], $0x80, v5, vm0, $0xb8;
	[tilespmem:$0x1BC80] =	vst v63  }
0x71: {  	s25 =	simm.s32 $0x17480;
	[smem:$0x7F1] =	sst s18;
	s0 =	simm.s32 @!p0 $0x3  }
0x72: {  	[tilespmem:s25], [sflag:$0x2] =	stream.indirect_vreg.gather [hbm4b:s2+s8], $0x80, v5, vm0, $0xb8;
	[tilespmem:$0x1BC80] =	vst v63  }
0x73: {  	_ =	swait.ge @!p0 [sflag:s0], $0x2000  }
0x74: {  	[sflag:s0] =	ssyncset.done @!p0 $0x0  }
0x75: {  	s26 =	sand.u32 $0x3FFFFF80, s5;
	[sflag:s0] =	ssyncadd.s32 @!p0 $0xFFFFE000  }
0x76: {  	v5 =	vld [tilespmem:s26+$0x40];
	_ =	sdelay $0x4  }
0x77: {  	v5 =	vsub.s32 v5, v0  }
0x78: {  	(v2sf) =	vpush v5, $0x0  }
0x79: {  	(v2sf) =	vpush v5, $0x1  }
0x7a: {  	(v2sf) =	vpush v5, $0x2  }
0x7b: {  	(v2sf) =	vpush v5, $0x3  }
0x7c: {  	(v2sf) =	vpush v5, $0x4  }
0x7d: {  	(v2sf) =	vpush v5, $0x5  }
0x7e: {  	(v2sf) =	vpush v5, $0x6  }
0x7f: {  	(v2sf) =	vpush v5, $0x7  }
0x80: {  	(v2sf) =	vpush v5, $0x8  }
0x81: {  	(v2sf) =	vpush v5, $0x9  }
0x82: {  	(v2sf) =	vpush v5, $0xA  }
0x83: {  	(v2sf) =	vpush v5, $0xB  }
0x84: {  	(v2sf) =	vpush v5, $0xC  }
0x85: {  	(v2sf) =	vpush v5, $0xD  }
0x86: {  	[smem:$0x7F2] =	sst s5;
	(v2sf) =	vpush v5, $0xE  }
0x87: {  	[smem:$0x7F3] =	sst s26;
	s1 =	spop (v2sf);
	(v2sf) =	vpush v5, $0xF  }
0x88: {  	s2 =	spop (v2sf);
	[smem:$0x0] =	sst s1  }
0x89: {  	s3 =	spop (v2sf);
	[smem:$0x1] =	sst s2  }
0x8a: {  	s4 =	spop (v2sf);
	[smem:$0x2] =	sst s3  }
0x8b: {  	s5 =	spop (v2sf);
	[smem:$0x3] =	sst s4  }
0x8c: {  	s6 =	spop (v2sf);
	[smem:$0x4] =	sst s5  }
0x8d: {  	s7 =	spop (v2sf);
	[smem:$0x5] =	sst s6  }
0x8e: {  	s8 =	spop (v2sf);
	[smem:$0x6] =	sst s7  }
0x8f: {  	s9 =	spop (v2sf);
	[smem:$0x7] =	sst s8  }
0x90: {  	s10 =	spop (v2sf);
	[smem:$0x8] =	sst s9  }
0x91: {  	s11 =	spop (v2sf);
	[smem:$0x9] =	sst s10  }
0x92: {  	s12 =	spop (v2sf);
	[smem:$0xA] =	sst s11  }
0x93: {  	s13 =	spop (v2sf);
	[smem:$0xB] =	sst s12  }
0x94: {  	s14 =	spop (v2sf);
	[smem:$0xC] =	sst s13  }
0x95: {  	s15 =	spop (v2sf);
	[smem:$0xD] =	sst s14  }
0x96: {  	[smem:$0xE] =	sst s15;
	s16 =	spop (v2sf)  }
0x97: {  	[smem:$0xF] =	sst s16  }
0x98: {  	s0 =	sld [smem:$0x1];
	_ =	sdelay $0x2  }
0x99: {  	s17 =	sshll.u32 s0, $0x9;
	s0 =	sshll.u32 s0, $0x7  }
0x9a: {  	s1 =	sand.u32 $0xFFFFF000, s17;
	s0 =	sand.u32 $0x380, s0  }
0x9b: {  	s19 =	sor.u32 s0, s1  }
0x9c: {  	s18 =	sld [smem:$0x0];
	v5 =	vld [tilespmem:s19+$0xC80]  }
0x9d: {  	v6 =	vld [tilespmem:s19+$0xC90]  }
0x9e: {  	v7 =	vld [tilespmem:s19+$0xCA0]  }
0x9f: {  	s21 =	simm.s32 $0x0;
	v8 =	vld [tilespmem:s19+$0xCB0]  }
0xa0: {  	s22 =	sand.u32 $0x1000, s21;
	s23 =	sand.u32 $0x300, s21;
	v9 =	vld [tilespmem:s19+$0xCC0]  }
0xa1: {  	s1 =	sor.u32 s23, s22;
	v10 =	vld [tilespmem:s19+$0xCD0]  }
0xa2: {  	v11 =	vld [tilespmem:s19+$0xCE0];
	s0 =	sadd.s32 $0x17C80, s1  }
0xa3: {  	v12 =	vld [tilespmem:s19+$0xCF0];
	[tilespmem:s0+$0x80] =	vst v5  }
0xa4: {  	[tilespmem:s0+$0x90] =	vst v6  }
0xa5: {  	[tilespmem:s0+$0xA0] =	vst v7  }
0xa6: {  	[tilespmem:s0+$0xB0] =	vst v8  }
0xa7: {  	[tilespmem:s0+$0xC0] =	vst v9  }
0xa8: {  	[tilespmem:s0+$0xD0] =	vst v10  }
0xa9: {  	[tilespmem:s0+$0xE0] =	vst v11  }
0xaa: {  	[tilespmem:s0+$0xF0] =	vst v12  }
0xab: {  	v5 =	vld [tilespmem:s19+$0x1080]  }
0xac: {  	v6 =	vld [tilespmem:s19+$0x1090]  }
0xad: {  	v7 =	vld [tilespmem:s19+$0x10A0]  }
0xae: {  	v8 =	vld [tilespmem:s19+$0x10B0]  }
0xaf: {  	v9 =	vld [tilespmem:s19+$0x10C0]  }
0xb0: {  	v10 =	vld [tilespmem:s19+$0x10D0]  }
0xb1: {  	v11 =	vld [tilespmem:s19+$0x10E0]  }
0xb2: {  	v12 =	vld [tilespmem:s19+$0x10F0];
	[tilespmem:s0+$0x480] =	vst v5  }
0xb3: {  	[tilespmem:s0+$0x490] =	vst v6  }
0xb4: {  	[tilespmem:s0+$0x4A0] =	vst v7  }
0xb5: {  	[tilespmem:s0+$0x4B0] =	vst v8  }
0xb6: {  	[tilespmem:s0+$0x4C0] =	vst v9  }
0xb7: {  	[tilespmem:s0+$0x4D0] =	vst v10  }
0xb8: {  	[tilespmem:s0+$0x4E0] =	vst v11  }
0xb9: {  	[tilespmem:s0+$0x4F0] =	vst v12  }
0xba: {  	v5 =	vld [tilespmem:s19+$0x1480]  }
0xbb: {  	v6 =	vld [tilespmem:s19+$0x1490]  }
0xbc: {  	v7 =	vld [tilespmem:s19+$0x14A0]  }
0xbd: {  	v8 =	vld [tilespmem:s19+$0x14B0]  }
0xbe: {  	v9 =	vld [tilespmem:s19+$0x14C0]  }
0xbf: {  	s24 =	sshll.u32 s18, $0x9;
	s3 =	sshll.u32 s18, $0x7;
	v10 =	vld [tilespmem:s19+$0x14D0]  }
0xc0: {  	s4 =	sand.u32 $0xFFFFF000, s24;
	s3 =	sand.u32 $0x380, s3;
	v11 =	vld [tilespmem:s19+$0x14E0]  }
0xc1: {  	s20 =	sor.u32 s3, s4;
	v12 =	vld [tilespmem:s19+$0x14F0];
	[tilespmem:s0+$0x880] =	vst v5  }
0xc2: {  	v13 =	vld [tilespmem:s20+$0xC80];
	[tilespmem:s0+$0x890] =	vst v6  }
0xc3: {  	v5 =	vld [tilespmem:s20+$0xC90];
	[tilespmem:s0+$0x8A0] =	vst v7  }
0xc4: {  	v6 =	vld [tilespmem:s20+$0xCA0];
	[tilespmem:s0+$0x8B0] =	vst v8  }
0xc5: {  	v7 =	vld [tilespmem:s20+$0xCB0];
	[tilespmem:s0+$0x8C0] =	vst v9  }
0xc6: {  	v8 =	vld [tilespmem:s20+$0xCC0];
	[tilespmem:s0+$0x8D0] =	vst v10  }
0xc7: {  	v9 =	vld [tilespmem:s20+$0xCD0];
	[tilespmem:s0+$0x8E0] =	vst v11  }
0xc8: {  	v10 =	vld [tilespmem:s20+$0xCE0];
	[tilespmem:s0+$0x8F0] =	vst v12  }
0xc9: {  	v11 =	vld [tilespmem:s20+$0xCF0];
	[tilespmem:s1+$0x17C80] =	vst v13  }
0xca: {  	v12 =	vld [tilespmem:s19+$0x1880];
	[tilespmem:s0+$0x10] =	vst v5  }
0xcb: {  	v5 =	vld [tilespmem:s19+$0x1890];
	[tilespmem:s0+$0x20] =	vst v6  }
0xcc: {  	s25 =	sand.u32 $0x3, s21;
	v6 =	vld [tilespmem:s19+$0x18A0];
	[tilespmem:s0+$0x30] =	vst v7  }
0xcd: {  	s1 =	sshll.u32 s25, $0x8;
	v7 =	vld [tilespmem:s19+$0x18B0];
	[tilespmem:s0+$0x40] =	vst v8  }
0xce: {  	s1 =	sadd.s32 $0x0, s1;
	v8 =	vld [tilespmem:s19+$0x18C0];
	[tilespmem:s0+$0x50] =	vst v9  }
0xcf: {  	s26 =	sadd.s32 $0x80, s1;
	v9 =	vld [tilespmem:s19+$0x18D0];
	[tilespmem:s0+$0x60] =	vst v10  }
0xd0: {  	s7 =	sor.u32 $0xC00, s26;
	v10 =	vld [tilespmem:s19+$0x18E0];
	[tilespmem:s0+$0x70] =	vst v11  }
0xd1: {  	s8 =	sor.u32 $0xC10, s26;
	v11 =	vld [tilespmem:s19+$0x18F0];
	[tilespmem:s7+$0x17C80] =	vst v12  }
0xd2: {  	s9 =	sor.u32 $0xC20, s26;
	[tilespmem:s8+$0x17C80] =	vst v5  }
0xd3: {  	s10 =	sor.u32 $0xC30, s26;
	v12 =	vld [tilespmem:s20+$0x1080];
	[tilespmem:s9+$0x17C80] =	vst v6  }
0xd4: {  	s11 =	sor.u32 $0xC40, s26;
	v5 =	vld [tilespmem:s20+$0x1090];
	[tilespmem:s10+$0x17C80] =	vst v7  }
0xd5: {  	s12 =	sor.u32 $0xC50, s26;
	v6 =	vld [tilespmem:s20+$0x10A0];
	[tilespmem:s11+$0x17C80] =	vst v8  }
0xd6: {  	v7 =	vld [tilespmem:s20+$0x10B0];
	[tilespmem:s12+$0x17C80] =	vst v9  }
0xd7: {  	v8 =	vld [tilespmem:s20+$0x10C0];
	s2 =	sld [smem:$0x3];
	_ =	sdelay $0x2  }
0xd8: {  	s14 =	sshll.u32 s2, $0x9;
	s2 =	sshll.u32 s2, $0x7  }
0xd9: {  	s13 =	sor.u32 $0xC60, s26;
	s15 =	sand.u32 $0xFFFFF000, s14;
	s2 =	sand.u32 $0x380, s2  }
0xda: {  	v9 =	vld [tilespmem:s20+$0x10D0];
	[tilespmem:s13+$0x17C80] =	vst v10;
	s2 =	sor.u32 s2, s15  }
0xdb: {  	s16 =	sld [smem:$0x2];
	v10 =	vld [tilespmem:s2+$0xC80]  }
0xdc: {  	v13 =	vld [tilespmem:s2+$0xC90]  }
0xdd: {  	v14 =	vld [tilespmem:s2+$0xCA0]  }
0xde: {  	s6 =	simm.s32 $0x400;
	s17 =	simm.s32 $0x100;
	v15 =	vld [tilespmem:s2+$0xCB0]  }
0xdf: {  	s6 =	sand.u32 $0x1000, s6;
	s4 =	sand.u32 $0x300, s17;
	v16 =	vld [tilespmem:s2+$0xCC0]  }
0xe0: {  	s4 =	sor.u32 s4, s6;
	s3 =	sor.u32 $0xC70, s26;
	v17 =	vld [tilespmem:s2+$0xCD0]  }
0xe1: {  	s22 =	sadd.s32 $0x17C80, s4;
	[tilespmem:s3+$0x17C80] =	vst v11;
	v18 =	vld [tilespmem:s2+$0xCE0]  }
0xe2: {  	v19 =	vld [tilespmem:s2+$0xCF0];
	[tilespmem:s22+$0x80] =	vst v10  }
0xe3: {  	[tilespmem:s22+$0x90] =	vst v13  }
0xe4: {  	[tilespmem:s22+$0xA0] =	vst v14  }
0xe5: {  	[tilespmem:s22+$0xB0] =	vst v15  }
0xe6: {  	[tilespmem:s22+$0xC0] =	vst v16  }
0xe7: {  	s18 =	sshll.u32 s16, $0x9;
	s5 =	sshll.u32 s16, $0x7;
	[tilespmem:s22+$0xD0] =	vst v17  }
0xe8: {  	s3 =	sand.u32 $0xFFFFF000, s18;
	s5 =	sand.u32 $0x380, s5;
	v10 =	vld [tilespmem:s20+$0x10E0];
	[tilespmem:s22+$0xE0] =	vst v18  }
0xe9: {  	s21 =	sor.u32 s5, s3;
	v13 =	vld [tilespmem:s20+$0x10F0];
	[tilespmem:s22+$0xF0] =	vst v19  }
0xea: {  	[tilespmem:s0+$0x400] =	vst v12;
	v15 =	vld [tilespmem:s21+$0xC80]  }
0xeb: {  	[tilespmem:s0+$0x410] =	vst v5;
	v14 =	vld [tilespmem:s2+$0x1080]  }
0xec: {  	[tilespmem:s0+$0x420] =	vst v6;
	v11 =	vld [tilespmem:s2+$0x1090]  }
0xed: {  	[tilespmem:s0+$0x430] =	vst v7;
	v12 =	vld [tilespmem:s2+$0x10A0]  }
0xee: {  	[tilespmem:s0+$0x440] =	vst v8;
	v5 =	vld [tilespmem:s2+$0x10B0]  }
0xef: {  	[tilespmem:s0+$0x450] =	vst v9;
	v6 =	vld [tilespmem:s2+$0x10C0]  }
0xf0: {  	v7 =	vld [tilespmem:s2+$0x10D0];
	[tilespmem:s0+$0x460] =	vst v10  }
0xf1: {  	v8 =	vld [tilespmem:s2+$0x10E0];
	[tilespmem:s0+$0x470] =	vst v13  }
0xf2: {  	v9 =	vld [tilespmem:s2+$0x10F0];
	[tilespmem:s22+$0x480] =	vst v14  }
0xf3: {  	v14 =	vld [tilespmem:s21+$0xC90];
	[tilespmem:s22+$0x490] =	vst v11  }
0xf4: {  	v11 =	vld [tilespmem:s21+$0xCA0];
	[tilespmem:s22+$0x4A0] =	vst v12  }
0xf5: {  	v12 =	vld [tilespmem:s21+$0xCB0];
	[tilespmem:s22+$0x4B0] =	vst v5  }
0xf6: {  	v5 =	vld [tilespmem:s21+$0xCC0];
	[tilespmem:s22+$0x4C0] =	vst v6  }
0xf7: {  	v6 =	vld [tilespmem:s21+$0xCD0];
	[tilespmem:s22+$0x4D0] =	vst v7  }
0xf8: {  	v7 =	vld [tilespmem:s21+$0xCE0];
	[tilespmem:s22+$0x4E0] =	vst v8  }
0xf9: {  	v8 =	vld [tilespmem:s21+$0xCF0];
	[tilespmem:s22+$0x4F0] =	vst v9  }
0xfa: {  	[tilespmem:s4+$0x17C80] =	vst v15;
	v15 =	vld [tilespmem:s20+$0x1480]  }
0xfb: {  	v9 =	vld [tilespmem:s2+$0x1480]  }
0xfc: {  	v10 =	vld [tilespmem:s2+$0x1490];
	[tilespmem:s22+$0x10] =	vst v14  }
0xfd: {  	v13 =	vld [tilespmem:s2+$0x14A0];
	[tilespmem:s22+$0x20] =	vst v11  }
0xfe: {  	v14 =	vld [tilespmem:s2+$0x14B0];
	[tilespmem:s22+$0x30] =	vst v12  }
0xff: {  	v11 =	vld [tilespmem:s2+$0x14C0];
	[tilespmem:s22+$0x40] =	vst v5  }
0x100: {  	v12 =	vld [tilespmem:s2+$0x14D0];
	[tilespmem:s22+$0x50] =	vst v6  }
0x101: {  	v5 =	vld [tilespmem:s2+$0x14E0];
	[tilespmem:s22+$0x60] =	vst v7  }
0x102: {  	v6 =	vld [tilespmem:s2+$0x14F0];
	[tilespmem:s22+$0x880] =	vst v9  }
0x103: {  	v9 =	vld [tilespmem:s20+$0x1490];
	[tilespmem:s22+$0x890] =	vst v10  }
0x104: {  	v10 =	vld [tilespmem:s20+$0x14A0];
	[tilespmem:s22+$0x8A0] =	vst v13  }
0x105: {  	v13 =	vld [tilespmem:s20+$0x14B0];
	[tilespmem:s22+$0x8B0] =	vst v14  }
0x106: {  	v14 =	vld [tilespmem:s20+$0x14C0];
	[tilespmem:s22+$0x8C0] =	vst v11  }
0x107: {  	v11 =	vld [tilespmem:s20+$0x14D0];
	[tilespmem:s22+$0x8D0] =	vst v12  }
0x108: {  	v12 =	vld [tilespmem:s20+$0x14E0];
	[tilespmem:s22+$0x8E0] =	vst v5  }
0x109: {  	v5 =	vld [tilespmem:s20+$0x14F0];
	[tilespmem:s22+$0x8F0] =	vst v6  }
0x10a: {  	[tilespmem:s22+$0x70] =	vst v8;
	v6 =	vld [tilespmem:s2+$0x1880]  }
0x10b: {  	s19 =	simm.s32 $0x1;
	[tilespmem:s0+$0x800] =	vst v15;
	v7 =	vld [tilespmem:s2+$0x1890]  }
0x10c: {  	s3 =	sand.u32 $0x3, s19;
	v8 =	vld [tilespmem:s2+$0x18A0];
	[tilespmem:s0+$0x810] =	vst v9  }
0x10d: {  	s3 =	sshll.u32 s3, $0x8;
	v9 =	vld [tilespmem:s2+$0x18B0];
	[tilespmem:s0+$0x820] =	vst v10  }
0x10e: {  	s3 =	sadd.s32 $0x400, s3;
	v10 =	vld [tilespmem:s2+$0x18C0];
	[tilespmem:s0+$0x830] =	vst v13  }
0x10f: {  	s23 =	sadd.s32 $0x80, s3;
	v13 =	vld [tilespmem:s2+$0x18D0];
	[tilespmem:s0+$0x840] =	vst v14  }
0x110: {  	s24 =	sor.u32 $0xC00, s23;
	v14 =	vld [tilespmem:s2+$0x18E0];
	[tilespmem:s0+$0x850] =	vst v11  }
0x111: {  	s25 =	sor.u32 $0xC10, s23;
	v11 =	vld [tilespmem:s2+$0x18F0];
	[tilespmem:s24+$0x17C80] =	vst v6  }
0x112: {  	s26 =	sor.u32 $0xC20, s23;
	[tilespmem:s25+$0x17C80] =	vst v7  }
0x113: {  	s4 =	sor.u32 $0xC30, s23;
	v6 =	vld [tilespmem:s21+$0x1080];
	[tilespmem:s26+$0x17C80] =	vst v8  }
0x114: {  	s6 =	sor.u32 $0xC40, s23;
	v7 =	vld [tilespmem:s21+$0x1090];
	[tilespmem:s4+$0x17C80] =	vst v9  }
0x115: {  	s7 =	sor.u32 $0xC50, s23;
	v8 =	vld [tilespmem:s21+$0x10A0];
	[tilespmem:s6+$0x17C80] =	vst v10  }
0x116: {  	v9 =	vld [tilespmem:s21+$0x10B0];
	[tilespmem:s7+$0x17C80] =	vst v13  }
0x117: {  	v10 =	vld [tilespmem:s21+$0x10C0];
	s2 =	sld [smem:$0x5];
	_ =	sdelay $0x2  }
0x118: {  	s9 =	sshll.u32 s2, $0x9;
	s2 =	sshll.u32 s2, $0x7  }
0x119: {  	s8 =	sor.u32 $0xC60, s23;
	s10 =	sand.u32 $0xFFFFF000, s9;
	s2 =	sand.u32 $0x380, s2  }
0x11a: {  	v13 =	vld [tilespmem:s21+$0x10D0];
	[tilespmem:s8+$0x17C80] =	vst v14;
	s2 =	sor.u32 s2, s10  }
0x11b: {  	s11 =	sld [smem:$0x4];
	v14 =	vld [tilespmem:s2+$0xC80]  }
0x11c: {  	v15 =	vld [tilespmem:s2+$0xC90]  }
0x11d: {  	v16 =	vld [tilespmem:s2+$0xCA0]  }
0x11e: {  	s28 =	simm.s32 $0x800;
	s26 =	simm.s32 $0x200;
	v17 =	vld [tilespmem:s2+$0xCB0]  }
0x11f: {  	s12 =	sand.u32 $0x1000, s28;
	s7 =	sand.u32 $0x300, s26;
	v18 =	vld [tilespmem:s2+$0xCC0]  }
0x120: {  	s4 =	sor.u32 s7, s12;
	v19 =	vld [tilespmem:s2+$0xCD0]  }
0x121: {  	s24 =	sadd.s32 $0x17C80, s4;
	v20 =	vld [tilespmem:s2+$0xCE0]  }
0x122: {  	v21 =	vld [tilespmem:s2+$0xCF0];
	[tilespmem:s24+$0x80] =	vst v14  }
0x123: {  	[tilespmem:s24+$0x90] =	vst v15  }
0x124: {  	[tilespmem:s24+$0xA0] =	vst v16  }
0x125: {  	[tilespmem:s24+$0xB0] =	vst v17  }
0x126: {  	[tilespmem:s24+$0xC0] =	vst v18  }
0x127: {  	[tilespmem:s24+$0xD0] =	vst v19  }
0x128: {  	v14 =	vld [tilespmem:s21+$0x10E0];
	[tilespmem:s24+$0xE0] =	vst v20  }
0x129: {  	v15 =	vld [tilespmem:s21+$0x10F0];
	[tilespmem:s24+$0xF0] =	vst v21  }
0x12a: {  	v16 =	vld [tilespmem:s2+$0x1080]  }
0x12b: {  	v17 =	vld [tilespmem:s2+$0x1090]  }
0x12c: {  	s5 =	sor.u32 $0xC70, s23;
	v18 =	vld [tilespmem:s2+$0x10A0]  }
0x12d: {  	[tilespmem:s5+$0x17C80] =	vst v11;
	v19 =	vld [tilespmem:s2+$0x10B0]  }
0x12e: {  	[tilespmem:s22+$0x400] =	vst v6;
	v20 =	vld [tilespmem:s2+$0x10C0]  }
0x12f: {  	[tilespmem:s22+$0x410] =	vst v7;
	v11 =	vld [tilespmem:s2+$0x10D0]  }
0x130: {  	s13 =	sshll.u32 s11, $0x9;
	s6 =	sshll.u32 s11, $0x7;
	v6 =	vld [tilespmem:s2+$0x10E0];
	[tilespmem:s22+$0x470] =	vst v15  }
0x131: {  	s5 =	sand.u32 $0xFFFFF000, s13;
	s6 =	sand.u32 $0x380, s6;
	v7 =	vld [tilespmem:s2+$0x10F0];
	[tilespmem:s24+$0x480] =	vst v16  }
0x132: {  	s25 =	sor.u32 s6, s5;
	[tilespmem:s24+$0x490] =	vst v17  }
0x133: {  	v15 =	vld [tilespmem:s25+$0xCE0];
	[tilespmem:s24+$0x4A0] =	vst v18  }
0x134: {  	v16 =	vld [tilespmem:s25+$0xC80];
	[tilespmem:s24+$0x4B0] =	vst v19  }
0x135: {  	v17 =	vld [tilespmem:s25+$0xC90];
	[tilespmem:s24+$0x4C0] =	vst v20  }
0x136: {  	v18 =	vld [tilespmem:s25+$0xCA0];
	[tilespmem:s24+$0x4D0] =	vst v11  }
0x137: {  	v19 =	vld [tilespmem:s25+$0xCB0];
	[tilespmem:s24+$0x4E0] =	vst v6  }
0x138: {  	v11 =	vld [tilespmem:s25+$0xCC0];
	[tilespmem:s24+$0x4F0] =	vst v7  }
0x139: {  	[tilespmem:s0+$0x860] =	vst v12;
	v7 =	vld [tilespmem:s2+$0x1480]  }
0x13a: {  	[tilespmem:s22+$0x420] =	vst v8;
	v8 =	vld [tilespmem:s2+$0x1490]  }
0x13b: {  	[tilespmem:s22+$0x430] =	vst v9;
	v9 =	vld [tilespmem:s2+$0x14A0]  }
0x13c: {  	[tilespmem:s22+$0x440] =	vst v10;
	v10 =	vld [tilespmem:s2+$0x14B0]  }
0x13d: {  	[tilespmem:s22+$0x450] =	vst v13;
	v13 =	vld [tilespmem:s2+$0x14C0]  }
0x13e: {  	[tilespmem:s22+$0x460] =	vst v14;
	v14 =	vld [tilespmem:s2+$0x14D0]  }
0x13f: {  	[tilespmem:s0+$0x870] =	vst v5;
	v12 =	vld [tilespmem:s2+$0x14E0]  }
0x140: {  	v5 =	vld [tilespmem:s2+$0x14F0];
	[tilespmem:s24+$0x880] =	vst v7  }
0x141: {  	v6 =	vld [tilespmem:s25+$0xCD0];
	[tilespmem:s24+$0x890] =	vst v8  }
0x142: {  	v20 =	vld [tilespmem:s21+$0x1480];
	[tilespmem:s24+$0x8A0] =	vst v9  }
0x143: {  	v63 =	vld [tilespmem:s21+$0x1490];
	[tilespmem:s24+$0x8B0] =	vst v10  }
0x144: {  	v22 =	vld [tilespmem:s21+$0x14A0];
	[tilespmem:s24+$0x8C0] =	vst v13  }
0x145: {  	v23 =	vld [tilespmem:s21+$0x14B0];
	[tilespmem:s24+$0x8D0] =	vst v14  }
0x146: {  	v24 =	vld [tilespmem:s21+$0x14C0];
	[tilespmem:s24+$0x8E0] =	vst v12  }
0x147: {  	v25 =	vld [tilespmem:s21+$0x14D0];
	[tilespmem:s24+$0x8F0] =	vst v5  }
0x148: {  	v7 =	vld [tilespmem:s25+$0xCF0];
	[tilespmem:s4+$0x17C80] =	vst v16  }
0x149: {  	v5 =	vld [tilespmem:s2+$0x1880];
	[tilespmem:s24+$0x10] =	vst v17  }
0x14a: {  	s23 =	simm.s32 $0x2;
	v8 =	vld [tilespmem:s2+$0x1890];
	[tilespmem:s24+$0x20] =	vst v18  }
0x14b: {  	s14 =	sand.u32 $0x3, s23;
	v14 =	vld [tilespmem:s2+$0x18A0];
	[tilespmem:s24+$0x30] =	vst v19  }
0x14c: {  	s0 =	sshll.u32 s14, $0x8;
	v16 =	vld [tilespmem:s2+$0x18B0];
	[tilespmem:s24+$0x40] =	vst v11  }
0x14d: {  	s5 =	sadd.s32 $0x800, s0;
	v17 =	vld [tilespmem:s2+$0x18C0];
	[tilespmem:s24+$0x50] =	vst v6  }
0x14e: {  	s31 =	sadd.s32 $0x80, s5;
	v18 =	vld [tilespmem:s2+$0x18D0];
	[tilespmem:s24+$0x60] =	vst v15  }
0x14f: {  	s15 =	sor.u32 $0xC00, s31;
	v12 =	vld [tilespmem:s2+$0x18E0];
	[tilespmem:s24+$0x70] =	vst v7  }
0x150: {  	s16 =	sor.u32 $0xC10, s31;
	v13 =	vld [tilespmem:s2+$0x18F0];
	[tilespmem:s15+$0x17C80] =	vst v5  }
0x151: {  	s17 =	sor.u32 $0xC20, s31;
	v10 =	vld [tilespmem:s21+$0x14E0];
	[tilespmem:s16+$0x17C80] =	vst v8  }
0x152: {  	s18 =	sor.u32 $0xC30, s31;
	v9 =	vld [tilespmem:s20+$0x1880];
	[tilespmem:s17+$0x17C80] =	vst v14  }
0x153: {  	s19 =	sor.u32 $0xC40, s31;
	v11 =	vld [tilespmem:s21+$0x14F0];
	[tilespmem:s18+$0x17C80] =	vst v16  }
0x154: {  	s9 =	sor.u32 $0xC00, s3;
	v6 =	vld [tilespmem:s20+$0x18A0];
	[tilespmem:s19+$0x17C80] =	vst v17  }
0x155: {  	s8 =	sor.u32 $0xC50, s31;
	v5 =	vld [tilespmem:s20+$0x1890];
	[dreg:$0xa] =	wrdreg s9  }
0x156: {  	s11 =	sor.u32 $0xC10, s3;
	[tilespmem:s8+$0x17C80] =	vst v18  }
0x157: {  	s13 =	sor.u32 $0xC20, s3;
	v7 =	vld [tilespmem:s20+$0x18B0];
	[dreg:$0x15] =	wrdreg s11  }
0x158: {  	s15 =	sor.u32 $0xC30, s3;
	[dreg:$0xb] =	wrdreg s13  }
0x159: {  	[dreg:$0x4] =	wrdreg s15  }
0x15a: {  	s7 =	sor.u32 $0xC20, s1;
	s12 =	sor.u32 $0xC40, s1;
	[tilespmem:s22+$0x800] =	vst v20  }
0x15b: {  	s14 =	sor.u32 $0xC70, s1;
	s10 =	sor.u32 $0xC50, s1;
	s16 =	sor.u32 $0xC50, s3;
	v8 =	vld [tilespmem:s20+$0x18C0];
	[tilespmem:s22+$0x810] =	vst v63  }
0x15c: {  	s6 =	sor.u32 $0xC10, s1;
	s17 =	sor.u32 $0xC60, s3;
	v14 =	vld [tilespmem:s25+$0x1080];
	[dreg:$0x16] =	wrdreg s16  }
0x15d: {  	s29 =	sor.u32 $0xC10, s5;
	s19 =	sor.u32 $0xC70, s3;
	[dreg:$0xc] =	wrdreg s17  }
0x15e: {  	s30 =	sor.u32 $0xC20, s5;
	s4 =	sor.u32 $0xC30, s1;
	[dreg:$0x5] =	wrdreg s19  }
0x15f: {  	s2 =	sor.u32 $0xC00, s1;
	s18 =	sor.u32 $0xC60, s1;
	s9 =	sor.u32 $0xC60, s31;
	[tilespmem:s22+$0x820] =	vst v22;
	v15 =	vld [tilespmem:s25+$0x1090]  }
0x160: {  	s8 =	sor.u32 $0xC70, s5;
	s13 =	sor.u32 $0xC40, s3;
	s11 =	sor.u32 $0xC00, s5;
	[tilespmem:s22+$0x830] =	vst v23;
	v16 =	vld [tilespmem:s25+$0x10A0]  }
0x161: {  	s3 =	sor.u32 $0xC30, s5;
	s15 =	sor.u32 $0xC40, s5;
	s16 =	sor.u32 $0xC50, s5;
	[tilespmem:s22+$0x840] =	vst v24;
	v17 =	vld [tilespmem:s25+$0x10B0]  }
0x162: {  	s17 =	sor.u32 $0xC60, s5;
	s19 =	simm.s32 $0x4;
	s5 =	simm.s32 $0x7;
	[tilespmem:s22+$0x850] =	vst v25;
	v18 =	vld [tilespmem:s25+$0x10C0]  }
.LBB2_5:
0x163: {  	s0 =	sld [smem:s5+$0x0];
	v19 =	vld [tilespmem:s25+$0x10D0];
	[tilespmem:s9+$0x17C80] =	vst v12;
	s1 =	sor.u32 $0xC70, s31  }
0x164: {  	v12 =	vld [tilespmem:s25+$0x10E0];
	[tilespmem:s1+$0x17C80] =	vst v13  }
0x165: {  	v13 =	vld [tilespmem:s25+$0x10F0];
	[tilespmem:s24+$0x400] =	vst v14  }
0x166: {  	s9 =	sshll.u32 s0, $0x9;
	s0 =	sshll.u32 s0, $0x7;
	[tilespmem:s24+$0x410] =	vst v15  }
0x167: {  	s9 =	sand.u32 $0xFFFFF000, s9;
	s0 =	sand.u32 $0x380, s0;
	v14 =	vld [tilespmem:s20+$0x18D0];
	[tilespmem:s24+$0x420] =	vst v16  }
0x168: {  	s31 =	sld [smem:s5+$0xFFFFFFFF];
	s9 =	sor.u32 s0, s9;
	v15 =	vld [tilespmem:s20+$0x18E0]  }
0x169: {  	[tilespmem:s24+$0x430] =	vst v17;
	v17 =	vld [tilespmem:s9+$0xC80]  }
0x16a: {  	v16 =	vld [tilespmem:s20+$0x18F0];
	[tilespmem:s24+$0x440] =	vst v18  }
0x16b: {  	s26 =	sadd.s32 $0x100, s26;
	s1 =	sshll.u32 s31, $0x9;
	v18 =	vld [tilespmem:s9+$0xC90];
	[tilespmem:s24+$0x450] =	vst v19  }
0x16c: {  	s28 =	sadd.s32 $0x400, s28;
	s31 =	sshll.u32 s31, $0x7;
	s1 =	sand.u32 $0xFFFFF000, s1;
	v19 =	vld [tilespmem:s9+$0xCA0];
	[tilespmem:s24+$0x460] =	vst v12  }
0x16d: {  	s0 =	sand.u32 $0x380, s31;
	s20 =	smov.u32 s21;
	s21 =	smov.u32 s25;
	v12 =	vld [tilespmem:s9+$0xCB0];
	[tilespmem:s24+$0x470] =	vst v13  }
0x16e: {  	s25 =	sor.u32 s0, s1;
	s0 =	sand.u32 $0x1000, s28;
	s1 =	sand.u32 $0x300, s26;
	v13 =	vld [tilespmem:s9+$0xCC0];
	[tilespmem:s22+$0x860] =	vst v10  }
0x16f: {  	v10 =	vld [tilespmem:s9+$0xCD0];
	[tilespmem:s22+$0x870] =	vst v11;
	s31 =	sor.u32 s1, s0  }
0x170: {  	s22 =	smov.u32 s24;
	v11 =	vld [tilespmem:s9+$0xCE0];
	[tilespmem:s2+$0x17C80] =	vst v9;
	s24 =	sadd.s32 $0x17C80, s31  }
0x171: {  	v9 =	vld [tilespmem:s9+$0xCF0];
	[tilespmem:s24+$0x80] =	vst v17  }
0x172: {  	v17 =	vld [tilespmem:s25+$0xC80];
	[tilespmem:s24+$0x90] =	vst v18  }
0x173: {  	v18 =	vld [tilespmem:s25+$0xC90];
	[tilespmem:s24+$0xA0] =	vst v19  }
0x174: {  	v19 =	vld [tilespmem:s25+$0xCA0];
	[tilespmem:s24+$0xB0] =	vst v12  }
0x175: {  	v12 =	vld [tilespmem:s25+$0xCB0];
	[tilespmem:s24+$0xC0] =	vst v13  }
0x176: {  	v13 =	vld [tilespmem:s25+$0xCC0];
	[tilespmem:s24+$0xD0] =	vst v10  }
0x177: {  	v10 =	vld [tilespmem:s25+$0xCD0];
	[tilespmem:s24+$0xE0] =	vst v11  }
0x178: {  	v11 =	vld [tilespmem:s25+$0xCE0];
	[tilespmem:s24+$0xF0] =	vst v9  }
0x179: {  	[tilespmem:s6+$0x17C80] =	vst v5;
	v9 =	vld [tilespmem:s9+$0x1080]  }
0x17a: {  	v5 =	vld [tilespmem:s9+$0x1090];
	[tilespmem:s7+$0x17C80] =	vst v6  }
0x17b: {  	v6 =	vld [tilespmem:s9+$0x10A0];
	[tilespmem:s4+$0x17C80] =	vst v7  }
0x17c: {  	v7 =	vld [tilespmem:s9+$0x10B0];
	[tilespmem:s12+$0x17C80] =	vst v8  }
0x17d: {  	v8 =	vld [tilespmem:s9+$0x10C0];
	[tilespmem:s10+$0x17C80] =	vst v14  }
0x17e: {  	v14 =	vld [tilespmem:s9+$0x10D0];
	[tilespmem:s18+$0x17C80] =	vst v15  }
0x17f: {  	v15 =	vld [tilespmem:s9+$0x10E0];
	[tilespmem:s14+$0x17C80] =	vst v16  }
0x180: {  	v16 =	vld [tilespmem:s9+$0x10F0];
	[tilespmem:s24+$0x480] =	vst v9  }
0x181: {  	[tilespmem:s24+$0x490] =	vst v5;
	v20 =	vld [tilespmem:s25+$0xCF0]  }
0x182: {  	[tilespmem:s24+$0x4A0] =	vst v6;
	v21 =	vld [tilespmem:s21+$0x1480]  }
0x183: {  	[tilespmem:s24+$0x4B0] =	vst v7;
	v22 =	vld [tilespmem:s21+$0x1490]  }
0x184: {  	v23 =	vld [tilespmem:s21+$0x14A0];
	[tilespmem:s24+$0x4C0] =	vst v8  }
0x185: {  	[tilespmem:s24+$0x4D0] =	vst v14;
	v14 =	vld [tilespmem:s21+$0x14B0]  }
0x186: {  	[tilespmem:s24+$0x4E0] =	vst v15;
	v15 =	vld [tilespmem:s21+$0x14C0]  }
0x187: {  	[tilespmem:s24+$0x4F0] =	vst v16;
	v16 =	vld [tilespmem:s21+$0x14D0]  }
0x188: {  	[tilespmem:s31+$0x17C80] =	vst v17;
	v5 =	vld [tilespmem:s9+$0x1480]  }
0x189: {  	[tilespmem:s24+$0x40] =	vst v13;
	v6 =	vld [tilespmem:s9+$0x1490]  }
0x18a: {  	[tilespmem:s24+$0x50] =	vst v10;
	v7 =	vld [tilespmem:s9+$0x14A0]  }
0x18b: {  	[tilespmem:s24+$0x60] =	vst v11;
	v8 =	vld [tilespmem:s9+$0x14B0]  }
0x18c: {  	[tilespmem:s24+$0x30] =	vst v12;
	v12 =	vld [tilespmem:s9+$0x14C0]  }
0x18d: {  	[tilespmem:s24+$0x10] =	vst v18;
	v13 =	vld [tilespmem:s9+$0x14D0]  }
0x18e: {  	[tilespmem:s24+$0x20] =	vst v19;
	v17 =	vld [tilespmem:s9+$0x14E0]  }
0x18f: {  	v18 =	vld [tilespmem:s9+$0x14F0];
	[tilespmem:s24+$0x880] =	vst v5  }
0x190: {  	s1 =	rddreg [dreg:$0xa];
	v10 =	vld [tilespmem:s21+$0x14E0];
	[tilespmem:s24+$0x890] =	vst v6  }
0x191: {  	s2 =	smov.u32 s1;
	s1 =	smov.u32 s11;
	s11 =	rddreg [dreg:$0x15];
	v11 =	vld [tilespmem:s21+$0x14F0];
	[tilespmem:s24+$0x8A0] =	vst v7  }
0x192: {  	[dreg:$0xa] =	wrdreg s1;
	s1 =	smov.u32 s29;
	v9 =	vld [tilespmem:s20+$0x1880];
	[tilespmem:s24+$0x8B0] =	vst v8  }
0x193: {  	[dreg:$0x15] =	wrdreg s1;
	[tilespmem:s24+$0x8C0] =	vst v12;
	v5 =	vld [tilespmem:s20+$0x1890]  }
0x194: {  	s1 =	smov.u32 s30;
	s6 =	smov.u32 s11;
	s11 =	rddreg [dreg:$0xb];
	[tilespmem:s24+$0x8D0] =	vst v13;
	v6 =	vld [tilespmem:s20+$0x18A0]  }
0x195: {  	s19 =	sadd.s32 $0x2, s19;
	[dreg:$0xb] =	wrdreg s1;
	[tilespmem:s24+$0x8E0] =	vst v17;
	v7 =	vld [tilespmem:s20+$0x18B0]  }
0x196: {  	s23 =	sadd.s32 $0x1, s23;
	s1 =	smov.u32 s3;
	s3 =	rddreg [dreg:$0x16];
	[tilespmem:s24+$0x8F0] =	vst v18;
	v8 =	vld [tilespmem:s20+$0x18C0]  }
0x197: {  	s5 =	sadd.s32 $0x2, s5;
	s7 =	smov.u32 s11;
	s11 =	rddreg [dreg:$0x4];
	[tilespmem:s24+$0x70] =	vst v20;
	v17 =	vld [tilespmem:s9+$0x1880]  }
0x198: {  	[dreg:$0x4] =	wrdreg s1;
	s1 =	smov.u32 s8;
	s4 =	smov.u32 s11;
	[tilespmem:s22+$0x800] =	vst v21;
	v18 =	vld [tilespmem:s9+$0x1890]  }
0x199: {  	s11 =	smov.u32 s16;
	s10 =	smov.u32 s3;
	s3 =	sand.u32 $0x3, s23;
	[tilespmem:s22+$0x810] =	vst v22;
	v19 =	vld [tilespmem:s9+$0x18A0]  }
0x19a: {  	s16 =	smov.u32 s17;
	s17 =	rddreg [dreg:$0x5];
	s0 =	sshll.u32 s3, $0x8;
	[tilespmem:s22+$0x820] =	vst v23;
	v20 =	vld [tilespmem:s9+$0x18B0]  }
0x19b: {  	p1 =	slt.u32 s19, $0xE;
	[dreg:$0x5] =	wrdreg s1;
	s0 =	sadd.s32 s0, s28;
	[tilespmem:s22+$0x830] =	vst v14;
	v62 =	vld [tilespmem:s9+$0x18C0]  }
0x19c: {  	s12 =	smov.u32 s13;
	[dreg:$0x16] =	wrdreg s11;
	s31 =	sadd.s32 $0x80, s0;
	[tilespmem:s22+$0x840] =	vst v15;
	v63 =	vld [tilespmem:s9+$0x18D0]  }
0x19d: {  	s13 =	smov.u32 s15;
	s15 =	rddreg [dreg:$0xc];
	s8 =	sor.u32 $0xC00, s31;
	[tilespmem:s22+$0x850] =	vst v16;
	v12 =	vld [tilespmem:s9+$0x18E0]  }
0x19e: {  	[dreg:$0xc] =	wrdreg s16;
	s18 =	smov.u32 s15;
	v13 =	vld [tilespmem:s9+$0x18F0];
	s9 =	sor.u32 $0xC10, s31;
	[tilespmem:s8+$0x17C80] =	vst v17  }
.Ltmp1:
0x19f: {  	s14 =	smov.u32 s17;
	s1 =	sor.u32 $0xC20, s31;
	v14 =	vld [tilespmem:s25+$0x1080];
	[tilespmem:s9+$0x17C80] =	vst v18;
	(pc) =	sbr.rel @p1 .LBB2_5-.Ltmp1, $4  }
0x1a0: {  	s11 =	sor.u32 $0xC00, s0;
	s29 =	sor.u32 $0xC10, s0;
	v15 =	vld [tilespmem:s25+$0x1090];
	s9 =	sor.u32 $0xC30, s31;
	[tilespmem:s1+$0x17C80] =	vst v19  }
0x1a1: {  	s30 =	sor.u32 $0xC20, s0;
	s3 =	sor.u32 $0xC30, s0;
	v16 =	vld [tilespmem:s25+$0x10A0];
	s1 =	sor.u32 $0xC40, s31;
	[tilespmem:s9+$0x17C80] =	vst v20  }
0x1a2: {  	s15 =	sor.u32 $0xC40, s0;
	s16 =	sor.u32 $0xC50, s0;
	v17 =	vld [tilespmem:s25+$0x10B0];
	s9 =	sor.u32 $0xC50, s31;
	[tilespmem:s1+$0x17C80] =	vst v62  }
0x1a3: {  	s17 =	sor.u32 $0xC60, s0;
	s8 =	sor.u32 $0xC70, s0;
	v18 =	vld [tilespmem:s25+$0x10C0];
	[tilespmem:s9+$0x17C80] =	vst v63;
	s9 =	sor.u32 $0xC60, s31  }
0x1a4: {  	[tilespmem:s9+$0x17C80] =	vst v12  }
0x1a5: {  	[tilespmem:s22+$0x860] =	vst v10  }
0x1a6: {  	s0 =	sor.u32 $0xC70, s31;
	v12 =	vld [tilespmem:s25+$0x10D0];
	[tilespmem:s22+$0x870] =	vst v11  }
0x1a7: {  	v10 =	vld [tilespmem:s25+$0x10F0];
	[tilespmem:s0+$0x17C80] =	vst v13  }
0x1a8: {  	v13 =	vld [tilespmem:s25+$0x10E0];
	[tilespmem:s24+$0x400] =	vst v14  }
0x1a9: {  	[tilespmem:s24+$0x410] =	vst v15  }
0x1aa: {  	[tilespmem:s24+$0x420] =	vst v16  }
0x1ab: {  	[tilespmem:s24+$0x430] =	vst v17  }
0x1ac: {  	[tilespmem:s24+$0x440] =	vst v18  }
0x1ad: {  	v11 =	vld [tilespmem:s20+$0x18D0];
	[tilespmem:s24+$0x450] =	vst v12  }
0x1ae: {  	v12 =	vld [tilespmem:s20+$0x18E0];
	[tilespmem:s24+$0x470] =	vst v10  }
0x1af: {  	[tilespmem:s24+$0x460] =	vst v13;
	v13 =	vld [tilespmem:s20+$0x18F0]  }
0x1b0: {  	[tilespmem:s2+$0x17C80] =	vst v9;
	v9 =	vld [tilespmem:s25+$0x1480]  }
0x1b1: {  	[tilespmem:s6+$0x17C80] =	vst v5;
	v5 =	vld [tilespmem:s25+$0x1490]  }
0x1b2: {  	v10 =	vld [tilespmem:s25+$0x14D0];
	[tilespmem:s7+$0x17C80] =	vst v6  }
0x1b3: {  	v6 =	vld [tilespmem:s25+$0x14A0];
	[tilespmem:s4+$0x17C80] =	vst v7  }
0x1b4: {  	v7 =	vld [tilespmem:s25+$0x14B0];
	[tilespmem:s12+$0x17C80] =	vst v8  }
0x1b5: {  	v8 =	vld [tilespmem:s25+$0x14C0];
	[tilespmem:s10+$0x17C80] =	vst v11  }
0x1b6: {  	v11 =	vld [tilespmem:s25+$0x14E0];
	[tilespmem:s18+$0x17C80] =	vst v12  }
0x1b7: {  	v12 =	vld [tilespmem:s25+$0x14F0];
	[tilespmem:s24+$0x800] =	vst v9  }
0x1b8: {  	[tilespmem:s24+$0x810] =	vst v5  }
0x1b9: {  	[tilespmem:s24+$0x850] =	vst v10  }
0x1ba: {  	v9 =	vld [tilespmem:s21+$0x1890];
	[tilespmem:s14+$0x17C80] =	vst v13  }
0x1bb: {  	v5 =	vld [tilespmem:s21+$0x18A0];
	[tilespmem:s24+$0x820] =	vst v6  }
0x1bc: {  	v13 =	vld [tilespmem:s21+$0x1880];
	[tilespmem:s24+$0x830] =	vst v7  }
0x1bd: {  	v10 =	vld [tilespmem:s21+$0x18E0];
	[tilespmem:s24+$0x840] =	vst v8  }
0x1be: {  	v6 =	vld [tilespmem:s21+$0x18B0];
	[tilespmem:s24+$0x860] =	vst v11  }
0x1bf: {  	v7 =	vld [tilespmem:s21+$0x18C0];
	[tilespmem:s24+$0x870] =	vst v12  }
0x1c0: {  	v8 =	vld [tilespmem:s21+$0x18D0];
	s0 =	rddreg [dreg:$0xa]  }
0x1c1: {  	v11 =	vld [tilespmem:s21+$0x18F0];
	[tilespmem:s0+$0x17C80] =	vst v13  }
0x1c2: {  	s0 =	rddreg [dreg:$0x15]  }
0x1c3: {  	[tilespmem:s0+$0x17C80] =	vst v9  }
0x1c4: {  	s0 =	rddreg [dreg:$0xb]  }
0x1c5: {  	[tilespmem:s0+$0x17C80] =	vst v5  }
0x1c6: {  	s0 =	rddreg [dreg:$0x4]  }
0x1c7: {  	[tilespmem:s0+$0x17C80] =	vst v6  }
0x1c8: {  	v12 =	vld [tilespmem:s25+$0x1880];
	[tilespmem:s13+$0x17C80] =	vst v7  }
0x1c9: {  	v9 =	vld [tilespmem:s25+$0x1890];
	s0 =	rddreg [dreg:$0x16]  }
0x1ca: {  	v5 =	vld [tilespmem:s25+$0x18A0];
	[tilespmem:s0+$0x17C80] =	vst v8  }
0x1cb: {  	v6 =	vld [tilespmem:s25+$0x18B0];
	s0 =	rddreg [dreg:$0xc]  }
0x1cc: {  	v7 =	vld [tilespmem:s25+$0x18C0];
	[tilespmem:s0+$0x17C80] =	vst v10  }
0x1cd: {  	v8 =	vld [tilespmem:s25+$0x18D0];
	s0 =	rddreg [dreg:$0x5]  }
0x1ce: {  	v10 =	vld [tilespmem:s25+$0x18E0];
	[tilespmem:s0+$0x17C80] =	vst v11  }
0x1cf: {  	v11 =	vld [tilespmem:s25+$0x18F0];
	[tilespmem:s11+$0x17C80] =	vst v12  }
0x1d0: {  	[tilespmem:s29+$0x17C80] =	vst v9  }
0x1d1: {  	[tilespmem:s30+$0x17C80] =	vst v5  }
0x1d2: {  	[tilespmem:s3+$0x17C80] =	vst v6  }
0x1d3: {  	[tilespmem:s15+$0x17C80] =	vst v7  }
0x1d4: {  	[tilespmem:s16+$0x17C80] =	vst v8  }
0x1d5: {  	s0 =	sld [smem:$0x7F9]  }
0x1d6: {  	s1 =	sld [smem:$0x7F2];
	_ =	sdelay $0x2  }
0x1d7: {  	s0 =	sadd.s32 s1, s0  }
0x1d8: {  	s4 =	rddreg [dreg:$0x1];
	[tilespmem:s17+$0x17C80] =	vst v10;
	s1 =	sshll.u32 s0, $0x6  }
0x1d9: {  	s5 =	simm.s32 $0x0;
	s6 =	simm.s32 $0x17C80;
	[tilespmem:s8+$0x17C80] =	vst v11;
	s0 =	sadd.s32 s4, s1  }
0x1da: {  	[hbm4b:s0+s5] =	stream.linear.scatter [tilespmem:s6], [sflag:$0x3], $0x2000, $0x38;
	[tilespmem:$0x1BC80] =	vst v63  }
0x1db: {  	[smem:$0x7EF] =	sst s1;
	s0 =	simm.s32 @!p0 $0x4  }
0x1dc: {  	_ =	swait.ge @!p0 [sflag:s0], $0x2000  }
0x1dd: {  	s7 =	sld [smem:$0x7F3]  }
0x1de: {  	[sflag:s0] =	ssyncset.done @!p0 $0x0  }
0x1df: {  	[sflag:s0] =	ssyncadd.s32 @!p0 $0xFFFFE000  }
0x1e0: {  	v5 =	vld [tilespmem:s7+$0x50];
	_ =	sdelay $0x4  }
0x1e1: {  	v5 =	vsub.s32 v5, v0  }
0x1e2: {  	(v2sf) =	vpush v5, $0x0  }
0x1e3: {  	(v2sf) =	vpush v5, $0x1  }
0x1e4: {  	(v2sf) =	vpush v5, $0x2  }
0x1e5: {  	(v2sf) =	vpush v5, $0x3  }
0x1e6: {  	(v2sf) =	vpush v5, $0x4  }
0x1e7: {  	(v2sf) =	vpush v5, $0x5  }
0x1e8: {  	(v2sf) =	vpush v5, $0x6  }
0x1e9: {  	(v2sf) =	vpush v5, $0x7  }
0x1ea: {  	(v2sf) =	vpush v5, $0x8  }
0x1eb: {  	(v2sf) =	vpush v5, $0x9  }
0x1ec: {  	(v2sf) =	vpush v5, $0xA  }
0x1ed: {  	(v2sf) =	vpush v5, $0xB  }
0x1ee: {  	(v2sf) =	vpush v5, $0xC  }
0x1ef: {  	(v2sf) =	vpush v5, $0xD  }
0x1f0: {  	(v2sf) =	vpush v5, $0xE  }
0x1f1: {  	s8 =	spop (v2sf);
	(v2sf) =	vpush v5, $0xF  }
0x1f2: {  	s9 =	spop (v2sf);
	[smem:$0x0] =	sst s8  }
0x1f3: {  	s10 =	spop (v2sf);
	[smem:$0x1] =	sst s9  }
0x1f4: {  	s11 =	spop (v2sf);
	[smem:$0x2] =	sst s10  }
0x1f5: {  	s12 =	spop (v2sf);
	[smem:$0x3] =	sst s11  }
0x1f6: {  	s13 =	spop (v2sf);
	[smem:$0x4] =	sst s12  }
0x1f7: {  	s14 =	spop (v2sf);
	[smem:$0x5] =	sst s13  }
0x1f8: {  	s15 =	spop (v2sf);
	[smem:$0x6] =	sst s14  }
0x1f9: {  	s16 =	spop (v2sf);
	[smem:$0x7] =	sst s15  }
0x1fa: {  	s17 =	spop (v2sf);
	[smem:$0x8] =	sst s16  }
0x1fb: {  	s18 =	spop (v2sf);
	[smem:$0x9] =	sst s17  }
0x1fc: {  	s19 =	spop (v2sf);
	[smem:$0xA] =	sst s18  }
0x1fd: {  	s20 =	spop (v2sf);
	[smem:$0xB] =	sst s19  }
0x1fe: {  	s21 =	spop (v2sf);
	[smem:$0xC] =	sst s20  }
0x1ff: {  	s22 =	spop (v2sf);
	[smem:$0xD] =	sst s21  }
0x200: {  	[smem:$0xE] =	sst s22;
	s23 =	spop (v2sf)  }
0x201: {  	[smem:$0xF] =	sst s23  }
0x202: {  	s0 =	sld [smem:$0x1];
	_ =	sdelay $0x2  }
0x203: {  	s24 =	sshll.u32 s0, $0x9;
	s0 =	sshll.u32 s0, $0x7  }
0x204: {  	s1 =	sand.u32 $0xFFFFF000, s24;
	s0 =	sand.u32 $0x380, s0  }
0x205: {  	s26 =	sor.u32 s0, s1  }
0x206: {  	s25 =	sld [smem:$0x0];
	v5 =	vld [tilespmem:s26+$0xC80]  }
0x207: {  	v6 =	vld [tilespmem:s26+$0xC90]  }
0x208: {  	v7 =	vld [tilespmem:s26+$0xCA0]  }
0x209: {  	s6 =	simm.s32 $0x0;
	v8 =	vld [tilespmem:s26+$0xCB0]  }
0x20a: {  	s7 =	sand.u32 $0x1000, s6;
	s8 =	sand.u32 $0x300, s6;
	v9 =	vld [tilespmem:s26+$0xCC0]  }
0x20b: {  	s4 =	sor.u32 s8, s7;
	v10 =	vld [tilespmem:s26+$0xCD0]  }
0x20c: {  	s0 =	sadd.s32 $0x19C80, s4;
	v11 =	vld [tilespmem:s26+$0xCE0]  }
0x20d: {  	v12 =	vld [tilespmem:s26+$0xCF0];
	[tilespmem:s0+$0x80] =	vst v5  }
0x20e: {  	[tilespmem:s0+$0x90] =	vst v6  }
0x20f: {  	[tilespmem:s0+$0xA0] =	vst v7  }
0x210: {  	[tilespmem:s0+$0xB0] =	vst v8  }
0x211: {  	[tilespmem:s0+$0xC0] =	vst v9  }
0x212: {  	[tilespmem:s0+$0xD0] =	vst v10  }
0x213: {  	[tilespmem:s0+$0xE0] =	vst v11  }
0x214: {  	[tilespmem:s0+$0xF0] =	vst v12  }
0x215: {  	v5 =	vld [tilespmem:s26+$0x1080]  }
0x216: {  	v6 =	vld [tilespmem:s26+$0x1090]  }
0x217: {  	v7 =	vld [tilespmem:s26+$0x10A0]  }
0x218: {  	v8 =	vld [tilespmem:s26+$0x10B0]  }
0x219: {  	v9 =	vld [tilespmem:s26+$0x10C0]  }
0x21a: {  	v10 =	vld [tilespmem:s26+$0x10D0]  }
0x21b: {  	v11 =	vld [tilespmem:s26+$0x10E0]  }
0x21c: {  	v12 =	vld [tilespmem:s26+$0x10F0];
	[tilespmem:s0+$0x480] =	vst v5  }
0x21d: {  	[tilespmem:s0+$0x490] =	vst v6  }
0x21e: {  	[tilespmem:s0+$0x4A0] =	vst v7  }
0x21f: {  	[tilespmem:s0+$0x4B0] =	vst v8  }
0x220: {  	[tilespmem:s0+$0x4C0] =	vst v9  }
0x221: {  	[tilespmem:s0+$0x4D0] =	vst v10  }
0x222: {  	[tilespmem:s0+$0x4E0] =	vst v11  }
0x223: {  	[tilespmem:s0+$0x4F0] =	vst v12  }
0x224: {  	v5 =	vld [tilespmem:s26+$0x1480]  }
0x225: {  	v6 =	vld [tilespmem:s26+$0x1490]  }
0x226: {  	v7 =	vld [tilespmem:s26+$0x14A0]  }
0x227: {  	v8 =	vld [tilespmem:s26+$0x14B0]  }
0x228: {  	v9 =	vld [tilespmem:s26+$0x14C0]  }
0x229: {  	s5 =	sshll.u32 s25, $0x9;
	s3 =	sshll.u32 s25, $0x7;
	v10 =	vld [tilespmem:s26+$0x14D0]  }
0x22a: {  	s5 =	sand.u32 $0xFFFFF000, s5;
	s3 =	sand.u32 $0x380, s3;
	v11 =	vld [tilespmem:s26+$0x14E0]  }
0x22b: {  	s21 =	sor.u32 s3, s5;
	v12 =	vld [tilespmem:s26+$0x14F0];
	[tilespmem:s0+$0x880] =	vst v5  }
0x22c: {  	v13 =	vld [tilespmem:s21+$0xC80];
	[tilespmem:s0+$0x890] =	vst v6  }
0x22d: {  	v5 =	vld [tilespmem:s21+$0xC90];
	[tilespmem:s0+$0x8A0] =	vst v7  }
0x22e: {  	v6 =	vld [tilespmem:s21+$0xCA0];
	[tilespmem:s0+$0x8B0] =	vst v8  }
0x22f: {  	v7 =	vld [tilespmem:s21+$0xCB0];
	[tilespmem:s0+$0x8C0] =	vst v9  }
0x230: {  	v8 =	vld [tilespmem:s21+$0xCC0];
	[tilespmem:s0+$0x8D0] =	vst v10  }
0x231: {  	v9 =	vld [tilespmem:s21+$0xCD0];
	[tilespmem:s0+$0x8E0] =	vst v11  }
0x232: {  	v10 =	vld [tilespmem:s21+$0xCE0];
	[tilespmem:s0+$0x8F0] =	vst v12  }
0x233: {  	v11 =	vld [tilespmem:s21+$0xCF0];
	[tilespmem:s4+$0x19C80] =	vst v13  }
0x234: {  	v12 =	vld [tilespmem:s26+$0x1880];
	[tilespmem:s0+$0x10] =	vst v5  }
0x235: {  	v5 =	vld [tilespmem:s26+$0x1890];
	[tilespmem:s0+$0x20] =	vst v6  }
0x236: {  	s1 =	sand.u32 $0x3, s6;
	v6 =	vld [tilespmem:s26+$0x18A0];
	[tilespmem:s0+$0x30] =	vst v7  }
0x237: {  	s1 =	sshll.u32 s1, $0x8;
	v7 =	vld [tilespmem:s26+$0x18B0];
	[tilespmem:s0+$0x40] =	vst v8  }
0x238: {  	s1 =	sadd.s32 $0x0, s1;
	v8 =	vld [tilespmem:s26+$0x18C0];
	[tilespmem:s0+$0x50] =	vst v9  }
0x239: {  	s9 =	sadd.s32 $0x80, s1;
	v9 =	vld [tilespmem:s26+$0x18D0];
	[tilespmem:s0+$0x60] =	vst v10  }
0x23a: {  	s10 =	sor.u32 $0xC00, s9;
	v10 =	vld [tilespmem:s26+$0x18E0];
	[tilespmem:s0+$0x70] =	vst v11  }
0x23b: {  	s11 =	sor.u32 $0xC10, s9;
	v11 =	vld [tilespmem:s26+$0x18F0];
	[tilespmem:s10+$0x19C80] =	vst v12  }
0x23c: {  	s12 =	sor.u32 $0xC20, s9;
	[tilespmem:s11+$0x19C80] =	vst v5  }
0x23d: {  	s13 =	sor.u32 $0xC30, s9;
	v12 =	vld [tilespmem:s21+$0x1080];
	[tilespmem:s12+$0x19C80] =	vst v6  }
0x23e: {  	s14 =	sor.u32 $0xC40, s9;
	v5 =	vld [tilespmem:s21+$0x1090];
	[tilespmem:s13+$0x19C80] =	vst v7  }
0x23f: {  	s15 =	sor.u32 $0xC50, s9;
	v6 =	vld [tilespmem:s21+$0x10A0];
	[tilespmem:s14+$0x19C80] =	vst v8  }
0x240: {  	v7 =	vld [tilespmem:s21+$0x10B0];
	[tilespmem:s15+$0x19C80] =	vst v9  }
0x241: {  	v8 =	vld [tilespmem:s21+$0x10C0];
	s2 =	sld [smem:$0x3];
	_ =	sdelay $0x2  }
0x242: {  	s17 =	sshll.u32 s2, $0x9;
	s2 =	sshll.u32 s2, $0x7  }
0x243: {  	s16 =	sor.u32 $0xC60, s9;
	s18 =	sand.u32 $0xFFFFF000, s17;
	s2 =	sand.u32 $0x380, s2  }
0x244: {  	v9 =	vld [tilespmem:s21+$0x10D0];
	[tilespmem:s16+$0x19C80] =	vst v10;
	s2 =	sor.u32 s2, s18  }
0x245: {  	s19 =	sld [smem:$0x2];
	v10 =	vld [tilespmem:s2+$0xC80]  }
0x246: {  	v13 =	vld [tilespmem:s2+$0xC90]  }
0x247: {  	v14 =	vld [tilespmem:s2+$0xCA0]  }
0x248: {  	s20 =	simm.s32 $0x100;
	s22 =	simm.s32 $0x400;
	v15 =	vld [tilespmem:s2+$0xCB0]  }
0x249: {  	s6 =	sand.u32 $0x1000, s22;
	s4 =	sand.u32 $0x300, s20;
	v16 =	vld [tilespmem:s2+$0xCC0]  }
0x24a: {  	s3 =	sor.u32 $0xC70, s9;
	s4 =	sor.u32 s4, s6;
	v17 =	vld [tilespmem:s2+$0xCD0]  }
0x24b: {  	s24 =	sadd.s32 $0x19C80, s4;
	[tilespmem:s3+$0x19C80] =	vst v11;
	v18 =	vld [tilespmem:s2+$0xCE0]  }
0x24c: {  	v19 =	vld [tilespmem:s2+$0xCF0];
	[tilespmem:s24+$0x80] =	vst v10  }
0x24d: {  	[tilespmem:s24+$0x90] =	vst v13  }
0x24e: {  	[tilespmem:s24+$0xA0] =	vst v14  }
0x24f: {  	[tilespmem:s24+$0xB0] =	vst v15  }
0x250: {  	[tilespmem:s24+$0xC0] =	vst v16  }
0x251: {  	s23 =	sshll.u32 s19, $0x9;
	s5 =	sshll.u32 s19, $0x7;
	[tilespmem:s24+$0xD0] =	vst v17  }
0x252: {  	s3 =	sand.u32 $0xFFFFF000, s23;
	s5 =	sand.u32 $0x380, s5;
	v10 =	vld [tilespmem:s21+$0x10E0];
	[tilespmem:s24+$0xE0] =	vst v18  }
0x253: {  	s22 =	sor.u32 s5, s3;
	v13 =	vld [tilespmem:s21+$0x10F0];
	[tilespmem:s24+$0xF0] =	vst v19  }
0x254: {  	[tilespmem:s0+$0x400] =	vst v12;
	v15 =	vld [tilespmem:s22+$0xC80]  }
0x255: {  	[tilespmem:s0+$0x410] =	vst v5;
	v14 =	vld [tilespmem:s2+$0x1080]  }
0x256: {  	[tilespmem:s0+$0x420] =	vst v6;
	v11 =	vld [tilespmem:s2+$0x1090]  }
0x257: {  	[tilespmem:s0+$0x430] =	vst v7;
	v12 =	vld [tilespmem:s2+$0x10A0]  }
0x258: {  	[tilespmem:s0+$0x440] =	vst v8;
	v5 =	vld [tilespmem:s2+$0x10B0]  }
0x259: {  	[tilespmem:s0+$0x450] =	vst v9;
	v6 =	vld [tilespmem:s2+$0x10C0]  }
0x25a: {  	v7 =	vld [tilespmem:s2+$0x10D0];
	[tilespmem:s0+$0x460] =	vst v10  }
0x25b: {  	v8 =	vld [tilespmem:s2+$0x10E0];
	[tilespmem:s0+$0x470] =	vst v13  }
0x25c: {  	v9 =	vld [tilespmem:s2+$0x10F0];
	[tilespmem:s24+$0x480] =	vst v14  }
0x25d: {  	v14 =	vld [tilespmem:s22+$0xC90];
	[tilespmem:s24+$0x490] =	vst v11  }
0x25e: {  	v11 =	vld [tilespmem:s22+$0xCA0];
	[tilespmem:s24+$0x4A0] =	vst v12  }
0x25f: {  	v12 =	vld [tilespmem:s22+$0xCB0];
	[tilespmem:s24+$0x4B0] =	vst v5  }
0x260: {  	v5 =	vld [tilespmem:s22+$0xCC0];
	[tilespmem:s24+$0x4C0] =	vst v6  }
0x261: {  	v6 =	vld [tilespmem:s22+$0xCD0];
	[tilespmem:s24+$0x4D0] =	vst v7  }
0x262: {  	v7 =	vld [tilespmem:s22+$0xCE0];
	[tilespmem:s24+$0x4E0] =	vst v8  }
0x263: {  	v8 =	vld [tilespmem:s22+$0xCF0];
	[tilespmem:s24+$0x4F0] =	vst v9  }
0x264: {  	[tilespmem:s4+$0x19C80] =	vst v15;
	v15 =	vld [tilespmem:s21+$0x1480]  }
0x265: {  	v9 =	vld [tilespmem:s2+$0x1480]  }
0x266: {  	v10 =	vld [tilespmem:s2+$0x1490];
	[tilespmem:s24+$0x10] =	vst v14  }
0x267: {  	v13 =	vld [tilespmem:s2+$0x14A0];
	[tilespmem:s24+$0x20] =	vst v11  }
0x268: {  	v14 =	vld [tilespmem:s2+$0x14B0];
	[tilespmem:s24+$0x30] =	vst v12  }
0x269: {  	v11 =	vld [tilespmem:s2+$0x14C0];
	[tilespmem:s24+$0x40] =	vst v5  }
0x26a: {  	v12 =	vld [tilespmem:s2+$0x14D0];
	[tilespmem:s24+$0x50] =	vst v6  }
0x26b: {  	v5 =	vld [tilespmem:s2+$0x14E0];
	[tilespmem:s24+$0x60] =	vst v7  }
0x26c: {  	v6 =	vld [tilespmem:s2+$0x14F0];
	[tilespmem:s24+$0x880] =	vst v9  }
0x26d: {  	v9 =	vld [tilespmem:s21+$0x1490];
	[tilespmem:s24+$0x890] =	vst v10  }
0x26e: {  	v10 =	vld [tilespmem:s21+$0x14A0];
	[tilespmem:s24+$0x8A0] =	vst v13  }
0x26f: {  	v13 =	vld [tilespmem:s21+$0x14B0];
	[tilespmem:s24+$0x8B0] =	vst v14  }
0x270: {  	v14 =	vld [tilespmem:s21+$0x14C0];
	[tilespmem:s24+$0x8C0] =	vst v11  }
0x271: {  	v11 =	vld [tilespmem:s21+$0x14D0];
	[tilespmem:s24+$0x8D0] =	vst v12  }
0x272: {  	v12 =	vld [tilespmem:s21+$0x14E0];
	[tilespmem:s24+$0x8E0] =	vst v5  }
0x273: {  	v5 =	vld [tilespmem:s21+$0x14F0];
	[tilespmem:s24+$0x8F0] =	vst v6  }
0x274: {  	[tilespmem:s24+$0x70] =	vst v8;
	v6 =	vld [tilespmem:s2+$0x1880]  }
0x275: {  	s25 =	simm.s32 $0x1;
	[tilespmem:s0+$0x800] =	vst v15;
	v7 =	vld [tilespmem:s2+$0x1890]  }
0x276: {  	s3 =	sand.u32 $0x3, s25;
	v8 =	vld [tilespmem:s2+$0x18A0];
	[tilespmem:s0+$0x810] =	vst v9  }
0x277: {  	s3 =	sshll.u32 s3, $0x8;
	v9 =	vld [tilespmem:s2+$0x18B0];
	[tilespmem:s0+$0x820] =	vst v10  }
0x278: {  	s3 =	sadd.s32 $0x400, s3;
	v10 =	vld [tilespmem:s2+$0x18C0];
	[tilespmem:s0+$0x830] =	vst v13  }
0x279: {  	s26 =	sadd.s32 $0x80, s3;
	v13 =	vld [tilespmem:s2+$0x18D0];
	[tilespmem:s0+$0x840] =	vst v14  }
0x27a: {  	s6 =	sor.u32 $0xC00, s26;
	v14 =	vld [tilespmem:s2+$0x18E0];
	[tilespmem:s0+$0x850] =	vst v11  }
0x27b: {  	s7 =	sor.u32 $0xC10, s26;
	v11 =	vld [tilespmem:s2+$0x18F0];
	[tilespmem:s6+$0x19C80] =	vst v6  }
0x27c: {  	s8 =	sor.u32 $0xC20, s26;
	[tilespmem:s7+$0x19C80] =	vst v7  }
0x27d: {  	s9 =	sor.u32 $0xC30, s26;
	v6 =	vld [tilespmem:s22+$0x1080];
	[tilespmem:s8+$0x19C80] =	vst v8  }
0x27e: {  	s10 =	sor.u32 $0xC40, s26;
	v7 =	vld [tilespmem:s22+$0x1090];
	[tilespmem:s9+$0x19C80] =	vst v9  }
0x27f: {  	s11 =	sor.u32 $0xC50, s26;
	v8 =	vld [tilespmem:s22+$0x10A0];
	[tilespmem:s10+$0x19C80] =	vst v10  }
0x280: {  	v9 =	vld [tilespmem:s22+$0x10B0];
	[tilespmem:s11+$0x19C80] =	vst v13  }
0x281: {  	v10 =	vld [tilespmem:s22+$0x10C0];
	s2 =	sld [smem:$0x5];
	_ =	sdelay $0x2  }
0x282: {  	s13 =	sshll.u32 s2, $0x9;
	s2 =	sshll.u32 s2, $0x7  }
0x283: {  	s12 =	sor.u32 $0xC60, s26;
	s14 =	sand.u32 $0xFFFFF000, s13;
	s2 =	sand.u32 $0x380, s2  }
0x284: {  	v13 =	vld [tilespmem:s22+$0x10D0];
	[tilespmem:s12+$0x19C80] =	vst v14;
	s2 =	sor.u32 s2, s14  }
0x285: {  	s15 =	sld [smem:$0x4];
	v14 =	vld [tilespmem:s2+$0xC80]  }
0x286: {  	v15 =	vld [tilespmem:s2+$0xC90]  }
0x287: {  	v16 =	vld [tilespmem:s2+$0xCA0]  }
0x288: {  	s28 =	simm.s32 $0x200;
	s29 =	simm.s32 $0x800;
	v17 =	vld [tilespmem:s2+$0xCB0]  }
0x289: {  	s16 =	sand.u32 $0x1000, s29;
	s17 =	sand.u32 $0x300, s28;
	v18 =	vld [tilespmem:s2+$0xCC0]  }
0x28a: {  	s5 =	sor.u32 s17, s16;
	v19 =	vld [tilespmem:s2+$0xCD0]  }
0x28b: {  	s25 =	sadd.s32 $0x19C80, s5;
	v20 =	vld [tilespmem:s2+$0xCE0]  }
0x28c: {  	v21 =	vld [tilespmem:s2+$0xCF0];
	[tilespmem:s25+$0x80] =	vst v14  }
0x28d: {  	[tilespmem:s25+$0x90] =	vst v15  }
0x28e: {  	[tilespmem:s25+$0xA0] =	vst v16  }
0x28f: {  	[tilespmem:s25+$0xB0] =	vst v17  }
0x290: {  	[tilespmem:s25+$0xC0] =	vst v18  }
0x291: {  	[tilespmem:s25+$0xD0] =	vst v19  }
0x292: {  	v14 =	vld [tilespmem:s22+$0x10E0];
	[tilespmem:s25+$0xE0] =	vst v20  }
0x293: {  	v15 =	vld [tilespmem:s22+$0x10F0];
	[tilespmem:s25+$0xF0] =	vst v21  }
0x294: {  	v16 =	vld [tilespmem:s2+$0x1080]  }
0x295: {  	v17 =	vld [tilespmem:s2+$0x1090]  }
0x296: {  	s4 =	sor.u32 $0xC70, s26;
	v18 =	vld [tilespmem:s2+$0x10A0]  }
0x297: {  	[tilespmem:s4+$0x19C80] =	vst v11;
	v19 =	vld [tilespmem:s2+$0x10B0]  }
0x298: {  	[tilespmem:s0+$0x860] =	vst v12;
	v11 =	vld [tilespmem:s2+$0x10C0]  }
0x299: {  	s18 =	sshll.u32 s15, $0x9;
	s6 =	sshll.u32 s15, $0x7;
	[tilespmem:s24+$0x400] =	vst v6;
	v6 =	vld [tilespmem:s2+$0x10D0]  }
0x29a: {  	s4 =	sand.u32 $0xFFFFF000, s18;
	s6 =	sand.u32 $0x380, s6;
	[tilespmem:s24+$0x410] =	vst v7;
	v7 =	vld [tilespmem:s2+$0x10E0]  }
0x29b: {  	s26 =	sor.u32 s6, s4;
	[tilespmem:s24+$0x420] =	vst v8;
	v8 =	vld [tilespmem:s2+$0x10F0]  }
0x29c: {  	[tilespmem:s25+$0x480] =	vst v16;
	v16 =	vld [tilespmem:s26+$0xC80]  }
0x29d: {  	[tilespmem:s25+$0x490] =	vst v17;
	v17 =	vld [tilespmem:s26+$0xC90]  }
0x29e: {  	[tilespmem:s25+$0x4A0] =	vst v18;
	v18 =	vld [tilespmem:s26+$0xCA0]  }
0x29f: {  	[tilespmem:s25+$0x4B0] =	vst v19;
	v19 =	vld [tilespmem:s26+$0xCB0]  }
0x2a0: {  	[tilespmem:s25+$0x4C0] =	vst v11;
	v11 =	vld [tilespmem:s26+$0xCC0]  }
0x2a1: {  	[tilespmem:s25+$0x4D0] =	vst v6;
	v6 =	vld [tilespmem:s26+$0xCD0]  }
0x2a2: {  	[tilespmem:s25+$0x4E0] =	vst v7;
	v7 =	vld [tilespmem:s26+$0xCE0]  }
0x2a3: {  	[tilespmem:s25+$0x4F0] =	vst v8;
	v8 =	vld [tilespmem:s26+$0xCF0]  }
0x2a4: {  	[tilespmem:s24+$0x430] =	vst v9;
	v9 =	vld [tilespmem:s2+$0x1480]  }
0x2a5: {  	[tilespmem:s24+$0x440] =	vst v10;
	v10 =	vld [tilespmem:s2+$0x1490]  }
0x2a6: {  	[tilespmem:s24+$0x450] =	vst v13;
	v13 =	vld [tilespmem:s2+$0x14A0]  }
0x2a7: {  	[tilespmem:s24+$0x460] =	vst v14;
	v14 =	vld [tilespmem:s2+$0x14B0]  }
0x2a8: {  	[tilespmem:s24+$0x470] =	vst v15;
	v15 =	vld [tilespmem:s2+$0x14C0]  }
0x2a9: {  	[tilespmem:s0+$0x870] =	vst v5;
	v12 =	vld [tilespmem:s2+$0x14D0]  }
0x2aa: {  	v5 =	vld [tilespmem:s2+$0x14E0];
	[tilespmem:s5+$0x19C80] =	vst v16  }
0x2ab: {  	v16 =	vld [tilespmem:s2+$0x14F0];
	[tilespmem:s25+$0x880] =	vst v9  }
0x2ac: {  	v20 =	vld [tilespmem:s22+$0x1480];
	[tilespmem:s25+$0x890] =	vst v10  }
0x2ad: {  	v63 =	vld [tilespmem:s22+$0x1490];
	[tilespmem:s25+$0x8A0] =	vst v13  }
0x2ae: {  	v22 =	vld [tilespmem:s22+$0x14A0];
	[tilespmem:s25+$0x8B0] =	vst v14  }
0x2af: {  	v23 =	vld [tilespmem:s22+$0x14B0];
	[tilespmem:s25+$0x8C0] =	vst v15  }
0x2b0: {  	v24 =	vld [tilespmem:s22+$0x14C0];
	[tilespmem:s25+$0x8D0] =	vst v12  }
0x2b1: {  	v25 =	vld [tilespmem:s22+$0x14D0];
	[tilespmem:s25+$0x8E0] =	vst v5  }
0x2b2: {  	v9 =	vld [tilespmem:s22+$0x14E0];
	[tilespmem:s25+$0x10] =	vst v17  }
0x2b3: {  	v10 =	vld [tilespmem:s22+$0x14F0];
	[tilespmem:s25+$0x8F0] =	vst v16  }
0x2b4: {  	[tilespmem:s25+$0x20] =	vst v18;
	v5 =	vld [tilespmem:s2+$0x1880]  }
0x2b5: {  	[tilespmem:s25+$0x30] =	vst v19;
	v14 =	vld [tilespmem:s2+$0x1890]  }
0x2b6: {  	s10 =	simm.s32 $0x2;
	[tilespmem:s25+$0x40] =	vst v11;
	v15 =	vld [tilespmem:s2+$0x18A0]  }
0x2b7: {  	s19 =	sand.u32 $0x3, s10;
	[tilespmem:s25+$0x50] =	vst v6;
	v16 =	vld [tilespmem:s2+$0x18B0]  }
0x2b8: {  	s0 =	sshll.u32 s19, $0x8;
	[tilespmem:s25+$0x60] =	vst v7;
	v17 =	vld [tilespmem:s2+$0x18C0]  }
0x2b9: {  	s5 =	sadd.s32 $0x800, s0;
	[tilespmem:s25+$0x70] =	vst v8;
	v18 =	vld [tilespmem:s2+$0x18D0]  }
0x2ba: {  	s23 =	sor.u32 $0xC00, s1;
	s0 =	sadd.s32 $0x80, s5;
	[tilespmem:s24+$0x800] =	vst v20;
	v12 =	vld [tilespmem:s2+$0x18E0]  }
0x2bb: {  	s20 =	sor.u32 $0xC00, s0;
	v13 =	vld [tilespmem:s2+$0x18F0];
	[dreg:$0x19] =	wrdreg s23  }
0x2bc: {  	s7 =	sor.u32 $0xC10, s1;
	[tilespmem:s20+$0x19C80] =	vst v5  }
0x2bd: {  	s8 =	sor.u32 $0xC20, s1;
	[dreg:$0x1d] =	wrdreg s7  }
0x2be: {  	s6 =	sor.u32 $0xC10, s0;
	[dreg:$0x1a] =	wrdreg s8  }
0x2bf: {  	s11 =	sor.u32 $0xC40, s1;
	[tilespmem:s6+$0x19C80] =	vst v14  }
0x2c0: {  	s9 =	sor.u32 $0xC20, s0;
	v11 =	vld [tilespmem:s21+$0x1880];
	[dreg:$0x1e] =	wrdreg s11  }
0x2c1: {  	s12 =	sor.u32 $0xC30, s0;
	[tilespmem:s9+$0x19C80] =	vst v15  }
0x2c2: {  	s13 =	sor.u32 $0xC40, s0;
	v5 =	vld [tilespmem:s21+$0x1890];
	[tilespmem:s12+$0x19C80] =	vst v16  }
0x2c3: {  	s15 =	sor.u32 $0xC10, s3;
	v6 =	vld [tilespmem:s21+$0x18A0];
	[tilespmem:s13+$0x19C80] =	vst v17  }
0x2c4: {  	s16 =	sor.u32 $0xC20, s3;
	v7 =	vld [tilespmem:s21+$0x18B0];
	[dreg:$0x17] =	wrdreg s15  }
0x2c5: {  	s14 =	sor.u32 $0xC50, s0;
	[dreg:$0xd] =	wrdreg s16  }
0x2c6: {  	s17 =	sor.u32 $0xC40, s3;
	s19 =	sor.u32 $0xC70, s1;
	[tilespmem:s14+$0x19C80] =	vst v18  }
0x2c7: {  	s18 =	sor.u32 $0xC50, s1;
	s4 =	sor.u32 $0xC60, s1;
	v8 =	vld [tilespmem:s21+$0x18C0];
	[dreg:$0xe] =	wrdreg s17  }
0x2c8: {  	s31 =	sor.u32 $0xC00, s5;
	s30 =	sor.u32 $0xC60, s0;
	s20 =	sor.u32 $0xC60, s3;
	[tilespmem:s24+$0x810] =	vst v63  }
0x2c9: {  	s2 =	sor.u32 $0xC30, s1;
	s23 =	sor.u32 $0xC00, s3;
	v14 =	vld [tilespmem:s26+$0x1080];
	[dreg:$0xf] =	wrdreg s20  }
0x2ca: {  	s7 =	sor.u32 $0xC50, s3;
	s8 =	simm.s32 $0x7;
	s6 =	sor.u32 $0xC30, s3;
	[tilespmem:s24+$0x820] =	vst v22;
	v15 =	vld [tilespmem:s26+$0x1090]  }
0x2cb: {  	s11 =	sor.u32 $0xC20, s5;
	s9 =	sor.u32 $0xC10, s5;
	s15 =	sor.u32 $0xC30, s5;
	[tilespmem:s24+$0x830] =	vst v23;
	v16 =	vld [tilespmem:s26+$0x10A0]  }
0x2cc: {  	s16 =	sor.u32 $0xC70, s5;
	s14 =	sor.u32 $0xC70, s3;
	s3 =	sor.u32 $0xC60, s5;
	[tilespmem:s24+$0x840] =	vst v24;
	v17 =	vld [tilespmem:s26+$0x10B0]  }
0x2cd: {  	s17 =	sor.u32 $0xC50, s5;
	s20 =	sor.u32 $0xC40, s5;
	s5 =	simm.s32 $0x4;
	[tilespmem:s24+$0x850] =	vst v25;
	v18 =	vld [tilespmem:s26+$0x10C0]  }
.LBB2_7:
0x2ce: {  	s1 =	sld [smem:s8+$0x0];
	v19 =	vld [tilespmem:s26+$0x10D0];
	[tilespmem:s30+$0x19C80] =	vst v12;
	s0 =	sor.u32 $0xC70, s0  }
0x2cf: {  	s30 =	sld [smem:s8+$0xFFFFFFFF];
	v12 =	vld [tilespmem:s26+$0x10E0];
	[tilespmem:s0+$0x19C80] =	vst v13  }
0x2d0: {  	s12 =	smov.u32 s7;
	s7 =	smov.u32 s6;
	v13 =	vld [tilespmem:s26+$0x10F0];
	[tilespmem:s25+$0x400] =	vst v14  }
0x2d1: {  	s6 =	smov.u32 s23;
	s0 =	sshll.u32 s1, $0x9;
	s1 =	sshll.u32 s1, $0x7;
	[tilespmem:s25+$0x410] =	vst v15  }
0x2d2: {  	s13 =	sshll.u32 s30, $0x9;
	s0 =	sand.u32 $0xFFFFF000, s0;
	s1 =	sand.u32 $0x380, s1;
	v14 =	vld [tilespmem:s21+$0x18D0];
	[tilespmem:s25+$0x420] =	vst v16  }
0x2d3: {  	s23 =	sand.u32 $0xFFFFF000, s13;
	s13 =	sshll.u32 s30, $0x7;
	s30 =	sor.u32 s1, s0;
	v15 =	vld [tilespmem:s21+$0x18E0]  }
0x2d4: {  	[tilespmem:s25+$0x430] =	vst v17;
	v17 =	vld [tilespmem:s30+$0xC80]  }
0x2d5: {  	v16 =	vld [tilespmem:s21+$0x18F0];
	[tilespmem:s25+$0x440] =	vst v18  }
0x2d6: {  	v18 =	vld [tilespmem:s30+$0xC90];
	[tilespmem:s25+$0x450] =	vst v19  }
0x2d7: {  	s28 =	sadd.s32 $0x100, s28;
	s29 =	sadd.s32 $0x400, s29;
	v19 =	vld [tilespmem:s30+$0xCA0];
	[tilespmem:s25+$0x460] =	vst v12  }
0x2d8: {  	s1 =	sand.u32 $0x380, s13;
	s13 =	sand.u32 $0x1000, s29;
	s21 =	smov.u32 s22;
	v12 =	vld [tilespmem:s30+$0xCB0];
	[tilespmem:s25+$0x470] =	vst v13  }
0x2d9: {  	s22 =	smov.u32 s26;
	s26 =	sor.u32 s1, s23;
	s23 =	sand.u32 $0x300, s28;
	v13 =	vld [tilespmem:s30+$0xCC0];
	[tilespmem:s24+$0x860] =	vst v9  }
0x2da: {  	v9 =	vld [tilespmem:s30+$0xCD0];
	[tilespmem:s24+$0x870] =	vst v10;
	s0 =	sor.u32 s23, s13;
	s13 =	rddreg [dreg:$0x19]  }
0x2db: {  	s24 =	smov.u32 s25;
	v10 =	vld [tilespmem:s30+$0xCE0];
	s25 =	sadd.s32 $0x19C80, s0;
	[tilespmem:s13+$0x19C80] =	vst v11  }
0x2dc: {  	v11 =	vld [tilespmem:s30+$0xCF0];
	[tilespmem:s25+$0x80] =	vst v17  }
0x2dd: {  	v17 =	vld [tilespmem:s26+$0xC80];
	[tilespmem:s25+$0x90] =	vst v18  }
0x2de: {  	v18 =	vld [tilespmem:s26+$0xC90];
	[tilespmem:s25+$0xA0] =	vst v19  }
0x2df: {  	v19 =	vld [tilespmem:s26+$0xCA0];
	[tilespmem:s25+$0xB0] =	vst v12  }
0x2e0: {  	v12 =	vld [tilespmem:s26+$0xCB0];
	[tilespmem:s25+$0xC0] =	vst v13  }
0x2e1: {  	s23 =	smov.u32 s6;
	s6 =	rddreg [dreg:$0x17];
	v13 =	vld [tilespmem:s26+$0xCC0];
	[tilespmem:s25+$0xD0] =	vst v9  }
0x2e2: {  	s13 =	rddreg [dreg:$0x1d];
	v9 =	vld [tilespmem:s26+$0xCD0];
	[tilespmem:s25+$0xE0] =	vst v10  }
0x2e3: {  	v10 =	vld [tilespmem:s26+$0xCE0];
	[tilespmem:s13+$0x19C80] =	vst v5;
	s13 =	smov.u32 s6;
	s6 =	rddreg [dreg:$0x1a]  }
0x2e4: {  	[dreg:$0x1d] =	wrdreg s13;
	[tilespmem:s25+$0xF0] =	vst v11  }
0x2e5: {  	s13 =	smov.u32 s9;
	s9 =	rddreg [dreg:$0xd];
	v11 =	vld [tilespmem:s30+$0x1080]  }
0x2e6: {  	[tilespmem:s6+$0x19C80] =	vst v6;
	[dreg:$0x17] =	wrdreg s13;
	v5 =	vld [tilespmem:s30+$0x1090]  }
0x2e7: {  	s13 =	smov.u32 s9;
	s9 =	smov.u32 s11;
	[tilespmem:s2+$0x19C80] =	vst v7;
	s11 =	rddreg [dreg:$0x1e];
	v6 =	vld [tilespmem:s30+$0x10A0]  }
0x2e8: {  	v7 =	vld [tilespmem:s30+$0x10B0];
	[tilespmem:s11+$0x19C80] =	vst v8  }
0x2e9: {  	v8 =	vld [tilespmem:s30+$0x10C0];
	[tilespmem:s18+$0x19C80] =	vst v14  }
0x2ea: {  	v14 =	vld [tilespmem:s30+$0x10D0];
	[tilespmem:s4+$0x19C80] =	vst v15  }
0x2eb: {  	v15 =	vld [tilespmem:s30+$0x10E0];
	[tilespmem:s19+$0x19C80] =	vst v16  }
0x2ec: {  	v16 =	vld [tilespmem:s30+$0x10F0];
	[tilespmem:s25+$0x480] =	vst v11  }
0x2ed: {  	v20 =	vld [tilespmem:s26+$0xCF0];
	[tilespmem:s25+$0x490] =	vst v5  }
0x2ee: {  	v21 =	vld [tilespmem:s22+$0x1480];
	[tilespmem:s25+$0x4A0] =	vst v6  }
0x2ef: {  	v22 =	vld [tilespmem:s22+$0x1490];
	[tilespmem:s25+$0x4B0] =	vst v7  }
0x2f0: {  	v23 =	vld [tilespmem:s22+$0x14A0];
	[tilespmem:s25+$0x4C0] =	vst v8  }
0x2f1: {  	[tilespmem:s25+$0x4D0] =	vst v14;
	v14 =	vld [tilespmem:s22+$0x14B0]  }
0x2f2: {  	[tilespmem:s25+$0x4E0] =	vst v15;
	v15 =	vld [tilespmem:s22+$0x14C0]  }
0x2f3: {  	[tilespmem:s25+$0x4F0] =	vst v16;
	v16 =	vld [tilespmem:s22+$0x14D0]  }
0x2f4: {  	[tilespmem:s0+$0x19C80] =	vst v17;
	v5 =	vld [tilespmem:s30+$0x1480]  }
0x2f5: {  	[tilespmem:s25+$0x40] =	vst v13;
	v6 =	vld [tilespmem:s30+$0x1490]  }
0x2f6: {  	[tilespmem:s25+$0x50] =	vst v9;
	v7 =	vld [tilespmem:s30+$0x14A0]  }
0x2f7: {  	[tilespmem:s25+$0x60] =	vst v10;
	v8 =	vld [tilespmem:s30+$0x14B0]  }
0x2f8: {  	[tilespmem:s25+$0x30] =	vst v12;
	v12 =	vld [tilespmem:s30+$0x14C0]  }
0x2f9: {  	[tilespmem:s25+$0x10] =	vst v18;
	v13 =	vld [tilespmem:s30+$0x14D0]  }
0x2fa: {  	[tilespmem:s25+$0x20] =	vst v19;
	v17 =	vld [tilespmem:s30+$0x14E0]  }
0x2fb: {  	v18 =	vld [tilespmem:s30+$0x14F0];
	[tilespmem:s25+$0x880] =	vst v5  }
0x2fc: {  	v9 =	vld [tilespmem:s22+$0x14E0];
	[tilespmem:s25+$0x890] =	vst v6  }
0x2fd: {  	v10 =	vld [tilespmem:s22+$0x14F0];
	[tilespmem:s25+$0x8A0] =	vst v7  }
0x2fe: {  	v11 =	vld [tilespmem:s21+$0x1880];
	[tilespmem:s25+$0x8B0] =	vst v8  }
0x2ff: {  	[dreg:$0x19] =	wrdreg s23;
	[tilespmem:s25+$0x8C0] =	vst v12;
	v5 =	vld [tilespmem:s21+$0x1890]  }
0x300: {  	s5 =	sadd.s32 $0x2, s5;
	[dreg:$0x1a] =	wrdreg s13;
	[tilespmem:s25+$0x8D0] =	vst v13;
	v6 =	vld [tilespmem:s21+$0x18A0]  }
0x301: {  	s10 =	sadd.s32 $0x1, s10;
	p0 =	slt.u32 s5, $0xE;
	[dreg:$0xd] =	wrdreg s9;
	[tilespmem:s25+$0x8E0] =	vst v17;
	v7 =	vld [tilespmem:s21+$0x18B0]  }
0x302: {  	s2 =	smov.u32 s7;
	s7 =	smov.u32 s20;
	s13 =	rddreg [dreg:$0xe];
	[tilespmem:s25+$0x8F0] =	vst v18;
	v8 =	vld [tilespmem:s21+$0x18C0]  }
0x303: {  	s23 =	smov.u32 s31;
	s6 =	smov.u32 s15;
	[dreg:$0xe] =	wrdreg s7;
	[tilespmem:s25+$0x70] =	vst v20;
	v17 =	vld [tilespmem:s30+$0x1880]  }
0x304: {  	s9 =	rddreg [dreg:$0xf];
	s11 =	smov.u32 s3;
	s15 =	smov.u32 s13;
	[tilespmem:s24+$0x800] =	vst v21;
	v18 =	vld [tilespmem:s30+$0x1890]  }
0x305: {  	s18 =	smov.u32 s12;
	[dreg:$0xf] =	wrdreg s11;
	s12 =	sand.u32 $0x3, s10;
	[tilespmem:s24+$0x810] =	vst v22;
	v19 =	vld [tilespmem:s30+$0x18A0]  }
0x306: {  	s7 =	smov.u32 s17;
	[dreg:$0x1e] =	wrdreg s15;
	s0 =	sshll.u32 s12, $0x8;
	[tilespmem:s24+$0x820] =	vst v23;
	v20 =	vld [tilespmem:s30+$0x18B0]  }
0x307: {  	s4 =	smov.u32 s9;
	s19 =	smov.u32 s14;
	s13 =	sadd.s32 s0, s29;
	[tilespmem:s24+$0x830] =	vst v14;
	v62 =	vld [tilespmem:s30+$0x18C0]  }
0x308: {  	s14 =	smov.u32 s16;
	s31 =	sor.u32 $0xC00, s13;
	s0 =	sadd.s32 $0x80, s13;
	[tilespmem:s24+$0x840] =	vst v15;
	v63 =	vld [tilespmem:s30+$0x18D0]  }
0x309: {  	s9 =	sor.u32 $0xC10, s13;
	s11 =	sor.u32 $0xC20, s13;
	s16 =	sor.u32 $0xC00, s0;
	[tilespmem:s24+$0x850] =	vst v16;
	v12 =	vld [tilespmem:s30+$0x18E0]  }
0x30a: {  	s15 =	sor.u32 $0xC30, s13;
	s20 =	sor.u32 $0xC40, s13;
	s12 =	sor.u32 $0xC10, s0;
	v13 =	vld [tilespmem:s30+$0x18F0];
	[tilespmem:s16+$0x19C80] =	vst v17  }
.Ltmp2:
0x30b: {  	s17 =	sor.u32 $0xC50, s13;
	v14 =	vld [tilespmem:s26+$0x1080];
	[tilespmem:s12+$0x19C80] =	vst v18;
	s12 =	sor.u32 $0xC20, s0;
	(pc) =	sbr.rel @p0 .LBB2_7-.Ltmp2, $4  }
0x30c: {  	s3 =	sor.u32 $0xC60, s13;
	v15 =	vld [tilespmem:s26+$0x1090];
	s16 =	sor.u32 $0xC70, s13;
	s13 =	sor.u32 $0xC30, s0;
	[tilespmem:s12+$0x19C80] =	vst v19  }
0x30d: {  	v16 =	vld [tilespmem:s26+$0x10A0];
	s12 =	sor.u32 $0xC40, s0;
	[tilespmem:s13+$0x19C80] =	vst v20  }
0x30e: {  	v17 =	vld [tilespmem:s26+$0x10B0];
	s13 =	sor.u32 $0xC50, s0;
	[tilespmem:s12+$0x19C80] =	vst v62  }
0x30f: {  	s8 =	sadd.s32 $0x2, s8;
	s30 =	sor.u32 $0xC60, s0;
	v18 =	vld [tilespmem:s26+$0x10C0];
	[tilespmem:s13+$0x19C80] =	vst v63  }
0x310: {  	[tilespmem:s30+$0x19C80] =	vst v12  }
0x311: {  	[tilespmem:s24+$0x860] =	vst v9  }
0x312: {  	s0 =	sor.u32 $0xC70, s0;
	v12 =	vld [tilespmem:s26+$0x10D0];
	[tilespmem:s24+$0x870] =	vst v10  }
0x313: {  	v9 =	vld [tilespmem:s26+$0x10F0];
	[tilespmem:s0+$0x19C80] =	vst v13  }
0x314: {  	v13 =	vld [tilespmem:s26+$0x10E0];
	[tilespmem:s25+$0x400] =	vst v14  }
0x315: {  	[tilespmem:s25+$0x410] =	vst v15  }
0x316: {  	[tilespmem:s25+$0x420] =	vst v16  }
0x317: {  	[tilespmem:s25+$0x430] =	vst v17  }
0x318: {  	[tilespmem:s25+$0x440] =	vst v18  }
0x319: {  	[tilespmem:s25+$0x450] =	vst v12  }
0x31a: {  	[tilespmem:s25+$0x470] =	vst v9  }
0x31b: {  	v10 =	vld [tilespmem:s21+$0x18D0];
	[tilespmem:s25+$0x460] =	vst v13  }
0x31c: {  	v12 =	vld [tilespmem:s21+$0x18E0];
	s0 =	rddreg [dreg:$0x19]  }
0x31d: {  	v13 =	vld [tilespmem:s21+$0x18F0];
	[tilespmem:s0+$0x19C80] =	vst v11  }
0x31e: {  	s0 =	rddreg [dreg:$0x1d]  }
0x31f: {  	[tilespmem:s0+$0x19C80] =	vst v5  }
0x320: {  	v9 =	vld [tilespmem:s26+$0x1480];
	s0 =	rddreg [dreg:$0x1a]  }
0x321: {  	v11 =	vld [tilespmem:s26+$0x14E0];
	[tilespmem:s0+$0x19C80] =	vst v6  }
0x322: {  	v5 =	vld [tilespmem:s26+$0x1490];
	[tilespmem:s2+$0x19C80] =	vst v7  }
0x323: {  	v6 =	vld [tilespmem:s26+$0x14A0];
	s0 =	rddreg [dreg:$0x1e]  }
0x324: {  	v7 =	vld [tilespmem:s26+$0x14B0];
	[tilespmem:s0+$0x19C80] =	vst v8  }
0x325: {  	v8 =	vld [tilespmem:s26+$0x14C0];
	[tilespmem:s18+$0x19C80] =	vst v10  }
0x326: {  	v10 =	vld [tilespmem:s26+$0x14D0];
	[tilespmem:s4+$0x19C80] =	vst v12  }
0x327: {  	v12 =	vld [tilespmem:s26+$0x14F0];
	[tilespmem:s25+$0x800] =	vst v9  }
0x328: {  	[tilespmem:s25+$0x810] =	vst v5  }
0x329: {  	v9 =	vld [tilespmem:s22+$0x1890];
	[tilespmem:s25+$0x820] =	vst v6  }
0x32a: {  	v5 =	vld [tilespmem:s22+$0x18A0];
	[tilespmem:s25+$0x860] =	vst v11  }
0x32b: {  	[tilespmem:s19+$0x19C80] =	vst v13;
	v13 =	vld [tilespmem:s22+$0x1880]  }
0x32c: {  	v6 =	vld [tilespmem:s22+$0x18B0];
	[tilespmem:s25+$0x830] =	vst v7  }
0x32d: {  	v11 =	vld [tilespmem:s22+$0x18F0];
	[tilespmem:s25+$0x840] =	vst v8  }
0x32e: {  	v7 =	vld [tilespmem:s22+$0x18C0];
	[tilespmem:s25+$0x850] =	vst v10  }
0x32f: {  	v8 =	vld [tilespmem:s22+$0x18D0];
	[tilespmem:s25+$0x870] =	vst v12  }
0x330: {  	v10 =	vld [tilespmem:s22+$0x18E0];
	[tilespmem:s23+$0x19C80] =	vst v13  }
0x331: {  	s0 =	rddreg [dreg:$0x17]  }
0x332: {  	[tilespmem:s0+$0x19C80] =	vst v9  }
0x333: {  	s0 =	rddreg [dreg:$0xd]  }
0x334: {  	[tilespmem:s0+$0x19C80] =	vst v5  }
0x335: {  	v12 =	vld [tilespmem:s26+$0x1880];
	[tilespmem:s6+$0x19C80] =	vst v6  }
0x336: {  	v9 =	vld [tilespmem:s26+$0x1890];
	s0 =	rddreg [dreg:$0xe]  }
0x337: {  	v5 =	vld [tilespmem:s26+$0x18A0];
	[tilespmem:s0+$0x19C80] =	vst v7  }
0x338: {  	v6 =	vld [tilespmem:s26+$0x18B0];
	[tilespmem:s7+$0x19C80] =	vst v8  }
0x339: {  	v7 =	vld [tilespmem:s26+$0x18C0];
	s0 =	rddreg [dreg:$0xf]  }
0x33a: {  	v8 =	vld [tilespmem:s26+$0x18D0];
	[tilespmem:s0+$0x19C80] =	vst v10  }
0x33b: {  	v10 =	vld [tilespmem:s26+$0x18E0];
	[tilespmem:s14+$0x19C80] =	vst v11  }
0x33c: {  	v11 =	vld [tilespmem:s26+$0x18F0];
	[tilespmem:s31+$0x19C80] =	vst v12  }
0x33d: {  	[tilespmem:s9+$0x19C80] =	vst v9  }
0x33e: {  	[tilespmem:s11+$0x19C80] =	vst v5  }
0x33f: {  	[tilespmem:s15+$0x19C80] =	vst v6  }
0x340: {  	[tilespmem:s20+$0x19C80] =	vst v7  }
0x341: {  	[tilespmem:s17+$0x19C80] =	vst v8  }
0x342: {  	[tilespmem:s3+$0x19C80] =	vst v10  }
0x343: {  	[tilespmem:s16+$0x19C80] =	vst v11  }
0x344: {  	s0 =	sld [smem:$0x7FA]  }
0x345: {  	s1 =	sld [smem:$0x7EF];
	_ =	sdelay $0x1  }
0x346: {  	s24 =	simm.s32 $0x0  }
0x347: {  	s25 =	simm.s32 $0x19C80;
	s26 =	simm.s32 $0x3;
	s0 =	sadd.s32 s1, s0  }
0x348: {  	[hbm4b:s0+s24] =	stream.linear.scatter [tilespmem:s25], [sflag:$0x4], $0x2000, $0x38;
	[tilespmem:$0x1BC80] =	vst v63  }
0x349: {  	_ =	swait.ge [sflag:s26], $0x2000  }
0x34a: {  	s2 =	sld [smem:$0x7F3]  }
0x34b: {  	[sflag:s26] =	ssyncset.done $0x0  }
0x34c: {  	[sflag:s26] =	ssyncadd.s32 $0xFFFFE000  }
0x34d: {  	v5 =	vld [tilespmem:s2+$0x60];
	_ =	sdelay $0x4  }
0x34e: {  	v5 =	vsub.s32 v5, v0  }
0x34f: {  	(v2sf) =	vpush v5, $0x0  }
0x350: {  	(v2sf) =	vpush v5, $0x1  }
0x351: {  	(v2sf) =	vpush v5, $0x2  }
0x352: {  	(v2sf) =	vpush v5, $0x3  }
0x353: {  	(v2sf) =	vpush v5, $0x4  }
0x354: {  	(v2sf) =	vpush v5, $0x5  }
0x355: {  	(v2sf) =	vpush v5, $0x6  }
0x356: {  	(v2sf) =	vpush v5, $0x7  }
0x357: {  	(v2sf) =	vpush v5, $0x8  }
0x358: {  	(v2sf) =	vpush v5, $0x9  }
0x359: {  	(v2sf) =	vpush v5, $0xA  }
0x35a: {  	(v2sf) =	vpush v5, $0xB  }
0x35b: {  	(v2sf) =	vpush v5, $0xC  }
0x35c: {  	(v2sf) =	vpush v5, $0xD  }
0x35d: {  	(v2sf) =	vpush v5, $0xE  }
0x35e: {  	s3 =	spop (v2sf);
	(v2sf) =	vpush v5, $0xF  }
0x35f: {  	s4 =	spop (v2sf);
	[smem:$0x0] =	sst s3  }
0x360: {  	s5 =	spop (v2sf);
	[smem:$0x1] =	sst s4  }
0x361: {  	s6 =	spop (v2sf);
	[smem:$0x2] =	sst s5  }
0x362: {  	s7 =	spop (v2sf);
	[smem:$0x3] =	sst s6  }
0x363: {  	s8 =	spop (v2sf);
	[smem:$0x4] =	sst s7  }
0x364: {  	s9 =	spop (v2sf);
	[smem:$0x5] =	sst s8  }
0x365: {  	s10 =	spop (v2sf);
	[smem:$0x6] =	sst s9  }
0x366: {  	s11 =	spop (v2sf);
	[smem:$0x7] =	sst s10  }
0x367: {  	s12 =	spop (v2sf);
	[smem:$0x8] =	sst s11  }
0x368: {  	s13 =	spop (v2sf);
	[smem:$0x9] =	sst s12  }
0x369: {  	s14 =	spop (v2sf);
	[smem:$0xA] =	sst s13  }
0x36a: {  	s15 =	spop (v2sf);
	[smem:$0xB] =	sst s14  }
0x36b: {  	s16 =	spop (v2sf);
	[smem:$0xC] =	sst s15  }
0x36c: {  	s17 =	spop (v2sf);
	[smem:$0xD] =	sst s16  }
0x36d: {  	[smem:$0xE] =	sst s17;
	s18 =	spop (v2sf)  }
0x36e: {  	[smem:$0xF] =	sst s18  }
0x36f: {  	s0 =	sld [smem:$0x1];
	_ =	sdelay $0x2  }
0x370: {  	s19 =	sshll.u32 s0, $0x9;
	s0 =	sshll.u32 s0, $0x7  }
0x371: {  	s2 =	sand.u32 $0xFFFFF000, s19;
	s0 =	sand.u32 $0x380, s0  }
0x372: {  	s2 =	sor.u32 s0, s2  }
0x373: {  	s20 =	sld [smem:$0x0];
	v5 =	vld [tilespmem:s2+$0xC80]  }
0x374: {  	v6 =	vld [tilespmem:s2+$0xC90]  }
0x375: {  	v7 =	vld [tilespmem:s2+$0xCA0]  }
0x376: {  	v8 =	vld [tilespmem:s2+$0xCB0]  }
0x377: {  	s21 =	sand.u32 $0x1000, s24;
	s22 =	sand.u32 $0x300, s24;
	v9 =	vld [tilespmem:s2+$0xCC0]  }
0x378: {  	s4 =	sor.u32 s22, s21;
	v10 =	vld [tilespmem:s2+$0xCD0]  }
0x379: {  	s0 =	sadd.s32 $0x17C80, s4;
	v11 =	vld [tilespmem:s2+$0xCE0]  }
0x37a: {  	v12 =	vld [tilespmem:s2+$0xCF0];
	[tilespmem:s0+$0x80] =	vst v5  }
0x37b: {  	[tilespmem:s0+$0x90] =	vst v6  }
0x37c: {  	[tilespmem:s0+$0xA0] =	vst v7  }
0x37d: {  	[tilespmem:s0+$0xB0] =	vst v8  }
0x37e: {  	[tilespmem:s0+$0xC0] =	vst v9  }
0x37f: {  	[tilespmem:s0+$0xD0] =	vst v10  }
0x380: {  	[tilespmem:s0+$0xE0] =	vst v11  }
0x381: {  	[tilespmem:s0+$0xF0] =	vst v12  }
0x382: {  	v5 =	vld [tilespmem:s2+$0x1080]  }
0x383: {  	v6 =	vld [tilespmem:s2+$0x1090]  }
0x384: {  	v7 =	vld [tilespmem:s2+$0x10A0]  }
0x385: {  	v8 =	vld [tilespmem:s2+$0x10B0]  }
0x386: {  	v9 =	vld [tilespmem:s2+$0x10C0]  }
0x387: {  	v10 =	vld [tilespmem:s2+$0x10D0]  }
0x388: {  	v11 =	vld [tilespmem:s2+$0x10E0]  }
0x389: {  	v12 =	vld [tilespmem:s2+$0x10F0];
	[tilespmem:s0+$0x480] =	vst v5  }
0x38a: {  	[tilespmem:s0+$0x490] =	vst v6  }
0x38b: {  	[tilespmem:s0+$0x4A0] =	vst v7  }
0x38c: {  	[tilespmem:s0+$0x4B0] =	vst v8  }
0x38d: {  	[tilespmem:s0+$0x4C0] =	vst v9  }
0x38e: {  	[tilespmem:s0+$0x4D0] =	vst v10  }
0x38f: {  	[tilespmem:s0+$0x4E0] =	vst v11  }
0x390: {  	[tilespmem:s0+$0x4F0] =	vst v12  }
0x391: {  	v5 =	vld [tilespmem:s2+$0x1480]  }
0x392: {  	v6 =	vld [tilespmem:s2+$0x1490]  }
0x393: {  	v7 =	vld [tilespmem:s2+$0x14A0]  }
0x394: {  	v8 =	vld [tilespmem:s2+$0x14B0]  }
0x395: {  	v9 =	vld [tilespmem:s2+$0x14C0]  }
0x396: {  	s5 =	sshll.u32 s20, $0x9;
	s3 =	sshll.u32 s20, $0x7;
	v10 =	vld [tilespmem:s2+$0x14D0]  }
0x397: {  	s5 =	sand.u32 $0xFFFFF000, s5;
	s3 =	sand.u32 $0x380, s3;
	v11 =	vld [tilespmem:s2+$0x14E0]  }
0x398: {  	s20 =	sor.u32 s3, s5;
	v12 =	vld [tilespmem:s2+$0x14F0];
	[tilespmem:s0+$0x880] =	vst v5  }
0x399: {  	v13 =	vld [tilespmem:s20+$0xC80];
	[tilespmem:s0+$0x890] =	vst v6  }
0x39a: {  	v5 =	vld [tilespmem:s20+$0xC90];
	[tilespmem:s0+$0x8A0] =	vst v7  }
0x39b: {  	v6 =	vld [tilespmem:s20+$0xCA0];
	[tilespmem:s0+$0x8B0] =	vst v8  }
0x39c: {  	v7 =	vld [tilespmem:s20+$0xCB0];
	[tilespmem:s0+$0x8C0] =	vst v9  }
0x39d: {  	v8 =	vld [tilespmem:s20+$0xCC0];
	[tilespmem:s0+$0x8D0] =	vst v10  }
0x39e: {  	v9 =	vld [tilespmem:s20+$0xCD0];
	[tilespmem:s0+$0x8E0] =	vst v11  }
0x39f: {  	v10 =	vld [tilespmem:s20+$0xCE0];
	[tilespmem:s0+$0x8F0] =	vst v12  }
0x3a0: {  	v11 =	vld [tilespmem:s20+$0xCF0];
	[tilespmem:s4+$0x17C80] =	vst v13  }
0x3a1: {  	v12 =	vld [tilespmem:s2+$0x1880];
	[tilespmem:s0+$0x10] =	vst v5  }
0x3a2: {  	v5 =	vld [tilespmem:s2+$0x1890];
	[tilespmem:s0+$0x20] =	vst v6  }
0x3a3: {  	s1 =	sand.u32 $0x3, s24;
	v6 =	vld [tilespmem:s2+$0x18A0];
	[tilespmem:s0+$0x30] =	vst v7  }
0x3a4: {  	s1 =	sshll.u32 s1, $0x8;
	v7 =	vld [tilespmem:s2+$0x18B0];
	[tilespmem:s0+$0x40] =	vst v8  }
0x3a5: {  	s1 =	sadd.s32 $0x0, s1;
	v8 =	vld [tilespmem:s2+$0x18C0];
	[tilespmem:s0+$0x50] =	vst v9  }
0x3a6: {  	s23 =	sadd.s32 $0x80, s1;
	v9 =	vld [tilespmem:s2+$0x18D0];
	[tilespmem:s0+$0x60] =	vst v10  }
0x3a7: {  	s24 =	sor.u32 $0xC00, s23;
	v10 =	vld [tilespmem:s2+$0x18E0];
	[tilespmem:s0+$0x70] =	vst v11  }
0x3a8: {  	s25 =	sor.u32 $0xC10, s23;
	v11 =	vld [tilespmem:s2+$0x18F0];
	[tilespmem:s24+$0x17C80] =	vst v12  }
0x3a9: {  	s26 =	sor.u32 $0xC20, s23;
	[tilespmem:s25+$0x17C80] =	vst v5  }
0x3aa: {  	s4 =	sor.u32 $0xC30, s23;
	v12 =	vld [tilespmem:s20+$0x1080];
	[tilespmem:s26+$0x17C80] =	vst v6  }
0x3ab: {  	s5 =	sor.u32 $0xC40, s23;
	v5 =	vld [tilespmem:s20+$0x1090];
	[tilespmem:s4+$0x17C80] =	vst v7  }
0x3ac: {  	s6 =	sor.u32 $0xC50, s23;
	v6 =	vld [tilespmem:s20+$0x10A0];
	[tilespmem:s5+$0x17C80] =	vst v8  }
0x3ad: {  	v7 =	vld [tilespmem:s20+$0x10B0];
	[tilespmem:s6+$0x17C80] =	vst v9  }
0x3ae: {  	v8 =	vld [tilespmem:s20+$0x10C0];
	s2 =	sld [smem:$0x3];
	_ =	sdelay $0x2  }
0x3af: {  	s8 =	sshll.u32 s2, $0x9;
	s2 =	sshll.u32 s2, $0x7  }
0x3b0: {  	s7 =	sor.u32 $0xC60, s23;
	s9 =	sand.u32 $0xFFFFF000, s8;
	s2 =	sand.u32 $0x380, s2  }
0x3b1: {  	v9 =	vld [tilespmem:s20+$0x10D0];
	[tilespmem:s7+$0x17C80] =	vst v10;
	s2 =	sor.u32 s2, s9  }
0x3b2: {  	s10 =	sld [smem:$0x2];
	v10 =	vld [tilespmem:s2+$0xC80]  }
0x3b3: {  	v13 =	vld [tilespmem:s2+$0xC90]  }
0x3b4: {  	v14 =	vld [tilespmem:s2+$0xCA0]  }
0x3b5: {  	s11 =	simm.s32 $0x100;
	s12 =	simm.s32 $0x400;
	v15 =	vld [tilespmem:s2+$0xCB0]  }
0x3b6: {  	s4 =	sand.u32 $0x300, s11;
	s6 =	sand.u32 $0x1000, s12;
	v16 =	vld [tilespmem:s2+$0xCC0]  }
0x3b7: {  	s3 =	sor.u32 $0xC70, s23;
	s4 =	sor.u32 s4, s6;
	v17 =	vld [tilespmem:s2+$0xCD0]  }
0x3b8: {  	s22 =	sadd.s32 $0x17C80, s4;
	[tilespmem:s3+$0x17C80] =	vst v11;
	v18 =	vld [tilespmem:s2+$0xCE0]  }
0x3b9: {  	v19 =	vld [tilespmem:s2+$0xCF0];
	[tilespmem:s22+$0x80] =	vst v10  }
0x3ba: {  	[tilespmem:s22+$0x90] =	vst v13  }
0x3bb: {  	[tilespmem:s22+$0xA0] =	vst v14  }
0x3bc: {  	[tilespmem:s22+$0xB0] =	vst v15  }
0x3bd: {  	[tilespmem:s22+$0xC0] =	vst v16  }
0x3be: {  	s13 =	sshll.u32 s10, $0x9;
	s5 =	sshll.u32 s10, $0x7;
	[tilespmem:s22+$0xD0] =	vst v17  }
0x3bf: {  	s3 =	sand.u32 $0xFFFFF000, s13;
	s5 =	sand.u32 $0x380, s5;
	v10 =	vld [tilespmem:s20+$0x10E0];
	[tilespmem:s22+$0xE0] =	vst v18  }
0x3c0: {  	s21 =	sor.u32 s5, s3;
	v13 =	vld [tilespmem:s20+$0x10F0];
	[tilespmem:s22+$0xF0] =	vst v19  }
0x3c1: {  	[tilespmem:s0+$0x400] =	vst v12;
	v15 =	vld [tilespmem:s21+$0xC80]  }
0x3c2: {  	[tilespmem:s0+$0x410] =	vst v5;
	v14 =	vld [tilespmem:s2+$0x1080]  }
0x3c3: {  	[tilespmem:s0+$0x420] =	vst v6;
	v11 =	vld [tilespmem:s2+$0x1090]  }
0x3c4: {  	[tilespmem:s0+$0x430] =	vst v7;
	v12 =	vld [tilespmem:s2+$0x10A0]  }
0x3c5: {  	[tilespmem:s0+$0x440] =	vst v8;
	v5 =	vld [tilespmem:s2+$0x10B0]  }
0x3c6: {  	[tilespmem:s0+$0x450] =	vst v9;
	v6 =	vld [tilespmem:s2+$0x10C0]  }
0x3c7: {  	v7 =	vld [tilespmem:s2+$0x10D0];
	[tilespmem:s0+$0x460] =	vst v10  }
0x3c8: {  	v8 =	vld [tilespmem:s2+$0x10E0];
	[tilespmem:s0+$0x470] =	vst v13  }
0x3c9: {  	v9 =	vld [tilespmem:s2+$0x10F0];
	[tilespmem:s22+$0x480] =	vst v14  }
0x3ca: {  	v14 =	vld [tilespmem:s21+$0xC90];
	[tilespmem:s22+$0x490] =	vst v11  }
0x3cb: {  	v11 =	vld [tilespmem:s21+$0xCA0];
	[tilespmem:s22+$0x4A0] =	vst v12  }
0x3cc: {  	v12 =	vld [tilespmem:s21+$0xCB0];
	[tilespmem:s22+$0x4B0] =	vst v5  }
0x3cd: {  	v5 =	vld [tilespmem:s21+$0xCC0];
	[tilespmem:s22+$0x4C0] =	vst v6  }
0x3ce: {  	v6 =	vld [tilespmem:s21+$0xCD0];
	[tilespmem:s22+$0x4D0] =	vst v7  }
0x3cf: {  	v7 =	vld [tilespmem:s21+$0xCE0];
	[tilespmem:s22+$0x4E0] =	vst v8  }
0x3d0: {  	v8 =	vld [tilespmem:s21+$0xCF0];
	[tilespmem:s22+$0x4F0] =	vst v9  }
0x3d1: {  	[tilespmem:s4+$0x17C80] =	vst v15;
	v15 =	vld [tilespmem:s20+$0x1480]  }
0x3d2: {  	v9 =	vld [tilespmem:s2+$0x1480]  }
0x3d3: {  	v10 =	vld [tilespmem:s2+$0x1490];
	[tilespmem:s22+$0x10] =	vst v14  }
0x3d4: {  	v13 =	vld [tilespmem:s2+$0x14A0];
	[tilespmem:s22+$0x20] =	vst v11  }
0x3d5: {  	v14 =	vld [tilespmem:s2+$0x14B0];
	[tilespmem:s22+$0x30] =	vst v12  }
0x3d6: {  	v11 =	vld [tilespmem:s2+$0x14C0];
	[tilespmem:s22+$0x40] =	vst v5  }
0x3d7: {  	v12 =	vld [tilespmem:s2+$0x14D0];
	[tilespmem:s22+$0x50] =	vst v6  }
0x3d8: {  	v5 =	vld [tilespmem:s2+$0x14E0];
	[tilespmem:s22+$0x60] =	vst v7  }
0x3d9: {  	v6 =	vld [tilespmem:s2+$0x14F0];
	[tilespmem:s22+$0x880] =	vst v9  }
0x3da: {  	v9 =	vld [tilespmem:s20+$0x1490];
	[tilespmem:s22+$0x890] =	vst v10  }
0x3db: {  	v10 =	vld [tilespmem:s20+$0x14A0];
	[tilespmem:s22+$0x8A0] =	vst v13  }
0x3dc: {  	v13 =	vld [tilespmem:s20+$0x14B0];
	[tilespmem:s22+$0x8B0] =	vst v14  }
0x3dd: {  	v14 =	vld [tilespmem:s20+$0x14C0];
	[tilespmem:s22+$0x8C0] =	vst v11  }
0x3de: {  	v11 =	vld [tilespmem:s20+$0x14D0];
	[tilespmem:s22+$0x8D0] =	vst v12  }
0x3df: {  	v12 =	vld [tilespmem:s20+$0x14E0];
	[tilespmem:s22+$0x8E0] =	vst v5  }
0x3e0: {  	v5 =	vld [tilespmem:s20+$0x14F0];
	[tilespmem:s22+$0x8F0] =	vst v6  }
0x3e1: {  	[tilespmem:s22+$0x70] =	vst v8;
	v6 =	vld [tilespmem:s2+$0x1880]  }
0x3e2: {  	s14 =	simm.s32 $0x1;
	[tilespmem:s0+$0x800] =	vst v15;
	v7 =	vld [tilespmem:s2+$0x1890]  }
0x3e3: {  	s3 =	sand.u32 $0x3, s14;
	v8 =	vld [tilespmem:s2+$0x18A0];
	[tilespmem:s0+$0x810] =	vst v9  }
0x3e4: {  	s3 =	sshll.u32 s3, $0x8;
	v9 =	vld [tilespmem:s2+$0x18B0];
	[tilespmem:s0+$0x820] =	vst v10  }
0x3e5: {  	s3 =	sadd.s32 $0x400, s3;
	v10 =	vld [tilespmem:s2+$0x18C0];
	[tilespmem:s0+$0x830] =	vst v13  }
0x3e6: {  	s15 =	sadd.s32 $0x80, s3;
	v13 =	vld [tilespmem:s2+$0x18D0];
	[tilespmem:s0+$0x840] =	vst v14  }
0x3e7: {  	s16 =	sor.u32 $0xC00, s15;
	v14 =	vld [tilespmem:s2+$0x18E0];
	[tilespmem:s0+$0x850] =	vst v11  }
0x3e8: {  	s17 =	sor.u32 $0xC10, s15;
	v11 =	vld [tilespmem:s2+$0x18F0];
	[tilespmem:s16+$0x17C80] =	vst v6  }
0x3e9: {  	s18 =	sor.u32 $0xC20, s15;
	[tilespmem:s17+$0x17C80] =	vst v7  }
0x3ea: {  	s19 =	sor.u32 $0xC30, s15;
	v6 =	vld [tilespmem:s21+$0x1080];
	[tilespmem:s18+$0x17C80] =	vst v8  }
0x3eb: {  	s23 =	sor.u32 $0xC40, s15;
	v7 =	vld [tilespmem:s21+$0x1090];
	[tilespmem:s19+$0x17C80] =	vst v9  }
0x3ec: {  	s24 =	sor.u32 $0xC50, s15;
	v8 =	vld [tilespmem:s21+$0x10A0];
	[tilespmem:s23+$0x17C80] =	vst v10  }
0x3ed: {  	v9 =	vld [tilespmem:s21+$0x10B0];
	[tilespmem:s24+$0x17C80] =	vst v13  }
0x3ee: {  	v10 =	vld [tilespmem:s21+$0x10C0];
	s2 =	sld [smem:$0x5];
	_ =	sdelay $0x2  }
0x3ef: {  	s26 =	sshll.u32 s2, $0x9;
	s2 =	sshll.u32 s2, $0x7  }
0x3f0: {  	s25 =	sor.u32 $0xC60, s15;
	s7 =	sand.u32 $0xFFFFF000, s26;
	s2 =	sand.u32 $0x380, s2  }
0x3f1: {  	v13 =	vld [tilespmem:s21+$0x10D0];
	[tilespmem:s25+$0x17C80] =	vst v14;
	s2 =	sor.u32 s2, s7  }
0x3f2: {  	s8 =	sld [smem:$0x4];
	v14 =	vld [tilespmem:s2+$0xC80]  }
0x3f3: {  	v15 =	vld [tilespmem:s2+$0xC90]  }
0x3f4: {  	v16 =	vld [tilespmem:s2+$0xCA0]  }
0x3f5: {  	s28 =	simm.s32 $0x800;
	s26 =	simm.s32 $0x200;
	v17 =	vld [tilespmem:s2+$0xCB0]  }
0x3f6: {  	s9 =	sand.u32 $0x1000, s28;
	s10 =	sand.u32 $0x300, s26;
	v18 =	vld [tilespmem:s2+$0xCC0]  }
0x3f7: {  	v19 =	vld [tilespmem:s2+$0xCD0];
	s5 =	sor.u32 s10, s9  }
0x3f8: {  	v20 =	vld [tilespmem:s2+$0xCE0];
	s24 =	sadd.s32 $0x17C80, s5  }
0x3f9: {  	v21 =	vld [tilespmem:s2+$0xCF0];
	[tilespmem:s24+$0x80] =	vst v14  }
0x3fa: {  	[tilespmem:s24+$0x90] =	vst v15  }
0x3fb: {  	[tilespmem:s24+$0xA0] =	vst v16  }
0x3fc: {  	[tilespmem:s24+$0xB0] =	vst v17  }
0x3fd: {  	[tilespmem:s24+$0xC0] =	vst v18  }
0x3fe: {  	[tilespmem:s24+$0xD0] =	vst v19  }
0x3ff: {  	v14 =	vld [tilespmem:s21+$0x10E0];
	[tilespmem:s24+$0xE0] =	vst v20  }
0x400: {  	v15 =	vld [tilespmem:s21+$0x10F0];
	[tilespmem:s24+$0xF0] =	vst v21  }
0x401: {  	v16 =	vld [tilespmem:s2+$0x1080]  }
0x402: {  	v17 =	vld [tilespmem:s2+$0x1090]  }
0x403: {  	s4 =	sor.u32 $0xC70, s15;
	v18 =	vld [tilespmem:s2+$0x10A0]  }
0x404: {  	[tilespmem:s4+$0x17C80] =	vst v11;
	v19 =	vld [tilespmem:s2+$0x10B0]  }
0x405: {  	[tilespmem:s0+$0x860] =	vst v12;
	v11 =	vld [tilespmem:s2+$0x10C0]  }
0x406: {  	s11 =	sshll.u32 s8, $0x9;
	s6 =	sshll.u32 s8, $0x7;
	[tilespmem:s22+$0x400] =	vst v6;
	v6 =	vld [tilespmem:s2+$0x10D0]  }
0x407: {  	s4 =	sand.u32 $0xFFFFF000, s11;
	s6 =	sand.u32 $0x380, s6;
	[tilespmem:s22+$0x410] =	vst v7;
	v7 =	vld [tilespmem:s2+$0x10E0]  }
0x408: {  	s25 =	sor.u32 s6, s4;
	[tilespmem:s22+$0x420] =	vst v8;
	v8 =	vld [tilespmem:s2+$0x10F0]  }
0x409: {  	[tilespmem:s24+$0x480] =	vst v16;
	v16 =	vld [tilespmem:s25+$0xC80]  }
0x40a: {  	[tilespmem:s24+$0x490] =	vst v17;
	v17 =	vld [tilespmem:s25+$0xC90]  }
0x40b: {  	[tilespmem:s24+$0x4A0] =	vst v18;
	v18 =	vld [tilespmem:s25+$0xCA0]  }
0x40c: {  	[tilespmem:s24+$0x4B0] =	vst v19;
	v19 =	vld [tilespmem:s25+$0xCB0]  }
0x40d: {  	[tilespmem:s24+$0x4C0] =	vst v11;
	v11 =	vld [tilespmem:s25+$0xCC0]  }
0x40e: {  	[tilespmem:s24+$0x4D0] =	vst v6;
	v6 =	vld [tilespmem:s25+$0xCD0]  }
0x40f: {  	[tilespmem:s24+$0x4E0] =	vst v7;
	v7 =	vld [tilespmem:s25+$0xCE0]  }
0x410: {  	[tilespmem:s24+$0x4F0] =	vst v8;
	v8 =	vld [tilespmem:s25+$0xCF0]  }
0x411: {  	[tilespmem:s22+$0x430] =	vst v9;
	v9 =	vld [tilespmem:s2+$0x1480]  }
0x412: {  	[tilespmem:s22+$0x440] =	vst v10;
	v10 =	vld [tilespmem:s2+$0x1490]  }
0x413: {  	[tilespmem:s22+$0x450] =	vst v13;
	v13 =	vld [tilespmem:s2+$0x14A0]  }
0x414: {  	[tilespmem:s22+$0x460] =	vst v14;
	v14 =	vld [tilespmem:s2+$0x14B0]  }
0x415: {  	[tilespmem:s22+$0x470] =	vst v15;
	v15 =	vld [tilespmem:s2+$0x14C0]  }
0x416: {  	[tilespmem:s0+$0x870] =	vst v5;
	v12 =	vld [tilespmem:s2+$0x14D0]  }
0x417: {  	v5 =	vld [tilespmem:s2+$0x14E0];
	[tilespmem:s5+$0x17C80] =	vst v16  }
0x418: {  	v16 =	vld [tilespmem:s2+$0x14F0];
	[tilespmem:s24+$0x880] =	vst v9  }
0x419: {  	v20 =	vld [tilespmem:s21+$0x1480];
	[tilespmem:s24+$0x890] =	vst v10  }
0x41a: {  	v63 =	vld [tilespmem:s21+$0x1490];
	[tilespmem:s24+$0x8A0] =	vst v13  }
0x41b: {  	v22 =	vld [tilespmem:s21+$0x14A0];
	[tilespmem:s24+$0x8B0] =	vst v14  }
0x41c: {  	v23 =	vld [tilespmem:s21+$0x14B0];
	[tilespmem:s24+$0x8C0] =	vst v15  }
0x41d: {  	v24 =	vld [tilespmem:s21+$0x14C0];
	[tilespmem:s24+$0x8D0] =	vst v12  }
0x41e: {  	v25 =	vld [tilespmem:s21+$0x14D0];
	[tilespmem:s24+$0x8E0] =	vst v5  }
0x41f: {  	v9 =	vld [tilespmem:s21+$0x14E0];
	[tilespmem:s24+$0x10] =	vst v17  }
0x420: {  	v10 =	vld [tilespmem:s21+$0x14F0];
	[tilespmem:s24+$0x8F0] =	vst v16  }
0x421: {  	[tilespmem:s24+$0x20] =	vst v18;
	v5 =	vld [tilespmem:s2+$0x1880]  }
0x422: {  	s10 =	simm.s32 $0x2;
	[tilespmem:s24+$0x30] =	vst v19;
	v14 =	vld [tilespmem:s2+$0x1890]  }
0x423: {  	s12 =	sand.u32 $0x3, s10;
	[tilespmem:s24+$0x40] =	vst v11;
	v15 =	vld [tilespmem:s2+$0x18A0]  }
0x424: {  	s0 =	sshll.u32 s12, $0x8;
	[tilespmem:s24+$0x50] =	vst v6;
	v16 =	vld [tilespmem:s2+$0x18B0]  }
0x425: {  	s5 =	sadd.s32 $0x800, s0;
	[tilespmem:s24+$0x60] =	vst v7;
	v17 =	vld [tilespmem:s2+$0x18C0]  }
0x426: {  	[tilespmem:s24+$0x70] =	vst v8;
	s31 =	sadd.s32 $0x80, s5;
	v18 =	vld [tilespmem:s2+$0x18D0]  }
0x427: {  	[tilespmem:s22+$0x800] =	vst v20;
	s13 =	sor.u32 $0xC00, s31;
	v12 =	vld [tilespmem:s2+$0x18E0]  }
0x428: {  	s14 =	sor.u32 $0xC10, s31;
	v13 =	vld [tilespmem:s2+$0x18F0];
	[tilespmem:s13+$0x17C80] =	vst v5  }
0x429: {  	s15 =	sor.u32 $0xC20, s31;
	[tilespmem:s14+$0x17C80] =	vst v14  }
0x42a: {  	v11 =	vld [tilespmem:s20+$0x1880];
	s16 =	sor.u32 $0xC30, s31;
	[tilespmem:s15+$0x17C80] =	vst v15  }
0x42b: {  	s23 =	sor.u32 $0xC00, s3;
	v6 =	vld [tilespmem:s20+$0x18A0];
	[tilespmem:s16+$0x17C80] =	vst v16  }
0x42c: {  	s17 =	sor.u32 $0xC40, s31;
	v5 =	vld [tilespmem:s20+$0x1890];
	[dreg:$0x6] =	wrdreg s23  }
0x42d: {  	s9 =	sor.u32 $0xC20, s3;
	[tilespmem:s17+$0x17C80] =	vst v17  }
0x42e: {  	s11 =	sor.u32 $0xC30, s3;
	v7 =	vld [tilespmem:s20+$0x18B0];
	[dreg:$0x10] =	wrdreg s9  }
0x42f: {  	s8 =	sor.u32 $0xC50, s31;
	[dreg:$0x7] =	wrdreg s11  }
0x430: {  	s15 =	sor.u32 $0xC40, s3;
	[tilespmem:s8+$0x17C80] =	vst v18  }
0x431: {  	s18 =	sor.u32 $0xC50, s1;
	s16 =	sor.u32 $0xC50, s3;
	v8 =	vld [tilespmem:s20+$0x18C0];
	[dreg:$0x11] =	wrdreg s15  }
0x432: {  	s19 =	sor.u32 $0xC70, s1;
	s17 =	sor.u32 $0xC60, s3;
	[dreg:$0x8] =	wrdreg s16  }
0x433: {  	s7 =	sor.u32 $0xC20, s1;
	s6 =	sor.u32 $0xC00, s1;
	[dreg:$0x3] =	wrdreg s17  }
0x434: {  	s4 =	sor.u32 $0xC60, s1;
	s12 =	sor.u32 $0xC10, s1;
	s23 =	sor.u32 $0xC70, s3;
	[tilespmem:s22+$0x810] =	vst v63  }
0x435: {  	s30 =	sor.u32 $0xC00, s5;
	s29 =	sor.u32 $0xC10, s5;
	v14 =	vld [tilespmem:s25+$0x1080];
	[dreg:$0x9] =	wrdreg s23  }
0x436: {  	s2 =	sor.u32 $0xC30, s1;
	s13 =	sor.u32 $0xC10, s3;
	s14 =	sor.u32 $0xC40, s1;
	[tilespmem:s22+$0x820] =	vst v22;
	v15 =	vld [tilespmem:s25+$0x1090]  }
0x437: {  	s3 =	sor.u32 $0xC30, s5;
	s9 =	sor.u32 $0xC20, s5;
	s11 =	sor.u32 $0xC60, s31;
	[tilespmem:s22+$0x830] =	vst v23;
	v16 =	vld [tilespmem:s25+$0x10A0]  }
0x438: {  	s8 =	simm.s32 $0x7;
	s15 =	sor.u32 $0xC40, s5;
	s16 =	sor.u32 $0xC50, s5;
	[tilespmem:s22+$0x840] =	vst v24;
	v17 =	vld [tilespmem:s25+$0x10B0]  }
0x439: {  	s17 =	sor.u32 $0xC60, s5;
	s23 =	sor.u32 $0xC70, s5;
	s5 =	simm.s32 $0x4;
	[tilespmem:s22+$0x850] =	vst v25;
	v18 =	vld [tilespmem:s25+$0x10C0]  }
.LBB2_9:
0x43a: {  	s0 =	sld [smem:s8+$0x0];
	v19 =	vld [tilespmem:s25+$0x10D0];
	[tilespmem:s11+$0x17C80] =	vst v12;
	s1 =	sor.u32 $0xC70, s31  }
0x43b: {  	v12 =	vld [tilespmem:s25+$0x10E0];
	[tilespmem:s1+$0x17C80] =	vst v13  }
0x43c: {  	v13 =	vld [tilespmem:s25+$0x10F0];
	[tilespmem:s24+$0x400] =	vst v14  }
0x43d: {  	s11 =	sshll.u32 s0, $0x9;
	s0 =	sshll.u32 s0, $0x7;
	[tilespmem:s24+$0x410] =	vst v15  }
0x43e: {  	s11 =	sand.u32 $0xFFFFF000, s11;
	s0 =	sand.u32 $0x380, s0;
	v14 =	vld [tilespmem:s20+$0x18D0];
	[tilespmem:s24+$0x420] =	vst v16  }
0x43f: {  	s31 =	sld [smem:s8+$0xFFFFFFFF];
	s11 =	sor.u32 s0, s11;
	v15 =	vld [tilespmem:s20+$0x18E0]  }
0x440: {  	[tilespmem:s24+$0x430] =	vst v17;
	v17 =	vld [tilespmem:s11+$0xC80]  }
0x441: {  	v16 =	vld [tilespmem:s20+$0x18F0];
	[tilespmem:s24+$0x440] =	vst v18  }
0x442: {  	s26 =	sadd.s32 $0x100, s26;
	s1 =	sshll.u32 s31, $0x9;
	v18 =	vld [tilespmem:s11+$0xC90];
	[tilespmem:s24+$0x450] =	vst v19  }
0x443: {  	s28 =	sadd.s32 $0x400, s28;
	s31 =	sshll.u32 s31, $0x7;
	s1 =	sand.u32 $0xFFFFF000, s1;
	v19 =	vld [tilespmem:s11+$0xCA0];
	[tilespmem:s24+$0x460] =	vst v12  }
0x444: {  	s0 =	sand.u32 $0x380, s31;
	s20 =	smov.u32 s21;
	s21 =	smov.u32 s25;
	v12 =	vld [tilespmem:s11+$0xCB0];
	[tilespmem:s24+$0x470] =	vst v13  }
0x445: {  	s25 =	sor.u32 s0, s1;
	s0 =	sand.u32 $0x1000, s28;
	s1 =	sand.u32 $0x300, s26;
	v13 =	vld [tilespmem:s11+$0xCC0];
	[tilespmem:s22+$0x860] =	vst v9  }
0x446: {  	v9 =	vld [tilespmem:s11+$0xCD0];
	[tilespmem:s22+$0x870] =	vst v10;
	s31 =	sor.u32 s1, s0  }
0x447: {  	s22 =	smov.u32 s24;
	v10 =	vld [tilespmem:s11+$0xCE0];
	[tilespmem:s6+$0x17C80] =	vst v11;
	s24 =	sadd.s32 $0x17C80, s31  }
0x448: {  	v11 =	vld [tilespmem:s11+$0xCF0];
	[tilespmem:s24+$0x80] =	vst v17  }
0x449: {  	v17 =	vld [tilespmem:s25+$0xC80];
	[tilespmem:s24+$0x90] =	vst v18  }
0x44a: {  	v18 =	vld [tilespmem:s25+$0xC90];
	[tilespmem:s24+$0xA0] =	vst v19  }
0x44b: {  	v19 =	vld [tilespmem:s25+$0xCA0];
	[tilespmem:s24+$0xB0] =	vst v12  }
0x44c: {  	v12 =	vld [tilespmem:s25+$0xCB0];
	[tilespmem:s24+$0xC0] =	vst v13  }
0x44d: {  	v13 =	vld [tilespmem:s25+$0xCC0];
	[tilespmem:s24+$0xD0] =	vst v9  }
0x44e: {  	v9 =	vld [tilespmem:s25+$0xCD0];
	[tilespmem:s24+$0xE0] =	vst v10  }
0x44f: {  	v10 =	vld [tilespmem:s25+$0xCE0];
	[tilespmem:s24+$0xF0] =	vst v11  }
0x450: {  	[tilespmem:s12+$0x17C80] =	vst v5;
	v11 =	vld [tilespmem:s11+$0x1080]  }
0x451: {  	v5 =	vld [tilespmem:s11+$0x1090];
	[tilespmem:s7+$0x17C80] =	vst v6  }
0x452: {  	v6 =	vld [tilespmem:s11+$0x10A0];
	[tilespmem:s2+$0x17C80] =	vst v7  }
0x453: {  	v7 =	vld [tilespmem:s11+$0x10B0];
	[tilespmem:s14+$0x17C80] =	vst v8  }
0x454: {  	v8 =	vld [tilespmem:s11+$0x10C0];
	[tilespmem:s18+$0x17C80] =	vst v14  }
0x455: {  	v14 =	vld [tilespmem:s11+$0x10D0];
	[tilespmem:s4+$0x17C80] =	vst v15  }
0x456: {  	v15 =	vld [tilespmem:s11+$0x10E0];
	[tilespmem:s19+$0x17C80] =	vst v16  }
0x457: {  	v16 =	vld [tilespmem:s11+$0x10F0];
	[tilespmem:s24+$0x480] =	vst v11  }
0x458: {  	[tilespmem:s24+$0x490] =	vst v5;
	v20 =	vld [tilespmem:s25+$0xCF0]  }
0x459: {  	[tilespmem:s24+$0x4A0] =	vst v6;
	v21 =	vld [tilespmem:s21+$0x1480]  }
0x45a: {  	[tilespmem:s24+$0x4B0] =	vst v7;
	v22 =	vld [tilespmem:s21+$0x1490]  }
0x45b: {  	v23 =	vld [tilespmem:s21+$0x14A0];
	[tilespmem:s24+$0x4C0] =	vst v8  }
0x45c: {  	[tilespmem:s24+$0x4D0] =	vst v14;
	v14 =	vld [tilespmem:s21+$0x14B0]  }
0x45d: {  	[tilespmem:s24+$0x4E0] =	vst v15;
	v15 =	vld [tilespmem:s21+$0x14C0]  }
0x45e: {  	[tilespmem:s24+$0x4F0] =	vst v16;
	v16 =	vld [tilespmem:s21+$0x14D0]  }
0x45f: {  	[tilespmem:s31+$0x17C80] =	vst v17;
	v5 =	vld [tilespmem:s11+$0x1480]  }
0x460: {  	[tilespmem:s24+$0x40] =	vst v13;
	v6 =	vld [tilespmem:s11+$0x1490]  }
0x461: {  	[tilespmem:s24+$0x50] =	vst v9;
	v7 =	vld [tilespmem:s11+$0x14A0]  }
0x462: {  	[tilespmem:s24+$0x60] =	vst v10;
	v8 =	vld [tilespmem:s11+$0x14B0]  }
0x463: {  	[tilespmem:s24+$0x30] =	vst v12;
	v12 =	vld [tilespmem:s11+$0x14C0]  }
0x464: {  	[tilespmem:s24+$0x10] =	vst v18;
	v13 =	vld [tilespmem:s11+$0x14D0]  }
0x465: {  	[tilespmem:s24+$0x20] =	vst v19;
	v17 =	vld [tilespmem:s11+$0x14E0]  }
0x466: {  	v18 =	vld [tilespmem:s11+$0x14F0];
	[tilespmem:s24+$0x880] =	vst v5  }
0x467: {  	s1 =	rddreg [dreg:$0x6];
	v9 =	vld [tilespmem:s21+$0x14E0];
	[tilespmem:s24+$0x890] =	vst v6  }
0x468: {  	s6 =	smov.u32 s1;
	s1 =	smov.u32 s30;
	v10 =	vld [tilespmem:s21+$0x14F0];
	[tilespmem:s24+$0x8A0] =	vst v7  }
0x469: {  	[dreg:$0x6] =	wrdreg s1;
	v11 =	vld [tilespmem:s20+$0x1880];
	[tilespmem:s24+$0x8B0] =	vst v8  }
0x46a: {  	s5 =	sadd.s32 $0x2, s5;
	s1 =	rddreg [dreg:$0x10];
	[tilespmem:s24+$0x8C0] =	vst v12;
	v5 =	vld [tilespmem:s20+$0x1890]  }
0x46b: {  	s7 =	smov.u32 s1;
	s1 =	smov.u32 s9;
	s9 =	rddreg [dreg:$0x7];
	[tilespmem:s24+$0x8D0] =	vst v13;
	v6 =	vld [tilespmem:s20+$0x18A0]  }
0x46c: {  	s10 =	sadd.s32 $0x1, s10;
	s8 =	sadd.s32 $0x2, s8;
	[dreg:$0x10] =	wrdreg s1;
	[tilespmem:s24+$0x8E0] =	vst v17;
	v7 =	vld [tilespmem:s20+$0x18B0]  }
0x46d: {  	p0 =	slt.u32 s5, $0xE;
	s1 =	smov.u32 s3;
	s3 =	rddreg [dreg:$0x11];
	[tilespmem:s24+$0x8F0] =	vst v18;
	v8 =	vld [tilespmem:s20+$0x18C0]  }
0x46e: {  	s2 =	smov.u32 s9;
	s9 =	smov.u32 s15;
	s15 =	rddreg [dreg:$0x8];
	[tilespmem:s24+$0x70] =	vst v20;
	v17 =	vld [tilespmem:s11+$0x1880]  }
0x46f: {  	s12 =	smov.u32 s13;
	[dreg:$0x7] =	wrdreg s1;
	s14 =	smov.u32 s3;
	[tilespmem:s22+$0x800] =	vst v21;
	v18 =	vld [tilespmem:s11+$0x1890]  }
0x470: {  	[dreg:$0x11] =	wrdreg s9;
	s9 =	smov.u32 s17;
	s17 =	sand.u32 $0x3, s10;
	[tilespmem:s22+$0x810] =	vst v22;
	v19 =	vld [tilespmem:s11+$0x18A0]  }
0x471: {  	s1 =	smov.u32 s16;
	s3 =	rddreg [dreg:$0x3];
	s0 =	sshll.u32 s17, $0x8;
	[tilespmem:s22+$0x820] =	vst v23;
	v20 =	vld [tilespmem:s11+$0x18B0]  }
0x472: {  	s13 =	smov.u32 s29;
	[dreg:$0x8] =	wrdreg s1;
	s0 =	sadd.s32 s0, s28;
	[tilespmem:s22+$0x830] =	vst v14;
	v62 =	vld [tilespmem:s11+$0x18C0]  }
0x473: {  	s16 =	smov.u32 s23;
	[dreg:$0x3] =	wrdreg s9;
	s31 =	sadd.s32 $0x80, s0;
	[tilespmem:s22+$0x840] =	vst v15;
	v63 =	vld [tilespmem:s11+$0x18D0]  }
0x474: {  	s18 =	smov.u32 s15;
	s15 =	rddreg [dreg:$0x9];
	s23 =	sor.u32 $0xC00, s31;
	[tilespmem:s22+$0x850] =	vst v16;
	v12 =	vld [tilespmem:s11+$0x18E0]  }
0x475: {  	[dreg:$0x9] =	wrdreg s16;
	s4 =	smov.u32 s3;
	v13 =	vld [tilespmem:s11+$0x18F0];
	s11 =	sor.u32 $0xC10, s31;
	[tilespmem:s23+$0x17C80] =	vst v17  }
.Ltmp3:
0x476: {  	s19 =	smov.u32 s15;
	s1 =	sor.u32 $0xC20, s31;
	v14 =	vld [tilespmem:s25+$0x1080];
	[tilespmem:s11+$0x17C80] =	vst v18;
	(pc) =	sbr.rel @p0 .LBB2_9-.Ltmp3, $4  }
0x477: {  	s30 =	sor.u32 $0xC00, s0;
	s29 =	sor.u32 $0xC10, s0;
	v15 =	vld [tilespmem:s25+$0x1090];
	s11 =	sor.u32 $0xC30, s31;
	[tilespmem:s1+$0x17C80] =	vst v19  }
0x478: {  	s9 =	sor.u32 $0xC20, s0;
	s3 =	sor.u32 $0xC30, s0;
	v16 =	vld [tilespmem:s25+$0x10A0];
	s1 =	sor.u32 $0xC40, s31;
	[tilespmem:s11+$0x17C80] =	vst v20  }
0x479: {  	s15 =	sor.u32 $0xC40, s0;
	s16 =	sor.u32 $0xC50, s0;
	v17 =	vld [tilespmem:s25+$0x10B0];
	s11 =	sor.u32 $0xC50, s31;
	[tilespmem:s1+$0x17C80] =	vst v62  }
0x47a: {  	s17 =	sor.u32 $0xC60, s0;
	s23 =	sor.u32 $0xC70, s0;
	v18 =	vld [tilespmem:s25+$0x10C0];
	[tilespmem:s11+$0x17C80] =	vst v63;
	s11 =	sor.u32 $0xC60, s31  }
0x47b: {  	[tilespmem:s11+$0x17C80] =	vst v12  }
0x47c: {  	[tilespmem:s22+$0x860] =	vst v9  }
0x47d: {  	s0 =	sor.u32 $0xC70, s31;
	v12 =	vld [tilespmem:s25+$0x10D0];
	[tilespmem:s22+$0x870] =	vst v10  }
0x47e: {  	v9 =	vld [tilespmem:s25+$0x10F0];
	[tilespmem:s0+$0x17C80] =	vst v13  }
0x47f: {  	v13 =	vld [tilespmem:s25+$0x10E0];
	[tilespmem:s24+$0x400] =	vst v14  }
0x480: {  	[tilespmem:s24+$0x410] =	vst v15  }
0x481: {  	[tilespmem:s24+$0x420] =	vst v16  }
0x482: {  	[tilespmem:s24+$0x430] =	vst v17  }
0x483: {  	[tilespmem:s24+$0x440] =	vst v18  }
0x484: {  	v10 =	vld [tilespmem:s20+$0x18D0];
	[tilespmem:s24+$0x450] =	vst v12  }
0x485: {  	v12 =	vld [tilespmem:s20+$0x18E0];
	[tilespmem:s24+$0x470] =	vst v9  }
0x486: {  	[tilespmem:s24+$0x460] =	vst v13;
	v13 =	vld [tilespmem:s20+$0x18F0]  }
0x487: {  	[tilespmem:s6+$0x17C80] =	vst v11;
	v9 =	vld [tilespmem:s25+$0x1480]  }
0x488: {  	[tilespmem:s12+$0x17C80] =	vst v5;
	v5 =	vld [tilespmem:s25+$0x1490]  }
0x489: {  	v11 =	vld [tilespmem:s25+$0x14E0];
	[tilespmem:s7+$0x17C80] =	vst v6  }
0x48a: {  	v6 =	vld [tilespmem:s25+$0x14A0];
	[tilespmem:s2+$0x17C80] =	vst v7  }
0x48b: {  	v7 =	vld [tilespmem:s25+$0x14B0];
	[tilespmem:s14+$0x17C80] =	vst v8  }
0x48c: {  	v8 =	vld [tilespmem:s25+$0x14C0];
	[tilespmem:s18+$0x17C80] =	vst v10  }
0x48d: {  	v10 =	vld [tilespmem:s25+$0x14D0];
	[tilespmem:s4+$0x17C80] =	vst v12  }
0x48e: {  	v12 =	vld [tilespmem:s25+$0x14F0];
	[tilespmem:s24+$0x800] =	vst v9  }
0x48f: {  	[tilespmem:s24+$0x810] =	vst v5  }
0x490: {  	[tilespmem:s24+$0x860] =	vst v11  }
0x491: {  	v9 =	vld [tilespmem:s21+$0x1890];
	[tilespmem:s19+$0x17C80] =	vst v13  }
0x492: {  	v5 =	vld [tilespmem:s21+$0x18A0];
	[tilespmem:s24+$0x820] =	vst v6  }
0x493: {  	v13 =	vld [tilespmem:s21+$0x1880];
	[tilespmem:s24+$0x830] =	vst v7  }
0x494: {  	v11 =	vld [tilespmem:s21+$0x18F0];
	[tilespmem:s24+$0x840] =	vst v8  }
0x495: {  	v6 =	vld [tilespmem:s21+$0x18B0];
	[tilespmem:s24+$0x850] =	vst v10  }
0x496: {  	v7 =	vld [tilespmem:s21+$0x18C0];
	[tilespmem:s24+$0x870] =	vst v12  }
0x497: {  	v8 =	vld [tilespmem:s21+$0x18D0];
	s0 =	rddreg [dreg:$0x6]  }
0x498: {  	v10 =	vld [tilespmem:s21+$0x18E0];
	[tilespmem:s0+$0x17C80] =	vst v13  }
0x499: {  	[tilespmem:s13+$0x17C80] =	vst v9  }
0x49a: {  	s0 =	rddreg [dreg:$0x10]  }
0x49b: {  	[tilespmem:s0+$0x17C80] =	vst v5  }
0x49c: {  	s0 =	rddreg [dreg:$0x7]  }
0x49d: {  	[tilespmem:s0+$0x17C80] =	vst v6  }
0x49e: {  	s0 =	rddreg [dreg:$0x11]  }
0x49f: {  	v12 =	vld [tilespmem:s25+$0x1880];
	[tilespmem:s0+$0x17C80] =	vst v7  }
0x4a0: {  	v9 =	vld [tilespmem:s25+$0x1890];
	s0 =	rddreg [dreg:$0x8]  }
0x4a1: {  	v5 =	vld [tilespmem:s25+$0x18A0];
	[tilespmem:s0+$0x17C80] =	vst v8  }
0x4a2: {  	v6 =	vld [tilespmem:s25+$0x18B0];
	s0 =	rddreg [dreg:$0x3]  }
0x4a3: {  	v7 =	vld [tilespmem:s25+$0x18C0];
	[tilespmem:s0+$0x17C80] =	vst v10  }
0x4a4: {  	v8 =	vld [tilespmem:s25+$0x18D0];
	s0 =	rddreg [dreg:$0x9]  }
0x4a5: {  	v10 =	vld [tilespmem:s25+$0x18E0];
	[tilespmem:s0+$0x17C80] =	vst v11  }
0x4a6: {  	v11 =	vld [tilespmem:s25+$0x18F0];
	[tilespmem:s30+$0x17C80] =	vst v12  }
0x4a7: {  	[tilespmem:s29+$0x17C80] =	vst v9  }
0x4a8: {  	[tilespmem:s9+$0x17C80] =	vst v5  }
0x4a9: {  	[tilespmem:s3+$0x17C80] =	vst v6  }
0x4aa: {  	[tilespmem:s15+$0x17C80] =	vst v7  }
0x4ab: {  	[tilespmem:s16+$0x17C80] =	vst v8  }
0x4ac: {  	s0 =	sld [smem:$0x7FC]  }
0x4ad: {  	s1 =	sld [smem:$0x7F2];
	_ =	sdelay $0x2  }
0x4ae: {  	s8 =	rddreg [dreg:$0x1];
	[tilespmem:s17+$0x17C80] =	vst v10;
	s0 =	sadd.s32 s1, s0  }
0x4af: {  	s10 =	simm.s32 $0x17C80;
	s11 =	simm.s32 $0x4;
	[tilespmem:s23+$0x17C80] =	vst v11;
	s1 =	sshll.u32 s0, $0x6  }
0x4b0: {  	s9 =	simm.s32 $0x0;
	[smem:$0x7ED] =	sst s1;
	s0 =	sadd.s32 s8, s1  }
0x4b1: {  	[hbm4b:s0+s9] =	stream.linear.scatter [tilespmem:s10], [sflag:$0x3], $0x2000, $0x38;
	[tilespmem:$0x1BC80] =	vst v63  }
0x4b2: {  	_ =	swait.ge [sflag:s11], $0x2000  }
0x4b3: {  	s12 =	sld [smem:$0x7F3]  }
0x4b4: {  	[sflag:s11] =	ssyncset.done $0x0  }
0x4b5: {  	[sflag:s11] =	ssyncadd.s32 $0xFFFFE000  }
0x4b6: {  	v5 =	vld [tilespmem:s12+$0x70];
	_ =	sdelay $0x4  }
0x4b7: {  	v5 =	vsub.s32 v5, v0  }
0x4b8: {  	(v2sf) =	vpush v5, $0x0  }
0x4b9: {  	(v2sf) =	vpush v5, $0x1  }
0x4ba: {  	(v2sf) =	vpush v5, $0x2  }
0x4bb: {  	(v2sf) =	vpush v5, $0x3  }
0x4bc: {  	(v2sf) =	vpush v5, $0x4  }
0x4bd: {  	(v2sf) =	vpush v5, $0x5  }
0x4be: {  	(v2sf) =	vpush v5, $0x6  }
0x4bf: {  	(v2sf) =	vpush v5, $0x7  }
0x4c0: {  	(v2sf) =	vpush v5, $0x8  }
0x4c1: {  	(v2sf) =	vpush v5, $0x9  }
0x4c2: {  	(v2sf) =	vpush v5, $0xA  }
0x4c3: {  	(v2sf) =	vpush v5, $0xB  }
0x4c4: {  	(v2sf) =	vpush v5, $0xC  }
0x4c5: {  	(v2sf) =	vpush v5, $0xD  }
0x4c6: {  	(v2sf) =	vpush v5, $0xE  }
0x4c7: {  	s13 =	spop (v2sf);
	(v2sf) =	vpush v5, $0xF  }
0x4c8: {  	s14 =	spop (v2sf);
	[smem:$0x0] =	sst s13  }
0x4c9: {  	s15 =	spop (v2sf);
	[smem:$0x1] =	sst s14  }
0x4ca: {  	s16 =	spop (v2sf);
	[smem:$0x2] =	sst s15  }
0x4cb: {  	s17 =	spop (v2sf);
	[smem:$0x3] =	sst s16  }
0x4cc: {  	s18 =	spop (v2sf);
	[smem:$0x4] =	sst s17  }
0x4cd: {  	s19 =	spop (v2sf);
	[smem:$0x5] =	sst s18  }
0x4ce: {  	s20 =	spop (v2sf);
	[smem:$0x6] =	sst s19  }
0x4cf: {  	s21 =	spop (v2sf);
	[smem:$0x7] =	sst s20  }
0x4d0: {  	s22 =	spop (v2sf);
	[smem:$0x8] =	sst s21  }
0x4d1: {  	s23 =	spop (v2sf);
	[smem:$0x9] =	sst s22  }
0x4d2: {  	s24 =	spop (v2sf);
	[smem:$0xA] =	sst s23  }
0x4d3: {  	s25 =	spop (v2sf);
	[smem:$0xB] =	sst s24  }
0x4d4: {  	s26 =	spop (v2sf);
	[smem:$0xC] =	sst s25  }
0x4d5: {  	s3 =	spop (v2sf);
	[smem:$0xD] =	sst s26  }
0x4d6: {  	[smem:$0xE] =	sst s3;
	s4 =	spop (v2sf)  }
0x4d7: {  	[smem:$0xF] =	sst s4  }
0x4d8: {  	s0 =	sld [smem:$0x1];
	_ =	sdelay $0x2  }
0x4d9: {  	s5 =	sshll.u32 s0, $0x9;
	s0 =	sshll.u32 s0, $0x7  }
0x4da: {  	s2 =	sand.u32 $0xFFFFF000, s5;
	s0 =	sand.u32 $0x380, s0  }
0x4db: {  	s2 =	sor.u32 s0, s2  }
0x4dc: {  	s6 =	sld [smem:$0x0];
	v5 =	vld [tilespmem:s2+$0xC80]  }
0x4dd: {  	v6 =	vld [tilespmem:s2+$0xC90]  }
0x4de: {  	v7 =	vld [tilespmem:s2+$0xCA0]  }
0x4df: {  	v8 =	vld [tilespmem:s2+$0xCB0]  }
0x4e0: {  	s7 =	sand.u32 $0x1000, s9;
	s8 =	sand.u32 $0x300, s9;
	v9 =	vld [tilespmem:s2+$0xCC0]  }
0x4e1: {  	s4 =	sor.u32 s8, s7;
	v10 =	vld [tilespmem:s2+$0xCD0]  }
0x4e2: {  	s0 =	sadd.s32 $0x19C80, s4;
	v11 =	vld [tilespmem:s2+$0xCE0]  }
0x4e3: {  	v12 =	vld [tilespmem:s2+$0xCF0];
	[tilespmem:s0+$0x80] =	vst v5  }
0x4e4: {  	[tilespmem:s0+$0x90] =	vst v6  }
0x4e5: {  	[tilespmem:s0+$0xA0] =	vst v7  }
0x4e6: {  	[tilespmem:s0+$0xB0] =	vst v8  }
0x4e7: {  	[tilespmem:s0+$0xC0] =	vst v9  }
0x4e8: {  	[tilespmem:s0+$0xD0] =	vst v10  }
0x4e9: {  	[tilespmem:s0+$0xE0] =	vst v11  }
0x4ea: {  	[tilespmem:s0+$0xF0] =	vst v12  }
0x4eb: {  	v5 =	vld [tilespmem:s2+$0x1080]  }
0x4ec: {  	v6 =	vld [tilespmem:s2+$0x1090]  }
0x4ed: {  	v7 =	vld [tilespmem:s2+$0x10A0]  }
0x4ee: {  	v8 =	vld [tilespmem:s2+$0x10B0]  }
0x4ef: {  	v9 =	vld [tilespmem:s2+$0x10C0]  }
0x4f0: {  	v10 =	vld [tilespmem:s2+$0x10D0]  }
0x4f1: {  	v11 =	vld [tilespmem:s2+$0x10E0]  }
0x4f2: {  	v12 =	vld [tilespmem:s2+$0x10F0];
	[tilespmem:s0+$0x480] =	vst v5  }
0x4f3: {  	[tilespmem:s0+$0x490] =	vst v6  }
0x4f4: {  	[tilespmem:s0+$0x4A0] =	vst v7  }
0x4f5: {  	[tilespmem:s0+$0x4B0] =	vst v8  }
0x4f6: {  	[tilespmem:s0+$0x4C0] =	vst v9  }
0x4f7: {  	[tilespmem:s0+$0x4D0] =	vst v10  }
0x4f8: {  	[tilespmem:s0+$0x4E0] =	vst v11  }
0x4f9: {  	[tilespmem:s0+$0x4F0] =	vst v12  }
0x4fa: {  	v5 =	vld [tilespmem:s2+$0x1480]  }
0x4fb: {  	v6 =	vld [tilespmem:s2+$0x1490]  }
0x4fc: {  	v7 =	vld [tilespmem:s2+$0x14A0]  }
0x4fd: {  	v8 =	vld [tilespmem:s2+$0x14B0]  }
0x4fe: {  	v9 =	vld [tilespmem:s2+$0x14C0]  }
0x4ff: {  	s5 =	sshll.u32 s6, $0x9;
	s3 =	sshll.u32 s6, $0x7;
	v10 =	vld [tilespmem:s2+$0x14D0]  }
0x500: {  	s5 =	sand.u32 $0xFFFFF000, s5;
	s3 =	sand.u32 $0x380, s3;
	v11 =	vld [tilespmem:s2+$0x14E0]  }
0x501: {  	s19 =	sor.u32 s3, s5;
	v12 =	vld [tilespmem:s2+$0x14F0];
	[tilespmem:s0+$0x880] =	vst v5  }
0x502: {  	v13 =	vld [tilespmem:s19+$0xC80];
	[tilespmem:s0+$0x890] =	vst v6  }
0x503: {  	v5 =	vld [tilespmem:s19+$0xC90];
	[tilespmem:s0+$0x8A0] =	vst v7  }
0x504: {  	v6 =	vld [tilespmem:s19+$0xCA0];
	[tilespmem:s0+$0x8B0] =	vst v8  }
0x505: {  	v7 =	vld [tilespmem:s19+$0xCB0];
	[tilespmem:s0+$0x8C0] =	vst v9  }
0x506: {  	v8 =	vld [tilespmem:s19+$0xCC0];
	[tilespmem:s0+$0x8D0] =	vst v10  }
0x507: {  	v9 =	vld [tilespmem:s19+$0xCD0];
	[tilespmem:s0+$0x8E0] =	vst v11  }
0x508: {  	v10 =	vld [tilespmem:s19+$0xCE0];
	[tilespmem:s0+$0x8F0] =	vst v12  }
0x509: {  	v11 =	vld [tilespmem:s19+$0xCF0];
	[tilespmem:s4+$0x19C80] =	vst v13  }
0x50a: {  	v12 =	vld [tilespmem:s2+$0x1880];
	[tilespmem:s0+$0x10] =	vst v5  }
0x50b: {  	v5 =	vld [tilespmem:s2+$0x1890];
	[tilespmem:s0+$0x20] =	vst v6  }
0x50c: {  	s1 =	sand.u32 $0x3, s9;
	v6 =	vld [tilespmem:s2+$0x18A0];
	[tilespmem:s0+$0x30] =	vst v7  }
0x50d: {  	s1 =	sshll.u32 s1, $0x8;
	v7 =	vld [tilespmem:s2+$0x18B0];
	[tilespmem:s0+$0x40] =	vst v8  }
0x50e: {  	s1 =	sadd.s32 $0x0, s1;
	v8 =	vld [tilespmem:s2+$0x18C0];
	[tilespmem:s0+$0x50] =	vst v9  }
0x50f: {  	s9 =	sadd.s32 $0x80, s1;
	v9 =	vld [tilespmem:s2+$0x18D0];
	[tilespmem:s0+$0x60] =	vst v10  }
0x510: {  	s10 =	sor.u32 $0xC00, s9;
	v10 =	vld [tilespmem:s2+$0x18E0];
	[tilespmem:s0+$0x70] =	vst v11  }
0x511: {  	s11 =	sor.u32 $0xC10, s9;
	v11 =	vld [tilespmem:s2+$0x18F0];
	[tilespmem:s10+$0x19C80] =	vst v12  }
0x512: {  	s12 =	sor.u32 $0xC20, s9;
	[tilespmem:s11+$0x19C80] =	vst v5  }
0x513: {  	s13 =	sor.u32 $0xC30, s9;
	v12 =	vld [tilespmem:s19+$0x1080];
	[tilespmem:s12+$0x19C80] =	vst v6  }
0x514: {  	s14 =	sor.u32 $0xC40, s9;
	v5 =	vld [tilespmem:s19+$0x1090];
	[tilespmem:s13+$0x19C80] =	vst v7  }
0x515: {  	s15 =	sor.u32 $0xC50, s9;
	v6 =	vld [tilespmem:s19+$0x10A0];
	[tilespmem:s14+$0x19C80] =	vst v8  }
0x516: {  	v7 =	vld [tilespmem:s19+$0x10B0];
	[tilespmem:s15+$0x19C80] =	vst v9  }
0x517: {  	v8 =	vld [tilespmem:s19+$0x10C0];
	s2 =	sld [smem:$0x3];
	_ =	sdelay $0x2  }
0x518: {  	s17 =	sshll.u32 s2, $0x9;
	s2 =	sshll.u32 s2, $0x7  }
0x519: {  	s16 =	sor.u32 $0xC60, s9;
	s18 =	sand.u32 $0xFFFFF000, s17;
	s2 =	sand.u32 $0x380, s2  }
0x51a: {  	v9 =	vld [tilespmem:s19+$0x10D0];
	[tilespmem:s16+$0x19C80] =	vst v10;
	s2 =	sor.u32 s2, s18  }
0x51b: {  	s20 =	sld [smem:$0x2];
	v10 =	vld [tilespmem:s2+$0xC80]  }
0x51c: {  	v13 =	vld [tilespmem:s2+$0xC90]  }
0x51d: {  	v14 =	vld [tilespmem:s2+$0xCA0]  }
0x51e: {  	s21 =	simm.s32 $0x100;
	s22 =	simm.s32 $0x400;
	v15 =	vld [tilespmem:s2+$0xCB0]  }
0x51f: {  	s6 =	sand.u32 $0x1000, s22;
	s4 =	sand.u32 $0x300, s21;
	v16 =	vld [tilespmem:s2+$0xCC0]  }
0x520: {  	s3 =	sor.u32 $0xC70, s9;
	s4 =	sor.u32 s4, s6;
	v17 =	vld [tilespmem:s2+$0xCD0]  }
0x521: {  	s22 =	sadd.s32 $0x19C80, s4;
	[tilespmem:s3+$0x19C80] =	vst v11;
	v18 =	vld [tilespmem:s2+$0xCE0]  }
0x522: {  	v19 =	vld [tilespmem:s2+$0xCF0];
	[tilespmem:s22+$0x80] =	vst v10  }
0x523: {  	[tilespmem:s22+$0x90] =	vst v13  }
0x524: {  	[tilespmem:s22+$0xA0] =	vst v14  }
0x525: {  	[tilespmem:s22+$0xB0] =	vst v15  }
0x526: {  	[tilespmem:s22+$0xC0] =	vst v16  }
0x527: {  	s23 =	sshll.u32 s20, $0x9;
	s5 =	sshll.u32 s20, $0x7;
	[tilespmem:s22+$0xD0] =	vst v17  }
0x528: {  	s3 =	sand.u32 $0xFFFFF000, s23;
	s5 =	sand.u32 $0x380, s5;
	v10 =	vld [tilespmem:s19+$0x10E0];
	[tilespmem:s22+$0xE0] =	vst v18  }
0x529: {  	s21 =	sor.u32 s5, s3;
	v13 =	vld [tilespmem:s19+$0x10F0];
	[tilespmem:s22+$0xF0] =	vst v19  }
0x52a: {  	[tilespmem:s0+$0x400] =	vst v12;
	v15 =	vld [tilespmem:s21+$0xC80]  }
0x52b: {  	[tilespmem:s0+$0x410] =	vst v5;
	v14 =	vld [tilespmem:s2+$0x1080]  }
0x52c: {  	[tilespmem:s0+$0x420] =	vst v6;
	v11 =	vld [tilespmem:s2+$0x1090]  }
0x52d: {  	[tilespmem:s0+$0x430] =	vst v7;
	v12 =	vld [tilespmem:s2+$0x10A0]  }
0x52e: {  	[tilespmem:s0+$0x440] =	vst v8;
	v5 =	vld [tilespmem:s2+$0x10B0]  }
0x52f: {  	[tilespmem:s0+$0x450] =	vst v9;
	v6 =	vld [tilespmem:s2+$0x10C0]  }
0x530: {  	v7 =	vld [tilespmem:s2+$0x10D0];
	[tilespmem:s0+$0x460] =	vst v10  }
0x531: {  	v8 =	vld [tilespmem:s2+$0x10E0];
	[tilespmem:s0+$0x470] =	vst v13  }
0x532: {  	v9 =	vld [tilespmem:s2+$0x10F0];
	[tilespmem:s22+$0x480] =	vst v14  }
0x533: {  	v14 =	vld [tilespmem:s21+$0xC90];
	[tilespmem:s22+$0x490] =	vst v11  }
0x534: {  	v11 =	vld [tilespmem:s21+$0xCA0];
	[tilespmem:s22+$0x4A0] =	vst v12  }
0x535: {  	v12 =	vld [tilespmem:s21+$0xCB0];
	[tilespmem:s22+$0x4B0] =	vst v5  }
0x536: {  	v5 =	vld [tilespmem:s21+$0xCC0];
	[tilespmem:s22+$0x4C0] =	vst v6  }
0x537: {  	v6 =	vld [tilespmem:s21+$0xCD0];
	[tilespmem:s22+$0x4D0] =	vst v7  }
0x538: {  	v7 =	vld [tilespmem:s21+$0xCE0];
	[tilespmem:s22+$0x4E0] =	vst v8  }
0x539: {  	v8 =	vld [tilespmem:s21+$0xCF0];
	[tilespmem:s22+$0x4F0] =	vst v9  }
0x53a: {  	[tilespmem:s4+$0x19C80] =	vst v15;
	v15 =	vld [tilespmem:s19+$0x1480]  }
0x53b: {  	v9 =	vld [tilespmem:s2+$0x1480]  }
0x53c: {  	v10 =	vld [tilespmem:s2+$0x1490];
	[tilespmem:s22+$0x10] =	vst v14  }
0x53d: {  	v13 =	vld [tilespmem:s2+$0x14A0];
	[tilespmem:s22+$0x20] =	vst v11  }
0x53e: {  	v14 =	vld [tilespmem:s2+$0x14B0];
	[tilespmem:s22+$0x30] =	vst v12  }
0x53f: {  	v11 =	vld [tilespmem:s2+$0x14C0];
	[tilespmem:s22+$0x40] =	vst v5  }
0x540: {  	v12 =	vld [tilespmem:s2+$0x14D0];
	[tilespmem:s22+$0x50] =	vst v6  }
0x541: {  	v5 =	vld [tilespmem:s2+$0x14E0];
	[tilespmem:s22+$0x60] =	vst v7  }
0x542: {  	v6 =	vld [tilespmem:s2+$0x14F0];
	[tilespmem:s22+$0x880] =	vst v9  }
0x543: {  	v9 =	vld [tilespmem:s19+$0x1490];
	[tilespmem:s22+$0x890] =	vst v10  }
0x544: {  	v10 =	vld [tilespmem:s19+$0x14A0];
	[tilespmem:s22+$0x8A0] =	vst v13  }
0x545: {  	v13 =	vld [tilespmem:s19+$0x14B0];
	[tilespmem:s22+$0x8B0] =	vst v14  }
0x546: {  	v14 =	vld [tilespmem:s19+$0x14C0];
	[tilespmem:s22+$0x8C0] =	vst v11  }
0x547: {  	v11 =	vld [tilespmem:s19+$0x14D0];
	[tilespmem:s22+$0x8D0] =	vst v12  }
0x548: {  	v12 =	vld [tilespmem:s19+$0x14E0];
	[tilespmem:s22+$0x8E0] =	vst v5  }
0x549: {  	v5 =	vld [tilespmem:s19+$0x14F0];
	[tilespmem:s22+$0x8F0] =	vst v6  }
0x54a: {  	[tilespmem:s22+$0x70] =	vst v8;
	v6 =	vld [tilespmem:s2+$0x1880]  }
0x54b: {  	s24 =	simm.s32 $0x1;
	[tilespmem:s0+$0x800] =	vst v15;
	v7 =	vld [tilespmem:s2+$0x1890]  }
0x54c: {  	s3 =	sand.u32 $0x3, s24;
	v8 =	vld [tilespmem:s2+$0x18A0];
	[tilespmem:s0+$0x810] =	vst v9  }
0x54d: {  	s3 =	sshll.u32 s3, $0x8;
	v9 =	vld [tilespmem:s2+$0x18B0];
	[tilespmem:s0+$0x820] =	vst v10  }
0x54e: {  	s3 =	sadd.s32 $0x400, s3;
	v10 =	vld [tilespmem:s2+$0x18C0];
	[tilespmem:s0+$0x830] =	vst v13  }
0x54f: {  	s25 =	sadd.s32 $0x80, s3;
	v13 =	vld [tilespmem:s2+$0x18D0];
	[tilespmem:s0+$0x840] =	vst v14  }
0x550: {  	s6 =	sor.u32 $0xC00, s25;
	v14 =	vld [tilespmem:s2+$0x18E0];
	[tilespmem:s0+$0x850] =	vst v11  }
0x551: {  	s7 =	sor.u32 $0xC10, s25;
	v11 =	vld [tilespmem:s2+$0x18F0];
	[tilespmem:s6+$0x19C80] =	vst v6  }
0x552: {  	s8 =	sor.u32 $0xC20, s25;
	[tilespmem:s7+$0x19C80] =	vst v7  }
0x553: {  	s9 =	sor.u32 $0xC30, s25;
	v6 =	vld [tilespmem:s21+$0x1080];
	[tilespmem:s8+$0x19C80] =	vst v8  }
0x554: {  	s10 =	sor.u32 $0xC40, s25;
	v7 =	vld [tilespmem:s21+$0x1090];
	[tilespmem:s9+$0x19C80] =	vst v9  }
0x555: {  	s11 =	sor.u32 $0xC50, s25;
	v8 =	vld [tilespmem:s21+$0x10A0];
	[tilespmem:s10+$0x19C80] =	vst v10  }
0x556: {  	v9 =	vld [tilespmem:s21+$0x10B0];
	[tilespmem:s11+$0x19C80] =	vst v13  }
0x557: {  	v10 =	vld [tilespmem:s21+$0x10C0];
	s2 =	sld [smem:$0x5];
	_ =	sdelay $0x2  }
0x558: {  	s13 =	sshll.u32 s2, $0x9;
	s2 =	sshll.u32 s2, $0x7  }
0x559: {  	s12 =	sor.u32 $0xC60, s25;
	s14 =	sand.u32 $0xFFFFF000, s13;
	s2 =	sand.u32 $0x380, s2  }
0x55a: {  	v13 =	vld [tilespmem:s21+$0x10D0];
	[tilespmem:s12+$0x19C80] =	vst v14;
	s2 =	sor.u32 s2, s14  }
0x55b: {  	s15 =	sld [smem:$0x4];
	v14 =	vld [tilespmem:s2+$0xC80]  }
0x55c: {  	v15 =	vld [tilespmem:s2+$0xC90]  }
0x55d: {  	v16 =	vld [tilespmem:s2+$0xCA0]  }
0x55e: {  	s28 =	simm.s32 $0x800;
	s26 =	simm.s32 $0x200;
	v17 =	vld [tilespmem:s2+$0xCB0]  }
0x55f: {  	s16 =	sand.u32 $0x1000, s28;
	s17 =	sand.u32 $0x300, s26;
	v18 =	vld [tilespmem:s2+$0xCC0]  }
0x560: {  	s5 =	sor.u32 s17, s16;
	v19 =	vld [tilespmem:s2+$0xCD0]  }
0x561: {  	s24 =	sadd.s32 $0x19C80, s5;
	v20 =	vld [tilespmem:s2+$0xCE0]  }
0x562: {  	v21 =	vld [tilespmem:s2+$0xCF0];
	[tilespmem:s24+$0x80] =	vst v14  }
0x563: {  	[tilespmem:s24+$0x90] =	vst v15  }
0x564: {  	[tilespmem:s24+$0xA0] =	vst v16  }
0x565: {  	[tilespmem:s24+$0xB0] =	vst v17  }
0x566: {  	[tilespmem:s24+$0xC0] =	vst v18  }
0x567: {  	[tilespmem:s24+$0xD0] =	vst v19  }
0x568: {  	v14 =	vld [tilespmem:s21+$0x10E0];
	[tilespmem:s24+$0xE0] =	vst v20  }
0x569: {  	v15 =	vld [tilespmem:s21+$0x10F0];
	[tilespmem:s24+$0xF0] =	vst v21  }
0x56a: {  	v16 =	vld [tilespmem:s2+$0x1080]  }
0x56b: {  	v17 =	vld [tilespmem:s2+$0x1090]  }
0x56c: {  	s4 =	sor.u32 $0xC70, s25;
	v18 =	vld [tilespmem:s2+$0x10A0]  }
0x56d: {  	[tilespmem:s4+$0x19C80] =	vst v11;
	v19 =	vld [tilespmem:s2+$0x10B0]  }
0x56e: {  	[tilespmem:s0+$0x860] =	vst v12;
	v11 =	vld [tilespmem:s2+$0x10C0]  }
0x56f: {  	s18 =	sshll.u32 s15, $0x9;
	s6 =	sshll.u32 s15, $0x7;
	[tilespmem:s22+$0x400] =	vst v6;
	v6 =	vld [tilespmem:s2+$0x10D0]  }
0x570: {  	s4 =	sand.u32 $0xFFFFF000, s18;
	s6 =	sand.u32 $0x380, s6;
	[tilespmem:s22+$0x410] =	vst v7;
	v7 =	vld [tilespmem:s2+$0x10E0]  }
0x571: {  	s25 =	sor.u32 s6, s4;
	[tilespmem:s22+$0x420] =	vst v8;
	v8 =	vld [tilespmem:s2+$0x10F0]  }
0x572: {  	[tilespmem:s24+$0x480] =	vst v16;
	v16 =	vld [tilespmem:s25+$0xC80]  }
0x573: {  	[tilespmem:s24+$0x490] =	vst v17;
	v17 =	vld [tilespmem:s25+$0xC90]  }
0x574: {  	[tilespmem:s24+$0x4A0] =	vst v18;
	v18 =	vld [tilespmem:s25+$0xCA0]  }
0x575: {  	[tilespmem:s24+$0x4B0] =	vst v19;
	v19 =	vld [tilespmem:s25+$0xCB0]  }
0x576: {  	[tilespmem:s24+$0x4C0] =	vst v11;
	v11 =	vld [tilespmem:s25+$0xCC0]  }
0x577: {  	[tilespmem:s24+$0x4D0] =	vst v6;
	v6 =	vld [tilespmem:s25+$0xCD0]  }
0x578: {  	[tilespmem:s24+$0x4E0] =	vst v7;
	v7 =	vld [tilespmem:s25+$0xCE0]  }
0x579: {  	[tilespmem:s24+$0x4F0] =	vst v8;
	v8 =	vld [tilespmem:s25+$0xCF0]  }
0x57a: {  	[tilespmem:s22+$0x430] =	vst v9;
	v9 =	vld [tilespmem:s2+$0x1480]  }
0x57b: {  	[tilespmem:s22+$0x440] =	vst v10;
	v10 =	vld [tilespmem:s2+$0x1490]  }
0x57c: {  	[tilespmem:s22+$0x450] =	vst v13;
	v13 =	vld [tilespmem:s2+$0x14A0]  }
0x57d: {  	[tilespmem:s22+$0x460] =	vst v14;
	v14 =	vld [tilespmem:s2+$0x14B0]  }
0x57e: {  	[tilespmem:s22+$0x470] =	vst v15;
	v15 =	vld [tilespmem:s2+$0x14C0]  }
0x57f: {  	[tilespmem:s0+$0x870] =	vst v5;
	v12 =	vld [tilespmem:s2+$0x14D0]  }
0x580: {  	v5 =	vld [tilespmem:s2+$0x14E0];
	[tilespmem:s5+$0x19C80] =	vst v16  }
0x581: {  	v16 =	vld [tilespmem:s2+$0x14F0];
	[tilespmem:s24+$0x880] =	vst v9  }
0x582: {  	v20 =	vld [tilespmem:s21+$0x1480];
	[tilespmem:s24+$0x890] =	vst v10  }
0x583: {  	v63 =	vld [tilespmem:s21+$0x1490];
	[tilespmem:s24+$0x8A0] =	vst v13  }
0x584: {  	v22 =	vld [tilespmem:s21+$0x14A0];
	[tilespmem:s24+$0x8B0] =	vst v14  }
0x585: {  	v23 =	vld [tilespmem:s21+$0x14B0];
	[tilespmem:s24+$0x8C0] =	vst v15  }
0x586: {  	v24 =	vld [tilespmem:s21+$0x14C0];
	[tilespmem:s24+$0x8D0] =	vst v12  }
0x587: {  	v25 =	vld [tilespmem:s21+$0x14D0];
	[tilespmem:s24+$0x8E0] =	vst v5  }
0x588: {  	v9 =	vld [tilespmem:s21+$0x14E0];
	[tilespmem:s24+$0x10] =	vst v17  }
0x589: {  	v10 =	vld [tilespmem:s21+$0x14F0];
	[tilespmem:s24+$0x8F0] =	vst v16  }
0x58a: {  	[tilespmem:s24+$0x20] =	vst v18;
	v5 =	vld [tilespmem:s2+$0x1880]  }
0x58b: {  	[tilespmem:s24+$0x30] =	vst v19;
	v14 =	vld [tilespmem:s2+$0x1890]  }
0x58c: {  	s10 =	simm.s32 $0x2;
	[tilespmem:s24+$0x40] =	vst v11;
	v15 =	vld [tilespmem:s2+$0x18A0]  }
0x58d: {  	s20 =	sand.u32 $0x3, s10;
	[tilespmem:s24+$0x50] =	vst v6;
	v16 =	vld [tilespmem:s2+$0x18B0]  }
0x58e: {  	s0 =	sshll.u32 s20, $0x8;
	[tilespmem:s24+$0x60] =	vst v7;
	v17 =	vld [tilespmem:s2+$0x18C0]  }
0x58f: {  	s5 =	sadd.s32 $0x800, s0;
	[tilespmem:s24+$0x70] =	vst v8;
	v18 =	vld [tilespmem:s2+$0x18D0]  }
0x590: {  	s6 =	sor.u32 $0xC00, s1;
	s0 =	sadd.s32 $0x80, s5;
	[tilespmem:s22+$0x800] =	vst v20;
	v12 =	vld [tilespmem:s2+$0x18E0]  }
0x591: {  	s23 =	sor.u32 $0xC00, s0;
	v13 =	vld [tilespmem:s2+$0x18F0];
	[dreg:$0x1b] =	wrdreg s6  }
0x592: {  	s8 =	sor.u32 $0xC10, s1;
	[tilespmem:s23+$0x19C80] =	vst v5  }
0x593: {  	s9 =	sor.u32 $0xC20, s1;
	[dreg:$0x1f] =	wrdreg s8  }
0x594: {  	s7 =	sor.u32 $0xC10, s0;
	[dreg:$0x1c] =	wrdreg s9  }
0x595: {  	s12 =	sor.u32 $0xC40, s1;
	[tilespmem:s7+$0x19C80] =	vst v14  }
0x596: {  	s11 =	sor.u32 $0xC20, s0;
	v11 =	vld [tilespmem:s19+$0x1880];
	[smem:$0x7EE] =	sst s12  }
0x597: {  	s8 =	sor.u32 $0xC30, s0;
	[tilespmem:s11+$0x19C80] =	vst v15  }
0x598: {  	s13 =	sor.u32 $0xC40, s0;
	v5 =	vld [tilespmem:s19+$0x1890];
	[tilespmem:s8+$0x19C80] =	vst v16  }
0x599: {  	s15 =	sor.u32 $0xC10, s3;
	v6 =	vld [tilespmem:s19+$0x18A0];
	[tilespmem:s13+$0x19C80] =	vst v17  }
0x59a: {  	s16 =	sor.u32 $0xC20, s3;
	v7 =	vld [tilespmem:s19+$0x18B0];
	[dreg:$0x18] =	wrdreg s15  }
0x59b: {  	s14 =	sor.u32 $0xC50, s0;
	[dreg:$0x12] =	wrdreg s16  }
0x59c: {  	s31 =	sor.u32 $0xC70, s1;
	s17 =	sor.u32 $0xC40, s3;
	[tilespmem:s14+$0x19C80] =	vst v18  }
0x59d: {  	s20 =	sor.u32 $0xC60, s3;
	s18 =	sor.u32 $0xC50, s1;
	v8 =	vld [tilespmem:s19+$0x18C0];
	[dreg:$0x13] =	wrdreg s17  }
0x59e: {  	s4 =	sor.u32 $0xC60, s1;
	s30 =	sor.u32 $0xC00, s5;
	s29 =	sor.u32 $0xC60, s0;
	[tilespmem:s22+$0x810] =	vst v63  }
0x59f: {  	s2 =	sor.u32 $0xC30, s1;
	s6 =	sor.u32 $0xC30, s3;
	v14 =	vld [tilespmem:s25+$0x1080];
	[dreg:$0x14] =	wrdreg s20  }
0x5a0: {  	s23 =	sor.u32 $0xC00, s3;
	s9 =	sor.u32 $0xC10, s5;
	s7 =	sor.u32 $0xC50, s3;
	[tilespmem:s22+$0x820] =	vst v22;
	v15 =	vld [tilespmem:s25+$0x1090]  }
0x5a1: {  	s11 =	sor.u32 $0xC20, s5;
	s8 =	simm.s32 $0x7;
	s15 =	sor.u32 $0xC30, s5;
	[tilespmem:s22+$0x830] =	vst v23;
	v16 =	vld [tilespmem:s25+$0x10A0]  }
0x5a2: {  	s16 =	sor.u32 $0xC70, s5;
	s14 =	sor.u32 $0xC70, s3;
	s3 =	sor.u32 $0xC60, s5;
	[tilespmem:s22+$0x840] =	vst v24;
	v17 =	vld [tilespmem:s25+$0x10B0]  }
0x5a3: {  	s17 =	sor.u32 $0xC50, s5;
	s20 =	sor.u32 $0xC40, s5;
	s5 =	simm.s32 $0x4;
	[tilespmem:s22+$0x850] =	vst v25;
	v18 =	vld [tilespmem:s25+$0x10C0]  }
.LBB2_11:
0x5a4: {  	s1 =	sld [smem:s8+$0x0];
	v19 =	vld [tilespmem:s25+$0x10D0];
	[tilespmem:s29+$0x19C80] =	vst v12;
	s0 =	sor.u32 $0xC70, s0  }
0x5a5: {  	s29 =	sld [smem:s8+$0xFFFFFFFF];
	v12 =	vld [tilespmem:s25+$0x10E0];
	[tilespmem:s0+$0x19C80] =	vst v13  }
0x5a6: {  	s12 =	smov.u32 s7;
	s7 =	smov.u32 s6;
	v13 =	vld [tilespmem:s25+$0x10F0];
	[tilespmem:s24+$0x400] =	vst v14  }
0x5a7: {  	s6 =	smov.u32 s23;
	s0 =	sshll.u32 s1, $0x9;
	s1 =	sshll.u32 s1, $0x7;
	[tilespmem:s24+$0x410] =	vst v15  }
0x5a8: {  	s13 =	sshll.u32 s29, $0x9;
	s0 =	sand.u32 $0xFFFFF000, s0;
	s1 =	sand.u32 $0x380, s1;
	v14 =	vld [tilespmem:s19+$0x18D0];
	[tilespmem:s24+$0x420] =	vst v16  }
0x5a9: {  	s23 =	sand.u32 $0xFFFFF000, s13;
	s13 =	sshll.u32 s29, $0x7;
	s29 =	sor.u32 s1, s0;
	v15 =	vld [tilespmem:s19+$0x18E0]  }
0x5aa: {  	[tilespmem:s24+$0x430] =	vst v17;
	v17 =	vld [tilespmem:s29+$0xC80]  }
0x5ab: {  	v16 =	vld [tilespmem:s19+$0x18F0];
	[tilespmem:s24+$0x440] =	vst v18  }
0x5ac: {  	v18 =	vld [tilespmem:s29+$0xC90];
	[tilespmem:s24+$0x450] =	vst v19  }
0x5ad: {  	s26 =	sadd.s32 $0x100, s26;
	s28 =	sadd.s32 $0x400, s28;
	v19 =	vld [tilespmem:s29+$0xCA0];
	[tilespmem:s24+$0x460] =	vst v12  }
0x5ae: {  	s1 =	sand.u32 $0x380, s13;
	s13 =	sand.u32 $0x1000, s28;
	s19 =	smov.u32 s21;
	v12 =	vld [tilespmem:s29+$0xCB0];
	[tilespmem:s24+$0x470] =	vst v13  }
0x5af: {  	s21 =	smov.u32 s25;
	s25 =	sor.u32 s1, s23;
	s23 =	sand.u32 $0x300, s26;
	v13 =	vld [tilespmem:s29+$0xCC0];
	[tilespmem:s22+$0x860] =	vst v9  }
0x5b0: {  	v9 =	vld [tilespmem:s29+$0xCD0];
	[tilespmem:s22+$0x870] =	vst v10;
	s0 =	sor.u32 s23, s13;
	s13 =	rddreg [dreg:$0x1b]  }
0x5b1: {  	s22 =	smov.u32 s24;
	v10 =	vld [tilespmem:s29+$0xCE0];
	s24 =	sadd.s32 $0x19C80, s0;
	[tilespmem:s13+$0x19C80] =	vst v11  }
0x5b2: {  	v11 =	vld [tilespmem:s29+$0xCF0];
	[tilespmem:s24+$0x80] =	vst v17  }
0x5b3: {  	v17 =	vld [tilespmem:s25+$0xC80];
	[tilespmem:s24+$0x90] =	vst v18  }
0x5b4: {  	v18 =	vld [tilespmem:s25+$0xC90];
	[tilespmem:s24+$0xA0] =	vst v19  }
0x5b5: {  	v19 =	vld [tilespmem:s25+$0xCA0];
	[tilespmem:s24+$0xB0] =	vst v12  }
0x5b6: {  	v12 =	vld [tilespmem:s25+$0xCB0];
	[tilespmem:s24+$0xC0] =	vst v13  }
0x5b7: {  	s23 =	smov.u32 s6;
	s6 =	rddreg [dreg:$0x18];
	v13 =	vld [tilespmem:s25+$0xCC0];
	[tilespmem:s24+$0xD0] =	vst v9  }
0x5b8: {  	s13 =	rddreg [dreg:$0x1f];
	v9 =	vld [tilespmem:s25+$0xCD0];
	[tilespmem:s24+$0xE0] =	vst v10  }
0x5b9: {  	v10 =	vld [tilespmem:s25+$0xCE0];
	[tilespmem:s13+$0x19C80] =	vst v5;
	s13 =	smov.u32 s6;
	s6 =	rddreg [dreg:$0x1c]  }
0x5ba: {  	[dreg:$0x1f] =	wrdreg s13  }
0x5bb: {  	s13 =	smov.u32 s9;
	s9 =	rddreg [dreg:$0x12]  }
0x5bc: {  	[tilespmem:s24+$0xF0] =	vst v11;
	[dreg:$0x18] =	wrdreg s13  }
0x5bd: {  	s13 =	smov.u32 s9;
	s9 =	smov.u32 s11;
	s11 =	sld [smem:$0x7EE];
	v11 =	vld [tilespmem:s29+$0x1080]  }
0x5be: {  	[tilespmem:s6+$0x19C80] =	vst v6;
	v5 =	vld [tilespmem:s29+$0x1090]  }
0x5bf: {  	[tilespmem:s2+$0x19C80] =	vst v7;
	v6 =	vld [tilespmem:s29+$0x10A0]  }
0x5c0: {  	v7 =	vld [tilespmem:s29+$0x10B0];
	[tilespmem:s11+$0x19C80] =	vst v8  }
0x5c1: {  	v8 =	vld [tilespmem:s29+$0x10C0];
	[tilespmem:s18+$0x19C80] =	vst v14  }
0x5c2: {  	v14 =	vld [tilespmem:s29+$0x10D0];
	[tilespmem:s4+$0x19C80] =	vst v15  }
0x5c3: {  	v15 =	vld [tilespmem:s29+$0x10E0];
	[tilespmem:s31+$0x19C80] =	vst v16  }
0x5c4: {  	v16 =	vld [tilespmem:s29+$0x10F0];
	[tilespmem:s24+$0x480] =	vst v11  }
0x5c5: {  	[tilespmem:s24+$0x490] =	vst v5;
	v20 =	vld [tilespmem:s25+$0xCF0]  }
0x5c6: {  	[tilespmem:s24+$0x4A0] =	vst v6;
	v21 =	vld [tilespmem:s21+$0x1480]  }
0x5c7: {  	[tilespmem:s24+$0x4B0] =	vst v7;
	v22 =	vld [tilespmem:s21+$0x1490]  }
0x5c8: {  	v23 =	vld [tilespmem:s21+$0x14A0];
	[tilespmem:s24+$0x4C0] =	vst v8  }
0x5c9: {  	[tilespmem:s24+$0x4D0] =	vst v14;
	v14 =	vld [tilespmem:s21+$0x14B0]  }
0x5ca: {  	[tilespmem:s24+$0x4E0] =	vst v15;
	v15 =	vld [tilespmem:s21+$0x14C0]  }
0x5cb: {  	[tilespmem:s24+$0x4F0] =	vst v16;
	v16 =	vld [tilespmem:s21+$0x14D0]  }
0x5cc: {  	[tilespmem:s0+$0x19C80] =	vst v17;
	v5 =	vld [tilespmem:s29+$0x1480]  }
0x5cd: {  	[tilespmem:s24+$0x40] =	vst v13;
	v6 =	vld [tilespmem:s29+$0x1490]  }
0x5ce: {  	[tilespmem:s24+$0x50] =	vst v9;
	v7 =	vld [tilespmem:s29+$0x14A0]  }
0x5cf: {  	[tilespmem:s24+$0x60] =	vst v10;
	v8 =	vld [tilespmem:s29+$0x14B0]  }
0x5d0: {  	[tilespmem:s24+$0x30] =	vst v12;
	v12 =	vld [tilespmem:s29+$0x14C0]  }
0x5d1: {  	[tilespmem:s24+$0x10] =	vst v18;
	v13 =	vld [tilespmem:s29+$0x14D0]  }
0x5d2: {  	[tilespmem:s24+$0x20] =	vst v19;
	v17 =	vld [tilespmem:s29+$0x14E0]  }
0x5d3: {  	v18 =	vld [tilespmem:s29+$0x14F0];
	[tilespmem:s24+$0x880] =	vst v5  }
0x5d4: {  	v9 =	vld [tilespmem:s21+$0x14E0];
	[tilespmem:s24+$0x890] =	vst v6  }
0x5d5: {  	v10 =	vld [tilespmem:s21+$0x14F0];
	[tilespmem:s24+$0x8A0] =	vst v7  }
0x5d6: {  	[dreg:$0x1b] =	wrdreg s23;
	v11 =	vld [tilespmem:s19+$0x1880];
	[tilespmem:s24+$0x8B0] =	vst v8  }
0x5d7: {  	[dreg:$0x1c] =	wrdreg s13;
	[tilespmem:s24+$0x8C0] =	vst v12;
	v5 =	vld [tilespmem:s19+$0x1890]  }
0x5d8: {  	[dreg:$0x12] =	wrdreg s9;
	[tilespmem:s24+$0x8D0] =	vst v13;
	v6 =	vld [tilespmem:s19+$0x18A0]  }
0x5d9: {  	s2 =	smov.u32 s7;
	s7 =	smov.u32 s20;
	s13 =	rddreg [dreg:$0x13];
	[tilespmem:s24+$0x8E0] =	vst v17;
	v7 =	vld [tilespmem:s19+$0x18B0]  }
0x5da: {  	s5 =	sadd.s32 $0x2, s5;
	s10 =	sadd.s32 $0x1, s10;
	[dreg:$0x13] =	wrdreg s7;
	[tilespmem:s24+$0x8F0] =	vst v18;
	v8 =	vld [tilespmem:s19+$0x18C0]  }
0x5db: {  	s6 =	smov.u32 s15;
	s9 =	rddreg [dreg:$0x14];
	s15 =	smov.u32 s13;
	[tilespmem:s24+$0x70] =	vst v20;
	v17 =	vld [tilespmem:s29+$0x1880]  }
0x5dc: {  	p0 =	slt.u32 s5, $0xE;
	s23 =	smov.u32 s30;
	[smem:$0x7EE] =	sst s15;
	[tilespmem:s22+$0x800] =	vst v21;
	v18 =	vld [tilespmem:s29+$0x1890]  }
0x5dd: {  	s11 =	smov.u32 s3;
	s18 =	smov.u32 s12;
	s12 =	sand.u32 $0x3, s10;
	[tilespmem:s22+$0x810] =	vst v22;
	v19 =	vld [tilespmem:s29+$0x18A0]  }
0x5de: {  	s7 =	smov.u32 s17;
	[dreg:$0x14] =	wrdreg s11;
	s0 =	sshll.u32 s12, $0x8;
	[tilespmem:s22+$0x820] =	vst v23;
	v20 =	vld [tilespmem:s29+$0x18B0]  }
0x5df: {  	s4 =	smov.u32 s9;
	s31 =	smov.u32 s14;
	s13 =	sadd.s32 s0, s28;
	[tilespmem:s22+$0x830] =	vst v14;
	v62 =	vld [tilespmem:s29+$0x18C0]  }
0x5e0: {  	s14 =	smov.u32 s16;
	s30 =	sor.u32 $0xC00, s13;
	s0 =	sadd.s32 $0x80, s13;
	[tilespmem:s22+$0x840] =	vst v15;
	v63 =	vld [tilespmem:s29+$0x18D0]  }
0x5e1: {  	s9 =	sor.u32 $0xC10, s13;
	s11 =	sor.u32 $0xC20, s13;
	s16 =	sor.u32 $0xC00, s0;
	[tilespmem:s22+$0x850] =	vst v16;
	v12 =	vld [tilespmem:s29+$0x18E0]  }
0x5e2: {  	s15 =	sor.u32 $0xC30, s13;
	s20 =	sor.u32 $0xC40, s13;
	s12 =	sor.u32 $0xC10, s0;
	v13 =	vld [tilespmem:s29+$0x18F0];
	[tilespmem:s16+$0x19C80] =	vst v17  }
.Ltmp4:
0x5e3: {  	s17 =	sor.u32 $0xC50, s13;
	v14 =	vld [tilespmem:s25+$0x1080];
	[tilespmem:s12+$0x19C80] =	vst v18;
	s12 =	sor.u32 $0xC20, s0;
	(pc) =	sbr.rel @p0 .LBB2_11-.Ltmp4, $4  }
0x5e4: {  	s3 =	sor.u32 $0xC60, s13;
	v15 =	vld [tilespmem:s25+$0x1090];
	s16 =	sor.u32 $0xC70, s13;
	s13 =	sor.u32 $0xC30, s0;
	[tilespmem:s12+$0x19C80] =	vst v19  }
0x5e5: {  	v16 =	vld [tilespmem:s25+$0x10A0];
	s12 =	sor.u32 $0xC40, s0;
	[tilespmem:s13+$0x19C80] =	vst v20  }
0x5e6: {  	v17 =	vld [tilespmem:s25+$0x10B0];
	s13 =	sor.u32 $0xC50, s0;
	[tilespmem:s12+$0x19C80] =	vst v62  }
0x5e7: {  	s8 =	sadd.s32 $0x2, s8;
	s29 =	sor.u32 $0xC60, s0;
	v18 =	vld [tilespmem:s25+$0x10C0];
	[tilespmem:s13+$0x19C80] =	vst v63  }
0x5e8: {  	[tilespmem:s29+$0x19C80] =	vst v12  }
0x5e9: {  	v45 =	vld [tilespmem:s25+$0x10D0];
	[tilespmem:s22+$0x860] =	vst v9  }
0x5ea: {  	v46 =	vld [tilespmem:s25+$0x10E0];
	[tilespmem:s22+$0x870] =	vst v10  }
0x5eb: {  	s0 =	sor.u32 $0xC70, s0;
	v47 =	vld [tilespmem:s25+$0x10F0];
	[tilespmem:s24+$0x400] =	vst v14  }
0x5ec: {  	[tilespmem:s0+$0x19C80] =	vst v13  }
0x5ed: {  	[tilespmem:s24+$0x410] =	vst v15  }
0x5ee: {  	[tilespmem:s24+$0x420] =	vst v16  }
0x5ef: {  	[tilespmem:s24+$0x430] =	vst v17  }
0x5f0: {  	[tilespmem:s24+$0x440] =	vst v18  }
0x5f1: {  	v48 =	vld [tilespmem:s19+$0x18D0];
	[tilespmem:s24+$0x450] =	vst v45  }
0x5f2: {  	v49 =	vld [tilespmem:s19+$0x18E0];
	[tilespmem:s24+$0x460] =	vst v46  }
0x5f3: {  	v50 =	vld [tilespmem:s19+$0x18F0];
	[tilespmem:s24+$0x470] =	vst v47  }
0x5f4: {  	s0 =	rddreg [dreg:$0x1b];
	v9 =	vld [tilespmem:s25+$0x1480]  }
0x5f5: {  	v51 =	vld [tilespmem:s25+$0x14C0];
	[tilespmem:s0+$0x19C80] =	vst v11  }
0x5f6: {  	v52 =	vld [tilespmem:s25+$0x14D0];
	s0 =	rddreg [dreg:$0x1f]  }
0x5f7: {  	v53 =	vld [tilespmem:s25+$0x14E0];
	[tilespmem:s0+$0x19C80] =	vst v5  }
0x5f8: {  	v54 =	vld [tilespmem:s25+$0x14F0];
	s0 =	rddreg [dreg:$0x1c]  }
0x5f9: {  	v5 =	vld [tilespmem:s25+$0x1490];
	[tilespmem:s0+$0x19C80] =	vst v6  }
0x5fa: {  	v6 =	vld [tilespmem:s25+$0x14A0];
	[tilespmem:s2+$0x19C80] =	vst v7  }
0x5fb: {  	v7 =	vld [tilespmem:s25+$0x14B0];
	s0 =	sld [smem:$0x7EE];
	[tilespmem:s24+$0x800] =	vst v9  }
0x5fc: {  	[tilespmem:s24+$0x840] =	vst v51  }
0x5fd: {  	[tilespmem:s24+$0x850] =	vst v52  }
0x5fe: {  	v55 =	vld [tilespmem:s21+$0x1880];
	[tilespmem:s24+$0x860] =	vst v53  }
0x5ff: {  	v56 =	vld [tilespmem:s21+$0x1890];
	[tilespmem:s24+$0x870] =	vst v54  }
0x600: {  	v57 =	vld [tilespmem:s21+$0x18D0];
	[tilespmem:s24+$0x810] =	vst v5  }
0x601: {  	v58 =	vld [tilespmem:s21+$0x18E0];
	[tilespmem:s0+$0x19C80] =	vst v8  }
0x602: {  	v59 =	vld [tilespmem:s21+$0x18F0];
	[tilespmem:s24+$0x820] =	vst v6  }
0x603: {  	v5 =	vld [tilespmem:s21+$0x18A0];
	[tilespmem:s18+$0x19C80] =	vst v48  }
0x604: {  	v6 =	vld [tilespmem:s21+$0x18B0];
	[tilespmem:s24+$0x830] =	vst v7  }
0x605: {  	v7 =	vld [tilespmem:s21+$0x18C0];
	[tilespmem:s23+$0x19C80] =	vst v55  }
0x606: {  	[tilespmem:s4+$0x19C80] =	vst v49  }
0x607: {  	[tilespmem:s31+$0x19C80] =	vst v50  }
0x608: {  	s0 =	rddreg [dreg:$0x18]  }
0x609: {  	v12 =	vld [tilespmem:s25+$0x1880];
	[tilespmem:s0+$0x19C80] =	vst v56  }
0x60a: {  	v60 =	vld [tilespmem:s25+$0x1890];
	s0 =	rddreg [dreg:$0x12]  }
0x60b: {  	v61 =	vld [tilespmem:s25+$0x18D0];
	[tilespmem:s0+$0x19C80] =	vst v5  }
0x60c: {  	v62 =	vld [tilespmem:s25+$0x18E0];
	[tilespmem:s6+$0x19C80] =	vst v6  }
0x60d: {  	v63 =	vld [tilespmem:s25+$0x18F0];
	s0 =	rddreg [dreg:$0x13]  }
0x60e: {  	v5 =	vld [tilespmem:s25+$0x18A0];
	[tilespmem:s0+$0x19C80] =	vst v7  }
0x60f: {  	v6 =	vld [tilespmem:s25+$0x18B0];
	[tilespmem:s7+$0x19C80] =	vst v57  }
0x610: {  	v7 =	vld [tilespmem:s25+$0x18C0];
	s0 =	rddreg [dreg:$0x14];
	[tilespmem:s30+$0x19C80] =	vst v12  }
0x611: {  	[tilespmem:s0+$0x19C80] =	vst v58  }
0x612: {  	[tilespmem:s9+$0x19C80] =	vst v60  }
0x613: {  	[tilespmem:s14+$0x19C80] =	vst v59  }
0x614: {  	[tilespmem:s11+$0x19C80] =	vst v5  }
0x615: {  	[tilespmem:s15+$0x19C80] =	vst v6  }
0x616: {  	[tilespmem:s20+$0x19C80] =	vst v7  }
0x617: {  	[tilespmem:s17+$0x19C80] =	vst v61  }
0x618: {  	[tilespmem:s3+$0x19C80] =	vst v62  }
0x619: {  	[tilespmem:s16+$0x19C80] =	vst v63  }
0x61a: {  	s0 =	sld [smem:$0x7FA]  }
0x61b: {  	s1 =	sld [smem:$0x7ED];
	_ =	sdelay $0x1  }
0x61c: {  	s8 =	simm.s32 $0x0  }
0x61d: {  	s24 =	simm.s32 $0x19C80;
	s25 =	simm.s32 $0x1;
	s0 =	sadd.s32 s1, s0  }
0x61e: {  	[hbm4b:s0+s8] =	stream.linear.scatter [tilespmem:s24], [sflag:$0x4], $0x2000, $0x38;
	[tilespmem:$0x1BC80] =	vst v63  }
0x61f: {  	_ =	swait.ge [sflag:s25], $0x4000  }
0x620: {  	s26 =	sld [smem:$0x7FB]  }
0x621: {  	s28 =	sld [smem:$0x7F2];
	_ =	sdelay $0x1  }
0x622: {  	[sflag:s25] =	ssyncset.done $0x0  }
0x623: {  	[sflag:s25] =	ssyncadd.s32 $0xFFFFC000;
	s0 =	sadd.s32 s26, s28  }
0x624: {  	s1 =	rddreg [dreg:$0x1];
	s0 =	sshll.u32 s0, $0x6  }
0x625: {  	s29 =	simm.s32 $0x2;
	s3 =	simm.s32 $0xFC80;
	s0 =	sadd.s32 s1, s0  }
0x626: {  	[hbm4b:s0+s8] =	stream.linear.scatter [tilespmem:s3], [sflag:$0x1], $0x4000, $0x38;
	[tilespmem:$0x1BC80] =	vst v63  }
0x627: {  	_ =	swait.ge [sflag:s29], $0x4000  }
0x628: {  	s30 =	sld [smem:$0x7F1];
	_ =	sdelay $0x1  }
0x629: {  	s31 =	sld [smem:$0x7F0]  }
0x62a: {  	s0 =	sadd.s32 s26, s30  }
0x62b: {  	s0 =	sshll.u32 s0, $0x6  }
0x62c: {  	s0 =	sadd.s32 s1, s0;
	s1 =	sadd.s32 $0x1, s31  }
0x62d: {  	p0 =	sne.s32 s1, $0x19  }
.Ltmp5:
0x62e: {  	_ = 	snop;
	(pc) =	sbr.rel @p0 .LBB2_4-.Ltmp5, $4  }
0x62f: {  	_ = 	snop  }
0x630: {  	[sflag:s29] =	ssyncset.done $0x0  }
0x631: {  	s4 =	simm.s32 $0x13C80;
	[sflag:s29] =	ssyncadd.s32 $0xFFFFC000  }
0x632: {  	[hbm4b:s0+s8] =	stream.linear.scatter [tilespmem:s4], [sflag:$0x2], $0x4000, $0x38;
	[tilespmem:$0x1BC80] =	vst v63  }
0x633: {  	s0 =	simm.s32 $0x1  }
0x634: {  	_ =	swait.ge [sflag:s0], $0x4000  }
0x635: {  	[sflag:s0] =	ssyncset.done $0x0  }
0x636: {  	s29 =	simm.s32 $0x2;
	[sflag:s0] =	ssyncadd.s32 $0xFFFFC000  }
0x637: {  	_ =	swait.ge [sflag:s29], $0x4000  }
0x638: {  	[sflag:s29] =	ssyncset.done $0x0  }
0x639: {  	s30 =	simm.s32 $0x3;
	[sflag:s29] =	ssyncadd.s32 $0xFFFFC000  }
0x63a: {  	_ =	swait.ge [sflag:s30], $0x2000  }
0x63b: {  	[sflag:s30] =	ssyncset.done $0x0  }
0x63c: {  	s1 =	simm.s32 $0x4;
	[sflag:s30] =	ssyncadd.s32 $0xFFFFE000  }
0x63d: {  	_ =	swait.ge [sflag:s1], $0x2000  }
0x63e: {  	s2 =	sld [smem:$0x7F4]  }
0x63f: {  	s31 =	sld [smem:$0x7FD];
	_ =	sdelay $0x1  }
0x640: {  	s2 =	sadd.s32 $0x1, s2  }
0x641: {  	p0 =	sne.s32 s2, s31  }
.Ltmp6:
0x642: {  	_ = 	snop;
	(pc) =	sbr.rel @p0 .LBB2_1-.Ltmp6, $3  }
0x643: {  	_ =	sdelay $0x1  }
0x644: {  	[sflag:s1] =	ssyncset.done $0x0  }
0x645: {  	[sflag:s1] =	ssyncadd.s32 $0xFFFFE000  }
0x646: {  	_ =	sfence.sel $0x180000  }
0x647: {  	[bflag:$0x0] =	sbarrier.arrive $0xFFFF  }
0x648: {  	_ =	strace $0x90000047  }
0x649: {  	s0 =	stileid.u32;
	[bflag:$0x2] =	sbarrier.arrive $0xFFFF  }
0x64a: {  	p0 =	sne.s32 s0, $0x0;
	s0 =	rddreg [dreg:$0x2]  }
0x64b: {  	s0 =	sadd.s32 @!p0 $0x100000, s0  }
0x64c: {  	[sflag:s0] =	ssyncadd.tile.s32 @!p0 $0x1;
	_ =	shalt  }
.Lfunc_end2:
_tile_overlayer_lowered:
.L_overlay_start_2:
0x64d: {  	(tag) =	ssettag $0x2  }
0x64e: {  	s0 =	rddreg [dreg:$0x0];
	s2 =	stileid.u32  }
0x64f: {  	s1 =	rddreg [dreg:$0x1];
	p0 =	sne.s32 s2, $0x0  }
0x650: {  	s3 =	rddreg [dreg:$0x2];
	[bflag:$0x3] =	sbarrier.arrive $0xFFFF;
	s2 =	simm.s32 @!p0 $0x1C05  }
0x651: {  	[timem:s3], [sflag:s2] =	dma.local @!p0 [hbm:s0], s1  }
0x652: {  	s0 =	simm.s32 @!p0 $0x5  }
0x653: {  	_ =	swait.ge @!p0 [sflag:s0], s1  }
0x654: {  	s1 =	ssub.s32 @!p0 $0x0, s1;
	[sflag:s0] =	ssyncset.done @!p0 $0x0  }
0x655: {  	[sflag:s0] =	ssyncadd.s32 @!p0 s1  }
0x656: {  	[bflag:$0x3] =	sbarrier.arrive $0xFFFF  }
0x657: {  	_ =	shalt  }

</sc_bundles>
